<compile_context>
chip_gen: v7x
topology: tpu7x:2x2x1
jax: 0.10.2.dev20260603
libtpu: 0.0.44.dev20260713+nightly
codegen_flags: <defaults>
</compile_context>

<pallas_src>
import functools

import jax
import jax.numpy as jnp
from jax import lax
from jax.experimental import pallas as pl
from jax.experimental.pallas import tpu as pltpu
from jax.experimental.pallas import tpu_sc as plsc

N = 10000
E = 320000
D = 128
H = 32
C = 2
CP = 8

NC = 2
NS = 16
NW = NC * NS
CH = 128
NCH = 80
KB = 16
F0 = 80
F1 = 2 * NCH - F0
SMAX = max(F0, F1)
EP = NW * NCH * CH
NPAD = 10240
RPT = NPAD // NS

_mesh = lambda: plsc.VectorSubcoreMesh(core_axis_name="c", subcore_axis_name="s")


def _make_propagate(width, dtype=jnp.float32):

    @functools.partial(
        pl.kernel,
        mesh=_mesh(),
        out_type=jax.ShapeDtypeStruct((NC, NPAD, width), dtype),
        compiler_params=pltpu.CompilerParams(use_tc_tiling_on_sc=False),
        scratch_types=[
            pltpu.VMEM((SMAX, CH), jnp.int32),
            pltpu.VMEM((SMAX, CH), jnp.int32),
        ]
        + [pltpu.VMEM((CH, width), dtype) for _ in range(KB)]
        + [pltpu.VMEM_SHARED((NPAD, width), dtype)]
        + [pltpu.SemaphoreType.DMA for _ in range(KB)],
    )
    def propagate(feat, src2d, dst2d, zeros, out, sidx, didx, *rest):
        rows = rest[:KB]
        acc = rest[KB]
        sems = rest[KB + 1:]
        c = lax.axis_index("c")
        s = lax.axis_index("s")

        @pl.when(c == 0)
        def _():
            pltpu.sync_copy(src2d.at[pl.ds(s * F0, F0)],
                            sidx.at[pl.ds(0, F0)])
            pltpu.sync_copy(dst2d.at[pl.ds(s * F0, F0)],
                            didx.at[pl.ds(0, F0)])

        @pl.when(c != 0)
        def _():
            pltpu.sync_copy(src2d.at[pl.ds(NS * F0 + s * F1, F1)],
                            sidx.at[pl.ds(0, F1)])
            pltpu.sync_copy(dst2d.at[pl.ds(NS * F0 + s * F1, F1)],
                            didx.at[pl.ds(0, F1)])

        pltpu.sync_copy(zeros, acc.at[pl.ds(s * RPT, RPT)])
        plsc.subcore_barrier()

        def block(j, carry):
            hs = [pltpu.async_copy(feat.at[sidx.at[j + b]], rows[b], sems[b])
                  for b in range(KB)]
            for b in range(KB):
                hs[b].wait()
                pltpu.sync_copy(rows[b], acc.at[didx.at[j + b]], add=True)
            return carry

        @pl.when(c == 0)
        def _():
            lax.fori_loop(0, F0 // KB, lambda k, cy: block(k * KB, cy), 0)

        @pl.when(c != 0)
        def _():
            lax.fori_loop(0, F1 // KB, lambda k, cy: block(k * KB, cy), 0)

        plsc.subcore_barrier()
        pltpu.sync_copy(acc.at[pl.ds(s * RPT, RPT)],
                        out.at[c, pl.ds(s * RPT, RPT)])

    return propagate


_propagate_h = _make_propagate(H, jnp.bfloat16)
_propagate_c = _make_propagate(CP)


@functools.partial(
    pl.kernel,
    mesh=_mesh(),
    out_type=jax.ShapeDtypeStruct((NC, NPAD), jnp.float32),
    compiler_params=pltpu.CompilerParams(use_tc_tiling_on_sc=False),
    scratch_types=[
        pltpu.VMEM((NCH, CH), jnp.int32),
        pltpu.VMEM((CH,), jnp.float32),
        pltpu.VMEM_SHARED((NPAD,), jnp.float32),
    ],
)
def _sc_degree(dst2d, zeros1, ones1, out, didx, ones_v, acc):
    c = lax.axis_index("c")
    s = lax.axis_index("s")
    wid = s * NC + c
    pltpu.sync_copy(zeros1, acc.at[pl.ds(s * RPT, RPT)])
    pltpu.sync_copy(dst2d.at[pl.ds(wid * NCH, NCH)], didx)
    pltpu.sync_copy(ones1, ones_v)
    plsc.subcore_barrier()

    def chunk(j, carry):
        pltpu.sync_copy(ones_v, acc.at[didx.at[j]], add=True)
        return carry

    lax.fori_loop(0, NCH, chunk, 0)
    plsc.subcore_barrier()
    pltpu.sync_copy(acc.at[pl.ds(s * RPT, RPT)], out.at[c, pl.ds(s * RPT, RPT)])


def _tc_mm1(x, W1):
    def body(x_ref, w1_ref, h1_ref):
        h1_ref[...] = jnp.dot(x_ref[...], w1_ref[...],
                              preferred_element_type=jnp.float32)

    return pl.pallas_call(
        body,
        out_shape=jax.ShapeDtypeStruct((N, H), jnp.float32),
    )(x, W1)


def _tc_scale(degp3, h1):
    def body(degp_ref, h1_ref, h1s_ref, hb_ref, dinv_ref):
        deg = degp_ref[0] + degp_ref[1] + 1.0
        dinv = 1.0 / jnp.sqrt(deg)
        dinv_ref[...] = dinv
        h1s = h1_ref[...] * dinv[:N]
        h1s_ref[...] = h1s
        hb_ref[...] = h1s.astype(jnp.bfloat16)

    return pl.pallas_call(
        body,
        out_shape=(jax.ShapeDtypeStruct((N, H), jnp.float32),
                   jax.ShapeDtypeStruct((N, H), jnp.bfloat16),
                   jax.ShapeDtypeStruct((NPAD, 1), jnp.float32)),
    )(degp3, h1)


def _tc_mm2(p, h1s, dinv, b1, W2):
    def body(p_ref, h1s_ref, dinv_ref, b1_ref, w2_ref, g_ref):
        dinv = dinv_ref[...][:N]
        acc = (p_ref[0, :N, :].astype(jnp.float32)
               + p_ref[1, :N, :].astype(jnp.float32))
        t = acc + h1s_ref[...]
        h = jnp.maximum(t * dinv + b1_ref[...][None, :], 0.0)
        g_ref[...] = jnp.dot(h, w2_ref[...],
                             preferred_element_type=jnp.float32) * dinv

    return pl.pallas_call(
        body,
        out_shape=jax.ShapeDtypeStruct((N, CP), jnp.float32),
    )(p, h1s, dinv, b1, W2)


def _tc_finish(q, g, dinv, b2):
    def body(q_ref, g_ref, dinv_ref, b2_ref, out_ref):
        dinv = dinv_ref[...][:N]
        o = (q_ref[0, :N, :] + q_ref[1, :N, :] + g_ref[...]) * dinv
        o = o[:, :C] + b2_ref[...][None, :]
        m = jnp.max(o, axis=1, keepdims=True)
        lse = jnp.log(jnp.sum(jnp.exp(o - m), axis=1, keepdims=True)) + m
        out_ref[...] = o - lse

    return pl.pallas_call(
        body,
        out_shape=jax.ShapeDtypeStruct((N, C), jnp.float32),
    )(q, g, dinv, b2)


def kernel(x, edge_index, W1, b1, W2, b2):
    pad = EP - E
    src2d = jnp.concatenate(
        [edge_index[0], jnp.zeros((pad,), jnp.int32)]).reshape(EP // CH, CH)
    dst2d = jnp.concatenate(
        [edge_index[1], jnp.full((pad,), NPAD - 1, jnp.int32)]).reshape(EP // CH, CH)
    zeros_h = jnp.zeros((RPT, H), jnp.bfloat16)
    zeros_c = jnp.zeros((RPT, CP), jnp.float32)
    W2p = jnp.pad(W2, ((0, 0), (0, CP - C)))
    zeros_1 = jnp.zeros((RPT,), jnp.float32)
    ones_ch = jnp.ones((CH,), jnp.float32)

    h1 = _tc_mm1(x, W1)
    degp = _sc_degree(dst2d, zeros_1, ones_ch)
    h1s, h1b, dinv = _tc_scale(degp.reshape(NC, NPAD, 1), h1)
    p = _propagate_h(h1b, src2d, dst2d, zeros_h)
    g = _tc_mm2(p, h1s, dinv, b1, W2p)
    q = _propagate_c(g, src2d, dst2d, zeros_c)
    return _tc_finish(q, g, dinv, b2)

# --- scband reference (transcript-rebuilt; emitter-appended) ---
"""Pipeline reference for scband-gcn-11991548690782 (READ-ONLY COPY).

The authoritative reference and input builder live on the scoring server;
editing this copy changes nothing except your own understanding.
"""

import jax, jax.numpy as jnp
import numpy as np

N = 10000
E = 320000
D = 128
H = 32
C = 2


def gcn_conv(x, edge_index, W, b):
    num_nodes = x.shape[0]
    src = edge_index[0]
    dst = edge_index[1]
    loop = jnp.arange(num_nodes, dtype=src.dtype)
    src = jnp.concatenate([src, loop])
    dst = jnp.concatenate([dst, loop])
    deg = jnp.zeros((num_nodes,), x.dtype).at[dst].add(1.0)
    dinv = jnp.where(deg > 0, 1.0 / jnp.sqrt(deg), 0.0)
    norm = dinv[src] * dinv[dst]
    h = x @ W
    msg = h[src] * norm[:, None]
    out = jnp.zeros((num_nodes, W.shape[1]), x.dtype).at[dst].add(msg)
    return out + b


def setup_inputs(seed: int = 0):
    key = jax.random.key(seed)
    k1, k2, k3, k4 = jax.random.split(key, 4)
    x = jax.random.normal(k1, (N, D), dtype=jnp.float32)
    edge_index = jax.random.randint(k2, (2, E), 0, N).astype(jnp.int32)
    W1 = jax.random.normal(k3, (D, H), dtype=jnp.float32) / np.sqrt(D)
    b1 = jnp.zeros((H,), dtype=jnp.float32)
    W2 = jax.random.normal(k4, (H, C), dtype=jnp.float32) / np.sqrt(H)
    b2 = jnp.zeros((C,), dtype=jnp.float32)
    return {"x": x, "edge_index": edge_index, "W1": W1, "b1": b1, "W2": W2, "b2": b2}


def reference(x, edge_index, W1, b1, W2, b2):
    h = jax.nn.relu(gcn_conv(x, edge_index, W1, b1))
    # F.dropout(x, training=self.training) is identity in eval mode
    out = gcn_conv(h, edge_index, W2, b2)
    return jax.nn.log_softmax(out, axis=1)

if __name__ == "__main__":
    import jax
    _d = setup_inputs()
    print(jax.jit(kernel)(*tuple(_d.values())))

</pallas_src>

<mosaic_0001>
#map = affine_map<(d0, d1) -> (0, 0)>
#map1 = affine_map<(d0, d1) -> (0, 0, 0)>
module attributes {stable_mosaic.version = 14 : i64} {
  func.func @propagate(%arg0: i32, %arg1: i32, %arg2: memref<10000x8xf32, #tpu.memory_space<hbm>>, %arg3: memref<2560x128xi32, #tpu.memory_space<hbm>>, %arg4: memref<2560x128xi32, #tpu.memory_space<hbm>>, %arg5: memref<640x8xf32, #tpu.memory_space<hbm>>, %arg6: memref<2x10240x8xf32, #tpu.memory_space<hbm>>, %arg7: memref<80x128xi32, #tpu.memory_space<vmem>>, %arg8: memref<80x128xi32, #tpu.memory_space<vmem>>, %arg9: memref<128x8xf32, #tpu.memory_space<vmem>>, %arg10: memref<128x8xf32, #tpu.memory_space<vmem>>, %arg11: memref<128x8xf32, #tpu.memory_space<vmem>>, %arg12: memref<128x8xf32, #tpu.memory_space<vmem>>, %arg13: memref<128x8xf32, #tpu.memory_space<vmem>>, %arg14: memref<128x8xf32, #tpu.memory_space<vmem>>, %arg15: memref<128x8xf32, #tpu.memory_space<vmem>>, %arg16: memref<128x8xf32, #tpu.memory_space<vmem>>, %arg17: memref<128x8xf32, #tpu.memory_space<vmem>>, %arg18: memref<128x8xf32, #tpu.memory_space<vmem>>, %arg19: memref<128x8xf32, #tpu.memory_space<vmem>>, %arg20: memref<128x8xf32, #tpu.memory_space<vmem>>, %arg21: memref<128x8xf32, #tpu.memory_space<vmem>>, %arg22: memref<128x8xf32, #tpu.memory_space<vmem>>, %arg23: memref<128x8xf32, #tpu.memory_space<vmem>>, %arg24: memref<128x8xf32, #tpu.memory_space<vmem>>, %arg25: memref<10240x8xf32, #tpu.memory_space<vmem_shared>>, %arg26: memref<!tpu.dma_semaphore, #tpu.memory_space<semaphore_mem>>, %arg27: memref<!tpu.dma_semaphore, #tpu.memory_space<semaphore_mem>>, %arg28: memref<!tpu.dma_semaphore, #tpu.memory_space<semaphore_mem>>, %arg29: memref<!tpu.dma_semaphore, #tpu.memory_space<semaphore_mem>>, %arg30: memref<!tpu.dma_semaphore, #tpu.memory_space<semaphore_mem>>, %arg31: memref<!tpu.dma_semaphore, #tpu.memory_space<semaphore_mem>>, %arg32: memref<!tpu.dma_semaphore, #tpu.memory_space<semaphore_mem>>, %arg33: memref<!tpu.dma_semaphore, #tpu.memory_space<semaphore_mem>>, %arg34: memref<!tpu.dma_semaphore, #tpu.memory_space<semaphore_mem>>, %arg35: memref<!tpu.dma_semaphore, #tpu.memory_space<semaphore_mem>>, %arg36: memref<!tpu.dma_semaphore, #tpu.memory_space<semaphore_mem>>, %arg37: memref<!tpu.dma_semaphore, #tpu.memory_space<semaphore_mem>>, %arg38: memref<!tpu.dma_semaphore, #tpu.memory_space<semaphore_mem>>, %arg39: memref<!tpu.dma_semaphore, #tpu.memory_space<semaphore_mem>>, %arg40: memref<!tpu.dma_semaphore, #tpu.memory_space<semaphore_mem>>, %arg41: memref<!tpu.dma_semaphore, #tpu.memory_space<semaphore_mem>>) attributes {dimension_semantics = [#tpu.dimension_semantics<core_parallel>, #tpu.dimension_semantics<subcore_parallel>], iteration_bounds = array<i64: 2, 16>, scalar_prefetch = 0 : i64, scratch_operands = 35 : i64, tpu.core_type = #tpu.core_type<sc_vector_subcore>, window_params = [{transform_indices = #map}, {transform_indices = #map}, {transform_indices = #map}, {transform_indices = #map}, {transform_indices = #map1}]} {
    %eq3A = arith.constant 0 : i32
    %eq3A_0 = arith.cmpi eq, %arg0, %eq3A : i32
    %convert_element_type3A = arith.extui %eq3A_0 : i1 to i32
    %cond3A = arith.constant 0 : i32
    %cond3A_1 = arith.cmpi ne, %convert_element_type3A, %cond3A : i32
    scf.if %cond3A_1 {
      %mul3A_22 = arith.constant 80 : i32
      %mul3A_23 = arith.muli %arg1, %mul3A_22 : i32
      "tpu.region"() ({
        %run_scoped3A = tpu.sem_alloc : memref<!tpu.dma_semaphore, #tpu.memory_space<semaphore_mem>>
        %dma_start3A = arith.constant 0 : i32
        %dma_start3A_26 = arith.constant 0 : i32
        %dma_start3A_27 = tpu.memref_slice %arg7[%dma_start3A, %dma_start3A_26] : memref<80x128xi32, #tpu.memory_space<vmem>> -> memref<80x128xi32, #tpu.memory_space<vmem>>
        %dma_start3A_28 = arith.constant 0 : i32
        %dma_start3A_29 = tpu.memref_slice %arg3[%mul3A_23, %dma_start3A_28] : memref<2560x128xi32, #tpu.memory_space<hbm>> -> memref<80x128xi32, #tpu.memory_space<hbm>>
        %dma_start3A_30 = arith.constant 0 : i32
        %dma_start3A_31 = arith.constant 0 : i32
        %dma_start3A_32 = tpu.memref_slice %arg7[%dma_start3A_30, %dma_start3A_31] : memref<80x128xi32, #tpu.memory_space<vmem>> -> memref<80x128xi32, #tpu.memory_space<vmem>>
        %dma_start3A_33 = arith.constant 0 : i32
        %dma_start3A_34 = tpu.memref_slice %arg3[%mul3A_23, %dma_start3A_33] : memref<2560x128xi32, #tpu.memory_space<hbm>> -> memref<80x128xi32, #tpu.memory_space<hbm>>
        tpu.enqueue_dma source(%dma_start3A_34 : memref<80x128xi32, #tpu.memory_space<hbm>>) target(%dma_start3A_32 : memref<80x128xi32, #tpu.memory_space<vmem>>) target_semaphore(%run_scoped3A : memref<!tpu.dma_semaphore, #tpu.memory_space<semaphore_mem>>)
        %dma_wait3A = arith.constant 0 : i32
        %dma_wait3A_35 = arith.constant 0 : i32
        %dma_wait3A_36 = tpu.memref_slice %arg7[%dma_wait3A, %dma_wait3A_35] : memref<80x128xi32, #tpu.memory_space<vmem>> -> memref<80x128xi32, #tpu.memory_space<vmem>>
        %dma_wait3A_37 = arith.constant 0 : i32
        %dma_wait3A_38 = tpu.memref_slice %arg3[%mul3A_23, %dma_wait3A_37] : memref<2560x128xi32, #tpu.memory_space<hbm>> -> memref<80x128xi32, #tpu.memory_space<hbm>>
        %dma_wait3A_39 = arith.constant 0 : i32
        %dma_wait3A_40 = arith.constant 0 : i32
        %dma_wait3A_41 = tpu.memref_slice %arg7[%dma_wait3A_39, %dma_wait3A_40] : memref<80x128xi32, #tpu.memory_space<vmem>> -> memref<80x128xi32, #tpu.memory_space<vmem>>
        %dma_wait3A_42 = arith.constant 0 : i32
        %dma_wait3A_43 = tpu.memref_slice %arg3[%mul3A_23, %dma_wait3A_42] : memref<2560x128xi32, #tpu.memory_space<hbm>> -> memref<80x128xi32, #tpu.memory_space<hbm>>
        tpu.wait_dma2 semaphore(%run_scoped3A : memref<!tpu.dma_semaphore, #tpu.memory_space<semaphore_mem>>) src(%dma_wait3A_43 : memref<80x128xi32, #tpu.memory_space<hbm>>) dst(%dma_wait3A_41 : memref<80x128xi32, #tpu.memory_space<vmem>>)
        tpu.yield
      }) : () -> ()
      %mul3A_24 = arith.constant 80 : i32
      %mul3A_25 = arith.muli %arg1, %mul3A_24 : i32
      "tpu.region"() ({
        %run_scoped3A = tpu.sem_alloc : memref<!tpu.dma_semaphore, #tpu.memory_space<semaphore_mem>>
        %dma_start3A = arith.constant 0 : i32
        %dma_start3A_26 = arith.constant 0 : i32
        %dma_start3A_27 = tpu.memref_slice %arg8[%dma_start3A, %dma_start3A_26] : memref<80x128xi32, #tpu.memory_space<vmem>> -> memref<80x128xi32, #tpu.memory_space<vmem>>
        %dma_start3A_28 = arith.constant 0 : i32
        %dma_start3A_29 = tpu.memref_slice %arg4[%mul3A_25, %dma_start3A_28] : memref<2560x128xi32, #tpu.memory_space<hbm>> -> memref<80x128xi32, #tpu.memory_space<hbm>>
        %dma_start3A_30 = arith.constant 0 : i32
        %dma_start3A_31 = arith.constant 0 : i32
        %dma_start3A_32 = tpu.memref_slice %arg8[%dma_start3A_30, %dma_start3A_31] : memref<80x128xi32, #tpu.memory_space<vmem>> -> memref<80x128xi32, #tpu.memory_space<vmem>>
        %dma_start3A_33 = arith.constant 0 : i32
        %dma_start3A_34 = tpu.memref_slice %arg4[%mul3A_25, %dma_start3A_33] : memref<2560x128xi32, #tpu.memory_space<hbm>> -> memref<80x128xi32, #tpu.memory_space<hbm>>
        tpu.enqueue_dma source(%dma_start3A_34 : memref<80x128xi32, #tpu.memory_space<hbm>>) target(%dma_start3A_32 : memref<80x128xi32, #tpu.memory_space<vmem>>) target_semaphore(%run_scoped3A : memref<!tpu.dma_semaphore, #tpu.memory_space<semaphore_mem>>)
        %dma_wait3A = arith.constant 0 : i32
        %dma_wait3A_35 = arith.constant 0 : i32
        %dma_wait3A_36 = tpu.memref_slice %arg8[%dma_wait3A, %dma_wait3A_35] : memref<80x128xi32, #tpu.memory_space<vmem>> -> memref<80x128xi32, #tpu.memory_space<vmem>>
        %dma_wait3A_37 = arith.constant 0 : i32
        %dma_wait3A_38 = tpu.memref_slice %arg4[%mul3A_25, %dma_wait3A_37] : memref<2560x128xi32, #tpu.memory_space<hbm>> -> memref<80x128xi32, #tpu.memory_space<hbm>>
        %dma_wait3A_39 = arith.constant 0 : i32
        %dma_wait3A_40 = arith.constant 0 : i32
        %dma_wait3A_41 = tpu.memref_slice %arg8[%dma_wait3A_39, %dma_wait3A_40] : memref<80x128xi32, #tpu.memory_space<vmem>> -> memref<80x128xi32, #tpu.memory_space<vmem>>
        %dma_wait3A_42 = arith.constant 0 : i32
        %dma_wait3A_43 = tpu.memref_slice %arg4[%mul3A_25, %dma_wait3A_42] : memref<2560x128xi32, #tpu.memory_space<hbm>> -> memref<80x128xi32, #tpu.memory_space<hbm>>
        tpu.wait_dma2 semaphore(%run_scoped3A : memref<!tpu.dma_semaphore, #tpu.memory_space<semaphore_mem>>) src(%dma_wait3A_43 : memref<80x128xi32, #tpu.memory_space<hbm>>) dst(%dma_wait3A_41 : memref<80x128xi32, #tpu.memory_space<vmem>>)
        tpu.yield
      }) : () -> ()
    } else {
    }
    %ne3A = arith.constant 0 : i32
    %ne3A_2 = arith.cmpi ne, %arg0, %ne3A : i32
    %convert_element_type3A_3 = arith.extui %ne3A_2 : i1 to i32
    %cond3A_4 = arith.constant 0 : i32
    %cond3A_5 = arith.cmpi ne, %convert_element_type3A_3, %cond3A_4 : i32
    scf.if %cond3A_5 {
      %mul3A_22 = arith.constant 80 : i32
      %mul3A_23 = arith.muli %arg1, %mul3A_22 : i32
      %add3A = arith.constant 1280 : i32
      %add3A_24 = arith.addi %add3A, %mul3A_23 : i32
      "tpu.region"() ({
        %run_scoped3A = tpu.sem_alloc : memref<!tpu.dma_semaphore, #tpu.memory_space<semaphore_mem>>
        %dma_start3A = arith.constant 0 : i32
        %dma_start3A_29 = arith.constant 0 : i32
        %dma_start3A_30 = tpu.memref_slice %arg7[%dma_start3A, %dma_start3A_29] : memref<80x128xi32, #tpu.memory_space<vmem>> -> memref<80x128xi32, #tpu.memory_space<vmem>>
        %dma_start3A_31 = arith.constant 0 : i32
        %dma_start3A_32 = tpu.memref_slice %arg3[%add3A_24, %dma_start3A_31] : memref<2560x128xi32, #tpu.memory_space<hbm>> -> memref<80x128xi32, #tpu.memory_space<hbm>>
        %dma_start3A_33 = arith.constant 0 : i32
        %dma_start3A_34 = arith.constant 0 : i32
        %dma_start3A_35 = tpu.memref_slice %arg7[%dma_start3A_33, %dma_start3A_34] : memref<80x128xi32, #tpu.memory_space<vmem>> -> memref<80x128xi32, #tpu.memory_space<vmem>>
        %dma_start3A_36 = arith.constant 0 : i32
        %dma_start3A_37 = tpu.memref_slice %arg3[%add3A_24, %dma_start3A_36] : memref<2560x128xi32, #tpu.memory_space<hbm>> -> memref<80x128xi32, #tpu.memory_space<hbm>>
        tpu.enqueue_dma source(%dma_start3A_37 : memref<80x128xi32, #tpu.memory_space<hbm>>) target(%dma_start3A_35 : memref<80x128xi32, #tpu.memory_space<vmem>>) target_semaphore(%run_scoped3A : memref<!tpu.dma_semaphore, #tpu.memory_space<semaphore_mem>>)
        %dma_wait3A = arith.constant 0 : i32
        %dma_wait3A_38 = arith.constant 0 : i32
        %dma_wait3A_39 = tpu.memref_slice %arg7[%dma_wait3A, %dma_wait3A_38] : memref<80x128xi32, #tpu.memory_space<vmem>> -> memref<80x128xi32, #tpu.memory_space<vmem>>
        %dma_wait3A_40 = arith.constant 0 : i32
        %dma_wait3A_41 = tpu.memref_slice %arg3[%add3A_24, %dma_wait3A_40] : memref<2560x128xi32, #tpu.memory_space<hbm>> -> memref<80x128xi32, #tpu.memory_space<hbm>>
        %dma_wait3A_42 = arith.constant 0 : i32
        %dma_wait3A_43 = arith.constant 0 : i32
        %dma_wait3A_44 = tpu.memref_slice %arg7[%dma_wait3A_42, %dma_wait3A_43] : memref<80x128xi32, #tpu.memory_space<vmem>> -> memref<80x128xi32, #tpu.memory_space<vmem>>
        %dma_wait3A_45 = arith.constant 0 : i32
        %dma_wait3A_46 = tpu.memref_slice %arg3[%add3A_24, %dma_wait3A_45] : memref<2560x128xi32, #tpu.memory_space<hbm>> -> memref<80x128xi32, #tpu.memory_space<hbm>>
        tpu.wait_dma2 semaphore(%run_scoped3A : memref<!tpu.dma_semaphore, #tpu.memory_space<semaphore_mem>>) src(%dma_wait3A_46 : memref<80x128xi32, #tpu.memory_space<hbm>>) dst(%dma_wait3A_44 : memref<80x128xi32, #tpu.memory_space<vmem>>)
        tpu.yield
      }) : () -> ()
      %mul3A_25 = arith.constant 80 : i32
      %mul3A_26 = arith.muli %arg1, %mul3A_25 : i32
      %add3A_27 = arith.constant 1280 : i32
      %add3A_28 = arith.addi %add3A_27, %mul3A_26 : i32
      "tpu.region"() ({
        %run_scoped3A = tpu.sem_alloc : memref<!tpu.dma_semaphore, #tpu.memory_space<semaphore_mem>>
        %dma_start3A = arith.constant 0 : i32
        %dma_start3A_29 = arith.constant 0 : i32
        %dma_start3A_30 = tpu.memref_slice %arg8[%dma_start3A, %dma_start3A_29] : memref<80x128xi32, #tpu.memory_space<vmem>> -> memref<80x128xi32, #tpu.memory_space<vmem>>
        %dma_start3A_31 = arith.constant 0 : i32
        %dma_start3A_32 = tpu.memref_slice %arg4[%add3A_28, %dma_start3A_31] : memref<2560x128xi32, #tpu.memory_space<hbm>> -> memref<80x128xi32, #tpu.memory_space<hbm>>
        %dma_start3A_33 = arith.constant 0 : i32
        %dma_start3A_34 = arith.constant 0 : i32
        %dma_start3A_35 = tpu.memref_slice %arg8[%dma_start3A_33, %dma_start3A_34] : memref<80x128xi32, #tpu.memory_space<vmem>> -> memref<80x128xi32, #tpu.memory_space<vmem>>
        %dma_start3A_36 = arith.constant 0 : i32
        %dma_start3A_37 = tpu.memref_slice %arg4[%add3A_28, %dma_start3A_36] : memref<2560x128xi32, #tpu.memory_space<hbm>> -> memref<80x128xi32, #tpu.memory_space<hbm>>
        tpu.enqueue_dma source(%dma_start3A_37 : memref<80x128xi32, #tpu.memory_space<hbm>>) target(%dma_start3A_35 : memref<80x128xi32, #tpu.memory_space<vmem>>) target_semaphore(%run_scoped3A : memref<!tpu.dma_semaphore, #tpu.memory_space<semaphore_mem>>)
        %dma_wait3A = arith.constant 0 : i32
        %dma_wait3A_38 = arith.constant 0 : i32
        %dma_wait3A_39 = tpu.memref_slice %arg8[%dma_wait3A, %dma_wait3A_38] : memref<80x128xi32, #tpu.memory_space<vmem>> -> memref<80x128xi32, #tpu.memory_space<vmem>>
        %dma_wait3A_40 = arith.constant 0 : i32
        %dma_wait3A_41 = tpu.memref_slice %arg4[%add3A_28, %dma_wait3A_40] : memref<2560x128xi32, #tpu.memory_space<hbm>> -> memref<80x128xi32, #tpu.memory_space<hbm>>
        %dma_wait3A_42 = arith.constant 0 : i32
        %dma_wait3A_43 = arith.constant 0 : i32
        %dma_wait3A_44 = tpu.memref_slice %arg8[%dma_wait3A_42, %dma_wait3A_43] : memref<80x128xi32, #tpu.memory_space<vmem>> -> memref<80x128xi32, #tpu.memory_space<vmem>>
        %dma_wait3A_45 = arith.constant 0 : i32
        %dma_wait3A_46 = tpu.memref_slice %arg4[%add3A_28, %dma_wait3A_45] : memref<2560x128xi32, #tpu.memory_space<hbm>> -> memref<80x128xi32, #tpu.memory_space<hbm>>
        tpu.wait_dma2 semaphore(%run_scoped3A : memref<!tpu.dma_semaphore, #tpu.memory_space<semaphore_mem>>) src(%dma_wait3A_46 : memref<80x128xi32, #tpu.memory_space<hbm>>) dst(%dma_wait3A_44 : memref<80x128xi32, #tpu.memory_space<vmem>>)
        tpu.yield
      }) : () -> ()
    } else {
    }
    %mul3A = arith.constant 640 : i32
    %mul3A_6 = arith.muli %arg1, %mul3A : i32
    "tpu.region"() ({
      %run_scoped3A = tpu.sem_alloc : memref<!tpu.dma_semaphore, #tpu.memory_space<semaphore_mem>>
      %dma_start3A = arith.constant 0 : i32
      %dma_start3A_22 = tpu.memref_slice %arg25[%mul3A_6, %dma_start3A] : memref<10240x8xf32, #tpu.memory_space<vmem_shared>> -> memref<640x8xf32, #tpu.memory_space<vmem_shared>>
      tpu.enqueue_dma source(%arg5 : memref<640x8xf32, #tpu.memory_space<hbm>>) target(%dma_start3A_22 : memref<640x8xf32, #tpu.memory_space<vmem_shared>>) target_semaphore(%run_scoped3A : memref<!tpu.dma_semaphore, #tpu.memory_space<semaphore_mem>>)
      %dma_wait3A = arith.constant 0 : i32
      %dma_wait3A_23 = tpu.memref_slice %arg25[%mul3A_6, %dma_wait3A] : memref<10240x8xf32, #tpu.memory_space<vmem_shared>> -> memref<640x8xf32, #tpu.memory_space<vmem_shared>>
      tpu.wait_dma2 semaphore(%run_scoped3A : memref<!tpu.dma_semaphore, #tpu.memory_space<semaphore_mem>>) src(%arg5 : memref<640x8xf32, #tpu.memory_space<hbm>>) dst(%dma_wait3A_23 : memref<640x8xf32, #tpu.memory_space<vmem_shared>>)
      tpu.yield
    }) : () -> ()
    %barrier3A = arith.constant 0 : index
    tpu.barrier barrier_id(%barrier3A)
    %eq3A_7 = arith.constant 0 : i32
    %eq3A_8 = arith.cmpi eq, %arg0, %eq3A_7 : i32
    %convert_element_type3A_9 = arith.extui %eq3A_8 : i1 to i32
    %cond3A_10 = arith.constant 0 : i32
    %cond3A_11 = arith.cmpi ne, %convert_element_type3A_9, %cond3A_10 : i32
    scf.if %cond3A_11 {
      %scan3A = arith.constant 0 : i32
      %scan3A_22 = arith.constant 0 : i32
      %scan3A_23 = arith.constant 5 : i32
      %scan3A_24 = arith.addi %scan3A_22, %scan3A_23 : i32
      %scan3A_25 = arith.constant 1 : i32
      scf.for %scan3A_27 = %scan3A_22 to %scan3A_24 step %scan3A_25  : i32 {
        %mul3A_28 = arith.constant 16 : i32
        %mul3A_29 = arith.muli %scan3A_27, %mul3A_28 : i32
        %add3A = arith.constant 0 : i32
        %add3A_30 = arith.addi %mul3A_29, %add3A : i32
        %dma_start3A = arith.constant 0 : i32
        %dma_start3A_31 = tpu.memref_slice %arg7[%add3A_30, %dma_start3A] : memref<80x128xi32, #tpu.memory_space<vmem>> -> memref<1x128xi32, #tpu.memory_space<vmem>>
        %dma_start3A_32 = tpu.memref_squeeze %dma_start3A_31 : memref<1x128xi32, #tpu.memory_space<vmem>> -> memref<128xi32, #tpu.memory_space<vmem>>
        %dma_start3A_33 = arith.constant 0 : i32
        %dma_start3A_34 = arith.constant 0 : i32
        %dma_start3A_35 = tpu.memref_slice %arg2[%dma_start3A_33, %dma_start3A_34] : memref<10000x8xf32, #tpu.memory_space<hbm>> -> memref<10000x8xf32, #tpu.memory_space<hbm>>
        tpu.enqueue_indirect_dma source(%dma_start3A_35 : memref<10000x8xf32, #tpu.memory_space<hbm>>) target(%arg9 : memref<128x8xf32, #tpu.memory_space<vmem>>) offsets(%dma_start3A_32 : memref<128xi32, #tpu.memory_space<vmem>>) semaphore(%arg26 : memref<!tpu.dma_semaphore, #tpu.memory_space<semaphore_mem>>)
        %add3A_36 = arith.constant 1 : i32
        %add3A_37 = arith.addi %mul3A_29, %add3A_36 : i32
        %dma_start3A_38 = arith.constant 0 : i32
        %dma_start3A_39 = tpu.memref_slice %arg7[%add3A_37, %dma_start3A_38] : memref<80x128xi32, #tpu.memory_space<vmem>> -> memref<1x128xi32, #tpu.memory_space<vmem>>
        %dma_start3A_40 = tpu.memref_squeeze %dma_start3A_39 : memref<1x128xi32, #tpu.memory_space<vmem>> -> memref<128xi32, #tpu.memory_space<vmem>>
        %dma_start3A_41 = arith.constant 0 : i32
        %dma_start3A_42 = arith.constant 0 : i32
        %dma_start3A_43 = tpu.memref_slice %arg2[%dma_start3A_41, %dma_start3A_42] : memref<10000x8xf32, #tpu.memory_space<hbm>> -> memref<10000x8xf32, #tpu.memory_space<hbm>>
        tpu.enqueue_indirect_dma source(%dma_start3A_43 : memref<10000x8xf32, #tpu.memory_space<hbm>>) target(%arg10 : memref<128x8xf32, #tpu.memory_space<vmem>>) offsets(%dma_start3A_40 : memref<128xi32, #tpu.memory_space<vmem>>) semaphore(%arg27 : memref<!tpu.dma_semaphore, #tpu.memory_space<semaphore_mem>>)
        %add3A_44 = arith.constant 2 : i32
        %add3A_45 = arith.addi %mul3A_29, %add3A_44 : i32
        %dma_start3A_46 = arith.constant 0 : i32
        %dma_start3A_47 = tpu.memref_slice %arg7[%add3A_45, %dma_start3A_46] : memref<80x128xi32, #tpu.memory_space<vmem>> -> memref<1x128xi32, #tpu.memory_space<vmem>>
        %dma_start3A_48 = tpu.memref_squeeze %dma_start3A_47 : memref<1x128xi32, #tpu.memory_space<vmem>> -> memref<128xi32, #tpu.memory_space<vmem>>
        %dma_start3A_49 = arith.constant 0 : i32
        %dma_start3A_50 = arith.constant 0 : i32
        %dma_start3A_51 = tpu.memref_slice %arg2[%dma_start3A_49, %dma_start3A_50] : memref<10000x8xf32, #tpu.memory_space<hbm>> -> memref<10000x8xf32, #tpu.memory_space<hbm>>
        tpu.enqueue_indirect_dma source(%dma_start3A_51 : memref<10000x8xf32, #tpu.memory_space<hbm>>) target(%arg11 : memref<128x8xf32, #tpu.memory_space<vmem>>) offsets(%dma_start3A_48 : memref<128xi32, #tpu.memory_space<vmem>>) semaphore(%arg28 : memref<!tpu.dma_semaphore, #tpu.memory_space<semaphore_mem>>)
        %add3A_52 = arith.constant 3 : i32
        %add3A_53 = arith.addi %mul3A_29, %add3A_52 : i32
        %dma_start3A_54 = arith.constant 0 : i32
        %dma_start3A_55 = tpu.memref_slice %arg7[%add3A_53, %dma_start3A_54] : memref<80x128xi32, #tpu.memory_space<vmem>> -> memref<1x128xi32, #tpu.memory_space<vmem>>
        %dma_start3A_56 = tpu.memref_squeeze %dma_start3A_55 : memref<1x128xi32, #tpu.memory_space<vmem>> -> memref<128xi32, #tpu.memory_space<vmem>>
        %dma_start3A_57 = arith.constant 0 : i32
        %dma_start3A_58 = arith.constant 0 : i32
        %dma_start3A_59 = tpu.memref_slice %arg2[%dma_start3A_57, %dma_start3A_58] : memref<10000x8xf32, #tpu.memory_space<hbm>> -> memref<10000x8xf32, #tpu.memory_space<hbm>>
        tpu.enqueue_indirect_dma source(%dma_start3A_59 : memref<10000x8xf32, #tpu.memory_space<hbm>>) target(%arg12 : memref<128x8xf32, #tpu.memory_space<vmem>>) offsets(%dma_start3A_56 : memref<128xi32, #tpu.memory_space<vmem>>) semaphore(%arg29 : memref<!tpu.dma_semaphore, #tpu.memory_space<semaphore_mem>>)
        %add3A_60 = arith.constant 4 : i32
        %add3A_61 = arith.addi %mul3A_29, %add3A_60 : i32
        %dma_start3A_62 = arith.constant 0 : i32
        %dma_start3A_63 = tpu.memref_slice %arg7[%add3A_61, %dma_start3A_62] : memref<80x128xi32, #tpu.memory_space<vmem>> -> memref<1x128xi32, #tpu.memory_space<vmem>>
        %dma_start3A_64 = tpu.memref_squeeze %dma_start3A_63 : memref<1x128xi32, #tpu.memory_space<vmem>> -> memref<128xi32, #tpu.memory_space<vmem>>
        %dma_start3A_65 = arith.constant 0 : i32
        %dma_start3A_66 = arith.constant 0 : i32
        %dma_start3A_67 = tpu.memref_slice %arg2[%dma_start3A_65, %dma_start3A_66] : memref<10000x8xf32, #tpu.memory_space<hbm>> -> memref<10000x8xf32, #tpu.memory_space<hbm>>
        tpu.enqueue_indirect_dma source(%dma_start3A_67 : memref<10000x8xf32, #tpu.memory_space<hbm>>) target(%arg13 : memref<128x8xf32, #tpu.memory_space<vmem>>) offsets(%dma_start3A_64 : memref<128xi32, #tpu.memory_space<vmem>>) semaphore(%arg30 : memref<!tpu.dma_semaphore, #tpu.memory_space<semaphore_mem>>)
        %add3A_68 = arith.constant 5 : i32
        %add3A_69 = arith.addi %mul3A_29, %add3A_68 : i32
        %dma_start3A_70 = arith.constant 0 : i32
        %dma_start3A_71 = tpu.memref_slice %arg7[%add3A_69, %dma_start3A_70] : memref<80x128xi32, #tpu.memory_space<vmem>> -> memref<1x128xi32, #tpu.memory_space<vmem>>
        %dma_start3A_72 = tpu.memref_squeeze %dma_start3A_71 : memref<1x128xi32, #tpu.memory_space<vmem>> -> memref<128xi32, #tpu.memory_space<vmem>>
        %dma_start3A_73 = arith.constant 0 : i32
        %dma_start3A_74 = arith.constant 0 : i32
        %dma_start3A_75 = tpu.memref_slice %arg2[%dma_start3A_73, %dma_start3A_74] : memref<10000x8xf32, #tpu.memory_space<hbm>> -> memref<10000x8xf32, #tpu.memory_space<hbm>>
        tpu.enqueue_indirect_dma source(%dma_start3A_75 : memref<10000x8xf32, #tpu.memory_space<hbm>>) target(%arg14 : memref<128x8xf32, #tpu.memory_space<vmem>>) offsets(%dma_start3A_72 : memref<128xi32, #tpu.memory_space<vmem>>) semaphore(%arg31 : memref<!tpu.dma_semaphore, #tpu.memory_space<semaphore_mem>>)
        %add3A_76 = arith.constant 6 : i32
        %add3A_77 = arith.addi %mul3A_29, %add3A_76 : i32
        %dma_start3A_78 = arith.constant 0 : i32
        %dma_start3A_79 = tpu.memref_slice %arg7[%add3A_77, %dma_start3A_78] : memref<80x128xi32, #tpu.memory_space<vmem>> -> memref<1x128xi32, #tpu.memory_space<vmem>>
        %dma_start3A_80 = tpu.memref_squeeze %dma_start3A_79 : memref<1x128xi32, #tpu.memory_space<vmem>> -> memref<128xi32, #tpu.memory_space<vmem>>
        %dma_start3A_81 = arith.constant 0 : i32
        %dma_start3A_82 = arith.constant 0 : i32
        %dma_start3A_83 = tpu.memref_slice %arg2[%dma_start3A_81, %dma_start3A_82] : memref<10000x8xf32, #tpu.memory_space<hbm>> -> memref<10000x8xf32, #tpu.memory_space<hbm>>
        tpu.enqueue_indirect_dma source(%dma_start3A_83 : memref<10000x8xf32, #tpu.memory_space<hbm>>) target(%arg15 : memref<128x8xf32, #tpu.memory_space<vmem>>) offsets(%dma_start3A_80 : memref<128xi32, #tpu.memory_space<vmem>>) semaphore(%arg32 : memref<!tpu.dma_semaphore, #tpu.memory_space<semaphore_mem>>)
        %add3A_84 = arith.constant 7 : i32
        %add3A_85 = arith.addi %mul3A_29, %add3A_84 : i32
        %dma_start3A_86 = arith.constant 0 : i32
        %dma_start3A_87 = tpu.memref_slice %arg7[%add3A_85, %dma_start3A_86] : memref<80x128xi32, #tpu.memory_space<vmem>> -> memref<1x128xi32, #tpu.memory_space<vmem>>
        %dma_start3A_88 = tpu.memref_squeeze %dma_start3A_87 : memref<1x128xi32, #tpu.memory_space<vmem>> -> memref<128xi32, #tpu.memory_space<vmem>>
        %dma_start3A_89 = arith.constant 0 : i32
        %dma_start3A_90 = arith.constant 0 : i32
        %dma_start3A_91 = tpu.memref_slice %arg2[%dma_start3A_89, %dma_start3A_90] : memref<10000x8xf32, #tpu.memory_space<hbm>> -> memref<10000x8xf32, #tpu.memory_space<hbm>>
        tpu.enqueue_indirect_dma source(%dma_start3A_91 : memref<10000x8xf32, #tpu.memory_space<hbm>>) target(%arg16 : memref<128x8xf32, #tpu.memory_space<vmem>>) offsets(%dma_start3A_88 : memref<128xi32, #tpu.memory_space<vmem>>) semaphore(%arg33 : memref<!tpu.dma_semaphore, #tpu.memory_space<semaphore_mem>>)
        %add3A_92 = arith.constant 8 : i32
        %add3A_93 = arith.addi %mul3A_29, %add3A_92 : i32
        %dma_start3A_94 = arith.constant 0 : i32
        %dma_start3A_95 = tpu.memref_slice %arg7[%add3A_93, %dma_start3A_94] : memref<80x128xi32, #tpu.memory_space<vmem>> -> memref<1x128xi32, #tpu.memory_space<vmem>>
        %dma_start3A_96 = tpu.memref_squeeze %dma_start3A_95 : memref<1x128xi32, #tpu.memory_space<vmem>> -> memref<128xi32, #tpu.memory_space<vmem>>
        %dma_start3A_97 = arith.constant 0 : i32
        %dma_start3A_98 = arith.constant 0 : i32
        %dma_start3A_99 = tpu.memref_slice %arg2[%dma_start3A_97, %dma_start3A_98] : memref<10000x8xf32, #tpu.memory_space<hbm>> -> memref<10000x8xf32, #tpu.memory_space<hbm>>
        tpu.enqueue_indirect_dma source(%dma_start3A_99 : memref<10000x8xf32, #tpu.memory_space<hbm>>) target(%arg17 : memref<128x8xf32, #tpu.memory_space<vmem>>) offsets(%dma_start3A_96 : memref<128xi32, #tpu.memory_space<vmem>>) semaphore(%arg34 : memref<!tpu.dma_semaphore, #tpu.memory_space<semaphore_mem>>)
        %add3A_100 = arith.constant 9 : i32
        %add3A_101 = arith.addi %mul3A_29, %add3A_100 : i32
        %dma_start3A_102 = arith.constant 0 : i32
        %dma_start3A_103 = tpu.memref_slice %arg7[%add3A_101, %dma_start3A_102] : memref<80x128xi32, #tpu.memory_space<vmem>> -> memref<1x128xi32, #tpu.memory_space<vmem>>
        %dma_start3A_104 = tpu.memref_squeeze %dma_start3A_103 : memref<1x128xi32, #tpu.memory_space<vmem>> -> memref<128xi32, #tpu.memory_space<vmem>>
        %dma_start3A_105 = arith.constant 0 : i32
        %dma_start3A_106 = arith.constant 0 : i32
        %dma_start3A_107 = tpu.memref_slice %arg2[%dma_start3A_105, %dma_start3A_106] : memref<10000x8xf32, #tpu.memory_space<hbm>> -> memref<10000x8xf32, #tpu.memory_space<hbm>>
        tpu.enqueue_indirect_dma source(%dma_start3A_107 : memref<10000x8xf32, #tpu.memory_space<hbm>>) target(%arg18 : memref<128x8xf32, #tpu.memory_space<vmem>>) offsets(%dma_start3A_104 : memref<128xi32, #tpu.memory_space<vmem>>) semaphore(%arg35 : memref<!tpu.dma_semaphore, #tpu.memory_space<semaphore_mem>>)
        %add3A_108 = arith.constant 10 : i32
        %add3A_109 = arith.addi %mul3A_29, %add3A_108 : i32
        %dma_start3A_110 = arith.constant 0 : i32
        %dma_start3A_111 = tpu.memref_slice %arg7[%add3A_109, %dma_start3A_110] : memref<80x128xi32, #tpu.memory_space<vmem>> -> memref<1x128xi32, #tpu.memory_space<vmem>>
        %dma_start3A_112 = tpu.memref_squeeze %dma_start3A_111 : memref<1x128xi32, #tpu.memory_space<vmem>> -> memref<128xi32, #tpu.memory_space<vmem>>
        %dma_start3A_113 = arith.constant 0 : i32
        %dma_start3A_114 = arith.constant 0 : i32
        %dma_start3A_115 = tpu.memref_slice %arg2[%dma_start3A_113, %dma_start3A_114] : memref<10000x8xf32, #tpu.memory_space<hbm>> -> memref<10000x8xf32, #tpu.memory_space<hbm>>
        tpu.enqueue_indirect_dma source(%dma_start3A_115 : memref<10000x8xf32, #tpu.memory_space<hbm>>) target(%arg19 : memref<128x8xf32, #tpu.memory_space<vmem>>) offsets(%dma_start3A_112 : memref<128xi32, #tpu.memory_space<vmem>>) semaphore(%arg36 : memref<!tpu.dma_semaphore, #tpu.memory_space<semaphore_mem>>)
        %add3A_116 = arith.constant 11 : i32
        %add3A_117 = arith.addi %mul3A_29, %add3A_116 : i32
        %dma_start3A_118 = arith.constant 0 : i32
        %dma_start3A_119 = tpu.memref_slice %arg7[%add3A_117, %dma_start3A_118] : memref<80x128xi32, #tpu.memory_space<vmem>> -> memref<1x128xi32, #tpu.memory_space<vmem>>
        %dma_start3A_120 = tpu.memref_squeeze %dma_start3A_119 : memref<1x128xi32, #tpu.memory_space<vmem>> -> memref<128xi32, #tpu.memory_space<vmem>>
        %dma_start3A_121 = arith.constant 0 : i32
        %dma_start3A_122 = arith.constant 0 : i32
        %dma_start3A_123 = tpu.memref_slice %arg2[%dma_start3A_121, %dma_start3A_122] : memref<10000x8xf32, #tpu.memory_space<hbm>> -> memref<10000x8xf32, #tpu.memory_space<hbm>>
        tpu.enqueue_indirect_dma source(%dma_start3A_123 : memref<10000x8xf32, #tpu.memory_space<hbm>>) target(%arg20 : memref<128x8xf32, #tpu.memory_space<vmem>>) offsets(%dma_start3A_120 : memref<128xi32, #tpu.memory_space<vmem>>) semaphore(%arg37 : memref<!tpu.dma_semaphore, #tpu.memory_space<semaphore_mem>>)
        %add3A_124 = arith.constant 12 : i32
        %add3A_125 = arith.addi %mul3A_29, %add3A_124 : i32
        %dma_start3A_126 = arith.constant 0 : i32
        %dma_start3A_127 = tpu.memref_slice %arg7[%add3A_125, %dma_start3A_126] : memref<80x128xi32, #tpu.memory_space<vmem>> -> memref<1x128xi32, #tpu.memory_space<vmem>>
        %dma_start3A_128 = tpu.memref_squeeze %dma_start3A_127 : memref<1x128xi32, #tpu.memory_space<vmem>> -> memref<128xi32, #tpu.memory_space<vmem>>
        %dma_start3A_129 = arith.constant 0 : i32
        %dma_start3A_130 = arith.constant 0 : i32
        %dma_start3A_131 = tpu.memref_slice %arg2[%dma_start3A_129, %dma_start3A_130] : memref<10000x8xf32, #tpu.memory_space<hbm>> -> memref<10000x8xf32, #tpu.memory_space<hbm>>
        tpu.enqueue_indirect_dma source(%dma_start3A_131 : memref<10000x8xf32, #tpu.memory_space<hbm>>) target(%arg21 : memref<128x8xf32, #tpu.memory_space<vmem>>) offsets(%dma_start3A_128 : memref<128xi32, #tpu.memory_space<vmem>>) semaphore(%arg38 : memref<!tpu.dma_semaphore, #tpu.memory_space<semaphore_mem>>)
        %add3A_132 = arith.constant 13 : i32
        %add3A_133 = arith.addi %mul3A_29, %add3A_132 : i32
        %dma_start3A_134 = arith.constant 0 : i32
        %dma_start3A_135 = tpu.memref_slice %arg7[%add3A_133, %dma_start3A_134] : memref<80x128xi32, #tpu.memory_space<vmem>> -> memref<1x128xi32, #tpu.memory_space<vmem>>
        %dma_start3A_136 = tpu.memref_squeeze %dma_start3A_135 : memref<1x128xi32, #tpu.memory_space<vmem>> -> memref<128xi32, #tpu.memory_space<vmem>>
        %dma_start3A_137 = arith.constant 0 : i32
        %dma_start3A_138 = arith.constant 0 : i32
        %dma_start3A_139 = tpu.memref_slice %arg2[%dma_start3A_137, %dma_start3A_138] : memref<10000x8xf32, #tpu.memory_space<hbm>> -> memref<10000x8xf32, #tpu.memory_space<hbm>>
        tpu.enqueue_indirect_dma source(%dma_start3A_139 : memref<10000x8xf32, #tpu.memory_space<hbm>>) target(%arg22 : memref<128x8xf32, #tpu.memory_space<vmem>>) offsets(%dma_start3A_136 : memref<128xi32, #tpu.memory_space<vmem>>) semaphore(%arg39 : memref<!tpu.dma_semaphore, #tpu.memory_space<semaphore_mem>>)
        %add3A_140 = arith.constant 14 : i32
        %add3A_141 = arith.addi %mul3A_29, %add3A_140 : i32
        %dma_start3A_142 = arith.constant 0 : i32
        %dma_start3A_143 = tpu.memref_slice %arg7[%add3A_141, %dma_start3A_142] : memref<80x128xi32, #tpu.memory_space<vmem>> -> memref<1x128xi32, #tpu.memory_space<vmem>>
        %dma_start3A_144 = tpu.memref_squeeze %dma_start3A_143 : memref<1x128xi32, #tpu.memory_space<vmem>> -> memref<128xi32, #tpu.memory_space<vmem>>
        %dma_start3A_145 = arith.constant 0 : i32
        %dma_start3A_146 = arith.constant 0 : i32
        %dma_start3A_147 = tpu.memref_slice %arg2[%dma_start3A_145, %dma_start3A_146] : memref<10000x8xf32, #tpu.memory_space<hbm>> -> memref<10000x8xf32, #tpu.memory_space<hbm>>
        tpu.enqueue_indirect_dma source(%dma_start3A_147 : memref<10000x8xf32, #tpu.memory_space<hbm>>) target(%arg23 : memref<128x8xf32, #tpu.memory_space<vmem>>) offsets(%dma_start3A_144 : memref<128xi32, #tpu.memory_space<vmem>>) semaphore(%arg40 : memref<!tpu.dma_semaphore, #tpu.memory_space<semaphore_mem>>)
        %add3A_148 = arith.constant 15 : i32
        %add3A_149 = arith.addi %mul3A_29, %add3A_148 : i32
        %dma_start3A_150 = arith.constant 0 : i32
        %dma_start3A_151 = tpu.memref_slice %arg7[%add3A_149, %dma_start3A_150] : memref<80x128xi32, #tpu.memory_space<vmem>> -> memref<1x128xi32, #tpu.memory_space<vmem>>
        %dma_start3A_152 = tpu.memref_squeeze %dma_start3A_151 : memref<1x128xi32, #tpu.memory_space<vmem>> -> memref<128xi32, #tpu.memory_space<vmem>>
        %dma_start3A_153 = arith.constant 0 : i32
        %dma_start3A_154 = arith.constant 0 : i32
        %dma_start3A_155 = tpu.memref_slice %arg2[%dma_start3A_153, %dma_start3A_154] : memref<10000x8xf32, #tpu.memory_space<hbm>> -> memref<10000x8xf32, #tpu.memory_space<hbm>>
        tpu.enqueue_indirect_dma source(%dma_start3A_155 : memref<10000x8xf32, #tpu.memory_space<hbm>>) target(%arg24 : memref<128x8xf32, #tpu.memory_space<vmem>>) offsets(%dma_start3A_152 : memref<128xi32, #tpu.memory_space<vmem>>) semaphore(%arg41 : memref<!tpu.dma_semaphore, #tpu.memory_space<semaphore_mem>>)
        %dma_wait3A = arith.constant 0 : i32
        %dma_wait3A_156 = tpu.memref_slice %arg7[%add3A_30, %dma_wait3A] : memref<80x128xi32, #tpu.memory_space<vmem>> -> memref<1x128xi32, #tpu.memory_space<vmem>>
        %dma_wait3A_157 = tpu.memref_squeeze %dma_wait3A_156 : memref<1x128xi32, #tpu.memory_space<vmem>> -> memref<128xi32, #tpu.memory_space<vmem>>
        %dma_wait3A_158 = arith.constant 0 : i32
        %dma_wait3A_159 = arith.constant 0 : i32
        %dma_wait3A_160 = tpu.memref_slice %arg2[%dma_wait3A_158, %dma_wait3A_159] : memref<10000x8xf32, #tpu.memory_space<hbm>> -> memref<10000x8xf32, #tpu.memory_space<hbm>>
        tpu.wait_indirect_dma semaphore(%arg26 : memref<!tpu.dma_semaphore, #tpu.memory_space<semaphore_mem>>) src(%dma_wait3A_160 : memref<10000x8xf32, #tpu.memory_space<hbm>>) dst(%arg9 : memref<128x8xf32, #tpu.memory_space<vmem>>)
        %add3A_161 = arith.constant 0 : i32
        %add3A_162 = arith.addi %mul3A_29, %add3A_161 : i32
        "tpu.region"() ({
          %run_scoped3A = tpu.sem_alloc : memref<!tpu.dma_semaphore, #tpu.memory_space<semaphore_mem>>
          %dma_start3A_283 = arith.constant 0 : i32
          %dma_start3A_284 = tpu.memref_slice %arg8[%add3A_162, %dma_start3A_283] : memref<80x128xi32, #tpu.memory_space<vmem>> -> memref<1x128xi32, #tpu.memory_space<vmem>>
          %dma_start3A_285 = tpu.memref_squeeze %dma_start3A_284 : memref<1x128xi32, #tpu.memory_space<vmem>> -> memref<128xi32, #tpu.memory_space<vmem>>
          %dma_start3A_286 = arith.constant 0 : i32
          %dma_start3A_287 = arith.constant 0 : i32
          %dma_start3A_288 = tpu.memref_slice %arg25[%dma_start3A_286, %dma_start3A_287] : memref<10240x8xf32, #tpu.memory_space<vmem_shared>> -> memref<10240x8xf32, #tpu.memory_space<vmem_shared>>
          tpu.enqueue_indirect_dma source(%arg9 : memref<128x8xf32, #tpu.memory_space<vmem>>) target(%dma_start3A_288 : memref<10240x8xf32, #tpu.memory_space<vmem_shared>>) offsets(%dma_start3A_285 : memref<128xi32, #tpu.memory_space<vmem>>) semaphore(%run_scoped3A : memref<!tpu.dma_semaphore, #tpu.memory_space<semaphore_mem>>) {add = true}
          %dma_wait3A_289 = arith.constant 0 : i32
          %dma_wait3A_290 = tpu.memref_slice %arg8[%add3A_162, %dma_wait3A_289] : memref<80x128xi32, #tpu.memory_space<vmem>> -> memref<1x128xi32, #tpu.memory_space<vmem>>
          %dma_wait3A_291 = tpu.memref_squeeze %dma_wait3A_290 : memref<1x128xi32, #tpu.memory_space<vmem>> -> memref<128xi32, #tpu.memory_space<vmem>>
          %dma_wait3A_292 = arith.constant 0 : i32
          %dma_wait3A_293 = arith.constant 0 : i32
          %dma_wait3A_294 = tpu.memref_slice %arg25[%dma_wait3A_292, %dma_wait3A_293] : memref<10240x8xf32, #tpu.memory_space<vmem_shared>> -> memref<10240x8xf32, #tpu.memory_space<vmem_shared>>
          tpu.wait_indirect_dma semaphore(%run_scoped3A : memref<!tpu.dma_semaphore, #tpu.memory_space<semaphore_mem>>) src(%arg9 : memref<128x8xf32, #tpu.memory_space<vmem>>) dst(%dma_wait3A_294 : memref<10240x8xf32, #tpu.memory_space<vmem_shared>>)
          tpu.yield
        }) : () -> ()
        %dma_wait3A_163 = arith.constant 0 : i32
        %dma_wait3A_164 = tpu.memref_slice %arg7[%add3A_37, %dma_wait3A_163] : memref<80x128xi32, #tpu.memory_space<vmem>> -> memref<1x128xi32, #tpu.memory_space<vmem>>
        %dma_wait3A_165 = tpu.memref_squeeze %dma_wait3A_164 : memref<1x128xi32, #tpu.memory_space<vmem>> -> memref<128xi32, #tpu.memory_space<vmem>>
        %dma_wait3A_166 = arith.constant 0 : i32
        %dma_wait3A_167 = arith.constant 0 : i32
        %dma_wait3A_168 = tpu.memref_slice %arg2[%dma_wait3A_166, %dma_wait3A_167] : memref<10000x8xf32, #tpu.memory_space<hbm>> -> memref<10000x8xf32, #tpu.memory_space<hbm>>
        tpu.wait_indirect_dma semaphore(%arg27 : memref<!tpu.dma_semaphore, #tpu.memory_space<semaphore_mem>>) src(%dma_wait3A_168 : memref<10000x8xf32, #tpu.memory_space<hbm>>) dst(%arg10 : memref<128x8xf32, #tpu.memory_space<vmem>>)
        %add3A_169 = arith.constant 1 : i32
        %add3A_170 = arith.addi %mul3A_29, %add3A_169 : i32
        "tpu.region"() ({
          %run_scoped3A = tpu.sem_alloc : memref<!tpu.dma_semaphore, #tpu.memory_space<semaphore_mem>>
          %dma_start3A_283 = arith.constant 0 : i32
          %dma_start3A_284 = tpu.memref_slice %arg8[%add3A_170, %dma_start3A_283] : memref<80x128xi32, #tpu.memory_space<vmem>> -> memref<1x128xi32, #tpu.memory_space<vmem>>
          %dma_start3A_285 = tpu.memref_squeeze %dma_start3A_284 : memref<1x128xi32, #tpu.memory_space<vmem>> -> memref<128xi32, #tpu.memory_space<vmem>>
          %dma_start3A_286 = arith.constant 0 : i32
          %dma_start3A_287 = arith.constant 0 : i32
          %dma_start3A_288 = tpu.memref_slice %arg25[%dma_start3A_286, %dma_start3A_287] : memref<10240x8xf32, #tpu.memory_space<vmem_shared>> -> memref<10240x8xf32, #tpu.memory_space<vmem_shared>>
          tpu.enqueue_indirect_dma source(%arg10 : memref<128x8xf32, #tpu.memory_space<vmem>>) target(%dma_start3A_288 : memref<10240x8xf32, #tpu.memory_space<vmem_shared>>) offsets(%dma_start3A_285 : memref<128xi32, #tpu.memory_space<vmem>>) semaphore(%run_scoped3A : memref<!tpu.dma_semaphore, #tpu.memory_space<semaphore_mem>>) {add = true}
          %dma_wait3A_289 = arith.constant 0 : i32
          %dma_wait3A_290 = tpu.memref_slice %arg8[%add3A_170, %dma_wait3A_289] : memref<80x128xi32, #tpu.memory_space<vmem>> -> memref<1x128xi32, #tpu.memory_space<vmem>>
          %dma_wait3A_291 = tpu.memref_squeeze %dma_wait3A_290 : memref<1x128xi32, #tpu.memory_space<vmem>> -> memref<128xi32, #tpu.memory_space<vmem>>
          %dma_wait3A_292 = arith.constant 0 : i32
          %dma_wait3A_293 = arith.constant 0 : i32
          %dma_wait3A_294 = tpu.memref_slice %arg25[%dma_wait3A_292, %dma_wait3A_293] : memref<10240x8xf32, #tpu.memory_space<vmem_shared>> -> memref<10240x8xf32, #tpu.memory_space<vmem_shared>>
          tpu.wait_indirect_dma semaphore(%run_scoped3A : memref<!tpu.dma_semaphore, #tpu.memory_space<semaphore_mem>>) src(%arg10 : memref<128x8xf32, #tpu.memory_space<vmem>>) dst(%dma_wait3A_294 : memref<10240x8xf32, #tpu.memory_space<vmem_shared>>)
          tpu.yield
        }) : () -> ()
        %dma_wait3A_171 = arith.constant 0 : i32
        %dma_wait3A_172 = tpu.memref_slice %arg7[%add3A_45, %dma_wait3A_171] : memref<80x128xi32, #tpu.memory_space<vmem>> -> memref<1x128xi32, #tpu.memory_space<vmem>>
        %dma_wait3A_173 = tpu.memref_squeeze %dma_wait3A_172 : memref<1x128xi32, #tpu.memory_space<vmem>> -> memref<128xi32, #tpu.memory_space<vmem>>
        %dma_wait3A_174 = arith.constant 0 : i32
        %dma_wait3A_175 = arith.constant 0 : i32
        %dma_wait3A_176 = tpu.memref_slice %arg2[%dma_wait3A_174, %dma_wait3A_175] : memref<10000x8xf32, #tpu.memory_space<hbm>> -> memref<10000x8xf32, #tpu.memory_space<hbm>>
        tpu.wait_indirect_dma semaphore(%arg28 : memref<!tpu.dma_semaphore, #tpu.memory_space<semaphore_mem>>) src(%dma_wait3A_176 : memref<10000x8xf32, #tpu.memory_space<hbm>>) dst(%arg11 : memref<128x8xf32, #tpu.memory_space<vmem>>)
        %add3A_177 = arith.constant 2 : i32
        %add3A_178 = arith.addi %mul3A_29, %add3A_177 : i32
        "tpu.region"() ({
          %run_scoped3A = tpu.sem_alloc : memref<!tpu.dma_semaphore, #tpu.memory_space<semaphore_mem>>
          %dma_start3A_283 = arith.constant 0 : i32
          %dma_start3A_284 = tpu.memref_slice %arg8[%add3A_178, %dma_start3A_283] : memref<80x128xi32, #tpu.memory_space<vmem>> -> memref<1x128xi32, #tpu.memory_space<vmem>>
          %dma_start3A_285 = tpu.memref_squeeze %dma_start3A_284 : memref<1x128xi32, #tpu.memory_space<vmem>> -> memref<128xi32, #tpu.memory_space<vmem>>
          %dma_start3A_286 = arith.constant 0 : i32
          %dma_start3A_287 = arith.constant 0 : i32
          %dma_start3A_288 = tpu.memref_slice %arg25[%dma_start3A_286, %dma_start3A_287] : memref<10240x8xf32, #tpu.memory_space<vmem_shared>> -> memref<10240x8xf32, #tpu.memory_space<vmem_shared>>
          tpu.enqueue_indirect_dma source(%arg11 : memref<128x8xf32, #tpu.memory_space<vmem>>) target(%dma_start3A_288 : memref<10240x8xf32, #tpu.memory_space<vmem_shared>>) offsets(%dma_start3A_285 : memref<128xi32, #tpu.memory_space<vmem>>) semaphore(%run_scoped3A : memref<!tpu.dma_semaphore, #tpu.memory_space<semaphore_mem>>) {add = true}
          %dma_wait3A_289 = arith.constant 0 : i32
          %dma_wait3A_290 = tpu.memref_slice %arg8[%add3A_178, %dma_wait3A_289] : memref<80x128xi32, #tpu.memory_space<vmem>> -> memref<1x128xi32, #tpu.memory_space<vmem>>
          %dma_wait3A_291 = tpu.memref_squeeze %dma_wait3A_290 : memref<1x128xi32, #tpu.memory_space<vmem>> -> memref<128xi32, #tpu.memory_space<vmem>>
          %dma_wait3A_292 = arith.constant 0 : i32
          %dma_wait3A_293 = arith.constant 0 : i32
          %dma_wait3A_294 = tpu.memref_slice %arg25[%dma_wait3A_292, %dma_wait3A_293] : memref<10240x8xf32, #tpu.memory_space<vmem_shared>> -> memref<10240x8xf32, #tpu.memory_space<vmem_shared>>
          tpu.wait_indirect_dma semaphore(%run_scoped3A : memref<!tpu.dma_semaphore, #tpu.memory_space<semaphore_mem>>) src(%arg11 : memref<128x8xf32, #tpu.memory_space<vmem>>) dst(%dma_wait3A_294 : memref<10240x8xf32, #tpu.memory_space<vmem_shared>>)
          tpu.yield
        }) : () -> ()
        %dma_wait3A_179 = arith.constant 0 : i32
        %dma_wait3A_180 = tpu.memref_slice %arg7[%add3A_53, %dma_wait3A_179] : memref<80x128xi32, #tpu.memory_space<vmem>> -> memref<1x128xi32, #tpu.memory_space<vmem>>
        %dma_wait3A_181 = tpu.memref_squeeze %dma_wait3A_180 : memref<1x128xi32, #tpu.memory_space<vmem>> -> memref<128xi32, #tpu.memory_space<vmem>>
        %dma_wait3A_182 = arith.constant 0 : i32
        %dma_wait3A_183 = arith.constant 0 : i32
        %dma_wait3A_184 = tpu.memref_slice %arg2[%dma_wait3A_182, %dma_wait3A_183] : memref<10000x8xf32, #tpu.memory_space<hbm>> -> memref<10000x8xf32, #tpu.memory_space<hbm>>
        tpu.wait_indirect_dma semaphore(%arg29 : memref<!tpu.dma_semaphore, #tpu.memory_space<semaphore_mem>>) src(%dma_wait3A_184 : memref<10000x8xf32, #tpu.memory_space<hbm>>) dst(%arg12 : memref<128x8xf32, #tpu.memory_space<vmem>>)
        %add3A_185 = arith.constant 3 : i32
        %add3A_186 = arith.addi %mul3A_29, %add3A_185 : i32
        "tpu.region"() ({
          %run_scoped3A = tpu.sem_alloc : memref<!tpu.dma_semaphore, #tpu.memory_space<semaphore_mem>>
          %dma_start3A_283 = arith.constant 0 : i32
          %dma_start3A_284 = tpu.memref_slice %arg8[%add3A_186, %dma_start3A_283] : memref<80x128xi32, #tpu.memory_space<vmem>> -> memref<1x128xi32, #tpu.memory_space<vmem>>
          %dma_start3A_285 = tpu.memref_squeeze %dma_start3A_284 : memref<1x128xi32, #tpu.memory_space<vmem>> -> memref<128xi32, #tpu.memory_space<vmem>>
          %dma_start3A_286 = arith.constant 0 : i32
          %dma_start3A_287 = arith.constant 0 : i32
          %dma_start3A_288 = tpu.memref_slice %arg25[%dma_start3A_286, %dma_start3A_287] : memref<10240x8xf32, #tpu.memory_space<vmem_shared>> -> memref<10240x8xf32, #tpu.memory_space<vmem_shared>>
          tpu.enqueue_indirect_dma source(%arg12 : memref<128x8xf32, #tpu.memory_space<vmem>>) target(%dma_start3A_288 : memref<10240x8xf32, #tpu.memory_space<vmem_shared>>) offsets(%dma_start3A_285 : memref<128xi32, #tpu.memory_space<vmem>>) semaphore(%run_scoped3A : memref<!tpu.dma_semaphore, #tpu.memory_space<semaphore_mem>>) {add = true}
          %dma_wait3A_289 = arith.constant 0 : i32
          %dma_wait3A_290 = tpu.memref_slice %arg8[%add3A_186, %dma_wait3A_289] : memref<80x128xi32, #tpu.memory_space<vmem>> -> memref<1x128xi32, #tpu.memory_space<vmem>>
          %dma_wait3A_291 = tpu.memref_squeeze %dma_wait3A_290 : memref<1x128xi32, #tpu.memory_space<vmem>> -> memref<128xi32, #tpu.memory_space<vmem>>
          %dma_wait3A_292 = arith.constant 0 : i32
          %dma_wait3A_293 = arith.constant 0 : i32
          %dma_wait3A_294 = tpu.memref_slice %arg25[%dma_wait3A_292, %dma_wait3A_293] : memref<10240x8xf32, #tpu.memory_space<vmem_shared>> -> memref<10240x8xf32, #tpu.memory_space<vmem_shared>>
          tpu.wait_indirect_dma semaphore(%run_scoped3A : memref<!tpu.dma_semaphore, #tpu.memory_space<semaphore_mem>>) src(%arg12 : memref<128x8xf32, #tpu.memory_space<vmem>>) dst(%dma_wait3A_294 : memref<10240x8xf32, #tpu.memory_space<vmem_shared>>)
          tpu.yield
        }) : () -> ()
        %dma_wait3A_187 = arith.constant 0 : i32
        %dma_wait3A_188 = tpu.memref_slice %arg7[%add3A_61, %dma_wait3A_187] : memref<80x128xi32, #tpu.memory_space<vmem>> -> memref<1x128xi32, #tpu.memory_space<vmem>>
        %dma_wait3A_189 = tpu.memref_squeeze %dma_wait3A_188 : memref<1x128xi32, #tpu.memory_space<vmem>> -> memref<128xi32, #tpu.memory_space<vmem>>
        %dma_wait3A_190 = arith.constant 0 : i32
        %dma_wait3A_191 = arith.constant 0 : i32
        %dma_wait3A_192 = tpu.memref_slice %arg2[%dma_wait3A_190, %dma_wait3A_191] : memref<10000x8xf32, #tpu.memory_space<hbm>> -> memref<10000x8xf32, #tpu.memory_space<hbm>>
        tpu.wait_indirect_dma semaphore(%arg30 : memref<!tpu.dma_semaphore, #tpu.memory_space<semaphore_mem>>) src(%dma_wait3A_192 : memref<10000x8xf32, #tpu.memory_space<hbm>>) dst(%arg13 : memref<128x8xf32, #tpu.memory_space<vmem>>)
        %add3A_193 = arith.constant 4 : i32
        %add3A_194 = arith.addi %mul3A_29, %add3A_193 : i32
        "tpu.region"() ({
          %run_scoped3A = tpu.sem_alloc : memref<!tpu.dma_semaphore, #tpu.memory_space<semaphore_mem>>
          %dma_start3A_283 = arith.constant 0 : i32
          %dma_start3A_284 = tpu.memref_slice %arg8[%add3A_194, %dma_start3A_283] : memref<80x128xi32, #tpu.memory_space<vmem>> -> memref<1x128xi32, #tpu.memory_space<vmem>>
          %dma_start3A_285 = tpu.memref_squeeze %dma_start3A_284 : memref<1x128xi32, #tpu.memory_space<vmem>> -> memref<128xi32, #tpu.memory_space<vmem>>
          %dma_start3A_286 = arith.constant 0 : i32
          %dma_start3A_287 = arith.constant 0 : i32
          %dma_start3A_288 = tpu.memref_slice %arg25[%dma_start3A_286, %dma_start3A_287] : memref<10240x8xf32, #tpu.memory_space<vmem_shared>> -> memref<10240x8xf32, #tpu.memory_space<vmem_shared>>
          tpu.enqueue_indirect_dma source(%arg13 : memref<128x8xf32, #tpu.memory_space<vmem>>) target(%dma_start3A_288 : memref<10240x8xf32, #tpu.memory_space<vmem_shared>>) offsets(%dma_start3A_285 : memref<128xi32, #tpu.memory_space<vmem>>) semaphore(%run_scoped3A : memref<!tpu.dma_semaphore, #tpu.memory_space<semaphore_mem>>) {add = true}
          %dma_wait3A_289 = arith.constant 0 : i32
          %dma_wait3A_290 = tpu.memref_slice %arg8[%add3A_194, %dma_wait3A_289] : memref<80x128xi32, #tpu.memory_space<vmem>> -> memref<1x128xi32, #tpu.memory_space<vmem>>
          %dma_wait3A_291 = tpu.memref_squeeze %dma_wait3A_290 : memref<1x128xi32, #tpu.memory_space<vmem>> -> memref<128xi32, #tpu.memory_space<vmem>>
          %dma_wait3A_292 = arith.constant 0 : i32
          %dma_wait3A_293 = arith.constant 0 : i32
          %dma_wait3A_294 = tpu.memref_slice %arg25[%dma_wait3A_292, %dma_wait3A_293] : memref<10240x8xf32, #tpu.memory_space<vmem_shared>> -> memref<10240x8xf32, #tpu.memory_space<vmem_shared>>
          tpu.wait_indirect_dma semaphore(%run_scoped3A : memref<!tpu.dma_semaphore, #tpu.memory_space<semaphore_mem>>) src(%arg13 : memref<128x8xf32, #tpu.memory_space<vmem>>) dst(%dma_wait3A_294 : memref<10240x8xf32, #tpu.memory_space<vmem_shared>>)
          tpu.yield
        }) : () -> ()
        %dma_wait3A_195 = arith.constant 0 : i32
        %dma_wait3A_196 = tpu.memref_slice %arg7[%add3A_69, %dma_wait3A_195] : memref<80x128xi32, #tpu.memory_space<vmem>> -> memref<1x128xi32, #tpu.memory_space<vmem>>
        %dma_wait3A_197 = tpu.memref_squeeze %dma_wait3A_196 : memref<1x128xi32, #tpu.memory_space<vmem>> -> memref<128xi32, #tpu.memory_space<vmem>>
        %dma_wait3A_198 = arith.constant 0 : i32
        %dma_wait3A_199 = arith.constant 0 : i32
        %dma_wait3A_200 = tpu.memref_slice %arg2[%dma_wait3A_198, %dma_wait3A_199] : memref<10000x8xf32, #tpu.memory_space<hbm>> -> memref<10000x8xf32, #tpu.memory_space<hbm>>
        tpu.wait_indirect_dma semaphore(%arg31 : memref<!tpu.dma_semaphore, #tpu.memory_space<semaphore_mem>>) src(%dma_wait3A_200 : memref<10000x8xf32, #tpu.memory_space<hbm>>) dst(%arg14 : memref<128x8xf32, #tpu.memory_space<vmem>>)
        %add3A_201 = arith.constant 5 : i32
        %add3A_202 = arith.addi %mul3A_29, %add3A_201 : i32
        "tpu.region"() ({
          %run_scoped3A = tpu.sem_alloc : memref<!tpu.dma_semaphore, #tpu.memory_space<semaphore_mem>>
          %dma_start3A_283 = arith.constant 0 : i32
          %dma_start3A_284 = tpu.memref_slice %arg8[%add3A_202, %dma_start3A_283] : memref<80x128xi32, #tpu.memory_space<vmem>> -> memref<1x128xi32, #tpu.memory_space<vmem>>
          %dma_start3A_285 = tpu.memref_squeeze %dma_start3A_284 : memref<1x128xi32, #tpu.memory_space<vmem>> -> memref<128xi32, #tpu.memory_space<vmem>>
          %dma_start3A_286 = arith.constant 0 : i32
          %dma_start3A_287 = arith.constant 0 : i32
          %dma_start3A_288 = tpu.memref_slice %arg25[%dma_start3A_286, %dma_start3A_287] : memref<10240x8xf32, #tpu.memory_space<vmem_shared>> -> memref<10240x8xf32, #tpu.memory_space<vmem_shared>>
          tpu.enqueue_indirect_dma source(%arg14 : memref<128x8xf32, #tpu.memory_space<vmem>>) target(%dma_start3A_288 : memref<10240x8xf32, #tpu.memory_space<vmem_shared>>) offsets(%dma_start3A_285 : memref<128xi32, #tpu.memory_space<vmem>>) semaphore(%run_scoped3A : memref<!tpu.dma_semaphore, #tpu.memory_space<semaphore_mem>>) {add = true}
          %dma_wait3A_289 = arith.constant 0 : i32
          %dma_wait3A_290 = tpu.memref_slice %arg8[%add3A_202, %dma_wait3A_289] : memref<80x128xi32, #tpu.memory_space<vmem>> -> memref<1x128xi32, #tpu.memory_space<vmem>>
          %dma_wait3A_291 = tpu.memref_squeeze %dma_wait3A_290 : memref<1x128xi32, #tpu.memory_space<vmem>> -> memref<128xi32, #tpu.memory_space<vmem>>
          %dma_wait3A_292 = arith.constant 0 : i32
          %dma_wait3A_293 = arith.constant 0 : i32
          %dma_wait3A_294 = tpu.memref_slice %arg25[%dma_wait3A_292, %dma_wait3A_293] : memref<10240x8xf32, #tpu.memory_space<vmem_shared>> -> memref<10240x8xf32, #tpu.memory_space<vmem_shared>>
          tpu.wait_indirect_dma semaphore(%run_scoped3A : memref<!tpu.dma_semaphore, #tpu.memory_space<semaphore_mem>>) src(%arg14 : memref<128x8xf32, #tpu.memory_space<vmem>>) dst(%dma_wait3A_294 : memref<10240x8xf32, #tpu.memory_space<vmem_shared>>)
          tpu.yield
        }) : () -> ()
        %dma_wait3A_203 = arith.constant 0 : i32
        %dma_wait3A_204 = tpu.memref_slice %arg7[%add3A_77, %dma_wait3A_203] : memref<80x128xi32, #tpu.memory_space<vmem>> -> memref<1x128xi32, #tpu.memory_space<vmem>>
        %dma_wait3A_205 = tpu.memref_squeeze %dma_wait3A_204 : memref<1x128xi32, #tpu.memory_space<vmem>> -> memref<128xi32, #tpu.memory_space<vmem>>
        %dma_wait3A_206 = arith.constant 0 : i32
        %dma_wait3A_207 = arith.constant 0 : i32
        %dma_wait3A_208 = tpu.memref_slice %arg2[%dma_wait3A_206, %dma_wait3A_207] : memref<10000x8xf32, #tpu.memory_space<hbm>> -> memref<10000x8xf32, #tpu.memory_space<hbm>>
        tpu.wait_indirect_dma semaphore(%arg32 : memref<!tpu.dma_semaphore, #tpu.memory_space<semaphore_mem>>) src(%dma_wait3A_208 : memref<10000x8xf32, #tpu.memory_space<hbm>>) dst(%arg15 : memref<128x8xf32, #tpu.memory_space<vmem>>)
        %add3A_209 = arith.constant 6 : i32
        %add3A_210 = arith.addi %mul3A_29, %add3A_209 : i32
        "tpu.region"() ({
          %run_scoped3A = tpu.sem_alloc : memref<!tpu.dma_semaphore, #tpu.memory_space<semaphore_mem>>
          %dma_start3A_283 = arith.constant 0 : i32
          %dma_start3A_284 = tpu.memref_slice %arg8[%add3A_210, %dma_start3A_283] : memref<80x128xi32, #tpu.memory_space<vmem>> -> memref<1x128xi32, #tpu.memory_space<vmem>>
          %dma_start3A_285 = tpu.memref_squeeze %dma_start3A_284 : memref<1x128xi32, #tpu.memory_space<vmem>> -> memref<128xi32, #tpu.memory_space<vmem>>
          %dma_start3A_286 = arith.constant 0 : i32
          %dma_start3A_287 = arith.constant 0 : i32
          %dma_start3A_288 = tpu.memref_slice %arg25[%dma_start3A_286, %dma_start3A_287] : memref<10240x8xf32, #tpu.memory_space<vmem_shared>> -> memref<10240x8xf32, #tpu.memory_space<vmem_shared>>
          tpu.enqueue_indirect_dma source(%arg15 : memref<128x8xf32, #tpu.memory_space<vmem>>) target(%dma_start3A_288 : memref<10240x8xf32, #tpu.memory_space<vmem_shared>>) offsets(%dma_start3A_285 : memref<128xi32, #tpu.memory_space<vmem>>) semaphore(%run_scoped3A : memref<!tpu.dma_semaphore, #tpu.memory_space<semaphore_mem>>) {add = true}
          %dma_wait3A_289 = arith.constant 0 : i32
          %dma_wait3A_290 = tpu.memref_slice %arg8[%add3A_210, %dma_wait3A_289] : memref<80x128xi32, #tpu.memory_space<vmem>> -> memref<1x128xi32, #tpu.memory_space<vmem>>
          %dma_wait3A_291 = tpu.memref_squeeze %dma_wait3A_290 : memref<1x128xi32, #tpu.memory_space<vmem>> -> memref<128xi32, #tpu.memory_space<vmem>>
          %dma_wait3A_292 = arith.constant 0 : i32
          %dma_wait3A_293 = arith.constant 0 : i32
          %dma_wait3A_294 = tpu.memref_slice %arg25[%dma_wait3A_292, %dma_wait3A_293] : memref<10240x8xf32, #tpu.memory_space<vmem_shared>> -> memref<10240x8xf32, #tpu.memory_space<vmem_shared>>
          tpu.wait_indirect_dma semaphore(%run_scoped3A : memref<!tpu.dma_semaphore, #tpu.memory_space<semaphore_mem>>) src(%arg15 : memref<128x8xf32, #tpu.memory_space<vmem>>) dst(%dma_wait3A_294 : memref<10240x8xf32, #tpu.memory_space<vmem_shared>>)
          tpu.yield
        }) : () -> ()
        %dma_wait3A_211 = arith.constant 0 : i32
        %dma_wait3A_212 = tpu.memref_slice %arg7[%add3A_85, %dma_wait3A_211] : memref<80x128xi32, #tpu.memory_space<vmem>> -> memref<1x128xi32, #tpu.memory_space<vmem>>
        %dma_wait3A_213 = tpu.memref_squeeze %dma_wait3A_212 : memref<1x128xi32, #tpu.memory_space<vmem>> -> memref<128xi32, #tpu.memory_space<vmem>>
        %dma_wait3A_214 = arith.constant 0 : i32
        %dma_wait3A_215 = arith.constant 0 : i32
        %dma_wait3A_216 = tpu.memref_slice %arg2[%dma_wait3A_214, %dma_wait3A_215] : memref<10000x8xf32, #tpu.memory_space<hbm>> -> memref<10000x8xf32, #tpu.memory_space<hbm>>
        tpu.wait_indirect_dma semaphore(%arg33 : memref<!tpu.dma_semaphore, #tpu.memory_space<semaphore_mem>>) src(%dma_wait3A_216 : memref<10000x8xf32, #tpu.memory_space<hbm>>) dst(%arg16 : memref<128x8xf32, #tpu.memory_space<vmem>>)
        %add3A_217 = arith.constant 7 : i32
        %add3A_218 = arith.addi %mul3A_29, %add3A_217 : i32
        "tpu.region"() ({
          %run_scoped3A = tpu.sem_alloc : memref<!tpu.dma_semaphore, #tpu.memory_space<semaphore_mem>>
          %dma_start3A_283 = arith.constant 0 : i32
          %dma_start3A_284 = tpu.memref_slice %arg8[%add3A_218, %dma_start3A_283] : memref<80x128xi32, #tpu.memory_space<vmem>> -> memref<1x128xi32, #tpu.memory_space<vmem>>
          %dma_start3A_285 = tpu.memref_squeeze %dma_start3A_284 : memref<1x128xi32, #tpu.memory_space<vmem>> -> memref<128xi32, #tpu.memory_space<vmem>>
          %dma_start3A_286 = arith.constant 0 : i32
          %dma_start3A_287 = arith.constant 0 : i32
          %dma_start3A_288 = tpu.memref_slice %arg25[%dma_start3A_286, %dma_start3A_287] : memref<10240x8xf32, #tpu.memory_space<vmem_shared>> -> memref<10240x8xf32, #tpu.memory_space<vmem_shared>>
          tpu.enqueue_indirect_dma source(%arg16 : memref<128x8xf32, #tpu.memory_space<vmem>>) target(%dma_start3A_288 : memref<10240x8xf32, #tpu.memory_space<vmem_shared>>) offsets(%dma_start3A_285 : memref<128xi32, #tpu.memory_space<vmem>>) semaphore(%run_scoped3A : memref<!tpu.dma_semaphore, #tpu.memory_space<semaphore_mem>>) {add = true}
          %dma_wait3A_289 = arith.constant 0 : i32
          %dma_wait3A_290 = tpu.memref_slice %arg8[%add3A_218, %dma_wait3A_289] : memref<80x128xi32, #tpu.memory_space<vmem>> -> memref<1x128xi32, #tpu.memory_space<vmem>>
          %dma_wait3A_291 = tpu.memref_squeeze %dma_wait3A_290 : memref<1x128xi32, #tpu.memory_space<vmem>> -> memref<128xi32, #tpu.memory_space<vmem>>
          %dma_wait3A_292 = arith.constant 0 : i32
          %dma_wait3A_293 = arith.constant 0 : i32
          %dma_wait3A_294 = tpu.memref_slice %arg25[%dma_wait3A_292, %dma_wait3A_293] : memref<10240x8xf32, #tpu.memory_space<vmem_shared>> -> memref<10240x8xf32, #tpu.memory_space<vmem_shared>>
          tpu.wait_indirect_dma semaphore(%run_scoped3A : memref<!tpu.dma_semaphore, #tpu.memory_space<semaphore_mem>>) src(%arg16 : memref<128x8xf32, #tpu.memory_space<vmem>>) dst(%dma_wait3A_294 : memref<10240x8xf32, #tpu.memory_space<vmem_shared>>)
          tpu.yield
        }) : () -> ()
        %dma_wait3A_219 = arith.constant 0 : i32
        %dma_wait3A_220 = tpu.memref_slice %arg7[%add3A_93, %dma_wait3A_219] : memref<80x128xi32, #tpu.memory_space<vmem>> -> memref<1x128xi32, #tpu.memory_space<vmem>>
        %dma_wait3A_221 = tpu.memref_squeeze %dma_wait3A_220 : memref<1x128xi32, #tpu.memory_space<vmem>> -> memref<128xi32, #tpu.memory_space<vmem>>
        %dma_wait3A_222 = arith.constant 0 : i32
        %dma_wait3A_223 = arith.constant 0 : i32
        %dma_wait3A_224 = tpu.memref_slice %arg2[%dma_wait3A_222, %dma_wait3A_223] : memref<10000x8xf32, #tpu.memory_space<hbm>> -> memref<10000x8xf32, #tpu.memory_space<hbm>>
        tpu.wait_indirect_dma semaphore(%arg34 : memref<!tpu.dma_semaphore, #tpu.memory_space<semaphore_mem>>) src(%dma_wait3A_224 : memref<10000x8xf32, #tpu.memory_space<hbm>>) dst(%arg17 : memref<128x8xf32, #tpu.memory_space<vmem>>)
        %add3A_225 = arith.constant 8 : i32
        %add3A_226 = arith.addi %mul3A_29, %add3A_225 : i32
        "tpu.region"() ({
          %run_scoped3A = tpu.sem_alloc : memref<!tpu.dma_semaphore, #tpu.memory_space<semaphore_mem>>
          %dma_start3A_283 = arith.constant 0 : i32
          %dma_start3A_284 = tpu.memref_slice %arg8[%add3A_226, %dma_start3A_283] : memref<80x128xi32, #tpu.memory_space<vmem>> -> memref<1x128xi32, #tpu.memory_space<vmem>>
          %dma_start3A_285 = tpu.memref_squeeze %dma_start3A_284 : memref<1x128xi32, #tpu.memory_space<vmem>> -> memref<128xi32, #tpu.memory_space<vmem>>
          %dma_start3A_286 = arith.constant 0 : i32
          %dma_start3A_287 = arith.constant 0 : i32
          %dma_start3A_288 = tpu.memref_slice %arg25[%dma_start3A_286, %dma_start3A_287] : memref<10240x8xf32, #tpu.memory_space<vmem_shared>> -> memref<10240x8xf32, #tpu.memory_space<vmem_shared>>
          tpu.enqueue_indirect_dma source(%arg17 : memref<128x8xf32, #tpu.memory_space<vmem>>) target(%dma_start3A_288 : memref<10240x8xf32, #tpu.memory_space<vmem_shared>>) offsets(%dma_start3A_285 : memref<128xi32, #tpu.memory_space<vmem>>) semaphore(%run_scoped3A : memref<!tpu.dma_semaphore, #tpu.memory_space<semaphore_mem>>) {add = true}
          %dma_wait3A_289 = arith.constant 0 : i32
          %dma_wait3A_290 = tpu.memref_slice %arg8[%add3A_226, %dma_wait3A_289] : memref<80x128xi32, #tpu.memory_space<vmem>> -> memref<1x128xi32, #tpu.memory_space<vmem>>
          %dma_wait3A_291 = tpu.memref_squeeze %dma_wait3A_290 : memref<1x128xi32, #tpu.memory_space<vmem>> -> memref<128xi32, #tpu.memory_space<vmem>>
          %dma_wait3A_292 = arith.constant 0 : i32
          %dma_wait3A_293 = arith.constant 0 : i32
          %dma_wait3A_294 = tpu.memref_slice %arg25[%dma_wait3A_292, %dma_wait3A_293] : memref<10240x8xf32, #tpu.memory_space<vmem_shared>> -> memref<10240x8xf32, #tpu.memory_space<vmem_shared>>
          tpu.wait_indirect_dma semaphore(%run_scoped3A : memref<!tpu.dma_semaphore, #tpu.memory_space<semaphore_mem>>) src(%arg17 : memref<128x8xf32, #tpu.memory_space<vmem>>) dst(%dma_wait3A_294 : memref<10240x8xf32, #tpu.memory_space<vmem_shared>>)
          tpu.yield
        }) : () -> ()
        %dma_wait3A_227 = arith.constant 0 : i32
        %dma_wait3A_228 = tpu.memref_slice %arg7[%add3A_101, %dma_wait3A_227] : memref<80x128xi32, #tpu.memory_space<vmem>> -> memref<1x128xi32, #tpu.memory_space<vmem>>
        %dma_wait3A_229 = tpu.memref_squeeze %dma_wait3A_228 : memref<1x128xi32, #tpu.memory_space<vmem>> -> memref<128xi32, #tpu.memory_space<vmem>>
        %dma_wait3A_230 = arith.constant 0 : i32
        %dma_wait3A_231 = arith.constant 0 : i32
        %dma_wait3A_232 = tpu.memref_slice %arg2[%dma_wait3A_230, %dma_wait3A_231] : memref<10000x8xf32, #tpu.memory_space<hbm>> -> memref<10000x8xf32, #tpu.memory_space<hbm>>
        tpu.wait_indirect_dma semaphore(%arg35 : memref<!tpu.dma_semaphore, #tpu.memory_space<semaphore_mem>>) src(%dma_wait3A_232 : memref<10000x8xf32, #tpu.memory_space<hbm>>) dst(%arg18 : memref<128x8xf32, #tpu.memory_space<vmem>>)
        %add3A_233 = arith.constant 9 : i32
        %add3A_234 = arith.addi %mul3A_29, %add3A_233 : i32
        "tpu.region"() ({
          %run_scoped3A = tpu.sem_alloc : memref<!tpu.dma_semaphore, #tpu.memory_space<semaphore_mem>>
          %dma_start3A_283 = arith.constant 0 : i32
          %dma_start3A_284 = tpu.memref_slice %arg8[%add3A_234, %dma_start3A_283] : memref<80x128xi32, #tpu.memory_space<vmem>> -> memref<1x128xi32, #tpu.memory_space<vmem>>
          %dma_start3A_285 = tpu.memref_squeeze %dma_start3A_284 : memref<1x128xi32, #tpu.memory_space<vmem>> -> memref<128xi32, #tpu.memory_space<vmem>>
          %dma_start3A_286 = arith.constant 0 : i32
          %dma_start3A_287 = arith.constant 0 : i32
          %dma_start3A_288 = tpu.memref_slice %arg25[%dma_start3A_286, %dma_start3A_287] : memref<10240x8xf32, #tpu.memory_space<vmem_shared>> -> memref<10240x8xf32, #tpu.memory_space<vmem_shared>>
          tpu.enqueue_indirect_dma source(%arg18 : memref<128x8xf32, #tpu.memory_space<vmem>>) target(%dma_start3A_288 : memref<10240x8xf32, #tpu.memory_space<vmem_shared>>) offsets(%dma_start3A_285 : memref<128xi32, #tpu.memory_space<vmem>>) semaphore(%run_scoped3A : memref<!tpu.dma_semaphore, #tpu.memory_space<semaphore_mem>>) {add = true}
          %dma_wait3A_289 = arith.constant 0 : i32
          %dma_wait3A_290 = tpu.memref_slice %arg8[%add3A_234, %dma_wait3A_289] : memref<80x128xi32, #tpu.memory_space<vmem>> -> memref<1x128xi32, #tpu.memory_space<vmem>>
          %dma_wait3A_291 = tpu.memref_squeeze %dma_wait3A_290 : memref<1x128xi32, #tpu.memory_space<vmem>> -> memref<128xi32, #tpu.memory_space<vmem>>
          %dma_wait3A_292 = arith.constant 0 : i32
          %dma_wait3A_293 = arith.constant 0 : i32
          %dma_wait3A_294 = tpu.memref_slice %arg25[%dma_wait3A_292, %dma_wait3A_293] : memref<10240x8xf32, #tpu.memory_space<vmem_shared>> -> memref<10240x8xf32, #tpu.memory_space<vmem_shared>>
          tpu.wait_indirect_dma semaphore(%run_scoped3A : memref<!tpu.dma_semaphore, #tpu.memory_space<semaphore_mem>>) src(%arg18 : memref<128x8xf32, #tpu.memory_space<vmem>>) dst(%dma_wait3A_294 : memref<10240x8xf32, #tpu.memory_space<vmem_shared>>)
          tpu.yield
        }) : () -> ()
        %dma_wait3A_235 = arith.constant 0 : i32
        %dma_wait3A_236 = tpu.memref_slice %arg7[%add3A_109, %dma_wait3A_235] : memref<80x128xi32, #tpu.memory_space<vmem>> -> memref<1x128xi32, #tpu.memory_space<vmem>>
        %dma_wait3A_237 = tpu.memref_squeeze %dma_wait3A_236 : memref<1x128xi32, #tpu.memory_space<vmem>> -> memref<128xi32, #tpu.memory_space<vmem>>
        %dma_wait3A_238 = arith.constant 0 : i32
        %dma_wait3A_239 = arith.constant 0 : i32
        %dma_wait3A_240 = tpu.memref_slice %arg2[%dma_wait3A_238, %dma_wait3A_239] : memref<10000x8xf32, #tpu.memory_space<hbm>> -> memref<10000x8xf32, #tpu.memory_space<hbm>>
        tpu.wait_indirect_dma semaphore(%arg36 : memref<!tpu.dma_semaphore, #tpu.memory_space<semaphore_mem>>) src(%dma_wait3A_240 : memref<10000x8xf32, #tpu.memory_space<hbm>>) dst(%arg19 : memref<128x8xf32, #tpu.memory_space<vmem>>)
        %add3A_241 = arith.constant 10 : i32
        %add3A_242 = arith.addi %mul3A_29, %add3A_241 : i32
        "tpu.region"() ({
          %run_scoped3A = tpu.sem_alloc : memref<!tpu.dma_semaphore, #tpu.memory_space<semaphore_mem>>
          %dma_start3A_283 = arith.constant 0 : i32
          %dma_start3A_284 = tpu.memref_slice %arg8[%add3A_242, %dma_start3A_283] : memref<80x128xi32, #tpu.memory_space<vmem>> -> memref<1x128xi32, #tpu.memory_space<vmem>>
          %dma_start3A_285 = tpu.memref_squeeze %dma_start3A_284 : memref<1x128xi32, #tpu.memory_space<vmem>> -> memref<128xi32, #tpu.memory_space<vmem>>
          %dma_start3A_286 = arith.constant 0 : i32
          %dma_start3A_287 = arith.constant 0 : i32
          %dma_start3A_288 = tpu.memref_slice %arg25[%dma_start3A_286, %dma_start3A_287] : memref<10240x8xf32, #tpu.memory_space<vmem_shared>> -> memref<10240x8xf32, #tpu.memory_space<vmem_shared>>
          tpu.enqueue_indirect_dma source(%arg19 : memref<128x8xf32, #tpu.memory_space<vmem>>) target(%dma_start3A_288 : memref<10240x8xf32, #tpu.memory_space<vmem_shared>>) offsets(%dma_start3A_285 : memref<128xi32, #tpu.memory_space<vmem>>) semaphore(%run_scoped3A : memref<!tpu.dma_semaphore, #tpu.memory_space<semaphore_mem>>) {add = true}
          %dma_wait3A_289 = arith.constant 0 : i32
          %dma_wait3A_290 = tpu.memref_slice %arg8[%add3A_242, %dma_wait3A_289] : memref<80x128xi32, #tpu.memory_space<vmem>> -> memref<1x128xi32, #tpu.memory_space<vmem>>
          %dma_wait3A_291 = tpu.memref_squeeze %dma_wait3A_290 : memref<1x128xi32, #tpu.memory_space<vmem>> -> memref<128xi32, #tpu.memory_space<vmem>>
          %dma_wait3A_292 = arith.constant 0 : i32
          %dma_wait3A_293 = arith.constant 0 : i32
          %dma_wait3A_294 = tpu.memref_slice %arg25[%dma_wait3A_292, %dma_wait3A_293] : memref<10240x8xf32, #tpu.memory_space<vmem_shared>> -> memref<10240x8xf32, #tpu.memory_space<vmem_shared>>
          tpu.wait_indirect_dma semaphore(%run_scoped3A : memref<!tpu.dma_semaphore, #tpu.memory_space<semaphore_mem>>) src(%arg19 : memref<128x8xf32, #tpu.memory_space<vmem>>) dst(%dma_wait3A_294 : memref<10240x8xf32, #tpu.memory_space<vmem_shared>>)
          tpu.yield
        }) : () -> ()
        %dma_wait3A_243 = arith.constant 0 : i32
        %dma_wait3A_244 = tpu.memref_slice %arg7[%add3A_117, %dma_wait3A_243] : memref<80x128xi32, #tpu.memory_space<vmem>> -> memref<1x128xi32, #tpu.memory_space<vmem>>
        %dma_wait3A_245 = tpu.memref_squeeze %dma_wait3A_244 : memref<1x128xi32, #tpu.memory_space<vmem>> -> memref<128xi32, #tpu.memory_space<vmem>>
        %dma_wait3A_246 = arith.constant 0 : i32
        %dma_wait3A_247 = arith.constant 0 : i32
        %dma_wait3A_248 = tpu.memref_slice %arg2[%dma_wait3A_246, %dma_wait3A_247] : memref<10000x8xf32, #tpu.memory_space<hbm>> -> memref<10000x8xf32, #tpu.memory_space<hbm>>
        tpu.wait_indirect_dma semaphore(%arg37 : memref<!tpu.dma_semaphore, #tpu.memory_space<semaphore_mem>>) src(%dma_wait3A_248 : memref<10000x8xf32, #tpu.memory_space<hbm>>) dst(%arg20 : memref<128x8xf32, #tpu.memory_space<vmem>>)
        %add3A_249 = arith.constant 11 : i32
        %add3A_250 = arith.addi %mul3A_29, %add3A_249 : i32
        "tpu.region"() ({
          %run_scoped3A = tpu.sem_alloc : memref<!tpu.dma_semaphore, #tpu.memory_space<semaphore_mem>>
          %dma_start3A_283 = arith.constant 0 : i32
          %dma_start3A_284 = tpu.memref_slice %arg8[%add3A_250, %dma_start3A_283] : memref<80x128xi32, #tpu.memory_space<vmem>> -> memref<1x128xi32, #tpu.memory_space<vmem>>
          %dma_start3A_285 = tpu.memref_squeeze %dma_start3A_284 : memref<1x128xi32, #tpu.memory_space<vmem>> -> memref<128xi32, #tpu.memory_space<vmem>>
          %dma_start3A_286 = arith.constant 0 : i32
          %dma_start3A_287 = arith.constant 0 : i32
          %dma_start3A_288 = tpu.memref_slice %arg25[%dma_start3A_286, %dma_start3A_287] : memref<10240x8xf32, #tpu.memory_space<vmem_shared>> -> memref<10240x8xf32, #tpu.memory_space<vmem_shared>>
          tpu.enqueue_indirect_dma source(%arg20 : memref<128x8xf32, #tpu.memory_space<vmem>>) target(%dma_start3A_288 : memref<10240x8xf32, #tpu.memory_space<vmem_shared>>) offsets(%dma_start3A_285 : memref<128xi32, #tpu.memory_space<vmem>>) semaphore(%run_scoped3A : memref<!tpu.dma_semaphore, #tpu.memory_space<semaphore_mem>>) {add = true}
          %dma_wait3A_289 = arith.constant 0 : i32
          %dma_wait3A_290 = tpu.memref_slice %arg8[%add3A_250, %dma_wait3A_289] : memref<80x128xi32, #tpu.memory_space<vmem>> -> memref<1x128xi32, #tpu.memory_space<vmem>>
          %dma_wait3A_291 = tpu.memref_squeeze %dma_wait3A_290 : memref<1x128xi32, #tpu.memory_space<vmem>> -> memref<128xi32, #tpu.memory_space<vmem>>
          %dma_wait3A_292 = arith.constant 0 : i32
          %dma_wait3A_293 = arith.constant 0 : i32
          %dma_wait3A_294 = tpu.memref_slice %arg25[%dma_wait3A_292, %dma_wait3A_293] : memref<10240x8xf32, #tpu.memory_space<vmem_shared>> -> memref<10240x8xf32, #tpu.memory_space<vmem_shared>>
          tpu.wait_indirect_dma semaphore(%run_scoped3A : memref<!tpu.dma_semaphore, #tpu.memory_space<semaphore_mem>>) src(%arg20 : memref<128x8xf32, #tpu.memory_space<vmem>>) dst(%dma_wait3A_294 : memref<10240x8xf32, #tpu.memory_space<vmem_shared>>)
          tpu.yield
        }) : () -> ()
        %dma_wait3A_251 = arith.constant 0 : i32
        %dma_wait3A_252 = tpu.memref_slice %arg7[%add3A_125, %dma_wait3A_251] : memref<80x128xi32, #tpu.memory_space<vmem>> -> memref<1x128xi32, #tpu.memory_space<vmem>>
        %dma_wait3A_253 = tpu.memref_squeeze %dma_wait3A_252 : memref<1x128xi32, #tpu.memory_space<vmem>> -> memref<128xi32, #tpu.memory_space<vmem>>
        %dma_wait3A_254 = arith.constant 0 : i32
        %dma_wait3A_255 = arith.constant 0 : i32
        %dma_wait3A_256 = tpu.memref_slice %arg2[%dma_wait3A_254, %dma_wait3A_255] : memref<10000x8xf32, #tpu.memory_space<hbm>> -> memref<10000x8xf32, #tpu.memory_space<hbm>>
        tpu.wait_indirect_dma semaphore(%arg38 : memref<!tpu.dma_semaphore, #tpu.memory_space<semaphore_mem>>) src(%dma_wait3A_256 : memref<10000x8xf32, #tpu.memory_space<hbm>>) dst(%arg21 : memref<128x8xf32, #tpu.memory_space<vmem>>)
        %add3A_257 = arith.constant 12 : i32
        %add3A_258 = arith.addi %mul3A_29, %add3A_257 : i32
        "tpu.region"() ({
          %run_scoped3A = tpu.sem_alloc : memref<!tpu.dma_semaphore, #tpu.memory_space<semaphore_mem>>
          %dma_start3A_283 = arith.constant 0 : i32
          %dma_start3A_284 = tpu.memref_slice %arg8[%add3A_258, %dma_start3A_283] : memref<80x128xi32, #tpu.memory_space<vmem>> -> memref<1x128xi32, #tpu.memory_space<vmem>>
          %dma_start3A_285 = tpu.memref_squeeze %dma_start3A_284 : memref<1x128xi32, #tpu.memory_space<vmem>> -> memref<128xi32, #tpu.memory_space<vmem>>
          %dma_start3A_286 = arith.constant 0 : i32
          %dma_start3A_287 = arith.constant 0 : i32
          %dma_start3A_288 = tpu.memref_slice %arg25[%dma_start3A_286, %dma_start3A_287] : memref<10240x8xf32, #tpu.memory_space<vmem_shared>> -> memref<10240x8xf32, #tpu.memory_space<vmem_shared>>
          tpu.enqueue_indirect_dma source(%arg21 : memref<128x8xf32, #tpu.memory_space<vmem>>) target(%dma_start3A_288 : memref<10240x8xf32, #tpu.memory_space<vmem_shared>>) offsets(%dma_start3A_285 : memref<128xi32, #tpu.memory_space<vmem>>) semaphore(%run_scoped3A : memref<!tpu.dma_semaphore, #tpu.memory_space<semaphore_mem>>) {add = true}
          %dma_wait3A_289 = arith.constant 0 : i32
          %dma_wait3A_290 = tpu.memref_slice %arg8[%add3A_258, %dma_wait3A_289] : memref<80x128xi32, #tpu.memory_space<vmem>> -> memref<1x128xi32, #tpu.memory_space<vmem>>
          %dma_wait3A_291 = tpu.memref_squeeze %dma_wait3A_290 : memref<1x128xi32, #tpu.memory_space<vmem>> -> memref<128xi32, #tpu.memory_space<vmem>>
          %dma_wait3A_292 = arith.constant 0 : i32
          %dma_wait3A_293 = arith.constant 0 : i32
          %dma_wait3A_294 = tpu.memref_slice %arg25[%dma_wait3A_292, %dma_wait3A_293] : memref<10240x8xf32, #tpu.memory_space<vmem_shared>> -> memref<10240x8xf32, #tpu.memory_space<vmem_shared>>
          tpu.wait_indirect_dma semaphore(%run_scoped3A : memref<!tpu.dma_semaphore, #tpu.memory_space<semaphore_mem>>) src(%arg21 : memref<128x8xf32, #tpu.memory_space<vmem>>) dst(%dma_wait3A_294 : memref<10240x8xf32, #tpu.memory_space<vmem_shared>>)
          tpu.yield
        }) : () -> ()
        %dma_wait3A_259 = arith.constant 0 : i32
        %dma_wait3A_260 = tpu.memref_slice %arg7[%add3A_133, %dma_wait3A_259] : memref<80x128xi32, #tpu.memory_space<vmem>> -> memref<1x128xi32, #tpu.memory_space<vmem>>
        %dma_wait3A_261 = tpu.memref_squeeze %dma_wait3A_260 : memref<1x128xi32, #tpu.memory_space<vmem>> -> memref<128xi32, #tpu.memory_space<vmem>>
        %dma_wait3A_262 = arith.constant 0 : i32
        %dma_wait3A_263 = arith.constant 0 : i32
        %dma_wait3A_264 = tpu.memref_slice %arg2[%dma_wait3A_262, %dma_wait3A_263] : memref<10000x8xf32, #tpu.memory_space<hbm>> -> memref<10000x8xf32, #tpu.memory_space<hbm>>
        tpu.wait_indirect_dma semaphore(%arg39 : memref<!tpu.dma_semaphore, #tpu.memory_space<semaphore_mem>>) src(%dma_wait3A_264 : memref<10000x8xf32, #tpu.memory_space<hbm>>) dst(%arg22 : memref<128x8xf32, #tpu.memory_space<vmem>>)
        %add3A_265 = arith.constant 13 : i32
        %add3A_266 = arith.addi %mul3A_29, %add3A_265 : i32
        "tpu.region"() ({
          %run_scoped3A = tpu.sem_alloc : memref<!tpu.dma_semaphore, #tpu.memory_space<semaphore_mem>>
          %dma_start3A_283 = arith.constant 0 : i32
          %dma_start3A_284 = tpu.memref_slice %arg8[%add3A_266, %dma_start3A_283] : memref<80x128xi32, #tpu.memory_space<vmem>> -> memref<1x128xi32, #tpu.memory_space<vmem>>
          %dma_start3A_285 = tpu.memref_squeeze %dma_start3A_284 : memref<1x128xi32, #tpu.memory_space<vmem>> -> memref<128xi32, #tpu.memory_space<vmem>>
          %dma_start3A_286 = arith.constant 0 : i32
          %dma_start3A_287 = arith.constant 0 : i32
          %dma_start3A_288 = tpu.memref_slice %arg25[%dma_start3A_286, %dma_start3A_287] : memref<10240x8xf32, #tpu.memory_space<vmem_shared>> -> memref<10240x8xf32, #tpu.memory_space<vmem_shared>>
          tpu.enqueue_indirect_dma source(%arg22 : memref<128x8xf32, #tpu.memory_space<vmem>>) target(%dma_start3A_288 : memref<10240x8xf32, #tpu.memory_space<vmem_shared>>) offsets(%dma_start3A_285 : memref<128xi32, #tpu.memory_space<vmem>>) semaphore(%run_scoped3A : memref<!tpu.dma_semaphore, #tpu.memory_space<semaphore_mem>>) {add = true}
          %dma_wait3A_289 = arith.constant 0 : i32
          %dma_wait3A_290 = tpu.memref_slice %arg8[%add3A_266, %dma_wait3A_289] : memref<80x128xi32, #tpu.memory_space<vmem>> -> memref<1x128xi32, #tpu.memory_space<vmem>>
          %dma_wait3A_291 = tpu.memref_squeeze %dma_wait3A_290 : memref<1x128xi32, #tpu.memory_space<vmem>> -> memref<128xi32, #tpu.memory_space<vmem>>
          %dma_wait3A_292 = arith.constant 0 : i32
          %dma_wait3A_293 = arith.constant 0 : i32
          %dma_wait3A_294 = tpu.memref_slice %arg25[%dma_wait3A_292, %dma_wait3A_293] : memref<10240x8xf32, #tpu.memory_space<vmem_shared>> -> memref<10240x8xf32, #tpu.memory_space<vmem_shared>>
          tpu.wait_indirect_dma semaphore(%run_scoped3A : memref<!tpu.dma_semaphore, #tpu.memory_space<semaphore_mem>>) src(%arg22 : memref<128x8xf32, #tpu.memory_space<vmem>>) dst(%dma_wait3A_294 : memref<10240x8xf32, #tpu.memory_space<vmem_shared>>)
          tpu.yield
        }) : () -> ()
        %dma_wait3A_267 = arith.constant 0 : i32
        %dma_wait3A_268 = tpu.memref_slice %arg7[%add3A_141, %dma_wait3A_267] : memref<80x128xi32, #tpu.memory_space<vmem>> -> memref<1x128xi32, #tpu.memory_space<vmem>>
        %dma_wait3A_269 = tpu.memref_squeeze %dma_wait3A_268 : memref<1x128xi32, #tpu.memory_space<vmem>> -> memref<128xi32, #tpu.memory_space<vmem>>
        %dma_wait3A_270 = arith.constant 0 : i32
        %dma_wait3A_271 = arith.constant 0 : i32
        %dma_wait3A_272 = tpu.memref_slice %arg2[%dma_wait3A_270, %dma_wait3A_271] : memref<10000x8xf32, #tpu.memory_space<hbm>> -> memref<10000x8xf32, #tpu.memory_space<hbm>>
        tpu.wait_indirect_dma semaphore(%arg40 : memref<!tpu.dma_semaphore, #tpu.memory_space<semaphore_mem>>) src(%dma_wait3A_272 : memref<10000x8xf32, #tpu.memory_space<hbm>>) dst(%arg23 : memref<128x8xf32, #tpu.memory_space<vmem>>)
        %add3A_273 = arith.constant 14 : i32
        %add3A_274 = arith.addi %mul3A_29, %add3A_273 : i32
        "tpu.region"() ({
          %run_scoped3A = tpu.sem_alloc : memref<!tpu.dma_semaphore, #tpu.memory_space<semaphore_mem>>
          %dma_start3A_283 = arith.constant 0 : i32
          %dma_start3A_284 = tpu.memref_slice %arg8[%add3A_274, %dma_start3A_283] : memref<80x128xi32, #tpu.memory_space<vmem>> -> memref<1x128xi32, #tpu.memory_space<vmem>>
          %dma_start3A_285 = tpu.memref_squeeze %dma_start3A_284 : memref<1x128xi32, #tpu.memory_space<vmem>> -> memref<128xi32, #tpu.memory_space<vmem>>
          %dma_start3A_286 = arith.constant 0 : i32
          %dma_start3A_287 = arith.constant 0 : i32
          %dma_start3A_288 = tpu.memref_slice %arg25[%dma_start3A_286, %dma_start3A_287] : memref<10240x8xf32, #tpu.memory_space<vmem_shared>> -> memref<10240x8xf32, #tpu.memory_space<vmem_shared>>
          tpu.enqueue_indirect_dma source(%arg23 : memref<128x8xf32, #tpu.memory_space<vmem>>) target(%dma_start3A_288 : memref<10240x8xf32, #tpu.memory_space<vmem_shared>>) offsets(%dma_start3A_285 : memref<128xi32, #tpu.memory_space<vmem>>) semaphore(%run_scoped3A : memref<!tpu.dma_semaphore, #tpu.memory_space<semaphore_mem>>) {add = true}
          %dma_wait3A_289 = arith.constant 0 : i32
          %dma_wait3A_290 = tpu.memref_slice %arg8[%add3A_274, %dma_wait3A_289] : memref<80x128xi32, #tpu.memory_space<vmem>> -> memref<1x128xi32, #tpu.memory_space<vmem>>
          %dma_wait3A_291 = tpu.memref_squeeze %dma_wait3A_290 : memref<1x128xi32, #tpu.memory_space<vmem>> -> memref<128xi32, #tpu.memory_space<vmem>>
          %dma_wait3A_292 = arith.constant 0 : i32
          %dma_wait3A_293 = arith.constant 0 : i32
          %dma_wait3A_294 = tpu.memref_slice %arg25[%dma_wait3A_292, %dma_wait3A_293] : memref<10240x8xf32, #tpu.memory_space<vmem_shared>> -> memref<10240x8xf32, #tpu.memory_space<vmem_shared>>
          tpu.wait_indirect_dma semaphore(%run_scoped3A : memref<!tpu.dma_semaphore, #tpu.memory_space<semaphore_mem>>) src(%arg23 : memref<128x8xf32, #tpu.memory_space<vmem>>) dst(%dma_wait3A_294 : memref<10240x8xf32, #tpu.memory_space<vmem_shared>>)
          tpu.yield
        }) : () -> ()
        %dma_wait3A_275 = arith.constant 0 : i32
        %dma_wait3A_276 = tpu.memref_slice %arg7[%add3A_149, %dma_wait3A_275] : memref<80x128xi32, #tpu.memory_space<vmem>> -> memref<1x128xi32, #tpu.memory_space<vmem>>
        %dma_wait3A_277 = tpu.memref_squeeze %dma_wait3A_276 : memref<1x128xi32, #tpu.memory_space<vmem>> -> memref<128xi32, #tpu.memory_space<vmem>>
        %dma_wait3A_278 = arith.constant 0 : i32
        %dma_wait3A_279 = arith.constant 0 : i32
        %dma_wait3A_280 = tpu.memref_slice %arg2[%dma_wait3A_278, %dma_wait3A_279] : memref<10000x8xf32, #tpu.memory_space<hbm>> -> memref<10000x8xf32, #tpu.memory_space<hbm>>
        tpu.wait_indirect_dma semaphore(%arg41 : memref<!tpu.dma_semaphore, #tpu.memory_space<semaphore_mem>>) src(%dma_wait3A_280 : memref<10000x8xf32, #tpu.memory_space<hbm>>) dst(%arg24 : memref<128x8xf32, #tpu.memory_space<vmem>>)
        %add3A_281 = arith.constant 15 : i32
        %add3A_282 = arith.addi %mul3A_29, %add3A_281 : i32
        "tpu.region"() ({
          %run_scoped3A = tpu.sem_alloc : memref<!tpu.dma_semaphore, #tpu.memory_space<semaphore_mem>>
          %dma_start3A_283 = arith.constant 0 : i32
          %dma_start3A_284 = tpu.memref_slice %arg8[%add3A_282, %dma_start3A_283] : memref<80x128xi32, #tpu.memory_space<vmem>> -> memref<1x128xi32, #tpu.memory_space<vmem>>
          %dma_start3A_285 = tpu.memref_squeeze %dma_start3A_284 : memref<1x128xi32, #tpu.memory_space<vmem>> -> memref<128xi32, #tpu.memory_space<vmem>>
          %dma_start3A_286 = arith.constant 0 : i32
          %dma_start3A_287 = arith.constant 0 : i32
          %dma_start3A_288 = tpu.memref_slice %arg25[%dma_start3A_286, %dma_start3A_287] : memref<10240x8xf32, #tpu.memory_space<vmem_shared>> -> memref<10240x8xf32, #tpu.memory_space<vmem_shared>>
          tpu.enqueue_indirect_dma source(%arg24 : memref<128x8xf32, #tpu.memory_space<vmem>>) target(%dma_start3A_288 : memref<10240x8xf32, #tpu.memory_space<vmem_shared>>) offsets(%dma_start3A_285 : memref<128xi32, #tpu.memory_space<vmem>>) semaphore(%run_scoped3A : memref<!tpu.dma_semaphore, #tpu.memory_space<semaphore_mem>>) {add = true}
          %dma_wait3A_289 = arith.constant 0 : i32
          %dma_wait3A_290 = tpu.memref_slice %arg8[%add3A_282, %dma_wait3A_289] : memref<80x128xi32, #tpu.memory_space<vmem>> -> memref<1x128xi32, #tpu.memory_space<vmem>>
          %dma_wait3A_291 = tpu.memref_squeeze %dma_wait3A_290 : memref<1x128xi32, #tpu.memory_space<vmem>> -> memref<128xi32, #tpu.memory_space<vmem>>
          %dma_wait3A_292 = arith.constant 0 : i32
          %dma_wait3A_293 = arith.constant 0 : i32
          %dma_wait3A_294 = tpu.memref_slice %arg25[%dma_wait3A_292, %dma_wait3A_293] : memref<10240x8xf32, #tpu.memory_space<vmem_shared>> -> memref<10240x8xf32, #tpu.memory_space<vmem_shared>>
          tpu.wait_indirect_dma semaphore(%run_scoped3A : memref<!tpu.dma_semaphore, #tpu.memory_space<semaphore_mem>>) src(%arg24 : memref<128x8xf32, #tpu.memory_space<vmem>>) dst(%dma_wait3A_294 : memref<10240x8xf32, #tpu.memory_space<vmem_shared>>)
          tpu.yield
        }) : () -> ()
      }
      %scan3A_26 = arith.constant 5 : i32
    } else {
    }
    %ne3A_12 = arith.constant 0 : i32
    %ne3A_13 = arith.cmpi ne, %arg0, %ne3A_12 : i32
    %convert_element_type3A_14 = arith.extui %ne3A_13 : i1 to i32
    %cond3A_15 = arith.constant 0 : i32
    %cond3A_16 = arith.cmpi ne, %convert_element_type3A_14, %cond3A_15 : i32
    scf.if %cond3A_16 {
      %scan3A = arith.constant 0 : i32
      %scan3A_22 = arith.constant 0 : i32
      %scan3A_23 = arith.constant 5 : i32
      %scan3A_24 = arith.addi %scan3A_22, %scan3A_23 : i32
      %scan3A_25 = arith.constant 1 : i32
      scf.for %scan3A_27 = %scan3A_22 to %scan3A_24 step %scan3A_25  : i32 {
        %mul3A_28 = arith.constant 16 : i32
        %mul3A_29 = arith.muli %scan3A_27, %mul3A_28 : i32
        %add3A = arith.constant 0 : i32
        %add3A_30 = arith.addi %mul3A_29, %add3A : i32
        %dma_start3A = arith.constant 0 : i32
        %dma_start3A_31 = tpu.memref_slice %arg7[%add3A_30, %dma_start3A] : memref<80x128xi32, #tpu.memory_space<vmem>> -> memref<1x128xi32, #tpu.memory_space<vmem>>
        %dma_start3A_32 = tpu.memref_squeeze %dma_start3A_31 : memref<1x128xi32, #tpu.memory_space<vmem>> -> memref<128xi32, #tpu.memory_space<vmem>>
        %dma_start3A_33 = arith.constant 0 : i32
        %dma_start3A_34 = arith.constant 0 : i32
        %dma_start3A_35 = tpu.memref_slice %arg2[%dma_start3A_33, %dma_start3A_34] : memref<10000x8xf32, #tpu.memory_space<hbm>> -> memref<10000x8xf32, #tpu.memory_space<hbm>>
        tpu.enqueue_indirect_dma source(%dma_start3A_35 : memref<10000x8xf32, #tpu.memory_space<hbm>>) target(%arg9 : memref<128x8xf32, #tpu.memory_space<vmem>>) offsets(%dma_start3A_32 : memref<128xi32, #tpu.memory_space<vmem>>) semaphore(%arg26 : memref<!tpu.dma_semaphore, #tpu.memory_space<semaphore_mem>>)
        %add3A_36 = arith.constant 1 : i32
        %add3A_37 = arith.addi %mul3A_29, %add3A_36 : i32
        %dma_start3A_38 = arith.constant 0 : i32
        %dma_start3A_39 = tpu.memref_slice %arg7[%add3A_37, %dma_start3A_38] : memref<80x128xi32, #tpu.memory_space<vmem>> -> memref<1x128xi32, #tpu.memory_space<vmem>>
        %dma_start3A_40 = tpu.memref_squeeze %dma_start3A_39 : memref<1x128xi32, #tpu.memory_space<vmem>> -> memref<128xi32, #tpu.memory_space<vmem>>
        %dma_start3A_41 = arith.constant 0 : i32
        %dma_start3A_42 = arith.constant 0 : i32
        %dma_start3A_43 = tpu.memref_slice %arg2[%dma_start3A_41, %dma_start3A_42] : memref<10000x8xf32, #tpu.memory_space<hbm>> -> memref<10000x8xf32, #tpu.memory_space<hbm>>
        tpu.enqueue_indirect_dma source(%dma_start3A_43 : memref<10000x8xf32, #tpu.memory_space<hbm>>) target(%arg10 : memref<128x8xf32, #tpu.memory_space<vmem>>) offsets(%dma_start3A_40 : memref<128xi32, #tpu.memory_space<vmem>>) semaphore(%arg27 : memref<!tpu.dma_semaphore, #tpu.memory_space<semaphore_mem>>)
        %add3A_44 = arith.constant 2 : i32
        %add3A_45 = arith.addi %mul3A_29, %add3A_44 : i32
        %dma_start3A_46 = arith.constant 0 : i32
        %dma_start3A_47 = tpu.memref_slice %arg7[%add3A_45, %dma_start3A_46] : memref<80x128xi32, #tpu.memory_space<vmem>> -> memref<1x128xi32, #tpu.memory_space<vmem>>
        %dma_start3A_48 = tpu.memref_squeeze %dma_start3A_47 : memref<1x128xi32, #tpu.memory_space<vmem>> -> memref<128xi32, #tpu.memory_space<vmem>>
        %dma_start3A_49 = arith.constant 0 : i32
        %dma_start3A_50 = arith.constant 0 : i32
        %dma_start3A_51 = tpu.memref_slice %arg2[%dma_start3A_49, %dma_start3A_50] : memref<10000x8xf32, #tpu.memory_space<hbm>> -> memref<10000x8xf32, #tpu.memory_space<hbm>>
        tpu.enqueue_indirect_dma source(%dma_start3A_51 : memref<10000x8xf32, #tpu.memory_space<hbm>>) target(%arg11 : memref<128x8xf32, #tpu.memory_space<vmem>>) offsets(%dma_start3A_48 : memref<128xi32, #tpu.memory_space<vmem>>) semaphore(%arg28 : memref<!tpu.dma_semaphore, #tpu.memory_space<semaphore_mem>>)
        %add3A_52 = arith.constant 3 : i32
        %add3A_53 = arith.addi %mul3A_29, %add3A_52 : i32
        %dma_start3A_54 = arith.constant 0 : i32
        %dma_start3A_55 = tpu.memref_slice %arg7[%add3A_53, %dma_start3A_54] : memref<80x128xi32, #tpu.memory_space<vmem>> -> memref<1x128xi32, #tpu.memory_space<vmem>>
        %dma_start3A_56 = tpu.memref_squeeze %dma_start3A_55 : memref<1x128xi32, #tpu.memory_space<vmem>> -> memref<128xi32, #tpu.memory_space<vmem>>
        %dma_start3A_57 = arith.constant 0 : i32
        %dma_start3A_58 = arith.constant 0 : i32
        %dma_start3A_59 = tpu.memref_slice %arg2[%dma_start3A_57, %dma_start3A_58] : memref<10000x8xf32, #tpu.memory_space<hbm>> -> memref<10000x8xf32, #tpu.memory_space<hbm>>
        tpu.enqueue_indirect_dma source(%dma_start3A_59 : memref<10000x8xf32, #tpu.memory_space<hbm>>) target(%arg12 : memref<128x8xf32, #tpu.memory_space<vmem>>) offsets(%dma_start3A_56 : memref<128xi32, #tpu.memory_space<vmem>>) semaphore(%arg29 : memref<!tpu.dma_semaphore, #tpu.memory_space<semaphore_mem>>)
        %add3A_60 = arith.constant 4 : i32
        %add3A_61 = arith.addi %mul3A_29, %add3A_60 : i32
        %dma_start3A_62 = arith.constant 0 : i32
        %dma_start3A_63 = tpu.memref_slice %arg7[%add3A_61, %dma_start3A_62] : memref<80x128xi32, #tpu.memory_space<vmem>> -> memref<1x128xi32, #tpu.memory_space<vmem>>
        %dma_start3A_64 = tpu.memref_squeeze %dma_start3A_63 : memref<1x128xi32, #tpu.memory_space<vmem>> -> memref<128xi32, #tpu.memory_space<vmem>>
        %dma_start3A_65 = arith.constant 0 : i32
        %dma_start3A_66 = arith.constant 0 : i32
        %dma_start3A_67 = tpu.memref_slice %arg2[%dma_start3A_65, %dma_start3A_66] : memref<10000x8xf32, #tpu.memory_space<hbm>> -> memref<10000x8xf32, #tpu.memory_space<hbm>>
        tpu.enqueue_indirect_dma source(%dma_start3A_67 : memref<10000x8xf32, #tpu.memory_space<hbm>>) target(%arg13 : memref<128x8xf32, #tpu.memory_space<vmem>>) offsets(%dma_start3A_64 : memref<128xi32, #tpu.memory_space<vmem>>) semaphore(%arg30 : memref<!tpu.dma_semaphore, #tpu.memory_space<semaphore_mem>>)
        %add3A_68 = arith.constant 5 : i32
        %add3A_69 = arith.addi %mul3A_29, %add3A_68 : i32
        %dma_start3A_70 = arith.constant 0 : i32
        %dma_start3A_71 = tpu.memref_slice %arg7[%add3A_69, %dma_start3A_70] : memref<80x128xi32, #tpu.memory_space<vmem>> -> memref<1x128xi32, #tpu.memory_space<vmem>>
        %dma_start3A_72 = tpu.memref_squeeze %dma_start3A_71 : memref<1x128xi32, #tpu.memory_space<vmem>> -> memref<128xi32, #tpu.memory_space<vmem>>
        %dma_start3A_73 = arith.constant 0 : i32
        %dma_start3A_74 = arith.constant 0 : i32
        %dma_start3A_75 = tpu.memref_slice %arg2[%dma_start3A_73, %dma_start3A_74] : memref<10000x8xf32, #tpu.memory_space<hbm>> -> memref<10000x8xf32, #tpu.memory_space<hbm>>
        tpu.enqueue_indirect_dma source(%dma_start3A_75 : memref<10000x8xf32, #tpu.memory_space<hbm>>) target(%arg14 : memref<128x8xf32, #tpu.memory_space<vmem>>) offsets(%dma_start3A_72 : memref<128xi32, #tpu.memory_space<vmem>>) semaphore(%arg31 : memref<!tpu.dma_semaphore, #tpu.memory_space<semaphore_mem>>)
        %add3A_76 = arith.constant 6 : i32
        %add3A_77 = arith.addi %mul3A_29, %add3A_76 : i32
        %dma_start3A_78 = arith.constant 0 : i32
        %dma_start3A_79 = tpu.memref_slice %arg7[%add3A_77, %dma_start3A_78] : memref<80x128xi32, #tpu.memory_space<vmem>> -> memref<1x128xi32, #tpu.memory_space<vmem>>
        %dma_start3A_80 = tpu.memref_squeeze %dma_start3A_79 : memref<1x128xi32, #tpu.memory_space<vmem>> -> memref<128xi32, #tpu.memory_space<vmem>>
        %dma_start3A_81 = arith.constant 0 : i32
        %dma_start3A_82 = arith.constant 0 : i32
        %dma_start3A_83 = tpu.memref_slice %arg2[%dma_start3A_81, %dma_start3A_82] : memref<10000x8xf32, #tpu.memory_space<hbm>> -> memref<10000x8xf32, #tpu.memory_space<hbm>>
        tpu.enqueue_indirect_dma source(%dma_start3A_83 : memref<10000x8xf32, #tpu.memory_space<hbm>>) target(%arg15 : memref<128x8xf32, #tpu.memory_space<vmem>>) offsets(%dma_start3A_80 : memref<128xi32, #tpu.memory_space<vmem>>) semaphore(%arg32 : memref<!tpu.dma_semaphore, #tpu.memory_space<semaphore_mem>>)
        %add3A_84 = arith.constant 7 : i32
        %add3A_85 = arith.addi %mul3A_29, %add3A_84 : i32
        %dma_start3A_86 = arith.constant 0 : i32
        %dma_start3A_87 = tpu.memref_slice %arg7[%add3A_85, %dma_start3A_86] : memref<80x128xi32, #tpu.memory_space<vmem>> -> memref<1x128xi32, #tpu.memory_space<vmem>>
        %dma_start3A_88 = tpu.memref_squeeze %dma_start3A_87 : memref<1x128xi32, #tpu.memory_space<vmem>> -> memref<128xi32, #tpu.memory_space<vmem>>
        %dma_start3A_89 = arith.constant 0 : i32
        %dma_start3A_90 = arith.constant 0 : i32
        %dma_start3A_91 = tpu.memref_slice %arg2[%dma_start3A_89, %dma_start3A_90] : memref<10000x8xf32, #tpu.memory_space<hbm>> -> memref<10000x8xf32, #tpu.memory_space<hbm>>
        tpu.enqueue_indirect_dma source(%dma_start3A_91 : memref<10000x8xf32, #tpu.memory_space<hbm>>) target(%arg16 : memref<128x8xf32, #tpu.memory_space<vmem>>) offsets(%dma_start3A_88 : memref<128xi32, #tpu.memory_space<vmem>>) semaphore(%arg33 : memref<!tpu.dma_semaphore, #tpu.memory_space<semaphore_mem>>)
        %add3A_92 = arith.constant 8 : i32
        %add3A_93 = arith.addi %mul3A_29, %add3A_92 : i32
        %dma_start3A_94 = arith.constant 0 : i32
        %dma_start3A_95 = tpu.memref_slice %arg7[%add3A_93, %dma_start3A_94] : memref<80x128xi32, #tpu.memory_space<vmem>> -> memref<1x128xi32, #tpu.memory_space<vmem>>
        %dma_start3A_96 = tpu.memref_squeeze %dma_start3A_95 : memref<1x128xi32, #tpu.memory_space<vmem>> -> memref<128xi32, #tpu.memory_space<vmem>>
        %dma_start3A_97 = arith.constant 0 : i32
        %dma_start3A_98 = arith.constant 0 : i32
        %dma_start3A_99 = tpu.memref_slice %arg2[%dma_start3A_97, %dma_start3A_98] : memref<10000x8xf32, #tpu.memory_space<hbm>> -> memref<10000x8xf32, #tpu.memory_space<hbm>>
        tpu.enqueue_indirect_dma source(%dma_start3A_99 : memref<10000x8xf32, #tpu.memory_space<hbm>>) target(%arg17 : memref<128x8xf32, #tpu.memory_space<vmem>>) offsets(%dma_start3A_96 : memref<128xi32, #tpu.memory_space<vmem>>) semaphore(%arg34 : memref<!tpu.dma_semaphore, #tpu.memory_space<semaphore_mem>>)
        %add3A_100 = arith.constant 9 : i32
        %add3A_101 = arith.addi %mul3A_29, %add3A_100 : i32
        %dma_start3A_102 = arith.constant 0 : i32
        %dma_start3A_103 = tpu.memref_slice %arg7[%add3A_101, %dma_start3A_102] : memref<80x128xi32, #tpu.memory_space<vmem>> -> memref<1x128xi32, #tpu.memory_space<vmem>>
        %dma_start3A_104 = tpu.memref_squeeze %dma_start3A_103 : memref<1x128xi32, #tpu.memory_space<vmem>> -> memref<128xi32, #tpu.memory_space<vmem>>
        %dma_start3A_105 = arith.constant 0 : i32
        %dma_start3A_106 = arith.constant 0 : i32
        %dma_start3A_107 = tpu.memref_slice %arg2[%dma_start3A_105, %dma_start3A_106] : memref<10000x8xf32, #tpu.memory_space<hbm>> -> memref<10000x8xf32, #tpu.memory_space<hbm>>
        tpu.enqueue_indirect_dma source(%dma_start3A_107 : memref<10000x8xf32, #tpu.memory_space<hbm>>) target(%arg18 : memref<128x8xf32, #tpu.memory_space<vmem>>) offsets(%dma_start3A_104 : memref<128xi32, #tpu.memory_space<vmem>>) semaphore(%arg35 : memref<!tpu.dma_semaphore, #tpu.memory_space<semaphore_mem>>)
        %add3A_108 = arith.constant 10 : i32
        %add3A_109 = arith.addi %mul3A_29, %add3A_108 : i32
        %dma_start3A_110 = arith.constant 0 : i32
        %dma_start3A_111 = tpu.memref_slice %arg7[%add3A_109, %dma_start3A_110] : memref<80x128xi32, #tpu.memory_space<vmem>> -> memref<1x128xi32, #tpu.memory_space<vmem>>
        %dma_start3A_112 = tpu.memref_squeeze %dma_start3A_111 : memref<1x128xi32, #tpu.memory_space<vmem>> -> memref<128xi32, #tpu.memory_space<vmem>>
        %dma_start3A_113 = arith.constant 0 : i32
        %dma_start3A_114 = arith.constant 0 : i32
        %dma_start3A_115 = tpu.memref_slice %arg2[%dma_start3A_113, %dma_start3A_114] : memref<10000x8xf32, #tpu.memory_space<hbm>> -> memref<10000x8xf32, #tpu.memory_space<hbm>>
        tpu.enqueue_indirect_dma source(%dma_start3A_115 : memref<10000x8xf32, #tpu.memory_space<hbm>>) target(%arg19 : memref<128x8xf32, #tpu.memory_space<vmem>>) offsets(%dma_start3A_112 : memref<128xi32, #tpu.memory_space<vmem>>) semaphore(%arg36 : memref<!tpu.dma_semaphore, #tpu.memory_space<semaphore_mem>>)
        %add3A_116 = arith.constant 11 : i32
        %add3A_117 = arith.addi %mul3A_29, %add3A_116 : i32
        %dma_start3A_118 = arith.constant 0 : i32
        %dma_start3A_119 = tpu.memref_slice %arg7[%add3A_117, %dma_start3A_118] : memref<80x128xi32, #tpu.memory_space<vmem>> -> memref<1x128xi32, #tpu.memory_space<vmem>>
        %dma_start3A_120 = tpu.memref_squeeze %dma_start3A_119 : memref<1x128xi32, #tpu.memory_space<vmem>> -> memref<128xi32, #tpu.memory_space<vmem>>
        %dma_start3A_121 = arith.constant 0 : i32
        %dma_start3A_122 = arith.constant 0 : i32
        %dma_start3A_123 = tpu.memref_slice %arg2[%dma_start3A_121, %dma_start3A_122] : memref<10000x8xf32, #tpu.memory_space<hbm>> -> memref<10000x8xf32, #tpu.memory_space<hbm>>
        tpu.enqueue_indirect_dma source(%dma_start3A_123 : memref<10000x8xf32, #tpu.memory_space<hbm>>) target(%arg20 : memref<128x8xf32, #tpu.memory_space<vmem>>) offsets(%dma_start3A_120 : memref<128xi32, #tpu.memory_space<vmem>>) semaphore(%arg37 : memref<!tpu.dma_semaphore, #tpu.memory_space<semaphore_mem>>)
        %add3A_124 = arith.constant 12 : i32
        %add3A_125 = arith.addi %mul3A_29, %add3A_124 : i32
        %dma_start3A_126 = arith.constant 0 : i32
        %dma_start3A_127 = tpu.memref_slice %arg7[%add3A_125, %dma_start3A_126] : memref<80x128xi32, #tpu.memory_space<vmem>> -> memref<1x128xi32, #tpu.memory_space<vmem>>
        %dma_start3A_128 = tpu.memref_squeeze %dma_start3A_127 : memref<1x128xi32, #tpu.memory_space<vmem>> -> memref<128xi32, #tpu.memory_space<vmem>>
        %dma_start3A_129 = arith.constant 0 : i32
        %dma_start3A_130 = arith.constant 0 : i32
        %dma_start3A_131 = tpu.memref_slice %arg2[%dma_start3A_129, %dma_start3A_130] : memref<10000x8xf32, #tpu.memory_space<hbm>> -> memref<10000x8xf32, #tpu.memory_space<hbm>>
        tpu.enqueue_indirect_dma source(%dma_start3A_131 : memref<10000x8xf32, #tpu.memory_space<hbm>>) target(%arg21 : memref<128x8xf32, #tpu.memory_space<vmem>>) offsets(%dma_start3A_128 : memref<128xi32, #tpu.memory_space<vmem>>) semaphore(%arg38 : memref<!tpu.dma_semaphore, #tpu.memory_space<semaphore_mem>>)
        %add3A_132 = arith.constant 13 : i32
        %add3A_133 = arith.addi %mul3A_29, %add3A_132 : i32
        %dma_start3A_134 = arith.constant 0 : i32
        %dma_start3A_135 = tpu.memref_slice %arg7[%add3A_133, %dma_start3A_134] : memref<80x128xi32, #tpu.memory_space<vmem>> -> memref<1x128xi32, #tpu.memory_space<vmem>>
        %dma_start3A_136 = tpu.memref_squeeze %dma_start3A_135 : memref<1x128xi32, #tpu.memory_space<vmem>> -> memref<128xi32, #tpu.memory_space<vmem>>
        %dma_start3A_137 = arith.constant 0 : i32
        %dma_start3A_138 = arith.constant 0 : i32
        %dma_start3A_139 = tpu.memref_slice %arg2[%dma_start3A_137, %dma_start3A_138] : memref<10000x8xf32, #tpu.memory_space<hbm>> -> memref<10000x8xf32, #tpu.memory_space<hbm>>
        tpu.enqueue_indirect_dma source(%dma_start3A_139 : memref<10000x8xf32, #tpu.memory_space<hbm>>) target(%arg22 : memref<128x8xf32, #tpu.memory_space<vmem>>) offsets(%dma_start3A_136 : memref<128xi32, #tpu.memory_space<vmem>>) semaphore(%arg39 : memref<!tpu.dma_semaphore, #tpu.memory_space<semaphore_mem>>)
        %add3A_140 = arith.constant 14 : i32
        %add3A_141 = arith.addi %mul3A_29, %add3A_140 : i32
        %dma_start3A_142 = arith.constant 0 : i32
        %dma_start3A_143 = tpu.memref_slice %arg7[%add3A_141, %dma_start3A_142] : memref<80x128xi32, #tpu.memory_space<vmem>> -> memref<1x128xi32, #tpu.memory_space<vmem>>
        %dma_start3A_144 = tpu.memref_squeeze %dma_start3A_143 : memref<1x128xi32, #tpu.memory_space<vmem>> -> memref<128xi32, #tpu.memory_space<vmem>>
        %dma_start3A_145 = arith.constant 0 : i32
        %dma_start3A_146 = arith.constant 0 : i32
        %dma_start3A_147 = tpu.memref_slice %arg2[%dma_start3A_145, %dma_start3A_146] : memref<10000x8xf32, #tpu.memory_space<hbm>> -> memref<10000x8xf32, #tpu.memory_space<hbm>>
        tpu.enqueue_indirect_dma source(%dma_start3A_147 : memref<10000x8xf32, #tpu.memory_space<hbm>>) target(%arg23 : memref<128x8xf32, #tpu.memory_space<vmem>>) offsets(%dma_start3A_144 : memref<128xi32, #tpu.memory_space<vmem>>) semaphore(%arg40 : memref<!tpu.dma_semaphore, #tpu.memory_space<semaphore_mem>>)
        %add3A_148 = arith.constant 15 : i32
        %add3A_149 = arith.addi %mul3A_29, %add3A_148 : i32
        %dma_start3A_150 = arith.constant 0 : i32
        %dma_start3A_151 = tpu.memref_slice %arg7[%add3A_149, %dma_start3A_150] : memref<80x128xi32, #tpu.memory_space<vmem>> -> memref<1x128xi32, #tpu.memory_space<vmem>>
        %dma_start3A_152 = tpu.memref_squeeze %dma_start3A_151 : memref<1x128xi32, #tpu.memory_space<vmem>> -> memref<128xi32, #tpu.memory_space<vmem>>
        %dma_start3A_153 = arith.constant 0 : i32
        %dma_start3A_154 = arith.constant 0 : i32
        %dma_start3A_155 = tpu.memref_slice %arg2[%dma_start3A_153, %dma_start3A_154] : memref<10000x8xf32, #tpu.memory_space<hbm>> -> memref<10000x8xf32, #tpu.memory_space<hbm>>
        tpu.enqueue_indirect_dma source(%dma_start3A_155 : memref<10000x8xf32, #tpu.memory_space<hbm>>) target(%arg24 : memref<128x8xf32, #tpu.memory_space<vmem>>) offsets(%dma_start3A_152 : memref<128xi32, #tpu.memory_space<vmem>>) semaphore(%arg41 : memref<!tpu.dma_semaphore, #tpu.memory_space<semaphore_mem>>)
        %dma_wait3A = arith.constant 0 : i32
        %dma_wait3A_156 = tpu.memref_slice %arg7[%add3A_30, %dma_wait3A] : memref<80x128xi32, #tpu.memory_space<vmem>> -> memref<1x128xi32, #tpu.memory_space<vmem>>
        %dma_wait3A_157 = tpu.memref_squeeze %dma_wait3A_156 : memref<1x128xi32, #tpu.memory_space<vmem>> -> memref<128xi32, #tpu.memory_space<vmem>>
        %dma_wait3A_158 = arith.constant 0 : i32
        %dma_wait3A_159 = arith.constant 0 : i32
        %dma_wait3A_160 = tpu.memref_slice %arg2[%dma_wait3A_158, %dma_wait3A_159] : memref<10000x8xf32, #tpu.memory_space<hbm>> -> memref<10000x8xf32, #tpu.memory_space<hbm>>
        tpu.wait_indirect_dma semaphore(%arg26 : memref<!tpu.dma_semaphore, #tpu.memory_space<semaphore_mem>>) src(%dma_wait3A_160 : memref<10000x8xf32, #tpu.memory_space<hbm>>) dst(%arg9 : memref<128x8xf32, #tpu.memory_space<vmem>>)
        %add3A_161 = arith.constant 0 : i32
        %add3A_162 = arith.addi %mul3A_29, %add3A_161 : i32
        "tpu.region"() ({
          %run_scoped3A = tpu.sem_alloc : memref<!tpu.dma_semaphore, #tpu.memory_space<semaphore_mem>>
          %dma_start3A_283 = arith.constant 0 : i32
          %dma_start3A_284 = tpu.memref_slice %arg8[%add3A_162, %dma_start3A_283] : memref<80x128xi32, #tpu.memory_space<vmem>> -> memref<1x128xi32, #tpu.memory_space<vmem>>
          %dma_start3A_285 = tpu.memref_squeeze %dma_start3A_284 : memref<1x128xi32, #tpu.memory_space<vmem>> -> memref<128xi32, #tpu.memory_space<vmem>>
          %dma_start3A_286 = arith.constant 0 : i32
          %dma_start3A_287 = arith.constant 0 : i32
          %dma_start3A_288 = tpu.memref_slice %arg25[%dma_start3A_286, %dma_start3A_287] : memref<10240x8xf32, #tpu.memory_space<vmem_shared>> -> memref<10240x8xf32, #tpu.memory_space<vmem_shared>>
          tpu.enqueue_indirect_dma source(%arg9 : memref<128x8xf32, #tpu.memory_space<vmem>>) target(%dma_start3A_288 : memref<10240x8xf32, #tpu.memory_space<vmem_shared>>) offsets(%dma_start3A_285 : memref<128xi32, #tpu.memory_space<vmem>>) semaphore(%run_scoped3A : memref<!tpu.dma_semaphore, #tpu.memory_space<semaphore_mem>>) {add = true}
          %dma_wait3A_289 = arith.constant 0 : i32
          %dma_wait3A_290 = tpu.memref_slice %arg8[%add3A_162, %dma_wait3A_289] : memref<80x128xi32, #tpu.memory_space<vmem>> -> memref<1x128xi32, #tpu.memory_space<vmem>>
          %dma_wait3A_291 = tpu.memref_squeeze %dma_wait3A_290 : memref<1x128xi32, #tpu.memory_space<vmem>> -> memref<128xi32, #tpu.memory_space<vmem>>
          %dma_wait3A_292 = arith.constant 0 : i32
          %dma_wait3A_293 = arith.constant 0 : i32
          %dma_wait3A_294 = tpu.memref_slice %arg25[%dma_wait3A_292, %dma_wait3A_293] : memref<10240x8xf32, #tpu.memory_space<vmem_shared>> -> memref<10240x8xf32, #tpu.memory_space<vmem_shared>>
          tpu.wait_indirect_dma semaphore(%run_scoped3A : memref<!tpu.dma_semaphore, #tpu.memory_space<semaphore_mem>>) src(%arg9 : memref<128x8xf32, #tpu.memory_space<vmem>>) dst(%dma_wait3A_294 : memref<10240x8xf32, #tpu.memory_space<vmem_shared>>)
          tpu.yield
        }) : () -> ()
        %dma_wait3A_163 = arith.constant 0 : i32
        %dma_wait3A_164 = tpu.memref_slice %arg7[%add3A_37, %dma_wait3A_163] : memref<80x128xi32, #tpu.memory_space<vmem>> -> memref<1x128xi32, #tpu.memory_space<vmem>>
        %dma_wait3A_165 = tpu.memref_squeeze %dma_wait3A_164 : memref<1x128xi32, #tpu.memory_space<vmem>> -> memref<128xi32, #tpu.memory_space<vmem>>
        %dma_wait3A_166 = arith.constant 0 : i32
        %dma_wait3A_167 = arith.constant 0 : i32
        %dma_wait3A_168 = tpu.memref_slice %arg2[%dma_wait3A_166, %dma_wait3A_167] : memref<10000x8xf32, #tpu.memory_space<hbm>> -> memref<10000x8xf32, #tpu.memory_space<hbm>>
        tpu.wait_indirect_dma semaphore(%arg27 : memref<!tpu.dma_semaphore, #tpu.memory_space<semaphore_mem>>) src(%dma_wait3A_168 : memref<10000x8xf32, #tpu.memory_space<hbm>>) dst(%arg10 : memref<128x8xf32, #tpu.memory_space<vmem>>)
        %add3A_169 = arith.constant 1 : i32
        %add3A_170 = arith.addi %mul3A_29, %add3A_169 : i32
        "tpu.region"() ({
          %run_scoped3A = tpu.sem_alloc : memref<!tpu.dma_semaphore, #tpu.memory_space<semaphore_mem>>
          %dma_start3A_283 = arith.constant 0 : i32
          %dma_start3A_284 = tpu.memref_slice %arg8[%add3A_170, %dma_start3A_283] : memref<80x128xi32, #tpu.memory_space<vmem>> -> memref<1x128xi32, #tpu.memory_space<vmem>>
          %dma_start3A_285 = tpu.memref_squeeze %dma_start3A_284 : memref<1x128xi32, #tpu.memory_space<vmem>> -> memref<128xi32, #tpu.memory_space<vmem>>
          %dma_start3A_286 = arith.constant 0 : i32
          %dma_start3A_287 = arith.constant 0 : i32
          %dma_start3A_288 = tpu.memref_slice %arg25[%dma_start3A_286, %dma_start3A_287] : memref<10240x8xf32, #tpu.memory_space<vmem_shared>> -> memref<10240x8xf32, #tpu.memory_space<vmem_shared>>
          tpu.enqueue_indirect_dma source(%arg10 : memref<128x8xf32, #tpu.memory_space<vmem>>) target(%dma_start3A_288 : memref<10240x8xf32, #tpu.memory_space<vmem_shared>>) offsets(%dma_start3A_285 : memref<128xi32, #tpu.memory_space<vmem>>) semaphore(%run_scoped3A : memref<!tpu.dma_semaphore, #tpu.memory_space<semaphore_mem>>) {add = true}
          %dma_wait3A_289 = arith.constant 0 : i32
          %dma_wait3A_290 = tpu.memref_slice %arg8[%add3A_170, %dma_wait3A_289] : memref<80x128xi32, #tpu.memory_space<vmem>> -> memref<1x128xi32, #tpu.memory_space<vmem>>
          %dma_wait3A_291 = tpu.memref_squeeze %dma_wait3A_290 : memref<1x128xi32, #tpu.memory_space<vmem>> -> memref<128xi32, #tpu.memory_space<vmem>>
          %dma_wait3A_292 = arith.constant 0 : i32
          %dma_wait3A_293 = arith.constant 0 : i32
          %dma_wait3A_294 = tpu.memref_slice %arg25[%dma_wait3A_292, %dma_wait3A_293] : memref<10240x8xf32, #tpu.memory_space<vmem_shared>> -> memref<10240x8xf32, #tpu.memory_space<vmem_shared>>
          tpu.wait_indirect_dma semaphore(%run_scoped3A : memref<!tpu.dma_semaphore, #tpu.memory_space<semaphore_mem>>) src(%arg10 : memref<128x8xf32, #tpu.memory_space<vmem>>) dst(%dma_wait3A_294 : memref<10240x8xf32, #tpu.memory_space<vmem_shared>>)
          tpu.yield
        }) : () -> ()
        %dma_wait3A_171 = arith.constant 0 : i32
        %dma_wait3A_172 = tpu.memref_slice %arg7[%add3A_45, %dma_wait3A_171] : memref<80x128xi32, #tpu.memory_space<vmem>> -> memref<1x128xi32, #tpu.memory_space<vmem>>
        %dma_wait3A_173 = tpu.memref_squeeze %dma_wait3A_172 : memref<1x128xi32, #tpu.memory_space<vmem>> -> memref<128xi32, #tpu.memory_space<vmem>>
        %dma_wait3A_174 = arith.constant 0 : i32
        %dma_wait3A_175 = arith.constant 0 : i32
        %dma_wait3A_176 = tpu.memref_slice %arg2[%dma_wait3A_174, %dma_wait3A_175] : memref<10000x8xf32, #tpu.memory_space<hbm>> -> memref<10000x8xf32, #tpu.memory_space<hbm>>
        tpu.wait_indirect_dma semaphore(%arg28 : memref<!tpu.dma_semaphore, #tpu.memory_space<semaphore_mem>>) src(%dma_wait3A_176 : memref<10000x8xf32, #tpu.memory_space<hbm>>) dst(%arg11 : memref<128x8xf32, #tpu.memory_space<vmem>>)
        %add3A_177 = arith.constant 2 : i32
        %add3A_178 = arith.addi %mul3A_29, %add3A_177 : i32
        "tpu.region"() ({
          %run_scoped3A = tpu.sem_alloc : memref<!tpu.dma_semaphore, #tpu.memory_space<semaphore_mem>>
          %dma_start3A_283 = arith.constant 0 : i32
          %dma_start3A_284 = tpu.memref_slice %arg8[%add3A_178, %dma_start3A_283] : memref<80x128xi32, #tpu.memory_space<vmem>> -> memref<1x128xi32, #tpu.memory_space<vmem>>
          %dma_start3A_285 = tpu.memref_squeeze %dma_start3A_284 : memref<1x128xi32, #tpu.memory_space<vmem>> -> memref<128xi32, #tpu.memory_space<vmem>>
          %dma_start3A_286 = arith.constant 0 : i32
          %dma_start3A_287 = arith.constant 0 : i32
          %dma_start3A_288 = tpu.memref_slice %arg25[%dma_start3A_286, %dma_start3A_287] : memref<10240x8xf32, #tpu.memory_space<vmem_shared>> -> memref<10240x8xf32, #tpu.memory_space<vmem_shared>>
          tpu.enqueue_indirect_dma source(%arg11 : memref<128x8xf32, #tpu.memory_space<vmem>>) target(%dma_start3A_288 : memref<10240x8xf32, #tpu.memory_space<vmem_shared>>) offsets(%dma_start3A_285 : memref<128xi32, #tpu.memory_space<vmem>>) semaphore(%run_scoped3A : memref<!tpu.dma_semaphore, #tpu.memory_space<semaphore_mem>>) {add = true}
          %dma_wait3A_289 = arith.constant 0 : i32
          %dma_wait3A_290 = tpu.memref_slice %arg8[%add3A_178, %dma_wait3A_289] : memref<80x128xi32, #tpu.memory_space<vmem>> -> memref<1x128xi32, #tpu.memory_space<vmem>>
          %dma_wait3A_291 = tpu.memref_squeeze %dma_wait3A_290 : memref<1x128xi32, #tpu.memory_space<vmem>> -> memref<128xi32, #tpu.memory_space<vmem>>
          %dma_wait3A_292 = arith.constant 0 : i32
          %dma_wait3A_293 = arith.constant 0 : i32
          %dma_wait3A_294 = tpu.memref_slice %arg25[%dma_wait3A_292, %dma_wait3A_293] : memref<10240x8xf32, #tpu.memory_space<vmem_shared>> -> memref<10240x8xf32, #tpu.memory_space<vmem_shared>>
          tpu.wait_indirect_dma semaphore(%run_scoped3A : memref<!tpu.dma_semaphore, #tpu.memory_space<semaphore_mem>>) src(%arg11 : memref<128x8xf32, #tpu.memory_space<vmem>>) dst(%dma_wait3A_294 : memref<10240x8xf32, #tpu.memory_space<vmem_shared>>)
          tpu.yield
        }) : () -> ()
        %dma_wait3A_179 = arith.constant 0 : i32
        %dma_wait3A_180 = tpu.memref_slice %arg7[%add3A_53, %dma_wait3A_179] : memref<80x128xi32, #tpu.memory_space<vmem>> -> memref<1x128xi32, #tpu.memory_space<vmem>>
        %dma_wait3A_181 = tpu.memref_squeeze %dma_wait3A_180 : memref<1x128xi32, #tpu.memory_space<vmem>> -> memref<128xi32, #tpu.memory_space<vmem>>
        %dma_wait3A_182 = arith.constant 0 : i32
        %dma_wait3A_183 = arith.constant 0 : i32
        %dma_wait3A_184 = tpu.memref_slice %arg2[%dma_wait3A_182, %dma_wait3A_183] : memref<10000x8xf32, #tpu.memory_space<hbm>> -> memref<10000x8xf32, #tpu.memory_space<hbm>>
        tpu.wait_indirect_dma semaphore(%arg29 : memref<!tpu.dma_semaphore, #tpu.memory_space<semaphore_mem>>) src(%dma_wait3A_184 : memref<10000x8xf32, #tpu.memory_space<hbm>>) dst(%arg12 : memref<128x8xf32, #tpu.memory_space<vmem>>)
        %add3A_185 = arith.constant 3 : i32
        %add3A_186 = arith.addi %mul3A_29, %add3A_185 : i32
        "tpu.region"() ({
          %run_scoped3A = tpu.sem_alloc : memref<!tpu.dma_semaphore, #tpu.memory_space<semaphore_mem>>
          %dma_start3A_283 = arith.constant 0 : i32
          %dma_start3A_284 = tpu.memref_slice %arg8[%add3A_186, %dma_start3A_283] : memref<80x128xi32, #tpu.memory_space<vmem>> -> memref<1x128xi32, #tpu.memory_space<vmem>>
          %dma_start3A_285 = tpu.memref_squeeze %dma_start3A_284 : memref<1x128xi32, #tpu.memory_space<vmem>> -> memref<128xi32, #tpu.memory_space<vmem>>
          %dma_start3A_286 = arith.constant 0 : i32
          %dma_start3A_287 = arith.constant 0 : i32
          %dma_start3A_288 = tpu.memref_slice %arg25[%dma_start3A_286, %dma_start3A_287] : memref<10240x8xf32, #tpu.memory_space<vmem_shared>> -> memref<10240x8xf32, #tpu.memory_space<vmem_shared>>
          tpu.enqueue_indirect_dma source(%arg12 : memref<128x8xf32, #tpu.memory_space<vmem>>) target(%dma_start3A_288 : memref<10240x8xf32, #tpu.memory_space<vmem_shared>>) offsets(%dma_start3A_285 : memref<128xi32, #tpu.memory_space<vmem>>) semaphore(%run_scoped3A : memref<!tpu.dma_semaphore, #tpu.memory_space<semaphore_mem>>) {add = true}
          %dma_wait3A_289 = arith.constant 0 : i32
          %dma_wait3A_290 = tpu.memref_slice %arg8[%add3A_186, %dma_wait3A_289] : memref<80x128xi32, #tpu.memory_space<vmem>> -> memref<1x128xi32, #tpu.memory_space<vmem>>
          %dma_wait3A_291 = tpu.memref_squeeze %dma_wait3A_290 : memref<1x128xi32, #tpu.memory_space<vmem>> -> memref<128xi32, #tpu.memory_space<vmem>>
          %dma_wait3A_292 = arith.constant 0 : i32
          %dma_wait3A_293 = arith.constant 0 : i32
          %dma_wait3A_294 = tpu.memref_slice %arg25[%dma_wait3A_292, %dma_wait3A_293] : memref<10240x8xf32, #tpu.memory_space<vmem_shared>> -> memref<10240x8xf32, #tpu.memory_space<vmem_shared>>
          tpu.wait_indirect_dma semaphore(%run_scoped3A : memref<!tpu.dma_semaphore, #tpu.memory_space<semaphore_mem>>) src(%arg12 : memref<128x8xf32, #tpu.memory_space<vmem>>) dst(%dma_wait3A_294 : memref<10240x8xf32, #tpu.memory_space<vmem_shared>>)
          tpu.yield
        }) : () -> ()
        %dma_wait3A_187 = arith.constant 0 : i32
        %dma_wait3A_188 = tpu.memref_slice %arg7[%add3A_61, %dma_wait3A_187] : memref<80x128xi32, #tpu.memory_space<vmem>> -> memref<1x128xi32, #tpu.memory_space<vmem>>
        %dma_wait3A_189 = tpu.memref_squeeze %dma_wait3A_188 : memref<1x128xi32, #tpu.memory_space<vmem>> -> memref<128xi32, #tpu.memory_space<vmem>>
        %dma_wait3A_190 = arith.constant 0 : i32
        %dma_wait3A_191 = arith.constant 0 : i32
        %dma_wait3A_192 = tpu.memref_slice %arg2[%dma_wait3A_190, %dma_wait3A_191] : memref<10000x8xf32, #tpu.memory_space<hbm>> -> memref<10000x8xf32, #tpu.memory_space<hbm>>
        tpu.wait_indirect_dma semaphore(%arg30 : memref<!tpu.dma_semaphore, #tpu.memory_space<semaphore_mem>>) src(%dma_wait3A_192 : memref<10000x8xf32, #tpu.memory_space<hbm>>) dst(%arg13 : memref<128x8xf32, #tpu.memory_space<vmem>>)
        %add3A_193 = arith.constant 4 : i32
        %add3A_194 = arith.addi %mul3A_29, %add3A_193 : i32
        "tpu.region"() ({
          %run_scoped3A = tpu.sem_alloc : memref<!tpu.dma_semaphore, #tpu.memory_space<semaphore_mem>>
          %dma_start3A_283 = arith.constant 0 : i32
          %dma_start3A_284 = tpu.memref_slice %arg8[%add3A_194, %dma_start3A_283] : memref<80x128xi32, #tpu.memory_space<vmem>> -> memref<1x128xi32, #tpu.memory_space<vmem>>
          %dma_start3A_285 = tpu.memref_squeeze %dma_start3A_284 : memref<1x128xi32, #tpu.memory_space<vmem>> -> memref<128xi32, #tpu.memory_space<vmem>>
          %dma_start3A_286 = arith.constant 0 : i32
          %dma_start3A_287 = arith.constant 0 : i32
          %dma_start3A_288 = tpu.memref_slice %arg25[%dma_start3A_286, %dma_start3A_287] : memref<10240x8xf32, #tpu.memory_space<vmem_shared>> -> memref<10240x8xf32, #tpu.memory_space<vmem_shared>>
          tpu.enqueue_indirect_dma source(%arg13 : memref<128x8xf32, #tpu.memory_space<vmem>>) target(%dma_start3A_288 : memref<10240x8xf32, #tpu.memory_space<vmem_shared>>) offsets(%dma_start3A_285 : memref<128xi32, #tpu.memory_space<vmem>>) semaphore(%run_scoped3A : memref<!tpu.dma_semaphore, #tpu.memory_space<semaphore_mem>>) {add = true}
          %dma_wait3A_289 = arith.constant 0 : i32
          %dma_wait3A_290 = tpu.memref_slice %arg8[%add3A_194, %dma_wait3A_289] : memref<80x128xi32, #tpu.memory_space<vmem>> -> memref<1x128xi32, #tpu.memory_space<vmem>>
          %dma_wait3A_291 = tpu.memref_squeeze %dma_wait3A_290 : memref<1x128xi32, #tpu.memory_space<vmem>> -> memref<128xi32, #tpu.memory_space<vmem>>
          %dma_wait3A_292 = arith.constant 0 : i32
          %dma_wait3A_293 = arith.constant 0 : i32
          %dma_wait3A_294 = tpu.memref_slice %arg25[%dma_wait3A_292, %dma_wait3A_293] : memref<10240x8xf32, #tpu.memory_space<vmem_shared>> -> memref<10240x8xf32, #tpu.memory_space<vmem_shared>>
          tpu.wait_indirect_dma semaphore(%run_scoped3A : memref<!tpu.dma_semaphore, #tpu.memory_space<semaphore_mem>>) src(%arg13 : memref<128x8xf32, #tpu.memory_space<vmem>>) dst(%dma_wait3A_294 : memref<10240x8xf32, #tpu.memory_space<vmem_shared>>)
          tpu.yield
        }) : () -> ()
        %dma_wait3A_195 = arith.constant 0 : i32
        %dma_wait3A_196 = tpu.memref_slice %arg7[%add3A_69, %dma_wait3A_195] : memref<80x128xi32, #tpu.memory_space<vmem>> -> memref<1x128xi32, #tpu.memory_space<vmem>>
        %dma_wait3A_197 = tpu.memref_squeeze %dma_wait3A_196 : memref<1x128xi32, #tpu.memory_space<vmem>> -> memref<128xi32, #tpu.memory_space<vmem>>
        %dma_wait3A_198 = arith.constant 0 : i32
        %dma_wait3A_199 = arith.constant 0 : i32
        %dma_wait3A_200 = tpu.memref_slice %arg2[%dma_wait3A_198, %dma_wait3A_199] : memref<10000x8xf32, #tpu.memory_space<hbm>> -> memref<10000x8xf32, #tpu.memory_space<hbm>>
        tpu.wait_indirect_dma semaphore(%arg31 : memref<!tpu.dma_semaphore, #tpu.memory_space<semaphore_mem>>) src(%dma_wait3A_200 : memref<10000x8xf32, #tpu.memory_space<hbm>>) dst(%arg14 : memref<128x8xf32, #tpu.memory_space<vmem>>)
        %add3A_201 = arith.constant 5 : i32
        %add3A_202 = arith.addi %mul3A_29, %add3A_201 : i32
        "tpu.region"() ({
          %run_scoped3A = tpu.sem_alloc : memref<!tpu.dma_semaphore, #tpu.memory_space<semaphore_mem>>
          %dma_start3A_283 = arith.constant 0 : i32
          %dma_start3A_284 = tpu.memref_slice %arg8[%add3A_202, %dma_start3A_283] : memref<80x128xi32, #tpu.memory_space<vmem>> -> memref<1x128xi32, #tpu.memory_space<vmem>>
          %dma_start3A_285 = tpu.memref_squeeze %dma_start3A_284 : memref<1x128xi32, #tpu.memory_space<vmem>> -> memref<128xi32, #tpu.memory_space<vmem>>
          %dma_start3A_286 = arith.constant 0 : i32
          %dma_start3A_287 = arith.constant 0 : i32
          %dma_start3A_288 = tpu.memref_slice %arg25[%dma_start3A_286, %dma_start3A_287] : memref<10240x8xf32, #tpu.memory_space<vmem_shared>> -> memref<10240x8xf32, #tpu.memory_space<vmem_shared>>
          tpu.enqueue_indirect_dma source(%arg14 : memref<128x8xf32, #tpu.memory_space<vmem>>) target(%dma_start3A_288 : memref<10240x8xf32, #tpu.memory_space<vmem_shared>>) offsets(%dma_start3A_285 : memref<128xi32, #tpu.memory_space<vmem>>) semaphore(%run_scoped3A : memref<!tpu.dma_semaphore, #tpu.memory_space<semaphore_mem>>) {add = true}
          %dma_wait3A_289 = arith.constant 0 : i32
          %dma_wait3A_290 = tpu.memref_slice %arg8[%add3A_202, %dma_wait3A_289] : memref<80x128xi32, #tpu.memory_space<vmem>> -> memref<1x128xi32, #tpu.memory_space<vmem>>
          %dma_wait3A_291 = tpu.memref_squeeze %dma_wait3A_290 : memref<1x128xi32, #tpu.memory_space<vmem>> -> memref<128xi32, #tpu.memory_space<vmem>>
          %dma_wait3A_292 = arith.constant 0 : i32
          %dma_wait3A_293 = arith.constant 0 : i32
          %dma_wait3A_294 = tpu.memref_slice %arg25[%dma_wait3A_292, %dma_wait3A_293] : memref<10240x8xf32, #tpu.memory_space<vmem_shared>> -> memref<10240x8xf32, #tpu.memory_space<vmem_shared>>
          tpu.wait_indirect_dma semaphore(%run_scoped3A : memref<!tpu.dma_semaphore, #tpu.memory_space<semaphore_mem>>) src(%arg14 : memref<128x8xf32, #tpu.memory_space<vmem>>) dst(%dma_wait3A_294 : memref<10240x8xf32, #tpu.memory_space<vmem_shared>>)
          tpu.yield
        }) : () -> ()
        %dma_wait3A_203 = arith.constant 0 : i32
        %dma_wait3A_204 = tpu.memref_slice %arg7[%add3A_77, %dma_wait3A_203] : memref<80x128xi32, #tpu.memory_space<vmem>> -> memref<1x128xi32, #tpu.memory_space<vmem>>
        %dma_wait3A_205 = tpu.memref_squeeze %dma_wait3A_204 : memref<1x128xi32, #tpu.memory_space<vmem>> -> memref<128xi32, #tpu.memory_space<vmem>>
        %dma_wait3A_206 = arith.constant 0 : i32
        %dma_wait3A_207 = arith.constant 0 : i32
        %dma_wait3A_208 = tpu.memref_slice %arg2[%dma_wait3A_206, %dma_wait3A_207] : memref<10000x8xf32, #tpu.memory_space<hbm>> -> memref<10000x8xf32, #tpu.memory_space<hbm>>
        tpu.wait_indirect_dma semaphore(%arg32 : memref<!tpu.dma_semaphore, #tpu.memory_space<semaphore_mem>>) src(%dma_wait3A_208 : memref<10000x8xf32, #tpu.memory_space<hbm>>) dst(%arg15 : memref<128x8xf32, #tpu.memory_space<vmem>>)
        %add3A_209 = arith.constant 6 : i32
        %add3A_210 = arith.addi %mul3A_29, %add3A_209 : i32
        "tpu.region"() ({
          %run_scoped3A = tpu.sem_alloc : memref<!tpu.dma_semaphore, #tpu.memory_space<semaphore_mem>>
          %dma_start3A_283 = arith.constant 0 : i32
          %dma_start3A_284 = tpu.memref_slice %arg8[%add3A_210, %dma_start3A_283] : memref<80x128xi32, #tpu.memory_space<vmem>> -> memref<1x128xi32, #tpu.memory_space<vmem>>
          %dma_start3A_285 = tpu.memref_squeeze %dma_start3A_284 : memref<1x128xi32, #tpu.memory_space<vmem>> -> memref<128xi32, #tpu.memory_space<vmem>>
          %dma_start3A_286 = arith.constant 0 : i32
          %dma_start3A_287 = arith.constant 0 : i32
          %dma_start3A_288 = tpu.memref_slice %arg25[%dma_start3A_286, %dma_start3A_287] : memref<10240x8xf32, #tpu.memory_space<vmem_shared>> -> memref<10240x8xf32, #tpu.memory_space<vmem_shared>>
          tpu.enqueue_indirect_dma source(%arg15 : memref<128x8xf32, #tpu.memory_space<vmem>>) target(%dma_start3A_288 : memref<10240x8xf32, #tpu.memory_space<vmem_shared>>) offsets(%dma_start3A_285 : memref<128xi32, #tpu.memory_space<vmem>>) semaphore(%run_scoped3A : memref<!tpu.dma_semaphore, #tpu.memory_space<semaphore_mem>>) {add = true}
          %dma_wait3A_289 = arith.constant 0 : i32
          %dma_wait3A_290 = tpu.memref_slice %arg8[%add3A_210, %dma_wait3A_289] : memref<80x128xi32, #tpu.memory_space<vmem>> -> memref<1x128xi32, #tpu.memory_space<vmem>>
          %dma_wait3A_291 = tpu.memref_squeeze %dma_wait3A_290 : memref<1x128xi32, #tpu.memory_space<vmem>> -> memref<128xi32, #tpu.memory_space<vmem>>
          %dma_wait3A_292 = arith.constant 0 : i32
          %dma_wait3A_293 = arith.constant 0 : i32
          %dma_wait3A_294 = tpu.memref_slice %arg25[%dma_wait3A_292, %dma_wait3A_293] : memref<10240x8xf32, #tpu.memory_space<vmem_shared>> -> memref<10240x8xf32, #tpu.memory_space<vmem_shared>>
          tpu.wait_indirect_dma semaphore(%run_scoped3A : memref<!tpu.dma_semaphore, #tpu.memory_space<semaphore_mem>>) src(%arg15 : memref<128x8xf32, #tpu.memory_space<vmem>>) dst(%dma_wait3A_294 : memref<10240x8xf32, #tpu.memory_space<vmem_shared>>)
          tpu.yield
        }) : () -> ()
        %dma_wait3A_211 = arith.constant 0 : i32
        %dma_wait3A_212 = tpu.memref_slice %arg7[%add3A_85, %dma_wait3A_211] : memref<80x128xi32, #tpu.memory_space<vmem>> -> memref<1x128xi32, #tpu.memory_space<vmem>>
        %dma_wait3A_213 = tpu.memref_squeeze %dma_wait3A_212 : memref<1x128xi32, #tpu.memory_space<vmem>> -> memref<128xi32, #tpu.memory_space<vmem>>
        %dma_wait3A_214 = arith.constant 0 : i32
        %dma_wait3A_215 = arith.constant 0 : i32
        %dma_wait3A_216 = tpu.memref_slice %arg2[%dma_wait3A_214, %dma_wait3A_215] : memref<10000x8xf32, #tpu.memory_space<hbm>> -> memref<10000x8xf32, #tpu.memory_space<hbm>>
        tpu.wait_indirect_dma semaphore(%arg33 : memref<!tpu.dma_semaphore, #tpu.memory_space<semaphore_mem>>) src(%dma_wait3A_216 : memref<10000x8xf32, #tpu.memory_space<hbm>>) dst(%arg16 : memref<128x8xf32, #tpu.memory_space<vmem>>)
        %add3A_217 = arith.constant 7 : i32
        %add3A_218 = arith.addi %mul3A_29, %add3A_217 : i32
        "tpu.region"() ({
          %run_scoped3A = tpu.sem_alloc : memref<!tpu.dma_semaphore, #tpu.memory_space<semaphore_mem>>
          %dma_start3A_283 = arith.constant 0 : i32
          %dma_start3A_284 = tpu.memref_slice %arg8[%add3A_218, %dma_start3A_283] : memref<80x128xi32, #tpu.memory_space<vmem>> -> memref<1x128xi32, #tpu.memory_space<vmem>>
          %dma_start3A_285 = tpu.memref_squeeze %dma_start3A_284 : memref<1x128xi32, #tpu.memory_space<vmem>> -> memref<128xi32, #tpu.memory_space<vmem>>
          %dma_start3A_286 = arith.constant 0 : i32
          %dma_start3A_287 = arith.constant 0 : i32
          %dma_start3A_288 = tpu.memref_slice %arg25[%dma_start3A_286, %dma_start3A_287] : memref<10240x8xf32, #tpu.memory_space<vmem_shared>> -> memref<10240x8xf32, #tpu.memory_space<vmem_shared>>
          tpu.enqueue_indirect_dma source(%arg16 : memref<128x8xf32, #tpu.memory_space<vmem>>) target(%dma_start3A_288 : memref<10240x8xf32, #tpu.memory_space<vmem_shared>>) offsets(%dma_start3A_285 : memref<128xi32, #tpu.memory_space<vmem>>) semaphore(%run_scoped3A : memref<!tpu.dma_semaphore, #tpu.memory_space<semaphore_mem>>) {add = true}
          %dma_wait3A_289 = arith.constant 0 : i32
          %dma_wait3A_290 = tpu.memref_slice %arg8[%add3A_218, %dma_wait3A_289] : memref<80x128xi32, #tpu.memory_space<vmem>> -> memref<1x128xi32, #tpu.memory_space<vmem>>
          %dma_wait3A_291 = tpu.memref_squeeze %dma_wait3A_290 : memref<1x128xi32, #tpu.memory_space<vmem>> -> memref<128xi32, #tpu.memory_space<vmem>>
          %dma_wait3A_292 = arith.constant 0 : i32
          %dma_wait3A_293 = arith.constant 0 : i32
          %dma_wait3A_294 = tpu.memref_slice %arg25[%dma_wait3A_292, %dma_wait3A_293] : memref<10240x8xf32, #tpu.memory_space<vmem_shared>> -> memref<10240x8xf32, #tpu.memory_space<vmem_shared>>
          tpu.wait_indirect_dma semaphore(%run_scoped3A : memref<!tpu.dma_semaphore, #tpu.memory_space<semaphore_mem>>) src(%arg16 : memref<128x8xf32, #tpu.memory_space<vmem>>) dst(%dma_wait3A_294 : memref<10240x8xf32, #tpu.memory_space<vmem_shared>>)
          tpu.yield
        }) : () -> ()
        %dma_wait3A_219 = arith.constant 0 : i32
        %dma_wait3A_220 = tpu.memref_slice %arg7[%add3A_93, %dma_wait3A_219] : memref<80x128xi32, #tpu.memory_space<vmem>> -> memref<1x128xi32, #tpu.memory_space<vmem>>
        %dma_wait3A_221 = tpu.memref_squeeze %dma_wait3A_220 : memref<1x128xi32, #tpu.memory_space<vmem>> -> memref<128xi32, #tpu.memory_space<vmem>>
        %dma_wait3A_222 = arith.constant 0 : i32
        %dma_wait3A_223 = arith.constant 0 : i32
        %dma_wait3A_224 = tpu.memref_slice %arg2[%dma_wait3A_222, %dma_wait3A_223] : memref<10000x8xf32, #tpu.memory_space<hbm>> -> memref<10000x8xf32, #tpu.memory_space<hbm>>
        tpu.wait_indirect_dma semaphore(%arg34 : memref<!tpu.dma_semaphore, #tpu.memory_space<semaphore_mem>>) src(%dma_wait3A_224 : memref<10000x8xf32, #tpu.memory_space<hbm>>) dst(%arg17 : memref<128x8xf32, #tpu.memory_space<vmem>>)
        %add3A_225 = arith.constant 8 : i32
        %add3A_226 = arith.addi %mul3A_29, %add3A_225 : i32
        "tpu.region"() ({
          %run_scoped3A = tpu.sem_alloc : memref<!tpu.dma_semaphore, #tpu.memory_space<semaphore_mem>>
          %dma_start3A_283 = arith.constant 0 : i32
          %dma_start3A_284 = tpu.memref_slice %arg8[%add3A_226, %dma_start3A_283] : memref<80x128xi32, #tpu.memory_space<vmem>> -> memref<1x128xi32, #tpu.memory_space<vmem>>
          %dma_start3A_285 = tpu.memref_squeeze %dma_start3A_284 : memref<1x128xi32, #tpu.memory_space<vmem>> -> memref<128xi32, #tpu.memory_space<vmem>>
          %dma_start3A_286 = arith.constant 0 : i32
          %dma_start3A_287 = arith.constant 0 : i32
          %dma_start3A_288 = tpu.memref_slice %arg25[%dma_start3A_286, %dma_start3A_287] : memref<10240x8xf32, #tpu.memory_space<vmem_shared>> -> memref<10240x8xf32, #tpu.memory_space<vmem_shared>>
          tpu.enqueue_indirect_dma source(%arg17 : memref<128x8xf32, #tpu.memory_space<vmem>>) target(%dma_start3A_288 : memref<10240x8xf32, #tpu.memory_space<vmem_shared>>) offsets(%dma_start3A_285 : memref<128xi32, #tpu.memory_space<vmem>>) semaphore(%run_scoped3A : memref<!tpu.dma_semaphore, #tpu.memory_space<semaphore_mem>>) {add = true}
          %dma_wait3A_289 = arith.constant 0 : i32
          %dma_wait3A_290 = tpu.memref_slice %arg8[%add3A_226, %dma_wait3A_289] : memref<80x128xi32, #tpu.memory_space<vmem>> -> memref<1x128xi32, #tpu.memory_space<vmem>>
          %dma_wait3A_291 = tpu.memref_squeeze %dma_wait3A_290 : memref<1x128xi32, #tpu.memory_space<vmem>> -> memref<128xi32, #tpu.memory_space<vmem>>
          %dma_wait3A_292 = arith.constant 0 : i32
          %dma_wait3A_293 = arith.constant 0 : i32
          %dma_wait3A_294 = tpu.memref_slice %arg25[%dma_wait3A_292, %dma_wait3A_293] : memref<10240x8xf32, #tpu.memory_space<vmem_shared>> -> memref<10240x8xf32, #tpu.memory_space<vmem_shared>>
          tpu.wait_indirect_dma semaphore(%run_scoped3A : memref<!tpu.dma_semaphore, #tpu.memory_space<semaphore_mem>>) src(%arg17 : memref<128x8xf32, #tpu.memory_space<vmem>>) dst(%dma_wait3A_294 : memref<10240x8xf32, #tpu.memory_space<vmem_shared>>)
          tpu.yield
        }) : () -> ()
        %dma_wait3A_227 = arith.constant 0 : i32
        %dma_wait3A_228 = tpu.memref_slice %arg7[%add3A_101, %dma_wait3A_227] : memref<80x128xi32, #tpu.memory_space<vmem>> -> memref<1x128xi32, #tpu.memory_space<vmem>>
        %dma_wait3A_229 = tpu.memref_squeeze %dma_wait3A_228 : memref<1x128xi32, #tpu.memory_space<vmem>> -> memref<128xi32, #tpu.memory_space<vmem>>
        %dma_wait3A_230 = arith.constant 0 : i32
        %dma_wait3A_231 = arith.constant 0 : i32
        %dma_wait3A_232 = tpu.memref_slice %arg2[%dma_wait3A_230, %dma_wait3A_231] : memref<10000x8xf32, #tpu.memory_space<hbm>> -> memref<10000x8xf32, #tpu.memory_space<hbm>>
        tpu.wait_indirect_dma semaphore(%arg35 : memref<!tpu.dma_semaphore, #tpu.memory_space<semaphore_mem>>) src(%dma_wait3A_232 : memref<10000x8xf32, #tpu.memory_space<hbm>>) dst(%arg18 : memref<128x8xf32, #tpu.memory_space<vmem>>)
        %add3A_233 = arith.constant 9 : i32
        %add3A_234 = arith.addi %mul3A_29, %add3A_233 : i32
        "tpu.region"() ({
          %run_scoped3A = tpu.sem_alloc : memref<!tpu.dma_semaphore, #tpu.memory_space<semaphore_mem>>
          %dma_start3A_283 = arith.constant 0 : i32
          %dma_start3A_284 = tpu.memref_slice %arg8[%add3A_234, %dma_start3A_283] : memref<80x128xi32, #tpu.memory_space<vmem>> -> memref<1x128xi32, #tpu.memory_space<vmem>>
          %dma_start3A_285 = tpu.memref_squeeze %dma_start3A_284 : memref<1x128xi32, #tpu.memory_space<vmem>> -> memref<128xi32, #tpu.memory_space<vmem>>
          %dma_start3A_286 = arith.constant 0 : i32
          %dma_start3A_287 = arith.constant 0 : i32
          %dma_start3A_288 = tpu.memref_slice %arg25[%dma_start3A_286, %dma_start3A_287] : memref<10240x8xf32, #tpu.memory_space<vmem_shared>> -> memref<10240x8xf32, #tpu.memory_space<vmem_shared>>
          tpu.enqueue_indirect_dma source(%arg18 : memref<128x8xf32, #tpu.memory_space<vmem>>) target(%dma_start3A_288 : memref<10240x8xf32, #tpu.memory_space<vmem_shared>>) offsets(%dma_start3A_285 : memref<128xi32, #tpu.memory_space<vmem>>) semaphore(%run_scoped3A : memref<!tpu.dma_semaphore, #tpu.memory_space<semaphore_mem>>) {add = true}
          %dma_wait3A_289 = arith.constant 0 : i32
          %dma_wait3A_290 = tpu.memref_slice %arg8[%add3A_234, %dma_wait3A_289] : memref<80x128xi32, #tpu.memory_space<vmem>> -> memref<1x128xi32, #tpu.memory_space<vmem>>
          %dma_wait3A_291 = tpu.memref_squeeze %dma_wait3A_290 : memref<1x128xi32, #tpu.memory_space<vmem>> -> memref<128xi32, #tpu.memory_space<vmem>>
          %dma_wait3A_292 = arith.constant 0 : i32
          %dma_wait3A_293 = arith.constant 0 : i32
          %dma_wait3A_294 = tpu.memref_slice %arg25[%dma_wait3A_292, %dma_wait3A_293] : memref<10240x8xf32, #tpu.memory_space<vmem_shared>> -> memref<10240x8xf32, #tpu.memory_space<vmem_shared>>
          tpu.wait_indirect_dma semaphore(%run_scoped3A : memref<!tpu.dma_semaphore, #tpu.memory_space<semaphore_mem>>) src(%arg18 : memref<128x8xf32, #tpu.memory_space<vmem>>) dst(%dma_wait3A_294 : memref<10240x8xf32, #tpu.memory_space<vmem_shared>>)
          tpu.yield
        }) : () -> ()
        %dma_wait3A_235 = arith.constant 0 : i32
        %dma_wait3A_236 = tpu.memref_slice %arg7[%add3A_109, %dma_wait3A_235] : memref<80x128xi32, #tpu.memory_space<vmem>> -> memref<1x128xi32, #tpu.memory_space<vmem>>
        %dma_wait3A_237 = tpu.memref_squeeze %dma_wait3A_236 : memref<1x128xi32, #tpu.memory_space<vmem>> -> memref<128xi32, #tpu.memory_space<vmem>>
        %dma_wait3A_238 = arith.constant 0 : i32
        %dma_wait3A_239 = arith.constant 0 : i32
        %dma_wait3A_240 = tpu.memref_slice %arg2[%dma_wait3A_238, %dma_wait3A_239] : memref<10000x8xf32, #tpu.memory_space<hbm>> -> memref<10000x8xf32, #tpu.memory_space<hbm>>
        tpu.wait_indirect_dma semaphore(%arg36 : memref<!tpu.dma_semaphore, #tpu.memory_space<semaphore_mem>>) src(%dma_wait3A_240 : memref<10000x8xf32, #tpu.memory_space<hbm>>) dst(%arg19 : memref<128x8xf32, #tpu.memory_space<vmem>>)
        %add3A_241 = arith.constant 10 : i32
        %add3A_242 = arith.addi %mul3A_29, %add3A_241 : i32
        "tpu.region"() ({
          %run_scoped3A = tpu.sem_alloc : memref<!tpu.dma_semaphore, #tpu.memory_space<semaphore_mem>>
          %dma_start3A_283 = arith.constant 0 : i32
          %dma_start3A_284 = tpu.memref_slice %arg8[%add3A_242, %dma_start3A_283] : memref<80x128xi32, #tpu.memory_space<vmem>> -> memref<1x128xi32, #tpu.memory_space<vmem>>
          %dma_start3A_285 = tpu.memref_squeeze %dma_start3A_284 : memref<1x128xi32, #tpu.memory_space<vmem>> -> memref<128xi32, #tpu.memory_space<vmem>>
          %dma_start3A_286 = arith.constant 0 : i32
          %dma_start3A_287 = arith.constant 0 : i32
          %dma_start3A_288 = tpu.memref_slice %arg25[%dma_start3A_286, %dma_start3A_287] : memref<10240x8xf32, #tpu.memory_space<vmem_shared>> -> memref<10240x8xf32, #tpu.memory_space<vmem_shared>>
          tpu.enqueue_indirect_dma source(%arg19 : memref<128x8xf32, #tpu.memory_space<vmem>>) target(%dma_start3A_288 : memref<10240x8xf32, #tpu.memory_space<vmem_shared>>) offsets(%dma_start3A_285 : memref<128xi32, #tpu.memory_space<vmem>>) semaphore(%run_scoped3A : memref<!tpu.dma_semaphore, #tpu.memory_space<semaphore_mem>>) {add = true}
          %dma_wait3A_289 = arith.constant 0 : i32
          %dma_wait3A_290 = tpu.memref_slice %arg8[%add3A_242, %dma_wait3A_289] : memref<80x128xi32, #tpu.memory_space<vmem>> -> memref<1x128xi32, #tpu.memory_space<vmem>>
          %dma_wait3A_291 = tpu.memref_squeeze %dma_wait3A_290 : memref<1x128xi32, #tpu.memory_space<vmem>> -> memref<128xi32, #tpu.memory_space<vmem>>
          %dma_wait3A_292 = arith.constant 0 : i32
          %dma_wait3A_293 = arith.constant 0 : i32
          %dma_wait3A_294 = tpu.memref_slice %arg25[%dma_wait3A_292, %dma_wait3A_293] : memref<10240x8xf32, #tpu.memory_space<vmem_shared>> -> memref<10240x8xf32, #tpu.memory_space<vmem_shared>>
          tpu.wait_indirect_dma semaphore(%run_scoped3A : memref<!tpu.dma_semaphore, #tpu.memory_space<semaphore_mem>>) src(%arg19 : memref<128x8xf32, #tpu.memory_space<vmem>>) dst(%dma_wait3A_294 : memref<10240x8xf32, #tpu.memory_space<vmem_shared>>)
          tpu.yield
        }) : () -> ()
        %dma_wait3A_243 = arith.constant 0 : i32
        %dma_wait3A_244 = tpu.memref_slice %arg7[%add3A_117, %dma_wait3A_243] : memref<80x128xi32, #tpu.memory_space<vmem>> -> memref<1x128xi32, #tpu.memory_space<vmem>>
        %dma_wait3A_245 = tpu.memref_squeeze %dma_wait3A_244 : memref<1x128xi32, #tpu.memory_space<vmem>> -> memref<128xi32, #tpu.memory_space<vmem>>
        %dma_wait3A_246 = arith.constant 0 : i32
        %dma_wait3A_247 = arith.constant 0 : i32
        %dma_wait3A_248 = tpu.memref_slice %arg2[%dma_wait3A_246, %dma_wait3A_247] : memref<10000x8xf32, #tpu.memory_space<hbm>> -> memref<10000x8xf32, #tpu.memory_space<hbm>>
        tpu.wait_indirect_dma semaphore(%arg37 : memref<!tpu.dma_semaphore, #tpu.memory_space<semaphore_mem>>) src(%dma_wait3A_248 : memref<10000x8xf32, #tpu.memory_space<hbm>>) dst(%arg20 : memref<128x8xf32, #tpu.memory_space<vmem>>)
        %add3A_249 = arith.constant 11 : i32
        %add3A_250 = arith.addi %mul3A_29, %add3A_249 : i32
        "tpu.region"() ({
          %run_scoped3A = tpu.sem_alloc : memref<!tpu.dma_semaphore, #tpu.memory_space<semaphore_mem>>
          %dma_start3A_283 = arith.constant 0 : i32
          %dma_start3A_284 = tpu.memref_slice %arg8[%add3A_250, %dma_start3A_283] : memref<80x128xi32, #tpu.memory_space<vmem>> -> memref<1x128xi32, #tpu.memory_space<vmem>>
          %dma_start3A_285 = tpu.memref_squeeze %dma_start3A_284 : memref<1x128xi32, #tpu.memory_space<vmem>> -> memref<128xi32, #tpu.memory_space<vmem>>
          %dma_start3A_286 = arith.constant 0 : i32
          %dma_start3A_287 = arith.constant 0 : i32
          %dma_start3A_288 = tpu.memref_slice %arg25[%dma_start3A_286, %dma_start3A_287] : memref<10240x8xf32, #tpu.memory_space<vmem_shared>> -> memref<10240x8xf32, #tpu.memory_space<vmem_shared>>
          tpu.enqueue_indirect_dma source(%arg20 : memref<128x8xf32, #tpu.memory_space<vmem>>) target(%dma_start3A_288 : memref<10240x8xf32, #tpu.memory_space<vmem_shared>>) offsets(%dma_start3A_285 : memref<128xi32, #tpu.memory_space<vmem>>) semaphore(%run_scoped3A : memref<!tpu.dma_semaphore, #tpu.memory_space<semaphore_mem>>) {add = true}
          %dma_wait3A_289 = arith.constant 0 : i32
          %dma_wait3A_290 = tpu.memref_slice %arg8[%add3A_250, %dma_wait3A_289] : memref<80x128xi32, #tpu.memory_space<vmem>> -> memref<1x128xi32, #tpu.memory_space<vmem>>
          %dma_wait3A_291 = tpu.memref_squeeze %dma_wait3A_290 : memref<1x128xi32, #tpu.memory_space<vmem>> -> memref<128xi32, #tpu.memory_space<vmem>>
          %dma_wait3A_292 = arith.constant 0 : i32
          %dma_wait3A_293 = arith.constant 0 : i32
          %dma_wait3A_294 = tpu.memref_slice %arg25[%dma_wait3A_292, %dma_wait3A_293] : memref<10240x8xf32, #tpu.memory_space<vmem_shared>> -> memref<10240x8xf32, #tpu.memory_space<vmem_shared>>
          tpu.wait_indirect_dma semaphore(%run_scoped3A : memref<!tpu.dma_semaphore, #tpu.memory_space<semaphore_mem>>) src(%arg20 : memref<128x8xf32, #tpu.memory_space<vmem>>) dst(%dma_wait3A_294 : memref<10240x8xf32, #tpu.memory_space<vmem_shared>>)
          tpu.yield
        }) : () -> ()
        %dma_wait3A_251 = arith.constant 0 : i32
        %dma_wait3A_252 = tpu.memref_slice %arg7[%add3A_125, %dma_wait3A_251] : memref<80x128xi32, #tpu.memory_space<vmem>> -> memref<1x128xi32, #tpu.memory_space<vmem>>
        %dma_wait3A_253 = tpu.memref_squeeze %dma_wait3A_252 : memref<1x128xi32, #tpu.memory_space<vmem>> -> memref<128xi32, #tpu.memory_space<vmem>>
        %dma_wait3A_254 = arith.constant 0 : i32
        %dma_wait3A_255 = arith.constant 0 : i32
        %dma_wait3A_256 = tpu.memref_slice %arg2[%dma_wait3A_254, %dma_wait3A_255] : memref<10000x8xf32, #tpu.memory_space<hbm>> -> memref<10000x8xf32, #tpu.memory_space<hbm>>
        tpu.wait_indirect_dma semaphore(%arg38 : memref<!tpu.dma_semaphore, #tpu.memory_space<semaphore_mem>>) src(%dma_wait3A_256 : memref<10000x8xf32, #tpu.memory_space<hbm>>) dst(%arg21 : memref<128x8xf32, #tpu.memory_space<vmem>>)
        %add3A_257 = arith.constant 12 : i32
        %add3A_258 = arith.addi %mul3A_29, %add3A_257 : i32
        "tpu.region"() ({
          %run_scoped3A = tpu.sem_alloc : memref<!tpu.dma_semaphore, #tpu.memory_space<semaphore_mem>>
          %dma_start3A_283 = arith.constant 0 : i32
          %dma_start3A_284 = tpu.memref_slice %arg8[%add3A_258, %dma_start3A_283] : memref<80x128xi32, #tpu.memory_space<vmem>> -> memref<1x128xi32, #tpu.memory_space<vmem>>
          %dma_start3A_285 = tpu.memref_squeeze %dma_start3A_284 : memref<1x128xi32, #tpu.memory_space<vmem>> -> memref<128xi32, #tpu.memory_space<vmem>>
          %dma_start3A_286 = arith.constant 0 : i32
          %dma_start3A_287 = arith.constant 0 : i32
          %dma_start3A_288 = tpu.memref_slice %arg25[%dma_start3A_286, %dma_start3A_287] : memref<10240x8xf32, #tpu.memory_space<vmem_shared>> -> memref<10240x8xf32, #tpu.memory_space<vmem_shared>>
          tpu.enqueue_indirect_dma source(%arg21 : memref<128x8xf32, #tpu.memory_space<vmem>>) target(%dma_start3A_288 : memref<10240x8xf32, #tpu.memory_space<vmem_shared>>) offsets(%dma_start3A_285 : memref<128xi32, #tpu.memory_space<vmem>>) semaphore(%run_scoped3A : memref<!tpu.dma_semaphore, #tpu.memory_space<semaphore_mem>>) {add = true}
          %dma_wait3A_289 = arith.constant 0 : i32
          %dma_wait3A_290 = tpu.memref_slice %arg8[%add3A_258, %dma_wait3A_289] : memref<80x128xi32, #tpu.memory_space<vmem>> -> memref<1x128xi32, #tpu.memory_space<vmem>>
          %dma_wait3A_291 = tpu.memref_squeeze %dma_wait3A_290 : memref<1x128xi32, #tpu.memory_space<vmem>> -> memref<128xi32, #tpu.memory_space<vmem>>
          %dma_wait3A_292 = arith.constant 0 : i32
          %dma_wait3A_293 = arith.constant 0 : i32
          %dma_wait3A_294 = tpu.memref_slice %arg25[%dma_wait3A_292, %dma_wait3A_293] : memref<10240x8xf32, #tpu.memory_space<vmem_shared>> -> memref<10240x8xf32, #tpu.memory_space<vmem_shared>>
          tpu.wait_indirect_dma semaphore(%run_scoped3A : memref<!tpu.dma_semaphore, #tpu.memory_space<semaphore_mem>>) src(%arg21 : memref<128x8xf32, #tpu.memory_space<vmem>>) dst(%dma_wait3A_294 : memref<10240x8xf32, #tpu.memory_space<vmem_shared>>)
          tpu.yield
        }) : () -> ()
        %dma_wait3A_259 = arith.constant 0 : i32
        %dma_wait3A_260 = tpu.memref_slice %arg7[%add3A_133, %dma_wait3A_259] : memref<80x128xi32, #tpu.memory_space<vmem>> -> memref<1x128xi32, #tpu.memory_space<vmem>>
        %dma_wait3A_261 = tpu.memref_squeeze %dma_wait3A_260 : memref<1x128xi32, #tpu.memory_space<vmem>> -> memref<128xi32, #tpu.memory_space<vmem>>
        %dma_wait3A_262 = arith.constant 0 : i32
        %dma_wait3A_263 = arith.constant 0 : i32
        %dma_wait3A_264 = tpu.memref_slice %arg2[%dma_wait3A_262, %dma_wait3A_263] : memref<10000x8xf32, #tpu.memory_space<hbm>> -> memref<10000x8xf32, #tpu.memory_space<hbm>>
        tpu.wait_indirect_dma semaphore(%arg39 : memref<!tpu.dma_semaphore, #tpu.memory_space<semaphore_mem>>) src(%dma_wait3A_264 : memref<10000x8xf32, #tpu.memory_space<hbm>>) dst(%arg22 : memref<128x8xf32, #tpu.memory_space<vmem>>)
        %add3A_265 = arith.constant 13 : i32
        %add3A_266 = arith.addi %mul3A_29, %add3A_265 : i32
        "tpu.region"() ({
          %run_scoped3A = tpu.sem_alloc : memref<!tpu.dma_semaphore, #tpu.memory_space<semaphore_mem>>
          %dma_start3A_283 = arith.constant 0 : i32
          %dma_start3A_284 = tpu.memref_slice %arg8[%add3A_266, %dma_start3A_283] : memref<80x128xi32, #tpu.memory_space<vmem>> -> memref<1x128xi32, #tpu.memory_space<vmem>>
          %dma_start3A_285 = tpu.memref_squeeze %dma_start3A_284 : memref<1x128xi32, #tpu.memory_space<vmem>> -> memref<128xi32, #tpu.memory_space<vmem>>
          %dma_start3A_286 = arith.constant 0 : i32
          %dma_start3A_287 = arith.constant 0 : i32
          %dma_start3A_288 = tpu.memref_slice %arg25[%dma_start3A_286, %dma_start3A_287] : memref<10240x8xf32, #tpu.memory_space<vmem_shared>> -> memref<10240x8xf32, #tpu.memory_space<vmem_shared>>
          tpu.enqueue_indirect_dma source(%arg22 : memref<128x8xf32, #tpu.memory_space<vmem>>) target(%dma_start3A_288 : memref<10240x8xf32, #tpu.memory_space<vmem_shared>>) offsets(%dma_start3A_285 : memref<128xi32, #tpu.memory_space<vmem>>) semaphore(%run_scoped3A : memref<!tpu.dma_semaphore, #tpu.memory_space<semaphore_mem>>) {add = true}
          %dma_wait3A_289 = arith.constant 0 : i32
          %dma_wait3A_290 = tpu.memref_slice %arg8[%add3A_266, %dma_wait3A_289] : memref<80x128xi32, #tpu.memory_space<vmem>> -> memref<1x128xi32, #tpu.memory_space<vmem>>
          %dma_wait3A_291 = tpu.memref_squeeze %dma_wait3A_290 : memref<1x128xi32, #tpu.memory_space<vmem>> -> memref<128xi32, #tpu.memory_space<vmem>>
          %dma_wait3A_292 = arith.constant 0 : i32
          %dma_wait3A_293 = arith.constant 0 : i32
          %dma_wait3A_294 = tpu.memref_slice %arg25[%dma_wait3A_292, %dma_wait3A_293] : memref<10240x8xf32, #tpu.memory_space<vmem_shared>> -> memref<10240x8xf32, #tpu.memory_space<vmem_shared>>
          tpu.wait_indirect_dma semaphore(%run_scoped3A : memref<!tpu.dma_semaphore, #tpu.memory_space<semaphore_mem>>) src(%arg22 : memref<128x8xf32, #tpu.memory_space<vmem>>) dst(%dma_wait3A_294 : memref<10240x8xf32, #tpu.memory_space<vmem_shared>>)
          tpu.yield
        }) : () -> ()
        %dma_wait3A_267 = arith.constant 0 : i32
        %dma_wait3A_268 = tpu.memref_slice %arg7[%add3A_141, %dma_wait3A_267] : memref<80x128xi32, #tpu.memory_space<vmem>> -> memref<1x128xi32, #tpu.memory_space<vmem>>
        %dma_wait3A_269 = tpu.memref_squeeze %dma_wait3A_268 : memref<1x128xi32, #tpu.memory_space<vmem>> -> memref<128xi32, #tpu.memory_space<vmem>>
        %dma_wait3A_270 = arith.constant 0 : i32
        %dma_wait3A_271 = arith.constant 0 : i32
        %dma_wait3A_272 = tpu.memref_slice %arg2[%dma_wait3A_270, %dma_wait3A_271] : memref<10000x8xf32, #tpu.memory_space<hbm>> -> memref<10000x8xf32, #tpu.memory_space<hbm>>
        tpu.wait_indirect_dma semaphore(%arg40 : memref<!tpu.dma_semaphore, #tpu.memory_space<semaphore_mem>>) src(%dma_wait3A_272 : memref<10000x8xf32, #tpu.memory_space<hbm>>) dst(%arg23 : memref<128x8xf32, #tpu.memory_space<vmem>>)
        %add3A_273 = arith.constant 14 : i32
        %add3A_274 = arith.addi %mul3A_29, %add3A_273 : i32
        "tpu.region"() ({
          %run_scoped3A = tpu.sem_alloc : memref<!tpu.dma_semaphore, #tpu.memory_space<semaphore_mem>>
          %dma_start3A_283 = arith.constant 0 : i32
          %dma_start3A_284 = tpu.memref_slice %arg8[%add3A_274, %dma_start3A_283] : memref<80x128xi32, #tpu.memory_space<vmem>> -> memref<1x128xi32, #tpu.memory_space<vmem>>
          %dma_start3A_285 = tpu.memref_squeeze %dma_start3A_284 : memref<1x128xi32, #tpu.memory_space<vmem>> -> memref<128xi32, #tpu.memory_space<vmem>>
          %dma_start3A_286 = arith.constant 0 : i32
          %dma_start3A_287 = arith.constant 0 : i32
          %dma_start3A_288 = tpu.memref_slice %arg25[%dma_start3A_286, %dma_start3A_287] : memref<10240x8xf32, #tpu.memory_space<vmem_shared>> -> memref<10240x8xf32, #tpu.memory_space<vmem_shared>>
          tpu.enqueue_indirect_dma source(%arg23 : memref<128x8xf32, #tpu.memory_space<vmem>>) target(%dma_start3A_288 : memref<10240x8xf32, #tpu.memory_space<vmem_shared>>) offsets(%dma_start3A_285 : memref<128xi32, #tpu.memory_space<vmem>>) semaphore(%run_scoped3A : memref<!tpu.dma_semaphore, #tpu.memory_space<semaphore_mem>>) {add = true}
          %dma_wait3A_289 = arith.constant 0 : i32
          %dma_wait3A_290 = tpu.memref_slice %arg8[%add3A_274, %dma_wait3A_289] : memref<80x128xi32, #tpu.memory_space<vmem>> -> memref<1x128xi32, #tpu.memory_space<vmem>>
          %dma_wait3A_291 = tpu.memref_squeeze %dma_wait3A_290 : memref<1x128xi32, #tpu.memory_space<vmem>> -> memref<128xi32, #tpu.memory_space<vmem>>
          %dma_wait3A_292 = arith.constant 0 : i32
          %dma_wait3A_293 = arith.constant 0 : i32
          %dma_wait3A_294 = tpu.memref_slice %arg25[%dma_wait3A_292, %dma_wait3A_293] : memref<10240x8xf32, #tpu.memory_space<vmem_shared>> -> memref<10240x8xf32, #tpu.memory_space<vmem_shared>>
          tpu.wait_indirect_dma semaphore(%run_scoped3A : memref<!tpu.dma_semaphore, #tpu.memory_space<semaphore_mem>>) src(%arg23 : memref<128x8xf32, #tpu.memory_space<vmem>>) dst(%dma_wait3A_294 : memref<10240x8xf32, #tpu.memory_space<vmem_shared>>)
          tpu.yield
        }) : () -> ()
        %dma_wait3A_275 = arith.constant 0 : i32
        %dma_wait3A_276 = tpu.memref_slice %arg7[%add3A_149, %dma_wait3A_275] : memref<80x128xi32, #tpu.memory_space<vmem>> -> memref<1x128xi32, #tpu.memory_space<vmem>>
        %dma_wait3A_277 = tpu.memref_squeeze %dma_wait3A_276 : memref<1x128xi32, #tpu.memory_space<vmem>> -> memref<128xi32, #tpu.memory_space<vmem>>
        %dma_wait3A_278 = arith.constant 0 : i32
        %dma_wait3A_279 = arith.constant 0 : i32
        %dma_wait3A_280 = tpu.memref_slice %arg2[%dma_wait3A_278, %dma_wait3A_279] : memref<10000x8xf32, #tpu.memory_space<hbm>> -> memref<10000x8xf32, #tpu.memory_space<hbm>>
        tpu.wait_indirect_dma semaphore(%arg41 : memref<!tpu.dma_semaphore, #tpu.memory_space<semaphore_mem>>) src(%dma_wait3A_280 : memref<10000x8xf32, #tpu.memory_space<hbm>>) dst(%arg24 : memref<128x8xf32, #tpu.memory_space<vmem>>)
        %add3A_281 = arith.constant 15 : i32
        %add3A_282 = arith.addi %mul3A_29, %add3A_281 : i32
        "tpu.region"() ({
          %run_scoped3A = tpu.sem_alloc : memref<!tpu.dma_semaphore, #tpu.memory_space<semaphore_mem>>
          %dma_start3A_283 = arith.constant 0 : i32
          %dma_start3A_284 = tpu.memref_slice %arg8[%add3A_282, %dma_start3A_283] : memref<80x128xi32, #tpu.memory_space<vmem>> -> memref<1x128xi32, #tpu.memory_space<vmem>>
          %dma_start3A_285 = tpu.memref_squeeze %dma_start3A_284 : memref<1x128xi32, #tpu.memory_space<vmem>> -> memref<128xi32, #tpu.memory_space<vmem>>
          %dma_start3A_286 = arith.constant 0 : i32
          %dma_start3A_287 = arith.constant 0 : i32
          %dma_start3A_288 = tpu.memref_slice %arg25[%dma_start3A_286, %dma_start3A_287] : memref<10240x8xf32, #tpu.memory_space<vmem_shared>> -> memref<10240x8xf32, #tpu.memory_space<vmem_shared>>
          tpu.enqueue_indirect_dma source(%arg24 : memref<128x8xf32, #tpu.memory_space<vmem>>) target(%dma_start3A_288 : memref<10240x8xf32, #tpu.memory_space<vmem_shared>>) offsets(%dma_start3A_285 : memref<128xi32, #tpu.memory_space<vmem>>) semaphore(%run_scoped3A : memref<!tpu.dma_semaphore, #tpu.memory_space<semaphore_mem>>) {add = true}
          %dma_wait3A_289 = arith.constant 0 : i32
          %dma_wait3A_290 = tpu.memref_slice %arg8[%add3A_282, %dma_wait3A_289] : memref<80x128xi32, #tpu.memory_space<vmem>> -> memref<1x128xi32, #tpu.memory_space<vmem>>
          %dma_wait3A_291 = tpu.memref_squeeze %dma_wait3A_290 : memref<1x128xi32, #tpu.memory_space<vmem>> -> memref<128xi32, #tpu.memory_space<vmem>>
          %dma_wait3A_292 = arith.constant 0 : i32
          %dma_wait3A_293 = arith.constant 0 : i32
          %dma_wait3A_294 = tpu.memref_slice %arg25[%dma_wait3A_292, %dma_wait3A_293] : memref<10240x8xf32, #tpu.memory_space<vmem_shared>> -> memref<10240x8xf32, #tpu.memory_space<vmem_shared>>
          tpu.wait_indirect_dma semaphore(%run_scoped3A : memref<!tpu.dma_semaphore, #tpu.memory_space<semaphore_mem>>) src(%arg24 : memref<128x8xf32, #tpu.memory_space<vmem>>) dst(%dma_wait3A_294 : memref<10240x8xf32, #tpu.memory_space<vmem_shared>>)
          tpu.yield
        }) : () -> ()
      }
      %scan3A_26 = arith.constant 5 : i32
    } else {
    }
    %barrier3A_17 = arith.constant 0 : index
    tpu.barrier barrier_id(%barrier3A_17)
    %mul3A_18 = arith.constant 640 : i32
    %mul3A_19 = arith.muli %arg1, %mul3A_18 : i32
    %mul3A_20 = arith.constant 640 : i32
    %mul3A_21 = arith.muli %arg1, %mul3A_20 : i32
    "tpu.region"() ({
      %run_scoped3A = tpu.sem_alloc : memref<!tpu.dma_semaphore, #tpu.memory_space<semaphore_mem>>
      %dma_start3A = arith.constant 0 : i32
      %dma_start3A_22 = tpu.memref_slice %arg6[%arg0, %mul3A_21, %dma_start3A] : memref<2x10240x8xf32, #tpu.memory_space<hbm>> -> memref<1x640x8xf32, #tpu.memory_space<hbm>>
      %dma_start3A_23 = tpu.memref_squeeze %dma_start3A_22 : memref<1x640x8xf32, #tpu.memory_space<hbm>> -> memref<640x8xf32, #tpu.memory_space<hbm>>
      %dma_start3A_24 = arith.constant 0 : i32
      %dma_start3A_25 = tpu.memref_slice %arg25[%mul3A_19, %dma_start3A_24] : memref<10240x8xf32, #tpu.memory_space<vmem_shared>> -> memref<640x8xf32, #tpu.memory_space<vmem_shared>>
      tpu.enqueue_dma source(%dma_start3A_25 : memref<640x8xf32, #tpu.memory_space<vmem_shared>>) target(%dma_start3A_23 : memref<640x8xf32, #tpu.memory_space<hbm>>) target_semaphore(%run_scoped3A : memref<!tpu.dma_semaphore, #tpu.memory_space<semaphore_mem>>)
      %dma_wait3A = arith.constant 0 : i32
      %dma_wait3A_26 = tpu.memref_slice %arg6[%arg0, %mul3A_21, %dma_wait3A] : memref<2x10240x8xf32, #tpu.memory_space<hbm>> -> memref<1x640x8xf32, #tpu.memory_space<hbm>>
      %dma_wait3A_27 = tpu.memref_squeeze %dma_wait3A_26 : memref<1x640x8xf32, #tpu.memory_space<hbm>> -> memref<640x8xf32, #tpu.memory_space<hbm>>
      %dma_wait3A_28 = arith.constant 0 : i32
      %dma_wait3A_29 = tpu.memref_slice %arg25[%mul3A_19, %dma_wait3A_28] : memref<10240x8xf32, #tpu.memory_space<vmem_shared>> -> memref<640x8xf32, #tpu.memory_space<vmem_shared>>
      tpu.wait_dma2 semaphore(%run_scoped3A : memref<!tpu.dma_semaphore, #tpu.memory_space<semaphore_mem>>) src(%dma_wait3A_29 : memref<640x8xf32, #tpu.memory_space<vmem_shared>>) dst(%dma_wait3A_27 : memref<640x8xf32, #tpu.memory_space<hbm>>)
      tpu.yield
    }) : () -> ()
    return
  }
}

#map = affine_map<(d0, d1) -> (0, 0)>
#map1 = affine_map<(d0, d1) -> (0)>
module attributes {stable_mosaic.version = 14 : i64} {
  func.func @_sc_degree(%arg0: i32, %arg1: i32, %arg2: memref<2560x128xi32, #tpu.memory_space<hbm>>, %arg3: memref<640xf32, #tpu.memory_space<hbm>>, %arg4: memref<128xf32, #tpu.memory_space<hbm>>, %arg5: memref<2x10240xf32, #tpu.memory_space<hbm>>, %arg6: memref<80x128xi32, #tpu.memory_space<vmem>>, %arg7: memref<128xf32, #tpu.memory_space<vmem>>, %arg8: memref<10240xf32, #tpu.memory_space<vmem_shared>>) attributes {dimension_semantics = [#tpu.dimension_semantics<core_parallel>, #tpu.dimension_semantics<subcore_parallel>], iteration_bounds = array<i64: 2, 16>, scalar_prefetch = 0 : i64, scratch_operands = 3 : i64, tpu.core_type = #tpu.core_type<sc_vector_subcore>, window_params = [{transform_indices = #map}, {transform_indices = #map1}, {transform_indices = #map1}, {transform_indices = #map}]} {
    %mul3A = arith.constant 2 : i32
    %mul3A_0 = arith.muli %arg1, %mul3A : i32
    %add3A = arith.addi %mul3A_0, %arg0 : i32
    %mul3A_1 = arith.constant 640 : i32
    %mul3A_2 = arith.muli %arg1, %mul3A_1 : i32
    "tpu.region"() ({
      %run_scoped3A = tpu.sem_alloc : memref<!tpu.dma_semaphore, #tpu.memory_space<semaphore_mem>>
      %dma_start3A = tpu.memref_slice %arg8[%mul3A_2] : memref<10240xf32, #tpu.memory_space<vmem_shared>> -> memref<640xf32, #tpu.memory_space<vmem_shared>>
      tpu.enqueue_dma source(%arg3 : memref<640xf32, #tpu.memory_space<hbm>>) target(%dma_start3A : memref<640xf32, #tpu.memory_space<vmem_shared>>) target_semaphore(%run_scoped3A : memref<!tpu.dma_semaphore, #tpu.memory_space<semaphore_mem>>)
      %dma_wait3A = tpu.memref_slice %arg8[%mul3A_2] : memref<10240xf32, #tpu.memory_space<vmem_shared>> -> memref<640xf32, #tpu.memory_space<vmem_shared>>
      tpu.wait_dma2 semaphore(%run_scoped3A : memref<!tpu.dma_semaphore, #tpu.memory_space<semaphore_mem>>) src(%arg3 : memref<640xf32, #tpu.memory_space<hbm>>) dst(%dma_wait3A : memref<640xf32, #tpu.memory_space<vmem_shared>>)
      tpu.yield
    }) : () -> ()
    %mul3A_3 = arith.constant 80 : i32
    %mul3A_4 = arith.muli %add3A, %mul3A_3 : i32
    "tpu.region"() ({
      %run_scoped3A = tpu.sem_alloc : memref<!tpu.dma_semaphore, #tpu.memory_space<semaphore_mem>>
      %dma_start3A = arith.constant 0 : i32
      %dma_start3A_15 = tpu.memref_slice %arg2[%mul3A_4, %dma_start3A] : memref<2560x128xi32, #tpu.memory_space<hbm>> -> memref<80x128xi32, #tpu.memory_space<hbm>>
      %dma_start3A_16 = arith.constant 0 : i32
      %dma_start3A_17 = tpu.memref_slice %arg2[%mul3A_4, %dma_start3A_16] : memref<2560x128xi32, #tpu.memory_space<hbm>> -> memref<80x128xi32, #tpu.memory_space<hbm>>
      tpu.enqueue_dma source(%dma_start3A_17 : memref<80x128xi32, #tpu.memory_space<hbm>>) target(%arg6 : memref<80x128xi32, #tpu.memory_space<vmem>>) target_semaphore(%run_scoped3A : memref<!tpu.dma_semaphore, #tpu.memory_space<semaphore_mem>>)
      %dma_wait3A = arith.constant 0 : i32
      %dma_wait3A_18 = tpu.memref_slice %arg2[%mul3A_4, %dma_wait3A] : memref<2560x128xi32, #tpu.memory_space<hbm>> -> memref<80x128xi32, #tpu.memory_space<hbm>>
      %dma_wait3A_19 = arith.constant 0 : i32
      %dma_wait3A_20 = tpu.memref_slice %arg2[%mul3A_4, %dma_wait3A_19] : memref<2560x128xi32, #tpu.memory_space<hbm>> -> memref<80x128xi32, #tpu.memory_space<hbm>>
      tpu.wait_dma2 semaphore(%run_scoped3A : memref<!tpu.dma_semaphore, #tpu.memory_space<semaphore_mem>>) src(%dma_wait3A_20 : memref<80x128xi32, #tpu.memory_space<hbm>>) dst(%arg6 : memref<80x128xi32, #tpu.memory_space<vmem>>)
      tpu.yield
    }) : () -> ()
    "tpu.region"() ({
      %run_scoped3A = tpu.sem_alloc : memref<!tpu.dma_semaphore, #tpu.memory_space<semaphore_mem>>
      tpu.enqueue_dma source(%arg4 : memref<128xf32, #tpu.memory_space<hbm>>) target(%arg7 : memref<128xf32, #tpu.memory_space<vmem>>) target_semaphore(%run_scoped3A : memref<!tpu.dma_semaphore, #tpu.memory_space<semaphore_mem>>)
      tpu.wait_dma2 semaphore(%run_scoped3A : memref<!tpu.dma_semaphore, #tpu.memory_space<semaphore_mem>>) src(%arg4 : memref<128xf32, #tpu.memory_space<hbm>>) dst(%arg7 : memref<128xf32, #tpu.memory_space<vmem>>)
      tpu.yield
    }) : () -> ()
    %barrier3A = arith.constant 0 : index
    tpu.barrier barrier_id(%barrier3A)
    %scan3A = arith.constant 0 : i32
    %scan3A_5 = arith.constant 0 : i32
    %scan3A_6 = arith.constant 80 : i32
    %scan3A_7 = arith.addi %scan3A_5, %scan3A_6 : i32
    %scan3A_8 = arith.constant 1 : i32
    scf.for %scan3A_15 = %scan3A_5 to %scan3A_7 step %scan3A_8  : i32 {
      "tpu.region"() ({
        %run_scoped3A = tpu.sem_alloc : memref<!tpu.dma_semaphore, #tpu.memory_space<semaphore_mem>>
        %dma_start3A = arith.constant 0 : i32
        %dma_start3A_16 = tpu.memref_slice %arg6[%scan3A_15, %dma_start3A] : memref<80x128xi32, #tpu.memory_space<vmem>> -> memref<1x128xi32, #tpu.memory_space<vmem>>
        %dma_start3A_17 = tpu.memref_squeeze %dma_start3A_16 : memref<1x128xi32, #tpu.memory_space<vmem>> -> memref<128xi32, #tpu.memory_space<vmem>>
        %dma_start3A_18 = arith.constant 0 : i32
        %dma_start3A_19 = tpu.memref_slice %arg8[%dma_start3A_18] : memref<10240xf32, #tpu.memory_space<vmem_shared>> -> memref<10240xf32, #tpu.memory_space<vmem_shared>>
        tpu.enqueue_indirect_dma source(%arg7 : memref<128xf32, #tpu.memory_space<vmem>>) target(%dma_start3A_19 : memref<10240xf32, #tpu.memory_space<vmem_shared>>) offsets(%dma_start3A_17 : memref<128xi32, #tpu.memory_space<vmem>>) semaphore(%run_scoped3A : memref<!tpu.dma_semaphore, #tpu.memory_space<semaphore_mem>>) {add = true}
        %dma_wait3A = arith.constant 0 : i32
        %dma_wait3A_20 = tpu.memref_slice %arg6[%scan3A_15, %dma_wait3A] : memref<80x128xi32, #tpu.memory_space<vmem>> -> memref<1x128xi32, #tpu.memory_space<vmem>>
        %dma_wait3A_21 = tpu.memref_squeeze %dma_wait3A_20 : memref<1x128xi32, #tpu.memory_space<vmem>> -> memref<128xi32, #tpu.memory_space<vmem>>
        %dma_wait3A_22 = arith.constant 0 : i32
        %dma_wait3A_23 = tpu.memref_slice %arg8[%dma_wait3A_22] : memref<10240xf32, #tpu.memory_space<vmem_shared>> -> memref<10240xf32, #tpu.memory_space<vmem_shared>>
        tpu.wait_indirect_dma semaphore(%run_scoped3A : memref<!tpu.dma_semaphore, #tpu.memory_space<semaphore_mem>>) src(%arg7 : memref<128xf32, #tpu.memory_space<vmem>>) dst(%dma_wait3A_23 : memref<10240xf32, #tpu.memory_space<vmem_shared>>)
        tpu.yield
      }) : () -> ()
    }
    %scan3A_9 = arith.constant 80 : i32
    %barrier3A_10 = arith.constant 0 : index
    tpu.barrier barrier_id(%barrier3A_10)
    %mul3A_11 = arith.constant 640 : i32
    %mul3A_12 = arith.muli %arg1, %mul3A_11 : i32
    %mul3A_13 = arith.constant 640 : i32
    %mul3A_14 = arith.muli %arg1, %mul3A_13 : i32
    "tpu.region"() ({
      %run_scoped3A = tpu.sem_alloc : memref<!tpu.dma_semaphore, #tpu.memory_space<semaphore_mem>>
      %dma_start3A = tpu.memref_slice %arg5[%arg0, %mul3A_14] : memref<2x10240xf32, #tpu.memory_space<hbm>> -> memref<1x640xf32, #tpu.memory_space<hbm>>
      %dma_start3A_15 = tpu.memref_squeeze %dma_start3A : memref<1x640xf32, #tpu.memory_space<hbm>> -> memref<640xf32, #tpu.memory_space<hbm>>
      %dma_start3A_16 = tpu.memref_slice %arg8[%mul3A_12] : memref<10240xf32, #tpu.memory_space<vmem_shared>> -> memref<640xf32, #tpu.memory_space<vmem_shared>>
      tpu.enqueue_dma source(%dma_start3A_16 : memref<640xf32, #tpu.memory_space<vmem_shared>>) target(%dma_start3A_15 : memref<640xf32, #tpu.memory_space<hbm>>) target_semaphore(%run_scoped3A : memref<!tpu.dma_semaphore, #tpu.memory_space<semaphore_mem>>)
      %dma_wait3A = tpu.memref_slice %arg5[%arg0, %mul3A_14] : memref<2x10240xf32, #tpu.memory_space<hbm>> -> memref<1x640xf32, #tpu.memory_space<hbm>>
      %dma_wait3A_17 = tpu.memref_squeeze %dma_wait3A : memref<1x640xf32, #tpu.memory_space<hbm>> -> memref<640xf32, #tpu.memory_space<hbm>>
      %dma_wait3A_18 = tpu.memref_slice %arg8[%mul3A_12] : memref<10240xf32, #tpu.memory_space<vmem_shared>> -> memref<640xf32, #tpu.memory_space<vmem_shared>>
      tpu.wait_dma2 semaphore(%run_scoped3A : memref<!tpu.dma_semaphore, #tpu.memory_space<semaphore_mem>>) src(%dma_wait3A_18 : memref<640xf32, #tpu.memory_space<vmem_shared>>) dst(%dma_wait3A_17 : memref<640xf32, #tpu.memory_space<hbm>>)
      tpu.yield
    }) : () -> ()
    return
  }
}

#map = affine_map<(d0, d1) -> (0, 0)>
#map1 = affine_map<(d0, d1) -> (0, 0, 0)>
module attributes {stable_mosaic.version = 14 : i64} {
  func.func @propagate(%arg0: i32, %arg1: i32, %arg2: memref<10000x32xbf16, #tpu.memory_space<hbm>>, %arg3: memref<2560x128xi32, #tpu.memory_space<hbm>>, %arg4: memref<2560x128xi32, #tpu.memory_space<hbm>>, %arg5: memref<640x32xbf16, #tpu.memory_space<hbm>>, %arg6: memref<2x10240x32xbf16, #tpu.memory_space<hbm>>, %arg7: memref<80x128xi32, #tpu.memory_space<vmem>>, %arg8: memref<80x128xi32, #tpu.memory_space<vmem>>, %arg9: memref<128x32xbf16, #tpu.memory_space<vmem>>, %arg10: memref<128x32xbf16, #tpu.memory_space<vmem>>, %arg11: memref<128x32xbf16, #tpu.memory_space<vmem>>, %arg12: memref<128x32xbf16, #tpu.memory_space<vmem>>, %arg13: memref<128x32xbf16, #tpu.memory_space<vmem>>, %arg14: memref<128x32xbf16, #tpu.memory_space<vmem>>, %arg15: memref<128x32xbf16, #tpu.memory_space<vmem>>, %arg16: memref<128x32xbf16, #tpu.memory_space<vmem>>, %arg17: memref<128x32xbf16, #tpu.memory_space<vmem>>, %arg18: memref<128x32xbf16, #tpu.memory_space<vmem>>, %arg19: memref<128x32xbf16, #tpu.memory_space<vmem>>, %arg20: memref<128x32xbf16, #tpu.memory_space<vmem>>, %arg21: memref<128x32xbf16, #tpu.memory_space<vmem>>, %arg22: memref<128x32xbf16, #tpu.memory_space<vmem>>, %arg23: memref<128x32xbf16, #tpu.memory_space<vmem>>, %arg24: memref<128x32xbf16, #tpu.memory_space<vmem>>, %arg25: memref<10240x32xbf16, #tpu.memory_space<vmem_shared>>, %arg26: memref<!tpu.dma_semaphore, #tpu.memory_space<semaphore_mem>>, %arg27: memref<!tpu.dma_semaphore, #tpu.memory_space<semaphore_mem>>, %arg28: memref<!tpu.dma_semaphore, #tpu.memory_space<semaphore_mem>>, %arg29: memref<!tpu.dma_semaphore, #tpu.memory_space<semaphore_mem>>, %arg30: memref<!tpu.dma_semaphore, #tpu.memory_space<semaphore_mem>>, %arg31: memref<!tpu.dma_semaphore, #tpu.memory_space<semaphore_mem>>, %arg32: memref<!tpu.dma_semaphore, #tpu.memory_space<semaphore_mem>>, %arg33: memref<!tpu.dma_semaphore, #tpu.memory_space<semaphore_mem>>, %arg34: memref<!tpu.dma_semaphore, #tpu.memory_space<semaphore_mem>>, %arg35: memref<!tpu.dma_semaphore, #tpu.memory_space<semaphore_mem>>, %arg36: memref<!tpu.dma_semaphore, #tpu.memory_space<semaphore_mem>>, %arg37: memref<!tpu.dma_semaphore, #tpu.memory_space<semaphore_mem>>, %arg38: memref<!tpu.dma_semaphore, #tpu.memory_space<semaphore_mem>>, %arg39: memref<!tpu.dma_semaphore, #tpu.memory_space<semaphore_mem>>, %arg40: memref<!tpu.dma_semaphore, #tpu.memory_space<semaphore_mem>>, %arg41: memref<!tpu.dma_semaphore, #tpu.memory_space<semaphore_mem>>) attributes {dimension_semantics = [#tpu.dimension_semantics<core_parallel>, #tpu.dimension_semantics<subcore_parallel>], iteration_bounds = array<i64: 2, 16>, scalar_prefetch = 0 : i64, scratch_operands = 35 : i64, tpu.core_type = #tpu.core_type<sc_vector_subcore>, window_params = [{transform_indices = #map}, {transform_indices = #map}, {transform_indices = #map}, {transform_indices = #map}, {transform_indices = #map1}]} {
    %eq3A = arith.constant 0 : i32
    %eq3A_0 = arith.cmpi eq, %arg0, %eq3A : i32
    %convert_element_type3A = arith.extui %eq3A_0 : i1 to i32
    %cond3A = arith.constant 0 : i32
    %cond3A_1 = arith.cmpi ne, %convert_element_type3A, %cond3A : i32
    scf.if %cond3A_1 {
      %mul3A_22 = arith.constant 80 : i32
      %mul3A_23 = arith.muli %arg1, %mul3A_22 : i32
      "tpu.region"() ({
        %run_scoped3A = tpu.sem_alloc : memref<!tpu.dma_semaphore, #tpu.memory_space<semaphore_mem>>
        %dma_start3A = arith.constant 0 : i32
        %dma_start3A_26 = arith.constant 0 : i32
        %dma_start3A_27 = tpu.memref_slice %arg7[%dma_start3A, %dma_start3A_26] : memref<80x128xi32, #tpu.memory_space<vmem>> -> memref<80x128xi32, #tpu.memory_space<vmem>>
        %dma_start3A_28 = arith.constant 0 : i32
        %dma_start3A_29 = tpu.memref_slice %arg3[%mul3A_23, %dma_start3A_28] : memref<2560x128xi32, #tpu.memory_space<hbm>> -> memref<80x128xi32, #tpu.memory_space<hbm>>
        %dma_start3A_30 = arith.constant 0 : i32
        %dma_start3A_31 = arith.constant 0 : i32
        %dma_start3A_32 = tpu.memref_slice %arg7[%dma_start3A_30, %dma_start3A_31] : memref<80x128xi32, #tpu.memory_space<vmem>> -> memref<80x128xi32, #tpu.memory_space<vmem>>
        %dma_start3A_33 = arith.constant 0 : i32
        %dma_start3A_34 = tpu.memref_slice %arg3[%mul3A_23, %dma_start3A_33] : memref<2560x128xi32, #tpu.memory_space<hbm>> -> memref<80x128xi32, #tpu.memory_space<hbm>>
        tpu.enqueue_dma source(%dma_start3A_34 : memref<80x128xi32, #tpu.memory_space<hbm>>) target(%dma_start3A_32 : memref<80x128xi32, #tpu.memory_space<vmem>>) target_semaphore(%run_scoped3A : memref<!tpu.dma_semaphore, #tpu.memory_space<semaphore_mem>>)
        %dma_wait3A = arith.constant 0 : i32
        %dma_wait3A_35 = arith.constant 0 : i32
        %dma_wait3A_36 = tpu.memref_slice %arg7[%dma_wait3A, %dma_wait3A_35] : memref<80x128xi32, #tpu.memory_space<vmem>> -> memref<80x128xi32, #tpu.memory_space<vmem>>
        %dma_wait3A_37 = arith.constant 0 : i32
        %dma_wait3A_38 = tpu.memref_slice %arg3[%mul3A_23, %dma_wait3A_37] : memref<2560x128xi32, #tpu.memory_space<hbm>> -> memref<80x128xi32, #tpu.memory_space<hbm>>
        %dma_wait3A_39 = arith.constant 0 : i32
        %dma_wait3A_40 = arith.constant 0 : i32
        %dma_wait3A_41 = tpu.memref_slice %arg7[%dma_wait3A_39, %dma_wait3A_40] : memref<80x128xi32, #tpu.memory_space<vmem>> -> memref<80x128xi32, #tpu.memory_space<vmem>>
        %dma_wait3A_42 = arith.constant 0 : i32
        %dma_wait3A_43 = tpu.memref_slice %arg3[%mul3A_23, %dma_wait3A_42] : memref<2560x128xi32, #tpu.memory_space<hbm>> -> memref<80x128xi32, #tpu.memory_space<hbm>>
        tpu.wait_dma2 semaphore(%run_scoped3A : memref<!tpu.dma_semaphore, #tpu.memory_space<semaphore_mem>>) src(%dma_wait3A_43 : memref<80x128xi32, #tpu.memory_space<hbm>>) dst(%dma_wait3A_41 : memref<80x128xi32, #tpu.memory_space<vmem>>)
        tpu.yield
      }) : () -> ()
      %mul3A_24 = arith.constant 80 : i32
      %mul3A_25 = arith.muli %arg1, %mul3A_24 : i32
      "tpu.region"() ({
        %run_scoped3A = tpu.sem_alloc : memref<!tpu.dma_semaphore, #tpu.memory_space<semaphore_mem>>
        %dma_start3A = arith.constant 0 : i32
        %dma_start3A_26 = arith.constant 0 : i32
        %dma_start3A_27 = tpu.memref_slice %arg8[%dma_start3A, %dma_start3A_26] : memref<80x128xi32, #tpu.memory_space<vmem>> -> memref<80x128xi32, #tpu.memory_space<vmem>>
        %dma_start3A_28 = arith.constant 0 : i32
        %dma_start3A_29 = tpu.memref_slice %arg4[%mul3A_25, %dma_start3A_28] : memref<2560x128xi32, #tpu.memory_space<hbm>> -> memref<80x128xi32, #tpu.memory_space<hbm>>
        %dma_start3A_30 = arith.constant 0 : i32
        %dma_start3A_31 = arith.constant 0 : i32
        %dma_start3A_32 = tpu.memref_slice %arg8[%dma_start3A_30, %dma_start3A_31] : memref<80x128xi32, #tpu.memory_space<vmem>> -> memref<80x128xi32, #tpu.memory_space<vmem>>
        %dma_start3A_33 = arith.constant 0 : i32
        %dma_start3A_34 = tpu.memref_slice %arg4[%mul3A_25, %dma_start3A_33] : memref<2560x128xi32, #tpu.memory_space<hbm>> -> memref<80x128xi32, #tpu.memory_space<hbm>>
        tpu.enqueue_dma source(%dma_start3A_34 : memref<80x128xi32, #tpu.memory_space<hbm>>) target(%dma_start3A_32 : memref<80x128xi32, #tpu.memory_space<vmem>>) target_semaphore(%run_scoped3A : memref<!tpu.dma_semaphore, #tpu.memory_space<semaphore_mem>>)
        %dma_wait3A = arith.constant 0 : i32
        %dma_wait3A_35 = arith.constant 0 : i32
        %dma_wait3A_36 = tpu.memref_slice %arg8[%dma_wait3A, %dma_wait3A_35] : memref<80x128xi32, #tpu.memory_space<vmem>> -> memref<80x128xi32, #tpu.memory_space<vmem>>
        %dma_wait3A_37 = arith.constant 0 : i32
        %dma_wait3A_38 = tpu.memref_slice %arg4[%mul3A_25, %dma_wait3A_37] : memref<2560x128xi32, #tpu.memory_space<hbm>> -> memref<80x128xi32, #tpu.memory_space<hbm>>
        %dma_wait3A_39 = arith.constant 0 : i32
        %dma_wait3A_40 = arith.constant 0 : i32
        %dma_wait3A_41 = tpu.memref_slice %arg8[%dma_wait3A_39, %dma_wait3A_40] : memref<80x128xi32, #tpu.memory_space<vmem>> -> memref<80x128xi32, #tpu.memory_space<vmem>>
        %dma_wait3A_42 = arith.constant 0 : i32
        %dma_wait3A_43 = tpu.memref_slice %arg4[%mul3A_25, %dma_wait3A_42] : memref<2560x128xi32, #tpu.memory_space<hbm>> -> memref<80x128xi32, #tpu.memory_space<hbm>>
        tpu.wait_dma2 semaphore(%run_scoped3A : memref<!tpu.dma_semaphore, #tpu.memory_space<semaphore_mem>>) src(%dma_wait3A_43 : memref<80x128xi32, #tpu.memory_space<hbm>>) dst(%dma_wait3A_41 : memref<80x128xi32, #tpu.memory_space<vmem>>)
        tpu.yield
      }) : () -> ()
    } else {
    }
    %ne3A = arith.constant 0 : i32
    %ne3A_2 = arith.cmpi ne, %arg0, %ne3A : i32
    %convert_element_type3A_3 = arith.extui %ne3A_2 : i1 to i32
    %cond3A_4 = arith.constant 0 : i32
    %cond3A_5 = arith.cmpi ne, %convert_element_type3A_3, %cond3A_4 : i32
    scf.if %cond3A_5 {
      %mul3A_22 = arith.constant 80 : i32
      %mul3A_23 = arith.muli %arg1, %mul3A_22 : i32
      %add3A = arith.constant 1280 : i32
      %add3A_24 = arith.addi %add3A, %mul3A_23 : i32
      "tpu.region"() ({
        %run_scoped3A = tpu.sem_alloc : memref<!tpu.dma_semaphore, #tpu.memory_space<semaphore_mem>>
        %dma_start3A = arith.constant 0 : i32
        %dma_start3A_29 = arith.constant 0 : i32
        %dma_start3A_30 = tpu.memref_slice %arg7[%dma_start3A, %dma_start3A_29] : memref<80x128xi32, #tpu.memory_space<vmem>> -> memref<80x128xi32, #tpu.memory_space<vmem>>
        %dma_start3A_31 = arith.constant 0 : i32
        %dma_start3A_32 = tpu.memref_slice %arg3[%add3A_24, %dma_start3A_31] : memref<2560x128xi32, #tpu.memory_space<hbm>> -> memref<80x128xi32, #tpu.memory_space<hbm>>
        %dma_start3A_33 = arith.constant 0 : i32
        %dma_start3A_34 = arith.constant 0 : i32
        %dma_start3A_35 = tpu.memref_slice %arg7[%dma_start3A_33, %dma_start3A_34] : memref<80x128xi32, #tpu.memory_space<vmem>> -> memref<80x128xi32, #tpu.memory_space<vmem>>
        %dma_start3A_36 = arith.constant 0 : i32
        %dma_start3A_37 = tpu.memref_slice %arg3[%add3A_24, %dma_start3A_36] : memref<2560x128xi32, #tpu.memory_space<hbm>> -> memref<80x128xi32, #tpu.memory_space<hbm>>
        tpu.enqueue_dma source(%dma_start3A_37 : memref<80x128xi32, #tpu.memory_space<hbm>>) target(%dma_start3A_35 : memref<80x128xi32, #tpu.memory_space<vmem>>) target_semaphore(%run_scoped3A : memref<!tpu.dma_semaphore, #tpu.memory_space<semaphore_mem>>)
        %dma_wait3A = arith.constant 0 : i32
        %dma_wait3A_38 = arith.constant 0 : i32
        %dma_wait3A_39 = tpu.memref_slice %arg7[%dma_wait3A, %dma_wait3A_38] : memref<80x128xi32, #tpu.memory_space<vmem>> -> memref<80x128xi32, #tpu.memory_space<vmem>>
        %dma_wait3A_40 = arith.constant 0 : i32
        %dma_wait3A_41 = tpu.memref_slice %arg3[%add3A_24, %dma_wait3A_40] : memref<2560x128xi32, #tpu.memory_space<hbm>> -> memref<80x128xi32, #tpu.memory_space<hbm>>
        %dma_wait3A_42 = arith.constant 0 : i32
        %dma_wait3A_43 = arith.constant 0 : i32
        %dma_wait3A_44 = tpu.memref_slice %arg7[%dma_wait3A_42, %dma_wait3A_43] : memref<80x128xi32, #tpu.memory_space<vmem>> -> memref<80x128xi32, #tpu.memory_space<vmem>>
        %dma_wait3A_45 = arith.constant 0 : i32
        %dma_wait3A_46 = tpu.memref_slice %arg3[%add3A_24, %dma_wait3A_45] : memref<2560x128xi32, #tpu.memory_space<hbm>> -> memref<80x128xi32, #tpu.memory_space<hbm>>
        tpu.wait_dma2 semaphore(%run_scoped3A : memref<!tpu.dma_semaphore, #tpu.memory_space<semaphore_mem>>) src(%dma_wait3A_46 : memref<80x128xi32, #tpu.memory_space<hbm>>) dst(%dma_wait3A_44 : memref<80x128xi32, #tpu.memory_space<vmem>>)
        tpu.yield
      }) : () -> ()
      %mul3A_25 = arith.constant 80 : i32
      %mul3A_26 = arith.muli %arg1, %mul3A_25 : i32
      %add3A_27 = arith.constant 1280 : i32
      %add3A_28 = arith.addi %add3A_27, %mul3A_26 : i32
      "tpu.region"() ({
        %run_scoped3A = tpu.sem_alloc : memref<!tpu.dma_semaphore, #tpu.memory_space<semaphore_mem>>
        %dma_start3A = arith.constant 0 : i32
        %dma_start3A_29 = arith.constant 0 : i32
        %dma_start3A_30 = tpu.memref_slice %arg8[%dma_start3A, %dma_start3A_29] : memref<80x128xi32, #tpu.memory_space<vmem>> -> memref<80x128xi32, #tpu.memory_space<vmem>>
        %dma_start3A_31 = arith.constant 0 : i32
        %dma_start3A_32 = tpu.memref_slice %arg4[%add3A_28, %dma_start3A_31] : memref<2560x128xi32, #tpu.memory_space<hbm>> -> memref<80x128xi32, #tpu.memory_space<hbm>>
        %dma_start3A_33 = arith.constant 0 : i32
        %dma_start3A_34 = arith.constant 0 : i32
        %dma_start3A_35 = tpu.memref_slice %arg8[%dma_start3A_33, %dma_start3A_34] : memref<80x128xi32, #tpu.memory_space<vmem>> -> memref<80x128xi32, #tpu.memory_space<vmem>>
        %dma_start3A_36 = arith.constant 0 : i32
        %dma_start3A_37 = tpu.memref_slice %arg4[%add3A_28, %dma_start3A_36] : memref<2560x128xi32, #tpu.memory_space<hbm>> -> memref<80x128xi32, #tpu.memory_space<hbm>>
        tpu.enqueue_dma source(%dma_start3A_37 : memref<80x128xi32, #tpu.memory_space<hbm>>) target(%dma_start3A_35 : memref<80x128xi32, #tpu.memory_space<vmem>>) target_semaphore(%run_scoped3A : memref<!tpu.dma_semaphore, #tpu.memory_space<semaphore_mem>>)
        %dma_wait3A = arith.constant 0 : i32
        %dma_wait3A_38 = arith.constant 0 : i32
        %dma_wait3A_39 = tpu.memref_slice %arg8[%dma_wait3A, %dma_wait3A_38] : memref<80x128xi32, #tpu.memory_space<vmem>> -> memref<80x128xi32, #tpu.memory_space<vmem>>
        %dma_wait3A_40 = arith.constant 0 : i32
        %dma_wait3A_41 = tpu.memref_slice %arg4[%add3A_28, %dma_wait3A_40] : memref<2560x128xi32, #tpu.memory_space<hbm>> -> memref<80x128xi32, #tpu.memory_space<hbm>>
        %dma_wait3A_42 = arith.constant 0 : i32
        %dma_wait3A_43 = arith.constant 0 : i32
        %dma_wait3A_44 = tpu.memref_slice %arg8[%dma_wait3A_42, %dma_wait3A_43] : memref<80x128xi32, #tpu.memory_space<vmem>> -> memref<80x128xi32, #tpu.memory_space<vmem>>
        %dma_wait3A_45 = arith.constant 0 : i32
        %dma_wait3A_46 = tpu.memref_slice %arg4[%add3A_28, %dma_wait3A_45] : memref<2560x128xi32, #tpu.memory_space<hbm>> -> memref<80x128xi32, #tpu.memory_space<hbm>>
        tpu.wait_dma2 semaphore(%run_scoped3A : memref<!tpu.dma_semaphore, #tpu.memory_space<semaphore_mem>>) src(%dma_wait3A_46 : memref<80x128xi32, #tpu.memory_space<hbm>>) dst(%dma_wait3A_44 : memref<80x128xi32, #tpu.memory_space<vmem>>)
        tpu.yield
      }) : () -> ()
    } else {
    }
    %mul3A = arith.constant 640 : i32
    %mul3A_6 = arith.muli %arg1, %mul3A : i32
    "tpu.region"() ({
      %run_scoped3A = tpu.sem_alloc : memref<!tpu.dma_semaphore, #tpu.memory_space<semaphore_mem>>
      %dma_start3A = arith.constant 0 : i32
      %dma_start3A_22 = tpu.memref_slice %arg25[%mul3A_6, %dma_start3A] : memref<10240x32xbf16, #tpu.memory_space<vmem_shared>> -> memref<640x32xbf16, #tpu.memory_space<vmem_shared>>
      tpu.enqueue_dma source(%arg5 : memref<640x32xbf16, #tpu.memory_space<hbm>>) target(%dma_start3A_22 : memref<640x32xbf16, #tpu.memory_space<vmem_shared>>) target_semaphore(%run_scoped3A : memref<!tpu.dma_semaphore, #tpu.memory_space<semaphore_mem>>)
      %dma_wait3A = arith.constant 0 : i32
      %dma_wait3A_23 = tpu.memref_slice %arg25[%mul3A_6, %dma_wait3A] : memref<10240x32xbf16, #tpu.memory_space<vmem_shared>> -> memref<640x32xbf16, #tpu.memory_space<vmem_shared>>
      tpu.wait_dma2 semaphore(%run_scoped3A : memref<!tpu.dma_semaphore, #tpu.memory_space<semaphore_mem>>) src(%arg5 : memref<640x32xbf16, #tpu.memory_space<hbm>>) dst(%dma_wait3A_23 : memref<640x32xbf16, #tpu.memory_space<vmem_shared>>)
      tpu.yield
    }) : () -> ()
    %barrier3A = arith.constant 0 : index
    tpu.barrier barrier_id(%barrier3A)
    %eq3A_7 = arith.constant 0 : i32
    %eq3A_8 = arith.cmpi eq, %arg0, %eq3A_7 : i32
    %convert_element_type3A_9 = arith.extui %eq3A_8 : i1 to i32
    %cond3A_10 = arith.constant 0 : i32
    %cond3A_11 = arith.cmpi ne, %convert_element_type3A_9, %cond3A_10 : i32
    scf.if %cond3A_11 {
      %scan3A = arith.constant 0 : i32
      %scan3A_22 = arith.constant 0 : i32
      %scan3A_23 = arith.constant 5 : i32
      %scan3A_24 = arith.addi %scan3A_22, %scan3A_23 : i32
      %scan3A_25 = arith.constant 1 : i32
      scf.for %scan3A_27 = %scan3A_22 to %scan3A_24 step %scan3A_25  : i32 {
        %mul3A_28 = arith.constant 16 : i32
        %mul3A_29 = arith.muli %scan3A_27, %mul3A_28 : i32
        %add3A = arith.constant 0 : i32
        %add3A_30 = arith.addi %mul3A_29, %add3A : i32
        %dma_start3A = arith.constant 0 : i32
        %dma_start3A_31 = tpu.memref_slice %arg7[%add3A_30, %dma_start3A] : memref<80x128xi32, #tpu.memory_space<vmem>> -> memref<1x128xi32, #tpu.memory_space<vmem>>
        %dma_start3A_32 = tpu.memref_squeeze %dma_start3A_31 : memref<1x128xi32, #tpu.memory_space<vmem>> -> memref<128xi32, #tpu.memory_space<vmem>>
        %dma_start3A_33 = arith.constant 0 : i32
        %dma_start3A_34 = arith.constant 0 : i32
        %dma_start3A_35 = tpu.memref_slice %arg2[%dma_start3A_33, %dma_start3A_34] : memref<10000x32xbf16, #tpu.memory_space<hbm>> -> memref<10000x32xbf16, #tpu.memory_space<hbm>>
        tpu.enqueue_indirect_dma source(%dma_start3A_35 : memref<10000x32xbf16, #tpu.memory_space<hbm>>) target(%arg9 : memref<128x32xbf16, #tpu.memory_space<vmem>>) offsets(%dma_start3A_32 : memref<128xi32, #tpu.memory_space<vmem>>) semaphore(%arg26 : memref<!tpu.dma_semaphore, #tpu.memory_space<semaphore_mem>>)
        %add3A_36 = arith.constant 1 : i32
        %add3A_37 = arith.addi %mul3A_29, %add3A_36 : i32
        %dma_start3A_38 = arith.constant 0 : i32
        %dma_start3A_39 = tpu.memref_slice %arg7[%add3A_37, %dma_start3A_38] : memref<80x128xi32, #tpu.memory_space<vmem>> -> memref<1x128xi32, #tpu.memory_space<vmem>>
        %dma_start3A_40 = tpu.memref_squeeze %dma_start3A_39 : memref<1x128xi32, #tpu.memory_space<vmem>> -> memref<128xi32, #tpu.memory_space<vmem>>
        %dma_start3A_41 = arith.constant 0 : i32
        %dma_start3A_42 = arith.constant 0 : i32
        %dma_start3A_43 = tpu.memref_slice %arg2[%dma_start3A_41, %dma_start3A_42] : memref<10000x32xbf16, #tpu.memory_space<hbm>> -> memref<10000x32xbf16, #tpu.memory_space<hbm>>
        tpu.enqueue_indirect_dma source(%dma_start3A_43 : memref<10000x32xbf16, #tpu.memory_space<hbm>>) target(%arg10 : memref<128x32xbf16, #tpu.memory_space<vmem>>) offsets(%dma_start3A_40 : memref<128xi32, #tpu.memory_space<vmem>>) semaphore(%arg27 : memref<!tpu.dma_semaphore, #tpu.memory_space<semaphore_mem>>)
        %add3A_44 = arith.constant 2 : i32
        %add3A_45 = arith.addi %mul3A_29, %add3A_44 : i32
        %dma_start3A_46 = arith.constant 0 : i32
        %dma_start3A_47 = tpu.memref_slice %arg7[%add3A_45, %dma_start3A_46] : memref<80x128xi32, #tpu.memory_space<vmem>> -> memref<1x128xi32, #tpu.memory_space<vmem>>
        %dma_start3A_48 = tpu.memref_squeeze %dma_start3A_47 : memref<1x128xi32, #tpu.memory_space<vmem>> -> memref<128xi32, #tpu.memory_space<vmem>>
        %dma_start3A_49 = arith.constant 0 : i32
        %dma_start3A_50 = arith.constant 0 : i32
        %dma_start3A_51 = tpu.memref_slice %arg2[%dma_start3A_49, %dma_start3A_50] : memref<10000x32xbf16, #tpu.memory_space<hbm>> -> memref<10000x32xbf16, #tpu.memory_space<hbm>>
        tpu.enqueue_indirect_dma source(%dma_start3A_51 : memref<10000x32xbf16, #tpu.memory_space<hbm>>) target(%arg11 : memref<128x32xbf16, #tpu.memory_space<vmem>>) offsets(%dma_start3A_48 : memref<128xi32, #tpu.memory_space<vmem>>) semaphore(%arg28 : memref<!tpu.dma_semaphore, #tpu.memory_space<semaphore_mem>>)
        %add3A_52 = arith.constant 3 : i32
        %add3A_53 = arith.addi %mul3A_29, %add3A_52 : i32
        %dma_start3A_54 = arith.constant 0 : i32
        %dma_start3A_55 = tpu.memref_slice %arg7[%add3A_53, %dma_start3A_54] : memref<80x128xi32, #tpu.memory_space<vmem>> -> memref<1x128xi32, #tpu.memory_space<vmem>>
        %dma_start3A_56 = tpu.memref_squeeze %dma_start3A_55 : memref<1x128xi32, #tpu.memory_space<vmem>> -> memref<128xi32, #tpu.memory_space<vmem>>
        %dma_start3A_57 = arith.constant 0 : i32
        %dma_start3A_58 = arith.constant 0 : i32
        %dma_start3A_59 = tpu.memref_slice %arg2[%dma_start3A_57, %dma_start3A_58] : memref<10000x32xbf16, #tpu.memory_space<hbm>> -> memref<10000x32xbf16, #tpu.memory_space<hbm>>
        tpu.enqueue_indirect_dma source(%dma_start3A_59 : memref<10000x32xbf16, #tpu.memory_space<hbm>>) target(%arg12 : memref<128x32xbf16, #tpu.memory_space<vmem>>) offsets(%dma_start3A_56 : memref<128xi32, #tpu.memory_space<vmem>>) semaphore(%arg29 : memref<!tpu.dma_semaphore, #tpu.memory_space<semaphore_mem>>)
        %add3A_60 = arith.constant 4 : i32
        %add3A_61 = arith.addi %mul3A_29, %add3A_60 : i32
        %dma_start3A_62 = arith.constant 0 : i32
        %dma_start3A_63 = tpu.memref_slice %arg7[%add3A_61, %dma_start3A_62] : memref<80x128xi32, #tpu.memory_space<vmem>> -> memref<1x128xi32, #tpu.memory_space<vmem>>
        %dma_start3A_64 = tpu.memref_squeeze %dma_start3A_63 : memref<1x128xi32, #tpu.memory_space<vmem>> -> memref<128xi32, #tpu.memory_space<vmem>>
        %dma_start3A_65 = arith.constant 0 : i32
        %dma_start3A_66 = arith.constant 0 : i32
        %dma_start3A_67 = tpu.memref_slice %arg2[%dma_start3A_65, %dma_start3A_66] : memref<10000x32xbf16, #tpu.memory_space<hbm>> -> memref<10000x32xbf16, #tpu.memory_space<hbm>>
        tpu.enqueue_indirect_dma source(%dma_start3A_67 : memref<10000x32xbf16, #tpu.memory_space<hbm>>) target(%arg13 : memref<128x32xbf16, #tpu.memory_space<vmem>>) offsets(%dma_start3A_64 : memref<128xi32, #tpu.memory_space<vmem>>) semaphore(%arg30 : memref<!tpu.dma_semaphore, #tpu.memory_space<semaphore_mem>>)
        %add3A_68 = arith.constant 5 : i32
        %add3A_69 = arith.addi %mul3A_29, %add3A_68 : i32
        %dma_start3A_70 = arith.constant 0 : i32
        %dma_start3A_71 = tpu.memref_slice %arg7[%add3A_69, %dma_start3A_70] : memref<80x128xi32, #tpu.memory_space<vmem>> -> memref<1x128xi32, #tpu.memory_space<vmem>>
        %dma_start3A_72 = tpu.memref_squeeze %dma_start3A_71 : memref<1x128xi32, #tpu.memory_space<vmem>> -> memref<128xi32, #tpu.memory_space<vmem>>
        %dma_start3A_73 = arith.constant 0 : i32
        %dma_start3A_74 = arith.constant 0 : i32
        %dma_start3A_75 = tpu.memref_slice %arg2[%dma_start3A_73, %dma_start3A_74] : memref<10000x32xbf16, #tpu.memory_space<hbm>> -> memref<10000x32xbf16, #tpu.memory_space<hbm>>
        tpu.enqueue_indirect_dma source(%dma_start3A_75 : memref<10000x32xbf16, #tpu.memory_space<hbm>>) target(%arg14 : memref<128x32xbf16, #tpu.memory_space<vmem>>) offsets(%dma_start3A_72 : memref<128xi32, #tpu.memory_space<vmem>>) semaphore(%arg31 : memref<!tpu.dma_semaphore, #tpu.memory_space<semaphore_mem>>)
        %add3A_76 = arith.constant 6 : i32
        %add3A_77 = arith.addi %mul3A_29, %add3A_76 : i32
        %dma_start3A_78 = arith.constant 0 : i32
        %dma_start3A_79 = tpu.memref_slice %arg7[%add3A_77, %dma_start3A_78] : memref<80x128xi32, #tpu.memory_space<vmem>> -> memref<1x128xi32, #tpu.memory_space<vmem>>
        %dma_start3A_80 = tpu.memref_squeeze %dma_start3A_79 : memref<1x128xi32, #tpu.memory_space<vmem>> -> memref<128xi32, #tpu.memory_space<vmem>>
        %dma_start3A_81 = arith.constant 0 : i32
        %dma_start3A_82 = arith.constant 0 : i32
        %dma_start3A_83 = tpu.memref_slice %arg2[%dma_start3A_81, %dma_start3A_82] : memref<10000x32xbf16, #tpu.memory_space<hbm>> -> memref<10000x32xbf16, #tpu.memory_space<hbm>>
        tpu.enqueue_indirect_dma source(%dma_start3A_83 : memref<10000x32xbf16, #tpu.memory_space<hbm>>) target(%arg15 : memref<128x32xbf16, #tpu.memory_space<vmem>>) offsets(%dma_start3A_80 : memref<128xi32, #tpu.memory_space<vmem>>) semaphore(%arg32 : memref<!tpu.dma_semaphore, #tpu.memory_space<semaphore_mem>>)
        %add3A_84 = arith.constant 7 : i32
        %add3A_85 = arith.addi %mul3A_29, %add3A_84 : i32
        %dma_start3A_86 = arith.constant 0 : i32
        %dma_start3A_87 = tpu.memref_slice %arg7[%add3A_85, %dma_start3A_86] : memref<80x128xi32, #tpu.memory_space<vmem>> -> memref<1x128xi32, #tpu.memory_space<vmem>>
        %dma_start3A_88 = tpu.memref_squeeze %dma_start3A_87 : memref<1x128xi32, #tpu.memory_space<vmem>> -> memref<128xi32, #tpu.memory_space<vmem>>
        %dma_start3A_89 = arith.constant 0 : i32
        %dma_start3A_90 = arith.constant 0 : i32
        %dma_start3A_91 = tpu.memref_slice %arg2[%dma_start3A_89, %dma_start3A_90] : memref<10000x32xbf16, #tpu.memory_space<hbm>> -> memref<10000x32xbf16, #tpu.memory_space<hbm>>
        tpu.enqueue_indirect_dma source(%dma_start3A_91 : memref<10000x32xbf16, #tpu.memory_space<hbm>>) target(%arg16 : memref<128x32xbf16, #tpu.memory_space<vmem>>) offsets(%dma_start3A_88 : memref<128xi32, #tpu.memory_space<vmem>>) semaphore(%arg33 : memref<!tpu.dma_semaphore, #tpu.memory_space<semaphore_mem>>)
        %add3A_92 = arith.constant 8 : i32
        %add3A_93 = arith.addi %mul3A_29, %add3A_92 : i32
        %dma_start3A_94 = arith.constant 0 : i32
        %dma_start3A_95 = tpu.memref_slice %arg7[%add3A_93, %dma_start3A_94] : memref<80x128xi32, #tpu.memory_space<vmem>> -> memref<1x128xi32, #tpu.memory_space<vmem>>
        %dma_start3A_96 = tpu.memref_squeeze %dma_start3A_95 : memref<1x128xi32, #tpu.memory_space<vmem>> -> memref<128xi32, #tpu.memory_space<vmem>>
        %dma_start3A_97 = arith.constant 0 : i32
        %dma_start3A_98 = arith.constant 0 : i32
        %dma_start3A_99 = tpu.memref_slice %arg2[%dma_start3A_97, %dma_start3A_98] : memref<10000x32xbf16, #tpu.memory_space<hbm>> -> memref<10000x32xbf16, #tpu.memory_space<hbm>>
        tpu.enqueue_indirect_dma source(%dma_start3A_99 : memref<10000x32xbf16, #tpu.memory_space<hbm>>) target(%arg17 : memref<128x32xbf16, #tpu.memory_space<vmem>>) offsets(%dma_start3A_96 : memref<128xi32, #tpu.memory_space<vmem>>) semaphore(%arg34 : memref<!tpu.dma_semaphore, #tpu.memory_space<semaphore_mem>>)
        %add3A_100 = arith.constant 9 : i32
        %add3A_101 = arith.addi %mul3A_29, %add3A_100 : i32
        %dma_start3A_102 = arith.constant 0 : i32
        %dma_start3A_103 = tpu.memref_slice %arg7[%add3A_101, %dma_start3A_102] : memref<80x128xi32, #tpu.memory_space<vmem>> -> memref<1x128xi32, #tpu.memory_space<vmem>>
        %dma_start3A_104 = tpu.memref_squeeze %dma_start3A_103 : memref<1x128xi32, #tpu.memory_space<vmem>> -> memref<128xi32, #tpu.memory_space<vmem>>
        %dma_start3A_105 = arith.constant 0 : i32
        %dma_start3A_106 = arith.constant 0 : i32
        %dma_start3A_107 = tpu.memref_slice %arg2[%dma_start3A_105, %dma_start3A_106] : memref<10000x32xbf16, #tpu.memory_space<hbm>> -> memref<10000x32xbf16, #tpu.memory_space<hbm>>
        tpu.enqueue_indirect_dma source(%dma_start3A_107 : memref<10000x32xbf16, #tpu.memory_space<hbm>>) target(%arg18 : memref<128x32xbf16, #tpu.memory_space<vmem>>) offsets(%dma_start3A_104 : memref<128xi32, #tpu.memory_space<vmem>>) semaphore(%arg35 : memref<!tpu.dma_semaphore, #tpu.memory_space<semaphore_mem>>)
        %add3A_108 = arith.constant 10 : i32
        %add3A_109 = arith.addi %mul3A_29, %add3A_108 : i32
        %dma_start3A_110 = arith.constant 0 : i32
        %dma_start3A_111 = tpu.memref_slice %arg7[%add3A_109, %dma_start3A_110] : memref<80x128xi32, #tpu.memory_space<vmem>> -> memref<1x128xi32, #tpu.memory_space<vmem>>
        %dma_start3A_112 = tpu.memref_squeeze %dma_start3A_111 : memref<1x128xi32, #tpu.memory_space<vmem>> -> memref<128xi32, #tpu.memory_space<vmem>>
        %dma_start3A_113 = arith.constant 0 : i32
        %dma_start3A_114 = arith.constant 0 : i32
        %dma_start3A_115 = tpu.memref_slice %arg2[%dma_start3A_113, %dma_start3A_114] : memref<10000x32xbf16, #tpu.memory_space<hbm>> -> memref<10000x32xbf16, #tpu.memory_space<hbm>>
        tpu.enqueue_indirect_dma source(%dma_start3A_115 : memref<10000x32xbf16, #tpu.memory_space<hbm>>) target(%arg19 : memref<128x32xbf16, #tpu.memory_space<vmem>>) offsets(%dma_start3A_112 : memref<128xi32, #tpu.memory_space<vmem>>) semaphore(%arg36 : memref<!tpu.dma_semaphore, #tpu.memory_space<semaphore_mem>>)
        %add3A_116 = arith.constant 11 : i32
        %add3A_117 = arith.addi %mul3A_29, %add3A_116 : i32
        %dma_start3A_118 = arith.constant 0 : i32
        %dma_start3A_119 = tpu.memref_slice %arg7[%add3A_117, %dma_start3A_118] : memref<80x128xi32, #tpu.memory_space<vmem>> -> memref<1x128xi32, #tpu.memory_space<vmem>>
        %dma_start3A_120 = tpu.memref_squeeze %dma_start3A_119 : memref<1x128xi32, #tpu.memory_space<vmem>> -> memref<128xi32, #tpu.memory_space<vmem>>
        %dma_start3A_121 = arith.constant 0 : i32
        %dma_start3A_122 = arith.constant 0 : i32
        %dma_start3A_123 = tpu.memref_slice %arg2[%dma_start3A_121, %dma_start3A_122] : memref<10000x32xbf16, #tpu.memory_space<hbm>> -> memref<10000x32xbf16, #tpu.memory_space<hbm>>
        tpu.enqueue_indirect_dma source(%dma_start3A_123 : memref<10000x32xbf16, #tpu.memory_space<hbm>>) target(%arg20 : memref<128x32xbf16, #tpu.memory_space<vmem>>) offsets(%dma_start3A_120 : memref<128xi32, #tpu.memory_space<vmem>>) semaphore(%arg37 : memref<!tpu.dma_semaphore, #tpu.memory_space<semaphore_mem>>)
        %add3A_124 = arith.constant 12 : i32
        %add3A_125 = arith.addi %mul3A_29, %add3A_124 : i32
        %dma_start3A_126 = arith.constant 0 : i32
        %dma_start3A_127 = tpu.memref_slice %arg7[%add3A_125, %dma_start3A_126] : memref<80x128xi32, #tpu.memory_space<vmem>> -> memref<1x128xi32, #tpu.memory_space<vmem>>
        %dma_start3A_128 = tpu.memref_squeeze %dma_start3A_127 : memref<1x128xi32, #tpu.memory_space<vmem>> -> memref<128xi32, #tpu.memory_space<vmem>>
        %dma_start3A_129 = arith.constant 0 : i32
        %dma_start3A_130 = arith.constant 0 : i32
        %dma_start3A_131 = tpu.memref_slice %arg2[%dma_start3A_129, %dma_start3A_130] : memref<10000x32xbf16, #tpu.memory_space<hbm>> -> memref<10000x32xbf16, #tpu.memory_space<hbm>>
        tpu.enqueue_indirect_dma source(%dma_start3A_131 : memref<10000x32xbf16, #tpu.memory_space<hbm>>) target(%arg21 : memref<128x32xbf16, #tpu.memory_space<vmem>>) offsets(%dma_start3A_128 : memref<128xi32, #tpu.memory_space<vmem>>) semaphore(%arg38 : memref<!tpu.dma_semaphore, #tpu.memory_space<semaphore_mem>>)
        %add3A_132 = arith.constant 13 : i32
        %add3A_133 = arith.addi %mul3A_29, %add3A_132 : i32
        %dma_start3A_134 = arith.constant 0 : i32
        %dma_start3A_135 = tpu.memref_slice %arg7[%add3A_133, %dma_start3A_134] : memref<80x128xi32, #tpu.memory_space<vmem>> -> memref<1x128xi32, #tpu.memory_space<vmem>>
        %dma_start3A_136 = tpu.memref_squeeze %dma_start3A_135 : memref<1x128xi32, #tpu.memory_space<vmem>> -> memref<128xi32, #tpu.memory_space<vmem>>
        %dma_start3A_137 = arith.constant 0 : i32
        %dma_start3A_138 = arith.constant 0 : i32
        %dma_start3A_139 = tpu.memref_slice %arg2[%dma_start3A_137, %dma_start3A_138] : memref<10000x32xbf16, #tpu.memory_space<hbm>> -> memref<10000x32xbf16, #tpu.memory_space<hbm>>
        tpu.enqueue_indirect_dma source(%dma_start3A_139 : memref<10000x32xbf16, #tpu.memory_space<hbm>>) target(%arg22 : memref<128x32xbf16, #tpu.memory_space<vmem>>) offsets(%dma_start3A_136 : memref<128xi32, #tpu.memory_space<vmem>>) semaphore(%arg39 : memref<!tpu.dma_semaphore, #tpu.memory_space<semaphore_mem>>)
        %add3A_140 = arith.constant 14 : i32
        %add3A_141 = arith.addi %mul3A_29, %add3A_140 : i32
        %dma_start3A_142 = arith.constant 0 : i32
        %dma_start3A_143 = tpu.memref_slice %arg7[%add3A_141, %dma_start3A_142] : memref<80x128xi32, #tpu.memory_space<vmem>> -> memref<1x128xi32, #tpu.memory_space<vmem>>
        %dma_start3A_144 = tpu.memref_squeeze %dma_start3A_143 : memref<1x128xi32, #tpu.memory_space<vmem>> -> memref<128xi32, #tpu.memory_space<vmem>>
        %dma_start3A_145 = arith.constant 0 : i32
        %dma_start3A_146 = arith.constant 0 : i32
        %dma_start3A_147 = tpu.memref_slice %arg2[%dma_start3A_145, %dma_start3A_146] : memref<10000x32xbf16, #tpu.memory_space<hbm>> -> memref<10000x32xbf16, #tpu.memory_space<hbm>>
        tpu.enqueue_indirect_dma source(%dma_start3A_147 : memref<10000x32xbf16, #tpu.memory_space<hbm>>) target(%arg23 : memref<128x32xbf16, #tpu.memory_space<vmem>>) offsets(%dma_start3A_144 : memref<128xi32, #tpu.memory_space<vmem>>) semaphore(%arg40 : memref<!tpu.dma_semaphore, #tpu.memory_space<semaphore_mem>>)
        %add3A_148 = arith.constant 15 : i32
        %add3A_149 = arith.addi %mul3A_29, %add3A_148 : i32
        %dma_start3A_150 = arith.constant 0 : i32
        %dma_start3A_151 = tpu.memref_slice %arg7[%add3A_149, %dma_start3A_150] : memref<80x128xi32, #tpu.memory_space<vmem>> -> memref<1x128xi32, #tpu.memory_space<vmem>>
        %dma_start3A_152 = tpu.memref_squeeze %dma_start3A_151 : memref<1x128xi32, #tpu.memory_space<vmem>> -> memref<128xi32, #tpu.memory_space<vmem>>
        %dma_start3A_153 = arith.constant 0 : i32
        %dma_start3A_154 = arith.constant 0 : i32
        %dma_start3A_155 = tpu.memref_slice %arg2[%dma_start3A_153, %dma_start3A_154] : memref<10000x32xbf16, #tpu.memory_space<hbm>> -> memref<10000x32xbf16, #tpu.memory_space<hbm>>
        tpu.enqueue_indirect_dma source(%dma_start3A_155 : memref<10000x32xbf16, #tpu.memory_space<hbm>>) target(%arg24 : memref<128x32xbf16, #tpu.memory_space<vmem>>) offsets(%dma_start3A_152 : memref<128xi32, #tpu.memory_space<vmem>>) semaphore(%arg41 : memref<!tpu.dma_semaphore, #tpu.memory_space<semaphore_mem>>)
        %dma_wait3A = arith.constant 0 : i32
        %dma_wait3A_156 = tpu.memref_slice %arg7[%add3A_30, %dma_wait3A] : memref<80x128xi32, #tpu.memory_space<vmem>> -> memref<1x128xi32, #tpu.memory_space<vmem>>
        %dma_wait3A_157 = tpu.memref_squeeze %dma_wait3A_156 : memref<1x128xi32, #tpu.memory_space<vmem>> -> memref<128xi32, #tpu.memory_space<vmem>>
        %dma_wait3A_158 = arith.constant 0 : i32
        %dma_wait3A_159 = arith.constant 0 : i32
        %dma_wait3A_160 = tpu.memref_slice %arg2[%dma_wait3A_158, %dma_wait3A_159] : memref<10000x32xbf16, #tpu.memory_space<hbm>> -> memref<10000x32xbf16, #tpu.memory_space<hbm>>
        tpu.wait_indirect_dma semaphore(%arg26 : memref<!tpu.dma_semaphore, #tpu.memory_space<semaphore_mem>>) src(%dma_wait3A_160 : memref<10000x32xbf16, #tpu.memory_space<hbm>>) dst(%arg9 : memref<128x32xbf16, #tpu.memory_space<vmem>>)
        %add3A_161 = arith.constant 0 : i32
        %add3A_162 = arith.addi %mul3A_29, %add3A_161 : i32
        "tpu.region"() ({
          %run_scoped3A = tpu.sem_alloc : memref<!tpu.dma_semaphore, #tpu.memory_space<semaphore_mem>>
          %dma_start3A_283 = arith.constant 0 : i32
          %dma_start3A_284 = tpu.memref_slice %arg8[%add3A_162, %dma_start3A_283] : memref<80x128xi32, #tpu.memory_space<vmem>> -> memref<1x128xi32, #tpu.memory_space<vmem>>
          %dma_start3A_285 = tpu.memref_squeeze %dma_start3A_284 : memref<1x128xi32, #tpu.memory_space<vmem>> -> memref<128xi32, #tpu.memory_space<vmem>>
          %dma_start3A_286 = arith.constant 0 : i32
          %dma_start3A_287 = arith.constant 0 : i32
          %dma_start3A_288 = tpu.memref_slice %arg25[%dma_start3A_286, %dma_start3A_287] : memref<10240x32xbf16, #tpu.memory_space<vmem_shared>> -> memref<10240x32xbf16, #tpu.memory_space<vmem_shared>>
          tpu.enqueue_indirect_dma source(%arg9 : memref<128x32xbf16, #tpu.memory_space<vmem>>) target(%dma_start3A_288 : memref<10240x32xbf16, #tpu.memory_space<vmem_shared>>) offsets(%dma_start3A_285 : memref<128xi32, #tpu.memory_space<vmem>>) semaphore(%run_scoped3A : memref<!tpu.dma_semaphore, #tpu.memory_space<semaphore_mem>>) {add = true}
          %dma_wait3A_289 = arith.constant 0 : i32
          %dma_wait3A_290 = tpu.memref_slice %arg8[%add3A_162, %dma_wait3A_289] : memref<80x128xi32, #tpu.memory_space<vmem>> -> memref<1x128xi32, #tpu.memory_space<vmem>>
          %dma_wait3A_291 = tpu.memref_squeeze %dma_wait3A_290 : memref<1x128xi32, #tpu.memory_space<vmem>> -> memref<128xi32, #tpu.memory_space<vmem>>
          %dma_wait3A_292 = arith.constant 0 : i32
          %dma_wait3A_293 = arith.constant 0 : i32
          %dma_wait3A_294 = tpu.memref_slice %arg25[%dma_wait3A_292, %dma_wait3A_293] : memref<10240x32xbf16, #tpu.memory_space<vmem_shared>> -> memref<10240x32xbf16, #tpu.memory_space<vmem_shared>>
          tpu.wait_indirect_dma semaphore(%run_scoped3A : memref<!tpu.dma_semaphore, #tpu.memory_space<semaphore_mem>>) src(%arg9 : memref<128x32xbf16, #tpu.memory_space<vmem>>) dst(%dma_wait3A_294 : memref<10240x32xbf16, #tpu.memory_space<vmem_shared>>)
          tpu.yield
        }) : () -> ()
        %dma_wait3A_163 = arith.constant 0 : i32
        %dma_wait3A_164 = tpu.memref_slice %arg7[%add3A_37, %dma_wait3A_163] : memref<80x128xi32, #tpu.memory_space<vmem>> -> memref<1x128xi32, #tpu.memory_space<vmem>>
        %dma_wait3A_165 = tpu.memref_squeeze %dma_wait3A_164 : memref<1x128xi32, #tpu.memory_space<vmem>> -> memref<128xi32, #tpu.memory_space<vmem>>
        %dma_wait3A_166 = arith.constant 0 : i32
        %dma_wait3A_167 = arith.constant 0 : i32
        %dma_wait3A_168 = tpu.memref_slice %arg2[%dma_wait3A_166, %dma_wait3A_167] : memref<10000x32xbf16, #tpu.memory_space<hbm>> -> memref<10000x32xbf16, #tpu.memory_space<hbm>>
        tpu.wait_indirect_dma semaphore(%arg27 : memref<!tpu.dma_semaphore, #tpu.memory_space<semaphore_mem>>) src(%dma_wait3A_168 : memref<10000x32xbf16, #tpu.memory_space<hbm>>) dst(%arg10 : memref<128x32xbf16, #tpu.memory_space<vmem>>)
        %add3A_169 = arith.constant 1 : i32
        %add3A_170 = arith.addi %mul3A_29, %add3A_169 : i32
        "tpu.region"() ({
          %run_scoped3A = tpu.sem_alloc : memref<!tpu.dma_semaphore, #tpu.memory_space<semaphore_mem>>
          %dma_start3A_283 = arith.constant 0 : i32
          %dma_start3A_284 = tpu.memref_slice %arg8[%add3A_170, %dma_start3A_283] : memref<80x128xi32, #tpu.memory_space<vmem>> -> memref<1x128xi32, #tpu.memory_space<vmem>>
          %dma_start3A_285 = tpu.memref_squeeze %dma_start3A_284 : memref<1x128xi32, #tpu.memory_space<vmem>> -> memref<128xi32, #tpu.memory_space<vmem>>
          %dma_start3A_286 = arith.constant 0 : i32
          %dma_start3A_287 = arith.constant 0 : i32
          %dma_start3A_288 = tpu.memref_slice %arg25[%dma_start3A_286, %dma_start3A_287] : memref<10240x32xbf16, #tpu.memory_space<vmem_shared>> -> memref<10240x32xbf16, #tpu.memory_space<vmem_shared>>
          tpu.enqueue_indirect_dma source(%arg10 : memref<128x32xbf16, #tpu.memory_space<vmem>>) target(%dma_start3A_288 : memref<10240x32xbf16, #tpu.memory_space<vmem_shared>>) offsets(%dma_start3A_285 : memref<128xi32, #tpu.memory_space<vmem>>) semaphore(%run_scoped3A : memref<!tpu.dma_semaphore, #tpu.memory_space<semaphore_mem>>) {add = true}
          %dma_wait3A_289 = arith.constant 0 : i32
          %dma_wait3A_290 = tpu.memref_slice %arg8[%add3A_170, %dma_wait3A_289] : memref<80x128xi32, #tpu.memory_space<vmem>> -> memref<1x128xi32, #tpu.memory_space<vmem>>
          %dma_wait3A_291 = tpu.memref_squeeze %dma_wait3A_290 : memref<1x128xi32, #tpu.memory_space<vmem>> -> memref<128xi32, #tpu.memory_space<vmem>>
          %dma_wait3A_292 = arith.constant 0 : i32
          %dma_wait3A_293 = arith.constant 0 : i32
          %dma_wait3A_294 = tpu.memref_slice %arg25[%dma_wait3A_292, %dma_wait3A_293] : memref<10240x32xbf16, #tpu.memory_space<vmem_shared>> -> memref<10240x32xbf16, #tpu.memory_space<vmem_shared>>
          tpu.wait_indirect_dma semaphore(%run_scoped3A : memref<!tpu.dma_semaphore, #tpu.memory_space<semaphore_mem>>) src(%arg10 : memref<128x32xbf16, #tpu.memory_space<vmem>>) dst(%dma_wait3A_294 : memref<10240x32xbf16, #tpu.memory_space<vmem_shared>>)
          tpu.yield
        }) : () -> ()
        %dma_wait3A_171 = arith.constant 0 : i32
        %dma_wait3A_172 = tpu.memref_slice %arg7[%add3A_45, %dma_wait3A_171] : memref<80x128xi32, #tpu.memory_space<vmem>> -> memref<1x128xi32, #tpu.memory_space<vmem>>
        %dma_wait3A_173 = tpu.memref_squeeze %dma_wait3A_172 : memref<1x128xi32, #tpu.memory_space<vmem>> -> memref<128xi32, #tpu.memory_space<vmem>>
        %dma_wait3A_174 = arith.constant 0 : i32
        %dma_wait3A_175 = arith.constant 0 : i32
        %dma_wait3A_176 = tpu.memref_slice %arg2[%dma_wait3A_174, %dma_wait3A_175] : memref<10000x32xbf16, #tpu.memory_space<hbm>> -> memref<10000x32xbf16, #tpu.memory_space<hbm>>
        tpu.wait_indirect_dma semaphore(%arg28 : memref<!tpu.dma_semaphore, #tpu.memory_space<semaphore_mem>>) src(%dma_wait3A_176 : memref<10000x32xbf16, #tpu.memory_space<hbm>>) dst(%arg11 : memref<128x32xbf16, #tpu.memory_space<vmem>>)
        %add3A_177 = arith.constant 2 : i32
        %add3A_178 = arith.addi %mul3A_29, %add3A_177 : i32
        "tpu.region"() ({
          %run_scoped3A = tpu.sem_alloc : memref<!tpu.dma_semaphore, #tpu.memory_space<semaphore_mem>>
          %dma_start3A_283 = arith.constant 0 : i32
          %dma_start3A_284 = tpu.memref_slice %arg8[%add3A_178, %dma_start3A_283] : memref<80x128xi32, #tpu.memory_space<vmem>> -> memref<1x128xi32, #tpu.memory_space<vmem>>
          %dma_start3A_285 = tpu.memref_squeeze %dma_start3A_284 : memref<1x128xi32, #tpu.memory_space<vmem>> -> memref<128xi32, #tpu.memory_space<vmem>>
          %dma_start3A_286 = arith.constant 0 : i32
          %dma_start3A_287 = arith.constant 0 : i32
          %dma_start3A_288 = tpu.memref_slice %arg25[%dma_start3A_286, %dma_start3A_287] : memref<10240x32xbf16, #tpu.memory_space<vmem_shared>> -> memref<10240x32xbf16, #tpu.memory_space<vmem_shared>>
          tpu.enqueue_indirect_dma source(%arg11 : memref<128x32xbf16, #tpu.memory_space<vmem>>) target(%dma_start3A_288 : memref<10240x32xbf16, #tpu.memory_space<vmem_shared>>) offsets(%dma_start3A_285 : memref<128xi32, #tpu.memory_space<vmem>>) semaphore(%run_scoped3A : memref<!tpu.dma_semaphore, #tpu.memory_space<semaphore_mem>>) {add = true}
          %dma_wait3A_289 = arith.constant 0 : i32
          %dma_wait3A_290 = tpu.memref_slice %arg8[%add3A_178, %dma_wait3A_289] : memref<80x128xi32, #tpu.memory_space<vmem>> -> memref<1x128xi32, #tpu.memory_space<vmem>>
          %dma_wait3A_291 = tpu.memref_squeeze %dma_wait3A_290 : memref<1x128xi32, #tpu.memory_space<vmem>> -> memref<128xi32, #tpu.memory_space<vmem>>
          %dma_wait3A_292 = arith.constant 0 : i32
          %dma_wait3A_293 = arith.constant 0 : i32
          %dma_wait3A_294 = tpu.memref_slice %arg25[%dma_wait3A_292, %dma_wait3A_293] : memref<10240x32xbf16, #tpu.memory_space<vmem_shared>> -> memref<10240x32xbf16, #tpu.memory_space<vmem_shared>>
          tpu.wait_indirect_dma semaphore(%run_scoped3A : memref<!tpu.dma_semaphore, #tpu.memory_space<semaphore_mem>>) src(%arg11 : memref<128x32xbf16, #tpu.memory_space<vmem>>) dst(%dma_wait3A_294 : memref<10240x32xbf16, #tpu.memory_space<vmem_shared>>)
          tpu.yield
        }) : () -> ()
        %dma_wait3A_179 = arith.constant 0 : i32
        %dma_wait3A_180 = tpu.memref_slice %arg7[%add3A_53, %dma_wait3A_179] : memref<80x128xi32, #tpu.memory_space<vmem>> -> memref<1x128xi32, #tpu.memory_space<vmem>>
        %dma_wait3A_181 = tpu.memref_squeeze %dma_wait3A_180 : memref<1x128xi32, #tpu.memory_space<vmem>> -> memref<128xi32, #tpu.memory_space<vmem>>
        %dma_wait3A_182 = arith.constant 0 : i32
        %dma_wait3A_183 = arith.constant 0 : i32
        %dma_wait3A_184 = tpu.memref_slice %arg2[%dma_wait3A_182, %dma_wait3A_183] : memref<10000x32xbf16, #tpu.memory_space<hbm>> -> memref<10000x32xbf16, #tpu.memory_space<hbm>>
        tpu.wait_indirect_dma semaphore(%arg29 : memref<!tpu.dma_semaphore, #tpu.memory_space<semaphore_mem>>) src(%dma_wait3A_184 : memref<10000x32xbf16, #tpu.memory_space<hbm>>) dst(%arg12 : memref<128x32xbf16, #tpu.memory_space<vmem>>)
        %add3A_185 = arith.constant 3 : i32
        %add3A_186 = arith.addi %mul3A_29, %add3A_185 : i32
        "tpu.region"() ({
          %run_scoped3A = tpu.sem_alloc : memref<!tpu.dma_semaphore, #tpu.memory_space<semaphore_mem>>
          %dma_start3A_283 = arith.constant 0 : i32
          %dma_start3A_284 = tpu.memref_slice %arg8[%add3A_186, %dma_start3A_283] : memref<80x128xi32, #tpu.memory_space<vmem>> -> memref<1x128xi32, #tpu.memory_space<vmem>>
          %dma_start3A_285 = tpu.memref_squeeze %dma_start3A_284 : memref<1x128xi32, #tpu.memory_space<vmem>> -> memref<128xi32, #tpu.memory_space<vmem>>
          %dma_start3A_286 = arith.constant 0 : i32
          %dma_start3A_287 = arith.constant 0 : i32
          %dma_start3A_288 = tpu.memref_slice %arg25[%dma_start3A_286, %dma_start3A_287] : memref<10240x32xbf16, #tpu.memory_space<vmem_shared>> -> memref<10240x32xbf16, #tpu.memory_space<vmem_shared>>
          tpu.enqueue_indirect_dma source(%arg12 : memref<128x32xbf16, #tpu.memory_space<vmem>>) target(%dma_start3A_288 : memref<10240x32xbf16, #tpu.memory_space<vmem_shared>>) offsets(%dma_start3A_285 : memref<128xi32, #tpu.memory_space<vmem>>) semaphore(%run_scoped3A : memref<!tpu.dma_semaphore, #tpu.memory_space<semaphore_mem>>) {add = true}
          %dma_wait3A_289 = arith.constant 0 : i32
          %dma_wait3A_290 = tpu.memref_slice %arg8[%add3A_186, %dma_wait3A_289] : memref<80x128xi32, #tpu.memory_space<vmem>> -> memref<1x128xi32, #tpu.memory_space<vmem>>
          %dma_wait3A_291 = tpu.memref_squeeze %dma_wait3A_290 : memref<1x128xi32, #tpu.memory_space<vmem>> -> memref<128xi32, #tpu.memory_space<vmem>>
          %dma_wait3A_292 = arith.constant 0 : i32
          %dma_wait3A_293 = arith.constant 0 : i32
          %dma_wait3A_294 = tpu.memref_slice %arg25[%dma_wait3A_292, %dma_wait3A_293] : memref<10240x32xbf16, #tpu.memory_space<vmem_shared>> -> memref<10240x32xbf16, #tpu.memory_space<vmem_shared>>
          tpu.wait_indirect_dma semaphore(%run_scoped3A : memref<!tpu.dma_semaphore, #tpu.memory_space<semaphore_mem>>) src(%arg12 : memref<128x32xbf16, #tpu.memory_space<vmem>>) dst(%dma_wait3A_294 : memref<10240x32xbf16, #tpu.memory_space<vmem_shared>>)
          tpu.yield
        }) : () -> ()
        %dma_wait3A_187 = arith.constant 0 : i32
        %dma_wait3A_188 = tpu.memref_slice %arg7[%add3A_61, %dma_wait3A_187] : memref<80x128xi32, #tpu.memory_space<vmem>> -> memref<1x128xi32, #tpu.memory_space<vmem>>
        %dma_wait3A_189 = tpu.memref_squeeze %dma_wait3A_188 : memref<1x128xi32, #tpu.memory_space<vmem>> -> memref<128xi32, #tpu.memory_space<vmem>>
        %dma_wait3A_190 = arith.constant 0 : i32
        %dma_wait3A_191 = arith.constant 0 : i32
        %dma_wait3A_192 = tpu.memref_slice %arg2[%dma_wait3A_190, %dma_wait3A_191] : memref<10000x32xbf16, #tpu.memory_space<hbm>> -> memref<10000x32xbf16, #tpu.memory_space<hbm>>
        tpu.wait_indirect_dma semaphore(%arg30 : memref<!tpu.dma_semaphore, #tpu.memory_space<semaphore_mem>>) src(%dma_wait3A_192 : memref<10000x32xbf16, #tpu.memory_space<hbm>>) dst(%arg13 : memref<128x32xbf16, #tpu.memory_space<vmem>>)
        %add3A_193 = arith.constant 4 : i32
        %add3A_194 = arith.addi %mul3A_29, %add3A_193 : i32
        "tpu.region"() ({
          %run_scoped3A = tpu.sem_alloc : memref<!tpu.dma_semaphore, #tpu.memory_space<semaphore_mem>>
          %dma_start3A_283 = arith.constant 0 : i32
          %dma_start3A_284 = tpu.memref_slice %arg8[%add3A_194, %dma_start3A_283] : memref<80x128xi32, #tpu.memory_space<vmem>> -> memref<1x128xi32, #tpu.memory_space<vmem>>
          %dma_start3A_285 = tpu.memref_squeeze %dma_start3A_284 : memref<1x128xi32, #tpu.memory_space<vmem>> -> memref<128xi32, #tpu.memory_space<vmem>>
          %dma_start3A_286 = arith.constant 0 : i32
          %dma_start3A_287 = arith.constant 0 : i32
          %dma_start3A_288 = tpu.memref_slice %arg25[%dma_start3A_286, %dma_start3A_287] : memref<10240x32xbf16, #tpu.memory_space<vmem_shared>> -> memref<10240x32xbf16, #tpu.memory_space<vmem_shared>>
          tpu.enqueue_indirect_dma source(%arg13 : memref<128x32xbf16, #tpu.memory_space<vmem>>) target(%dma_start3A_288 : memref<10240x32xbf16, #tpu.memory_space<vmem_shared>>) offsets(%dma_start3A_285 : memref<128xi32, #tpu.memory_space<vmem>>) semaphore(%run_scoped3A : memref<!tpu.dma_semaphore, #tpu.memory_space<semaphore_mem>>) {add = true}
          %dma_wait3A_289 = arith.constant 0 : i32
          %dma_wait3A_290 = tpu.memref_slice %arg8[%add3A_194, %dma_wait3A_289] : memref<80x128xi32, #tpu.memory_space<vmem>> -> memref<1x128xi32, #tpu.memory_space<vmem>>
          %dma_wait3A_291 = tpu.memref_squeeze %dma_wait3A_290 : memref<1x128xi32, #tpu.memory_space<vmem>> -> memref<128xi32, #tpu.memory_space<vmem>>
          %dma_wait3A_292 = arith.constant 0 : i32
          %dma_wait3A_293 = arith.constant 0 : i32
          %dma_wait3A_294 = tpu.memref_slice %arg25[%dma_wait3A_292, %dma_wait3A_293] : memref<10240x32xbf16, #tpu.memory_space<vmem_shared>> -> memref<10240x32xbf16, #tpu.memory_space<vmem_shared>>
          tpu.wait_indirect_dma semaphore(%run_scoped3A : memref<!tpu.dma_semaphore, #tpu.memory_space<semaphore_mem>>) src(%arg13 : memref<128x32xbf16, #tpu.memory_space<vmem>>) dst(%dma_wait3A_294 : memref<10240x32xbf16, #tpu.memory_space<vmem_shared>>)
          tpu.yield
        }) : () -> ()
        %dma_wait3A_195 = arith.constant 0 : i32
        %dma_wait3A_196 = tpu.memref_slice %arg7[%add3A_69, %dma_wait3A_195] : memref<80x128xi32, #tpu.memory_space<vmem>> -> memref<1x128xi32, #tpu.memory_space<vmem>>
        %dma_wait3A_197 = tpu.memref_squeeze %dma_wait3A_196 : memref<1x128xi32, #tpu.memory_space<vmem>> -> memref<128xi32, #tpu.memory_space<vmem>>
        %dma_wait3A_198 = arith.constant 0 : i32
        %dma_wait3A_199 = arith.constant 0 : i32
        %dma_wait3A_200 = tpu.memref_slice %arg2[%dma_wait3A_198, %dma_wait3A_199] : memref<10000x32xbf16, #tpu.memory_space<hbm>> -> memref<10000x32xbf16, #tpu.memory_space<hbm>>
        tpu.wait_indirect_dma semaphore(%arg31 : memref<!tpu.dma_semaphore, #tpu.memory_space<semaphore_mem>>) src(%dma_wait3A_200 : memref<10000x32xbf16, #tpu.memory_space<hbm>>) dst(%arg14 : memref<128x32xbf16, #tpu.memory_space<vmem>>)
        %add3A_201 = arith.constant 5 : i32
        %add3A_202 = arith.addi %mul3A_29, %add3A_201 : i32
        "tpu.region"() ({
          %run_scoped3A = tpu.sem_alloc : memref<!tpu.dma_semaphore, #tpu.memory_space<semaphore_mem>>
          %dma_start3A_283 = arith.constant 0 : i32
          %dma_start3A_284 = tpu.memref_slice %arg8[%add3A_202, %dma_start3A_283] : memref<80x128xi32, #tpu.memory_space<vmem>> -> memref<1x128xi32, #tpu.memory_space<vmem>>
          %dma_start3A_285 = tpu.memref_squeeze %dma_start3A_284 : memref<1x128xi32, #tpu.memory_space<vmem>> -> memref<128xi32, #tpu.memory_space<vmem>>
          %dma_start3A_286 = arith.constant 0 : i32
          %dma_start3A_287 = arith.constant 0 : i32
          %dma_start3A_288 = tpu.memref_slice %arg25[%dma_start3A_286, %dma_start3A_287] : memref<10240x32xbf16, #tpu.memory_space<vmem_shared>> -> memref<10240x32xbf16, #tpu.memory_space<vmem_shared>>
          tpu.enqueue_indirect_dma source(%arg14 : memref<128x32xbf16, #tpu.memory_space<vmem>>) target(%dma_start3A_288 : memref<10240x32xbf16, #tpu.memory_space<vmem_shared>>) offsets(%dma_start3A_285 : memref<128xi32, #tpu.memory_space<vmem>>) semaphore(%run_scoped3A : memref<!tpu.dma_semaphore, #tpu.memory_space<semaphore_mem>>) {add = true}
          %dma_wait3A_289 = arith.constant 0 : i32
          %dma_wait3A_290 = tpu.memref_slice %arg8[%add3A_202, %dma_wait3A_289] : memref<80x128xi32, #tpu.memory_space<vmem>> -> memref<1x128xi32, #tpu.memory_space<vmem>>
          %dma_wait3A_291 = tpu.memref_squeeze %dma_wait3A_290 : memref<1x128xi32, #tpu.memory_space<vmem>> -> memref<128xi32, #tpu.memory_space<vmem>>
          %dma_wait3A_292 = arith.constant 0 : i32
          %dma_wait3A_293 = arith.constant 0 : i32
          %dma_wait3A_294 = tpu.memref_slice %arg25[%dma_wait3A_292, %dma_wait3A_293] : memref<10240x32xbf16, #tpu.memory_space<vmem_shared>> -> memref<10240x32xbf16, #tpu.memory_space<vmem_shared>>
          tpu.wait_indirect_dma semaphore(%run_scoped3A : memref<!tpu.dma_semaphore, #tpu.memory_space<semaphore_mem>>) src(%arg14 : memref<128x32xbf16, #tpu.memory_space<vmem>>) dst(%dma_wait3A_294 : memref<10240x32xbf16, #tpu.memory_space<vmem_shared>>)
          tpu.yield
        }) : () -> ()
        %dma_wait3A_203 = arith.constant 0 : i32
        %dma_wait3A_204 = tpu.memref_slice %arg7[%add3A_77, %dma_wait3A_203] : memref<80x128xi32, #tpu.memory_space<vmem>> -> memref<1x128xi32, #tpu.memory_space<vmem>>
        %dma_wait3A_205 = tpu.memref_squeeze %dma_wait3A_204 : memref<1x128xi32, #tpu.memory_space<vmem>> -> memref<128xi32, #tpu.memory_space<vmem>>
        %dma_wait3A_206 = arith.constant 0 : i32
        %dma_wait3A_207 = arith.constant 0 : i32
        %dma_wait3A_208 = tpu.memref_slice %arg2[%dma_wait3A_206, %dma_wait3A_207] : memref<10000x32xbf16, #tpu.memory_space<hbm>> -> memref<10000x32xbf16, #tpu.memory_space<hbm>>
        tpu.wait_indirect_dma semaphore(%arg32 : memref<!tpu.dma_semaphore, #tpu.memory_space<semaphore_mem>>) src(%dma_wait3A_208 : memref<10000x32xbf16, #tpu.memory_space<hbm>>) dst(%arg15 : memref<128x32xbf16, #tpu.memory_space<vmem>>)
        %add3A_209 = arith.constant 6 : i32
        %add3A_210 = arith.addi %mul3A_29, %add3A_209 : i32
        "tpu.region"() ({
          %run_scoped3A = tpu.sem_alloc : memref<!tpu.dma_semaphore, #tpu.memory_space<semaphore_mem>>
          %dma_start3A_283 = arith.constant 0 : i32
          %dma_start3A_284 = tpu.memref_slice %arg8[%add3A_210, %dma_start3A_283] : memref<80x128xi32, #tpu.memory_space<vmem>> -> memref<1x128xi32, #tpu.memory_space<vmem>>
          %dma_start3A_285 = tpu.memref_squeeze %dma_start3A_284 : memref<1x128xi32, #tpu.memory_space<vmem>> -> memref<128xi32, #tpu.memory_space<vmem>>
          %dma_start3A_286 = arith.constant 0 : i32
          %dma_start3A_287 = arith.constant 0 : i32
          %dma_start3A_288 = tpu.memref_slice %arg25[%dma_start3A_286, %dma_start3A_287] : memref<10240x32xbf16, #tpu.memory_space<vmem_shared>> -> memref<10240x32xbf16, #tpu.memory_space<vmem_shared>>
          tpu.enqueue_indirect_dma source(%arg15 : memref<128x32xbf16, #tpu.memory_space<vmem>>) target(%dma_start3A_288 : memref<10240x32xbf16, #tpu.memory_space<vmem_shared>>) offsets(%dma_start3A_285 : memref<128xi32, #tpu.memory_space<vmem>>) semaphore(%run_scoped3A : memref<!tpu.dma_semaphore, #tpu.memory_space<semaphore_mem>>) {add = true}
          %dma_wait3A_289 = arith.constant 0 : i32
          %dma_wait3A_290 = tpu.memref_slice %arg8[%add3A_210, %dma_wait3A_289] : memref<80x128xi32, #tpu.memory_space<vmem>> -> memref<1x128xi32, #tpu.memory_space<vmem>>
          %dma_wait3A_291 = tpu.memref_squeeze %dma_wait3A_290 : memref<1x128xi32, #tpu.memory_space<vmem>> -> memref<128xi32, #tpu.memory_space<vmem>>
          %dma_wait3A_292 = arith.constant 0 : i32
          %dma_wait3A_293 = arith.constant 0 : i32
          %dma_wait3A_294 = tpu.memref_slice %arg25[%dma_wait3A_292, %dma_wait3A_293] : memref<10240x32xbf16, #tpu.memory_space<vmem_shared>> -> memref<10240x32xbf16, #tpu.memory_space<vmem_shared>>
          tpu.wait_indirect_dma semaphore(%run_scoped3A : memref<!tpu.dma_semaphore, #tpu.memory_space<semaphore_mem>>) src(%arg15 : memref<128x32xbf16, #tpu.memory_space<vmem>>) dst(%dma_wait3A_294 : memref<10240x32xbf16, #tpu.memory_space<vmem_shared>>)
          tpu.yield
        }) : () -> ()
        %dma_wait3A_211 = arith.constant 0 : i32
        %dma_wait3A_212 = tpu.memref_slice %arg7[%add3A_85, %dma_wait3A_211] : memref<80x128xi32, #tpu.memory_space<vmem>> -> memref<1x128xi32, #tpu.memory_space<vmem>>
        %dma_wait3A_213 = tpu.memref_squeeze %dma_wait3A_212 : memref<1x128xi32, #tpu.memory_space<vmem>> -> memref<128xi32, #tpu.memory_space<vmem>>
        %dma_wait3A_214 = arith.constant 0 : i32
        %dma_wait3A_215 = arith.constant 0 : i32
        %dma_wait3A_216 = tpu.memref_slice %arg2[%dma_wait3A_214, %dma_wait3A_215] : memref<10000x32xbf16, #tpu.memory_space<hbm>> -> memref<10000x32xbf16, #tpu.memory_space<hbm>>
        tpu.wait_indirect_dma semaphore(%arg33 : memref<!tpu.dma_semaphore, #tpu.memory_space<semaphore_mem>>) src(%dma_wait3A_216 : memref<10000x32xbf16, #tpu.memory_space<hbm>>) dst(%arg16 : memref<128x32xbf16, #tpu.memory_space<vmem>>)
        %add3A_217 = arith.constant 7 : i32
        %add3A_218 = arith.addi %mul3A_29, %add3A_217 : i32
        "tpu.region"() ({
          %run_scoped3A = tpu.sem_alloc : memref<!tpu.dma_semaphore, #tpu.memory_space<semaphore_mem>>
          %dma_start3A_283 = arith.constant 0 : i32
          %dma_start3A_284 = tpu.memref_slice %arg8[%add3A_218, %dma_start3A_283] : memref<80x128xi32, #tpu.memory_space<vmem>> -> memref<1x128xi32, #tpu.memory_space<vmem>>
          %dma_start3A_285 = tpu.memref_squeeze %dma_start3A_284 : memref<1x128xi32, #tpu.memory_space<vmem>> -> memref<128xi32, #tpu.memory_space<vmem>>
          %dma_start3A_286 = arith.constant 0 : i32
          %dma_start3A_287 = arith.constant 0 : i32
          %dma_start3A_288 = tpu.memref_slice %arg25[%dma_start3A_286, %dma_start3A_287] : memref<10240x32xbf16, #tpu.memory_space<vmem_shared>> -> memref<10240x32xbf16, #tpu.memory_space<vmem_shared>>
          tpu.enqueue_indirect_dma source(%arg16 : memref<128x32xbf16, #tpu.memory_space<vmem>>) target(%dma_start3A_288 : memref<10240x32xbf16, #tpu.memory_space<vmem_shared>>) offsets(%dma_start3A_285 : memref<128xi32, #tpu.memory_space<vmem>>) semaphore(%run_scoped3A : memref<!tpu.dma_semaphore, #tpu.memory_space<semaphore_mem>>) {add = true}
          %dma_wait3A_289 = arith.constant 0 : i32
          %dma_wait3A_290 = tpu.memref_slice %arg8[%add3A_218, %dma_wait3A_289] : memref<80x128xi32, #tpu.memory_space<vmem>> -> memref<1x128xi32, #tpu.memory_space<vmem>>
          %dma_wait3A_291 = tpu.memref_squeeze %dma_wait3A_290 : memref<1x128xi32, #tpu.memory_space<vmem>> -> memref<128xi32, #tpu.memory_space<vmem>>
          %dma_wait3A_292 = arith.constant 0 : i32
          %dma_wait3A_293 = arith.constant 0 : i32
          %dma_wait3A_294 = tpu.memref_slice %arg25[%dma_wait3A_292, %dma_wait3A_293] : memref<10240x32xbf16, #tpu.memory_space<vmem_shared>> -> memref<10240x32xbf16, #tpu.memory_space<vmem_shared>>
          tpu.wait_indirect_dma semaphore(%run_scoped3A : memref<!tpu.dma_semaphore, #tpu.memory_space<semaphore_mem>>) src(%arg16 : memref<128x32xbf16, #tpu.memory_space<vmem>>) dst(%dma_wait3A_294 : memref<10240x32xbf16, #tpu.memory_space<vmem_shared>>)
          tpu.yield
        }) : () -> ()
        %dma_wait3A_219 = arith.constant 0 : i32
        %dma_wait3A_220 = tpu.memref_slice %arg7[%add3A_93, %dma_wait3A_219] : memref<80x128xi32, #tpu.memory_space<vmem>> -> memref<1x128xi32, #tpu.memory_space<vmem>>
        %dma_wait3A_221 = tpu.memref_squeeze %dma_wait3A_220 : memref<1x128xi32, #tpu.memory_space<vmem>> -> memref<128xi32, #tpu.memory_space<vmem>>
        %dma_wait3A_222 = arith.constant 0 : i32
        %dma_wait3A_223 = arith.constant 0 : i32
        %dma_wait3A_224 = tpu.memref_slice %arg2[%dma_wait3A_222, %dma_wait3A_223] : memref<10000x32xbf16, #tpu.memory_space<hbm>> -> memref<10000x32xbf16, #tpu.memory_space<hbm>>
        tpu.wait_indirect_dma semaphore(%arg34 : memref<!tpu.dma_semaphore, #tpu.memory_space<semaphore_mem>>) src(%dma_wait3A_224 : memref<10000x32xbf16, #tpu.memory_space<hbm>>) dst(%arg17 : memref<128x32xbf16, #tpu.memory_space<vmem>>)
        %add3A_225 = arith.constant 8 : i32
        %add3A_226 = arith.addi %mul3A_29, %add3A_225 : i32
        "tpu.region"() ({
          %run_scoped3A = tpu.sem_alloc : memref<!tpu.dma_semaphore, #tpu.memory_space<semaphore_mem>>
          %dma_start3A_283 = arith.constant 0 : i32
          %dma_start3A_284 = tpu.memref_slice %arg8[%add3A_226, %dma_start3A_283] : memref<80x128xi32, #tpu.memory_space<vmem>> -> memref<1x128xi32, #tpu.memory_space<vmem>>
          %dma_start3A_285 = tpu.memref_squeeze %dma_start3A_284 : memref<1x128xi32, #tpu.memory_space<vmem>> -> memref<128xi32, #tpu.memory_space<vmem>>
          %dma_start3A_286 = arith.constant 0 : i32
          %dma_start3A_287 = arith.constant 0 : i32
          %dma_start3A_288 = tpu.memref_slice %arg25[%dma_start3A_286, %dma_start3A_287] : memref<10240x32xbf16, #tpu.memory_space<vmem_shared>> -> memref<10240x32xbf16, #tpu.memory_space<vmem_shared>>
          tpu.enqueue_indirect_dma source(%arg17 : memref<128x32xbf16, #tpu.memory_space<vmem>>) target(%dma_start3A_288 : memref<10240x32xbf16, #tpu.memory_space<vmem_shared>>) offsets(%dma_start3A_285 : memref<128xi32, #tpu.memory_space<vmem>>) semaphore(%run_scoped3A : memref<!tpu.dma_semaphore, #tpu.memory_space<semaphore_mem>>) {add = true}
          %dma_wait3A_289 = arith.constant 0 : i32
          %dma_wait3A_290 = tpu.memref_slice %arg8[%add3A_226, %dma_wait3A_289] : memref<80x128xi32, #tpu.memory_space<vmem>> -> memref<1x128xi32, #tpu.memory_space<vmem>>
          %dma_wait3A_291 = tpu.memref_squeeze %dma_wait3A_290 : memref<1x128xi32, #tpu.memory_space<vmem>> -> memref<128xi32, #tpu.memory_space<vmem>>
          %dma_wait3A_292 = arith.constant 0 : i32
          %dma_wait3A_293 = arith.constant 0 : i32
          %dma_wait3A_294 = tpu.memref_slice %arg25[%dma_wait3A_292, %dma_wait3A_293] : memref<10240x32xbf16, #tpu.memory_space<vmem_shared>> -> memref<10240x32xbf16, #tpu.memory_space<vmem_shared>>
          tpu.wait_indirect_dma semaphore(%run_scoped3A : memref<!tpu.dma_semaphore, #tpu.memory_space<semaphore_mem>>) src(%arg17 : memref<128x32xbf16, #tpu.memory_space<vmem>>) dst(%dma_wait3A_294 : memref<10240x32xbf16, #tpu.memory_space<vmem_shared>>)
          tpu.yield
        }) : () -> ()
        %dma_wait3A_227 = arith.constant 0 : i32
        %dma_wait3A_228 = tpu.memref_slice %arg7[%add3A_101, %dma_wait3A_227] : memref<80x128xi32, #tpu.memory_space<vmem>> -> memref<1x128xi32, #tpu.memory_space<vmem>>
        %dma_wait3A_229 = tpu.memref_squeeze %dma_wait3A_228 : memref<1x128xi32, #tpu.memory_space<vmem>> -> memref<128xi32, #tpu.memory_space<vmem>>
        %dma_wait3A_230 = arith.constant 0 : i32
        %dma_wait3A_231 = arith.constant 0 : i32
        %dma_wait3A_232 = tpu.memref_slice %arg2[%dma_wait3A_230, %dma_wait3A_231] : memref<10000x32xbf16, #tpu.memory_space<hbm>> -> memref<10000x32xbf16, #tpu.memory_space<hbm>>
        tpu.wait_indirect_dma semaphore(%arg35 : memref<!tpu.dma_semaphore, #tpu.memory_space<semaphore_mem>>) src(%dma_wait3A_232 : memref<10000x32xbf16, #tpu.memory_space<hbm>>) dst(%arg18 : memref<128x32xbf16, #tpu.memory_space<vmem>>)
        %add3A_233 = arith.constant 9 : i32
        %add3A_234 = arith.addi %mul3A_29, %add3A_233 : i32
        "tpu.region"() ({
          %run_scoped3A = tpu.sem_alloc : memref<!tpu.dma_semaphore, #tpu.memory_space<semaphore_mem>>
          %dma_start3A_283 = arith.constant 0 : i32
          %dma_start3A_284 = tpu.memref_slice %arg8[%add3A_234, %dma_start3A_283] : memref<80x128xi32, #tpu.memory_space<vmem>> -> memref<1x128xi32, #tpu.memory_space<vmem>>
          %dma_start3A_285 = tpu.memref_squeeze %dma_start3A_284 : memref<1x128xi32, #tpu.memory_space<vmem>> -> memref<128xi32, #tpu.memory_space<vmem>>
          %dma_start3A_286 = arith.constant 0 : i32
          %dma_start3A_287 = arith.constant 0 : i32
          %dma_start3A_288 = tpu.memref_slice %arg25[%dma_start3A_286, %dma_start3A_287] : memref<10240x32xbf16, #tpu.memory_space<vmem_shared>> -> memref<10240x32xbf16, #tpu.memory_space<vmem_shared>>
          tpu.enqueue_indirect_dma source(%arg18 : memref<128x32xbf16, #tpu.memory_space<vmem>>) target(%dma_start3A_288 : memref<10240x32xbf16, #tpu.memory_space<vmem_shared>>) offsets(%dma_start3A_285 : memref<128xi32, #tpu.memory_space<vmem>>) semaphore(%run_scoped3A : memref<!tpu.dma_semaphore, #tpu.memory_space<semaphore_mem>>) {add = true}
          %dma_wait3A_289 = arith.constant 0 : i32
          %dma_wait3A_290 = tpu.memref_slice %arg8[%add3A_234, %dma_wait3A_289] : memref<80x128xi32, #tpu.memory_space<vmem>> -> memref<1x128xi32, #tpu.memory_space<vmem>>
          %dma_wait3A_291 = tpu.memref_squeeze %dma_wait3A_290 : memref<1x128xi32, #tpu.memory_space<vmem>> -> memref<128xi32, #tpu.memory_space<vmem>>
          %dma_wait3A_292 = arith.constant 0 : i32
          %dma_wait3A_293 = arith.constant 0 : i32
          %dma_wait3A_294 = tpu.memref_slice %arg25[%dma_wait3A_292, %dma_wait3A_293] : memref<10240x32xbf16, #tpu.memory_space<vmem_shared>> -> memref<10240x32xbf16, #tpu.memory_space<vmem_shared>>
          tpu.wait_indirect_dma semaphore(%run_scoped3A : memref<!tpu.dma_semaphore, #tpu.memory_space<semaphore_mem>>) src(%arg18 : memref<128x32xbf16, #tpu.memory_space<vmem>>) dst(%dma_wait3A_294 : memref<10240x32xbf16, #tpu.memory_space<vmem_shared>>)
          tpu.yield
        }) : () -> ()
        %dma_wait3A_235 = arith.constant 0 : i32
        %dma_wait3A_236 = tpu.memref_slice %arg7[%add3A_109, %dma_wait3A_235] : memref<80x128xi32, #tpu.memory_space<vmem>> -> memref<1x128xi32, #tpu.memory_space<vmem>>
        %dma_wait3A_237 = tpu.memref_squeeze %dma_wait3A_236 : memref<1x128xi32, #tpu.memory_space<vmem>> -> memref<128xi32, #tpu.memory_space<vmem>>
        %dma_wait3A_238 = arith.constant 0 : i32
        %dma_wait3A_239 = arith.constant 0 : i32
        %dma_wait3A_240 = tpu.memref_slice %arg2[%dma_wait3A_238, %dma_wait3A_239] : memref<10000x32xbf16, #tpu.memory_space<hbm>> -> memref<10000x32xbf16, #tpu.memory_space<hbm>>
        tpu.wait_indirect_dma semaphore(%arg36 : memref<!tpu.dma_semaphore, #tpu.memory_space<semaphore_mem>>) src(%dma_wait3A_240 : memref<10000x32xbf16, #tpu.memory_space<hbm>>) dst(%arg19 : memref<128x32xbf16, #tpu.memory_space<vmem>>)
        %add3A_241 = arith.constant 10 : i32
        %add3A_242 = arith.addi %mul3A_29, %add3A_241 : i32
        "tpu.region"() ({
          %run_scoped3A = tpu.sem_alloc : memref<!tpu.dma_semaphore, #tpu.memory_space<semaphore_mem>>
          %dma_start3A_283 = arith.constant 0 : i32
          %dma_start3A_284 = tpu.memref_slice %arg8[%add3A_242, %dma_start3A_283] : memref<80x128xi32, #tpu.memory_space<vmem>> -> memref<1x128xi32, #tpu.memory_space<vmem>>
          %dma_start3A_285 = tpu.memref_squeeze %dma_start3A_284 : memref<1x128xi32, #tpu.memory_space<vmem>> -> memref<128xi32, #tpu.memory_space<vmem>>
          %dma_start3A_286 = arith.constant 0 : i32
          %dma_start3A_287 = arith.constant 0 : i32
          %dma_start3A_288 = tpu.memref_slice %arg25[%dma_start3A_286, %dma_start3A_287] : memref<10240x32xbf16, #tpu.memory_space<vmem_shared>> -> memref<10240x32xbf16, #tpu.memory_space<vmem_shared>>
          tpu.enqueue_indirect_dma source(%arg19 : memref<128x32xbf16, #tpu.memory_space<vmem>>) target(%dma_start3A_288 : memref<10240x32xbf16, #tpu.memory_space<vmem_shared>>) offsets(%dma_start3A_285 : memref<128xi32, #tpu.memory_space<vmem>>) semaphore(%run_scoped3A : memref<!tpu.dma_semaphore, #tpu.memory_space<semaphore_mem>>) {add = true}
          %dma_wait3A_289 = arith.constant 0 : i32
          %dma_wait3A_290 = tpu.memref_slice %arg8[%add3A_242, %dma_wait3A_289] : memref<80x128xi32, #tpu.memory_space<vmem>> -> memref<1x128xi32, #tpu.memory_space<vmem>>
          %dma_wait3A_291 = tpu.memref_squeeze %dma_wait3A_290 : memref<1x128xi32, #tpu.memory_space<vmem>> -> memref<128xi32, #tpu.memory_space<vmem>>
          %dma_wait3A_292 = arith.constant 0 : i32
          %dma_wait3A_293 = arith.constant 0 : i32
          %dma_wait3A_294 = tpu.memref_slice %arg25[%dma_wait3A_292, %dma_wait3A_293] : memref<10240x32xbf16, #tpu.memory_space<vmem_shared>> -> memref<10240x32xbf16, #tpu.memory_space<vmem_shared>>
          tpu.wait_indirect_dma semaphore(%run_scoped3A : memref<!tpu.dma_semaphore, #tpu.memory_space<semaphore_mem>>) src(%arg19 : memref<128x32xbf16, #tpu.memory_space<vmem>>) dst(%dma_wait3A_294 : memref<10240x32xbf16, #tpu.memory_space<vmem_shared>>)
          tpu.yield
        }) : () -> ()
        %dma_wait3A_243 = arith.constant 0 : i32
        %dma_wait3A_244 = tpu.memref_slice %arg7[%add3A_117, %dma_wait3A_243] : memref<80x128xi32, #tpu.memory_space<vmem>> -> memref<1x128xi32, #tpu.memory_space<vmem>>
        %dma_wait3A_245 = tpu.memref_squeeze %dma_wait3A_244 : memref<1x128xi32, #tpu.memory_space<vmem>> -> memref<128xi32, #tpu.memory_space<vmem>>
        %dma_wait3A_246 = arith.constant 0 : i32
        %dma_wait3A_247 = arith.constant 0 : i32
        %dma_wait3A_248 = tpu.memref_slice %arg2[%dma_wait3A_246, %dma_wait3A_247] : memref<10000x32xbf16, #tpu.memory_space<hbm>> -> memref<10000x32xbf16, #tpu.memory_space<hbm>>
        tpu.wait_indirect_dma semaphore(%arg37 : memref<!tpu.dma_semaphore, #tpu.memory_space<semaphore_mem>>) src(%dma_wait3A_248 : memref<10000x32xbf16, #tpu.memory_space<hbm>>) dst(%arg20 : memref<128x32xbf16, #tpu.memory_space<vmem>>)
        %add3A_249 = arith.constant 11 : i32
        %add3A_250 = arith.addi %mul3A_29, %add3A_249 : i32
        "tpu.region"() ({
          %run_scoped3A = tpu.sem_alloc : memref<!tpu.dma_semaphore, #tpu.memory_space<semaphore_mem>>
          %dma_start3A_283 = arith.constant 0 : i32
          %dma_start3A_284 = tpu.memref_slice %arg8[%add3A_250, %dma_start3A_283] : memref<80x128xi32, #tpu.memory_space<vmem>> -> memref<1x128xi32, #tpu.memory_space<vmem>>
          %dma_start3A_285 = tpu.memref_squeeze %dma_start3A_284 : memref<1x128xi32, #tpu.memory_space<vmem>> -> memref<128xi32, #tpu.memory_space<vmem>>
          %dma_start3A_286 = arith.constant 0 : i32
          %dma_start3A_287 = arith.constant 0 : i32
          %dma_start3A_288 = tpu.memref_slice %arg25[%dma_start3A_286, %dma_start3A_287] : memref<10240x32xbf16, #tpu.memory_space<vmem_shared>> -> memref<10240x32xbf16, #tpu.memory_space<vmem_shared>>
          tpu.enqueue_indirect_dma source(%arg20 : memref<128x32xbf16, #tpu.memory_space<vmem>>) target(%dma_start3A_288 : memref<10240x32xbf16, #tpu.memory_space<vmem_shared>>) offsets(%dma_start3A_285 : memref<128xi32, #tpu.memory_space<vmem>>) semaphore(%run_scoped3A : memref<!tpu.dma_semaphore, #tpu.memory_space<semaphore_mem>>) {add = true}
          %dma_wait3A_289 = arith.constant 0 : i32
          %dma_wait3A_290 = tpu.memref_slice %arg8[%add3A_250, %dma_wait3A_289] : memref<80x128xi32, #tpu.memory_space<vmem>> -> memref<1x128xi32, #tpu.memory_space<vmem>>
          %dma_wait3A_291 = tpu.memref_squeeze %dma_wait3A_290 : memref<1x128xi32, #tpu.memory_space<vmem>> -> memref<128xi32, #tpu.memory_space<vmem>>
          %dma_wait3A_292 = arith.constant 0 : i32
          %dma_wait3A_293 = arith.constant 0 : i32
          %dma_wait3A_294 = tpu.memref_slice %arg25[%dma_wait3A_292, %dma_wait3A_293] : memref<10240x32xbf16, #tpu.memory_space<vmem_shared>> -> memref<10240x32xbf16, #tpu.memory_space<vmem_shared>>
          tpu.wait_indirect_dma semaphore(%run_scoped3A : memref<!tpu.dma_semaphore, #tpu.memory_space<semaphore_mem>>) src(%arg20 : memref<128x32xbf16, #tpu.memory_space<vmem>>) dst(%dma_wait3A_294 : memref<10240x32xbf16, #tpu.memory_space<vmem_shared>>)
          tpu.yield
        }) : () -> ()
        %dma_wait3A_251 = arith.constant 0 : i32
        %dma_wait3A_252 = tpu.memref_slice %arg7[%add3A_125, %dma_wait3A_251] : memref<80x128xi32, #tpu.memory_space<vmem>> -> memref<1x128xi32, #tpu.memory_space<vmem>>
        %dma_wait3A_253 = tpu.memref_squeeze %dma_wait3A_252 : memref<1x128xi32, #tpu.memory_space<vmem>> -> memref<128xi32, #tpu.memory_space<vmem>>
        %dma_wait3A_254 = arith.constant 0 : i32
        %dma_wait3A_255 = arith.constant 0 : i32
        %dma_wait3A_256 = tpu.memref_slice %arg2[%dma_wait3A_254, %dma_wait3A_255] : memref<10000x32xbf16, #tpu.memory_space<hbm>> -> memref<10000x32xbf16, #tpu.memory_space<hbm>>
        tpu.wait_indirect_dma semaphore(%arg38 : memref<!tpu.dma_semaphore, #tpu.memory_space<semaphore_mem>>) src(%dma_wait3A_256 : memref<10000x32xbf16, #tpu.memory_space<hbm>>) dst(%arg21 : memref<128x32xbf16, #tpu.memory_space<vmem>>)
        %add3A_257 = arith.constant 12 : i32
        %add3A_258 = arith.addi %mul3A_29, %add3A_257 : i32
        "tpu.region"() ({
          %run_scoped3A = tpu.sem_alloc : memref<!tpu.dma_semaphore, #tpu.memory_space<semaphore_mem>>
          %dma_start3A_283 = arith.constant 0 : i32
          %dma_start3A_284 = tpu.memref_slice %arg8[%add3A_258, %dma_start3A_283] : memref<80x128xi32, #tpu.memory_space<vmem>> -> memref<1x128xi32, #tpu.memory_space<vmem>>
          %dma_start3A_285 = tpu.memref_squeeze %dma_start3A_284 : memref<1x128xi32, #tpu.memory_space<vmem>> -> memref<128xi32, #tpu.memory_space<vmem>>
          %dma_start3A_286 = arith.constant 0 : i32
          %dma_start3A_287 = arith.constant 0 : i32
          %dma_start3A_288 = tpu.memref_slice %arg25[%dma_start3A_286, %dma_start3A_287] : memref<10240x32xbf16, #tpu.memory_space<vmem_shared>> -> memref<10240x32xbf16, #tpu.memory_space<vmem_shared>>
          tpu.enqueue_indirect_dma source(%arg21 : memref<128x32xbf16, #tpu.memory_space<vmem>>) target(%dma_start3A_288 : memref<10240x32xbf16, #tpu.memory_space<vmem_shared>>) offsets(%dma_start3A_285 : memref<128xi32, #tpu.memory_space<vmem>>) semaphore(%run_scoped3A : memref<!tpu.dma_semaphore, #tpu.memory_space<semaphore_mem>>) {add = true}
          %dma_wait3A_289 = arith.constant 0 : i32
          %dma_wait3A_290 = tpu.memref_slice %arg8[%add3A_258, %dma_wait3A_289] : memref<80x128xi32, #tpu.memory_space<vmem>> -> memref<1x128xi32, #tpu.memory_space<vmem>>
          %dma_wait3A_291 = tpu.memref_squeeze %dma_wait3A_290 : memref<1x128xi32, #tpu.memory_space<vmem>> -> memref<128xi32, #tpu.memory_space<vmem>>
          %dma_wait3A_292 = arith.constant 0 : i32
          %dma_wait3A_293 = arith.constant 0 : i32
          %dma_wait3A_294 = tpu.memref_slice %arg25[%dma_wait3A_292, %dma_wait3A_293] : memref<10240x32xbf16, #tpu.memory_space<vmem_shared>> -> memref<10240x32xbf16, #tpu.memory_space<vmem_shared>>
          tpu.wait_indirect_dma semaphore(%run_scoped3A : memref<!tpu.dma_semaphore, #tpu.memory_space<semaphore_mem>>) src(%arg21 : memref<128x32xbf16, #tpu.memory_space<vmem>>) dst(%dma_wait3A_294 : memref<10240x32xbf16, #tpu.memory_space<vmem_shared>>)
          tpu.yield
        }) : () -> ()
        %dma_wait3A_259 = arith.constant 0 : i32
        %dma_wait3A_260 = tpu.memref_slice %arg7[%add3A_133, %dma_wait3A_259] : memref<80x128xi32, #tpu.memory_space<vmem>> -> memref<1x128xi32, #tpu.memory_space<vmem>>
        %dma_wait3A_261 = tpu.memref_squeeze %dma_wait3A_260 : memref<1x128xi32, #tpu.memory_space<vmem>> -> memref<128xi32, #tpu.memory_space<vmem>>
        %dma_wait3A_262 = arith.constant 0 : i32
        %dma_wait3A_263 = arith.constant 0 : i32
        %dma_wait3A_264 = tpu.memref_slice %arg2[%dma_wait3A_262, %dma_wait3A_263] : memref<10000x32xbf16, #tpu.memory_space<hbm>> -> memref<10000x32xbf16, #tpu.memory_space<hbm>>
        tpu.wait_indirect_dma semaphore(%arg39 : memref<!tpu.dma_semaphore, #tpu.memory_space<semaphore_mem>>) src(%dma_wait3A_264 : memref<10000x32xbf16, #tpu.memory_space<hbm>>) dst(%arg22 : memref<128x32xbf16, #tpu.memory_space<vmem>>)
        %add3A_265 = arith.constant 13 : i32
        %add3A_266 = arith.addi %mul3A_29, %add3A_265 : i32
        "tpu.region"() ({
          %run_scoped3A = tpu.sem_alloc : memref<!tpu.dma_semaphore, #tpu.memory_space<semaphore_mem>>
          %dma_start3A_283 = arith.constant 0 : i32
          %dma_start3A_284 = tpu.memref_slice %arg8[%add3A_266, %dma_start3A_283] : memref<80x128xi32, #tpu.memory_space<vmem>> -> memref<1x128xi32, #tpu.memory_space<vmem>>
          %dma_start3A_285 = tpu.memref_squeeze %dma_start3A_284 : memref<1x128xi32, #tpu.memory_space<vmem>> -> memref<128xi32, #tpu.memory_space<vmem>>
          %dma_start3A_286 = arith.constant 0 : i32
          %dma_start3A_287 = arith.constant 0 : i32
          %dma_start3A_288 = tpu.memref_slice %arg25[%dma_start3A_286, %dma_start3A_287] : memref<10240x32xbf16, #tpu.memory_space<vmem_shared>> -> memref<10240x32xbf16, #tpu.memory_space<vmem_shared>>
          tpu.enqueue_indirect_dma source(%arg22 : memref<128x32xbf16, #tpu.memory_space<vmem>>) target(%dma_start3A_288 : memref<10240x32xbf16, #tpu.memory_space<vmem_shared>>) offsets(%dma_start3A_285 : memref<128xi32, #tpu.memory_space<vmem>>) semaphore(%run_scoped3A : memref<!tpu.dma_semaphore, #tpu.memory_space<semaphore_mem>>) {add = true}
          %dma_wait3A_289 = arith.constant 0 : i32
          %dma_wait3A_290 = tpu.memref_slice %arg8[%add3A_266, %dma_wait3A_289] : memref<80x128xi32, #tpu.memory_space<vmem>> -> memref<1x128xi32, #tpu.memory_space<vmem>>
          %dma_wait3A_291 = tpu.memref_squeeze %dma_wait3A_290 : memref<1x128xi32, #tpu.memory_space<vmem>> -> memref<128xi32, #tpu.memory_space<vmem>>
          %dma_wait3A_292 = arith.constant 0 : i32
          %dma_wait3A_293 = arith.constant 0 : i32
          %dma_wait3A_294 = tpu.memref_slice %arg25[%dma_wait3A_292, %dma_wait3A_293] : memref<10240x32xbf16, #tpu.memory_space<vmem_shared>> -> memref<10240x32xbf16, #tpu.memory_space<vmem_shared>>
          tpu.wait_indirect_dma semaphore(%run_scoped3A : memref<!tpu.dma_semaphore, #tpu.memory_space<semaphore_mem>>) src(%arg22 : memref<128x32xbf16, #tpu.memory_space<vmem>>) dst(%dma_wait3A_294 : memref<10240x32xbf16, #tpu.memory_space<vmem_shared>>)
          tpu.yield
        }) : () -> ()
        %dma_wait3A_267 = arith.constant 0 : i32
        %dma_wait3A_268 = tpu.memref_slice %arg7[%add3A_141, %dma_wait3A_267] : memref<80x128xi32, #tpu.memory_space<vmem>> -> memref<1x128xi32, #tpu.memory_space<vmem>>
        %dma_wait3A_269 = tpu.memref_squeeze %dma_wait3A_268 : memref<1x128xi32, #tpu.memory_space<vmem>> -> memref<128xi32, #tpu.memory_space<vmem>>
        %dma_wait3A_270 = arith.constant 0 : i32
        %dma_wait3A_271 = arith.constant 0 : i32
        %dma_wait3A_272 = tpu.memref_slice %arg2[%dma_wait3A_270, %dma_wait3A_271] : memref<10000x32xbf16, #tpu.memory_space<hbm>> -> memref<10000x32xbf16, #tpu.memory_space<hbm>>
        tpu.wait_indirect_dma semaphore(%arg40 : memref<!tpu.dma_semaphore, #tpu.memory_space<semaphore_mem>>) src(%dma_wait3A_272 : memref<10000x32xbf16, #tpu.memory_space<hbm>>) dst(%arg23 : memref<128x32xbf16, #tpu.memory_space<vmem>>)
        %add3A_273 = arith.constant 14 : i32
        %add3A_274 = arith.addi %mul3A_29, %add3A_273 : i32
        "tpu.region"() ({
          %run_scoped3A = tpu.sem_alloc : memref<!tpu.dma_semaphore, #tpu.memory_space<semaphore_mem>>
          %dma_start3A_283 = arith.constant 0 : i32
          %dma_start3A_284 = tpu.memref_slice %arg8[%add3A_274, %dma_start3A_283] : memref<80x128xi32, #tpu.memory_space<vmem>> -> memref<1x128xi32, #tpu.memory_space<vmem>>
          %dma_start3A_285 = tpu.memref_squeeze %dma_start3A_284 : memref<1x128xi32, #tpu.memory_space<vmem>> -> memref<128xi32, #tpu.memory_space<vmem>>
          %dma_start3A_286 = arith.constant 0 : i32
          %dma_start3A_287 = arith.constant 0 : i32
          %dma_start3A_288 = tpu.memref_slice %arg25[%dma_start3A_286, %dma_start3A_287] : memref<10240x32xbf16, #tpu.memory_space<vmem_shared>> -> memref<10240x32xbf16, #tpu.memory_space<vmem_shared>>
          tpu.enqueue_indirect_dma source(%arg23 : memref<128x32xbf16, #tpu.memory_space<vmem>>) target(%dma_start3A_288 : memref<10240x32xbf16, #tpu.memory_space<vmem_shared>>) offsets(%dma_start3A_285 : memref<128xi32, #tpu.memory_space<vmem>>) semaphore(%run_scoped3A : memref<!tpu.dma_semaphore, #tpu.memory_space<semaphore_mem>>) {add = true}
          %dma_wait3A_289 = arith.constant 0 : i32
          %dma_wait3A_290 = tpu.memref_slice %arg8[%add3A_274, %dma_wait3A_289] : memref<80x128xi32, #tpu.memory_space<vmem>> -> memref<1x128xi32, #tpu.memory_space<vmem>>
          %dma_wait3A_291 = tpu.memref_squeeze %dma_wait3A_290 : memref<1x128xi32, #tpu.memory_space<vmem>> -> memref<128xi32, #tpu.memory_space<vmem>>
          %dma_wait3A_292 = arith.constant 0 : i32
          %dma_wait3A_293 = arith.constant 0 : i32
          %dma_wait3A_294 = tpu.memref_slice %arg25[%dma_wait3A_292, %dma_wait3A_293] : memref<10240x32xbf16, #tpu.memory_space<vmem_shared>> -> memref<10240x32xbf16, #tpu.memory_space<vmem_shared>>
          tpu.wait_indirect_dma semaphore(%run_scoped3A : memref<!tpu.dma_semaphore, #tpu.memory_space<semaphore_mem>>) src(%arg23 : memref<128x32xbf16, #tpu.memory_space<vmem>>) dst(%dma_wait3A_294 : memref<10240x32xbf16, #tpu.memory_space<vmem_shared>>)
          tpu.yield
        }) : () -> ()
        %dma_wait3A_275 = arith.constant 0 : i32
        %dma_wait3A_276 = tpu.memref_slice %arg7[%add3A_149, %dma_wait3A_275] : memref<80x128xi32, #tpu.memory_space<vmem>> -> memref<1x128xi32, #tpu.memory_space<vmem>>
        %dma_wait3A_277 = tpu.memref_squeeze %dma_wait3A_276 : memref<1x128xi32, #tpu.memory_space<vmem>> -> memref<128xi32, #tpu.memory_space<vmem>>
        %dma_wait3A_278 = arith.constant 0 : i32
        %dma_wait3A_279 = arith.constant 0 : i32
        %dma_wait3A_280 = tpu.memref_slice %arg2[%dma_wait3A_278, %dma_wait3A_279] : memref<10000x32xbf16, #tpu.memory_space<hbm>> -> memref<10000x32xbf16, #tpu.memory_space<hbm>>
        tpu.wait_indirect_dma semaphore(%arg41 : memref<!tpu.dma_semaphore, #tpu.memory_space<semaphore_mem>>) src(%dma_wait3A_280 : memref<10000x32xbf16, #tpu.memory_space<hbm>>) dst(%arg24 : memref<128x32xbf16, #tpu.memory_space<vmem>>)
        %add3A_281 = arith.constant 15 : i32
        %add3A_282 = arith.addi %mul3A_29, %add3A_281 : i32
        "tpu.region"() ({
          %run_scoped3A = tpu.sem_alloc : memref<!tpu.dma_semaphore, #tpu.memory_space<semaphore_mem>>
          %dma_start3A_283 = arith.constant 0 : i32
          %dma_start3A_284 = tpu.memref_slice %arg8[%add3A_282, %dma_start3A_283] : memref<80x128xi32, #tpu.memory_space<vmem>> -> memref<1x128xi32, #tpu.memory_space<vmem>>
          %dma_start3A_285 = tpu.memref_squeeze %dma_start3A_284 : memref<1x128xi32, #tpu.memory_space<vmem>> -> memref<128xi32, #tpu.memory_space<vmem>>
          %dma_start3A_286 = arith.constant 0 : i32
          %dma_start3A_287 = arith.constant 0 : i32
          %dma_start3A_288 = tpu.memref_slice %arg25[%dma_start3A_286, %dma_start3A_287] : memref<10240x32xbf16, #tpu.memory_space<vmem_shared>> -> memref<10240x32xbf16, #tpu.memory_space<vmem_shared>>
          tpu.enqueue_indirect_dma source(%arg24 : memref<128x32xbf16, #tpu.memory_space<vmem>>) target(%dma_start3A_288 : memref<10240x32xbf16, #tpu.memory_space<vmem_shared>>) offsets(%dma_start3A_285 : memref<128xi32, #tpu.memory_space<vmem>>) semaphore(%run_scoped3A : memref<!tpu.dma_semaphore, #tpu.memory_space<semaphore_mem>>) {add = true}
          %dma_wait3A_289 = arith.constant 0 : i32
          %dma_wait3A_290 = tpu.memref_slice %arg8[%add3A_282, %dma_wait3A_289] : memref<80x128xi32, #tpu.memory_space<vmem>> -> memref<1x128xi32, #tpu.memory_space<vmem>>
          %dma_wait3A_291 = tpu.memref_squeeze %dma_wait3A_290 : memref<1x128xi32, #tpu.memory_space<vmem>> -> memref<128xi32, #tpu.memory_space<vmem>>
          %dma_wait3A_292 = arith.constant 0 : i32
          %dma_wait3A_293 = arith.constant 0 : i32
          %dma_wait3A_294 = tpu.memref_slice %arg25[%dma_wait3A_292, %dma_wait3A_293] : memref<10240x32xbf16, #tpu.memory_space<vmem_shared>> -> memref<10240x32xbf16, #tpu.memory_space<vmem_shared>>
          tpu.wait_indirect_dma semaphore(%run_scoped3A : memref<!tpu.dma_semaphore, #tpu.memory_space<semaphore_mem>>) src(%arg24 : memref<128x32xbf16, #tpu.memory_space<vmem>>) dst(%dma_wait3A_294 : memref<10240x32xbf16, #tpu.memory_space<vmem_shared>>)
          tpu.yield
        }) : () -> ()
      }
      %scan3A_26 = arith.constant 5 : i32
    } else {
    }
    %ne3A_12 = arith.constant 0 : i32
    %ne3A_13 = arith.cmpi ne, %arg0, %ne3A_12 : i32
    %convert_element_type3A_14 = arith.extui %ne3A_13 : i1 to i32
    %cond3A_15 = arith.constant 0 : i32
    %cond3A_16 = arith.cmpi ne, %convert_element_type3A_14, %cond3A_15 : i32
    scf.if %cond3A_16 {
      %scan3A = arith.constant 0 : i32
      %scan3A_22 = arith.constant 0 : i32
      %scan3A_23 = arith.constant 5 : i32
      %scan3A_24 = arith.addi %scan3A_22, %scan3A_23 : i32
      %scan3A_25 = arith.constant 1 : i32
      scf.for %scan3A_27 = %scan3A_22 to %scan3A_24 step %scan3A_25  : i32 {
        %mul3A_28 = arith.constant 16 : i32
        %mul3A_29 = arith.muli %scan3A_27, %mul3A_28 : i32
        %add3A = arith.constant 0 : i32
        %add3A_30 = arith.addi %mul3A_29, %add3A : i32
        %dma_start3A = arith.constant 0 : i32
        %dma_start3A_31 = tpu.memref_slice %arg7[%add3A_30, %dma_start3A] : memref<80x128xi32, #tpu.memory_space<vmem>> -> memref<1x128xi32, #tpu.memory_space<vmem>>
        %dma_start3A_32 = tpu.memref_squeeze %dma_start3A_31 : memref<1x128xi32, #tpu.memory_space<vmem>> -> memref<128xi32, #tpu.memory_space<vmem>>
        %dma_start3A_33 = arith.constant 0 : i32
        %dma_start3A_34 = arith.constant 0 : i32
        %dma_start3A_35 = tpu.memref_slice %arg2[%dma_start3A_33, %dma_start3A_34] : memref<10000x32xbf16, #tpu.memory_space<hbm>> -> memref<10000x32xbf16, #tpu.memory_space<hbm>>
        tpu.enqueue_indirect_dma source(%dma_start3A_35 : memref<10000x32xbf16, #tpu.memory_space<hbm>>) target(%arg9 : memref<128x32xbf16, #tpu.memory_space<vmem>>) offsets(%dma_start3A_32 : memref<128xi32, #tpu.memory_space<vmem>>) semaphore(%arg26 : memref<!tpu.dma_semaphore, #tpu.memory_space<semaphore_mem>>)
        %add3A_36 = arith.constant 1 : i32
        %add3A_37 = arith.addi %mul3A_29, %add3A_36 : i32
        %dma_start3A_38 = arith.constant 0 : i32
        %dma_start3A_39 = tpu.memref_slice %arg7[%add3A_37, %dma_start3A_38] : memref<80x128xi32, #tpu.memory_space<vmem>> -> memref<1x128xi32, #tpu.memory_space<vmem>>
        %dma_start3A_40 = tpu.memref_squeeze %dma_start3A_39 : memref<1x128xi32, #tpu.memory_space<vmem>> -> memref<128xi32, #tpu.memory_space<vmem>>
        %dma_start3A_41 = arith.constant 0 : i32
        %dma_start3A_42 = arith.constant 0 : i32
        %dma_start3A_43 = tpu.memref_slice %arg2[%dma_start3A_41, %dma_start3A_42] : memref<10000x32xbf16, #tpu.memory_space<hbm>> -> memref<10000x32xbf16, #tpu.memory_space<hbm>>
        tpu.enqueue_indirect_dma source(%dma_start3A_43 : memref<10000x32xbf16, #tpu.memory_space<hbm>>) target(%arg10 : memref<128x32xbf16, #tpu.memory_space<vmem>>) offsets(%dma_start3A_40 : memref<128xi32, #tpu.memory_space<vmem>>) semaphore(%arg27 : memref<!tpu.dma_semaphore, #tpu.memory_space<semaphore_mem>>)
        %add3A_44 = arith.constant 2 : i32
        %add3A_45 = arith.addi %mul3A_29, %add3A_44 : i32
        %dma_start3A_46 = arith.constant 0 : i32
        %dma_start3A_47 = tpu.memref_slice %arg7[%add3A_45, %dma_start3A_46] : memref<80x128xi32, #tpu.memory_space<vmem>> -> memref<1x128xi32, #tpu.memory_space<vmem>>
        %dma_start3A_48 = tpu.memref_squeeze %dma_start3A_47 : memref<1x128xi32, #tpu.memory_space<vmem>> -> memref<128xi32, #tpu.memory_space<vmem>>
        %dma_start3A_49 = arith.constant 0 : i32
        %dma_start3A_50 = arith.constant 0 : i32
        %dma_start3A_51 = tpu.memref_slice %arg2[%dma_start3A_49, %dma_start3A_50] : memref<10000x32xbf16, #tpu.memory_space<hbm>> -> memref<10000x32xbf16, #tpu.memory_space<hbm>>
        tpu.enqueue_indirect_dma source(%dma_start3A_51 : memref<10000x32xbf16, #tpu.memory_space<hbm>>) target(%arg11 : memref<128x32xbf16, #tpu.memory_space<vmem>>) offsets(%dma_start3A_48 : memref<128xi32, #tpu.memory_space<vmem>>) semaphore(%arg28 : memref<!tpu.dma_semaphore, #tpu.memory_space<semaphore_mem>>)
        %add3A_52 = arith.constant 3 : i32
        %add3A_53 = arith.addi %mul3A_29, %add3A_52 : i32
        %dma_start3A_54 = arith.constant 0 : i32
        %dma_start3A_55 = tpu.memref_slice %arg7[%add3A_53, %dma_start3A_54] : memref<80x128xi32, #tpu.memory_space<vmem>> -> memref<1x128xi32, #tpu.memory_space<vmem>>
        %dma_start3A_56 = tpu.memref_squeeze %dma_start3A_55 : memref<1x128xi32, #tpu.memory_space<vmem>> -> memref<128xi32, #tpu.memory_space<vmem>>
        %dma_start3A_57 = arith.constant 0 : i32
        %dma_start3A_58 = arith.constant 0 : i32
        %dma_start3A_59 = tpu.memref_slice %arg2[%dma_start3A_57, %dma_start3A_58] : memref<10000x32xbf16, #tpu.memory_space<hbm>> -> memref<10000x32xbf16, #tpu.memory_space<hbm>>
        tpu.enqueue_indirect_dma source(%dma_start3A_59 : memref<10000x32xbf16, #tpu.memory_space<hbm>>) target(%arg12 : memref<128x32xbf16, #tpu.memory_space<vmem>>) offsets(%dma_start3A_56 : memref<128xi32, #tpu.memory_space<vmem>>) semaphore(%arg29 : memref<!tpu.dma_semaphore, #tpu.memory_space<semaphore_mem>>)
        %add3A_60 = arith.constant 4 : i32
        %add3A_61 = arith.addi %mul3A_29, %add3A_60 : i32
        %dma_start3A_62 = arith.constant 0 : i32
        %dma_start3A_63 = tpu.memref_slice %arg7[%add3A_61, %dma_start3A_62] : memref<80x128xi32, #tpu.memory_space<vmem>> -> memref<1x128xi32, #tpu.memory_space<vmem>>
        %dma_start3A_64 = tpu.memref_squeeze %dma_start3A_63 : memref<1x128xi32, #tpu.memory_space<vmem>> -> memref<128xi32, #tpu.memory_space<vmem>>
        %dma_start3A_65 = arith.constant 0 : i32
        %dma_start3A_66 = arith.constant 0 : i32
        %dma_start3A_67 = tpu.memref_slice %arg2[%dma_start3A_65, %dma_start3A_66] : memref<10000x32xbf16, #tpu.memory_space<hbm>> -> memref<10000x32xbf16, #tpu.memory_space<hbm>>
        tpu.enqueue_indirect_dma source(%dma_start3A_67 : memref<10000x32xbf16, #tpu.memory_space<hbm>>) target(%arg13 : memref<128x32xbf16, #tpu.memory_space<vmem>>) offsets(%dma_start3A_64 : memref<128xi32, #tpu.memory_space<vmem>>) semaphore(%arg30 : memref<!tpu.dma_semaphore, #tpu.memory_space<semaphore_mem>>)
        %add3A_68 = arith.constant 5 : i32
        %add3A_69 = arith.addi %mul3A_29, %add3A_68 : i32
        %dma_start3A_70 = arith.constant 0 : i32
        %dma_start3A_71 = tpu.memref_slice %arg7[%add3A_69, %dma_start3A_70] : memref<80x128xi32, #tpu.memory_space<vmem>> -> memref<1x128xi32, #tpu.memory_space<vmem>>
        %dma_start3A_72 = tpu.memref_squeeze %dma_start3A_71 : memref<1x128xi32, #tpu.memory_space<vmem>> -> memref<128xi32, #tpu.memory_space<vmem>>
        %dma_start3A_73 = arith.constant 0 : i32
        %dma_start3A_74 = arith.constant 0 : i32
        %dma_start3A_75 = tpu.memref_slice %arg2[%dma_start3A_73, %dma_start3A_74] : memref<10000x32xbf16, #tpu.memory_space<hbm>> -> memref<10000x32xbf16, #tpu.memory_space<hbm>>
        tpu.enqueue_indirect_dma source(%dma_start3A_75 : memref<10000x32xbf16, #tpu.memory_space<hbm>>) target(%arg14 : memref<128x32xbf16, #tpu.memory_space<vmem>>) offsets(%dma_start3A_72 : memref<128xi32, #tpu.memory_space<vmem>>) semaphore(%arg31 : memref<!tpu.dma_semaphore, #tpu.memory_space<semaphore_mem>>)
        %add3A_76 = arith.constant 6 : i32
        %add3A_77 = arith.addi %mul3A_29, %add3A_76 : i32
        %dma_start3A_78 = arith.constant 0 : i32
        %dma_start3A_79 = tpu.memref_slice %arg7[%add3A_77, %dma_start3A_78] : memref<80x128xi32, #tpu.memory_space<vmem>> -> memref<1x128xi32, #tpu.memory_space<vmem>>
        %dma_start3A_80 = tpu.memref_squeeze %dma_start3A_79 : memref<1x128xi32, #tpu.memory_space<vmem>> -> memref<128xi32, #tpu.memory_space<vmem>>
        %dma_start3A_81 = arith.constant 0 : i32
        %dma_start3A_82 = arith.constant 0 : i32
        %dma_start3A_83 = tpu.memref_slice %arg2[%dma_start3A_81, %dma_start3A_82] : memref<10000x32xbf16, #tpu.memory_space<hbm>> -> memref<10000x32xbf16, #tpu.memory_space<hbm>>
        tpu.enqueue_indirect_dma source(%dma_start3A_83 : memref<10000x32xbf16, #tpu.memory_space<hbm>>) target(%arg15 : memref<128x32xbf16, #tpu.memory_space<vmem>>) offsets(%dma_start3A_80 : memref<128xi32, #tpu.memory_space<vmem>>) semaphore(%arg32 : memref<!tpu.dma_semaphore, #tpu.memory_space<semaphore_mem>>)
        %add3A_84 = arith.constant 7 : i32
        %add3A_85 = arith.addi %mul3A_29, %add3A_84 : i32
        %dma_start3A_86 = arith.constant 0 : i32
        %dma_start3A_87 = tpu.memref_slice %arg7[%add3A_85, %dma_start3A_86] : memref<80x128xi32, #tpu.memory_space<vmem>> -> memref<1x128xi32, #tpu.memory_space<vmem>>
        %dma_start3A_88 = tpu.memref_squeeze %dma_start3A_87 : memref<1x128xi32, #tpu.memory_space<vmem>> -> memref<128xi32, #tpu.memory_space<vmem>>
        %dma_start3A_89 = arith.constant 0 : i32
        %dma_start3A_90 = arith.constant 0 : i32
        %dma_start3A_91 = tpu.memref_slice %arg2[%dma_start3A_89, %dma_start3A_90] : memref<10000x32xbf16, #tpu.memory_space<hbm>> -> memref<10000x32xbf16, #tpu.memory_space<hbm>>
        tpu.enqueue_indirect_dma source(%dma_start3A_91 : memref<10000x32xbf16, #tpu.memory_space<hbm>>) target(%arg16 : memref<128x32xbf16, #tpu.memory_space<vmem>>) offsets(%dma_start3A_88 : memref<128xi32, #tpu.memory_space<vmem>>) semaphore(%arg33 : memref<!tpu.dma_semaphore, #tpu.memory_space<semaphore_mem>>)
        %add3A_92 = arith.constant 8 : i32
        %add3A_93 = arith.addi %mul3A_29, %add3A_92 : i32
        %dma_start3A_94 = arith.constant 0 : i32
        %dma_start3A_95 = tpu.memref_slice %arg7[%add3A_93, %dma_start3A_94] : memref<80x128xi32, #tpu.memory_space<vmem>> -> memref<1x128xi32, #tpu.memory_space<vmem>>
        %dma_start3A_96 = tpu.memref_squeeze %dma_start3A_95 : memref<1x128xi32, #tpu.memory_space<vmem>> -> memref<128xi32, #tpu.memory_space<vmem>>
        %dma_start3A_97 = arith.constant 0 : i32
        %dma_start3A_98 = arith.constant 0 : i32
        %dma_start3A_99 = tpu.memref_slice %arg2[%dma_start3A_97, %dma_start3A_98] : memref<10000x32xbf16, #tpu.memory_space<hbm>> -> memref<10000x32xbf16, #tpu.memory_space<hbm>>
        tpu.enqueue_indirect_dma source(%dma_start3A_99 : memref<10000x32xbf16, #tpu.memory_space<hbm>>) target(%arg17 : memref<128x32xbf16, #tpu.memory_space<vmem>>) offsets(%dma_start3A_96 : memref<128xi32, #tpu.memory_space<vmem>>) semaphore(%arg34 : memref<!tpu.dma_semaphore, #tpu.memory_space<semaphore_mem>>)
        %add3A_100 = arith.constant 9 : i32
        %add3A_101 = arith.addi %mul3A_29, %add3A_100 : i32
        %dma_start3A_102 = arith.constant 0 : i32
        %dma_start3A_103 = tpu.memref_slice %arg7[%add3A_101, %dma_start3A_102] : memref<80x128xi32, #tpu.memory_space<vmem>> -> memref<1x128xi32, #tpu.memory_space<vmem>>
        %dma_start3A_104 = tpu.memref_squeeze %dma_start3A_103 : memref<1x128xi32, #tpu.memory_space<vmem>> -> memref<128xi32, #tpu.memory_space<vmem>>
        %dma_start3A_105 = arith.constant 0 : i32
        %dma_start3A_106 = arith.constant 0 : i32
        %dma_start3A_107 = tpu.memref_slice %arg2[%dma_start3A_105, %dma_start3A_106] : memref<10000x32xbf16, #tpu.memory_space<hbm>> -> memref<10000x32xbf16, #tpu.memory_space<hbm>>
        tpu.enqueue_indirect_dma source(%dma_start3A_107 : memref<10000x32xbf16, #tpu.memory_space<hbm>>) target(%arg18 : memref<128x32xbf16, #tpu.memory_space<vmem>>) offsets(%dma_start3A_104 : memref<128xi32, #tpu.memory_space<vmem>>) semaphore(%arg35 : memref<!tpu.dma_semaphore, #tpu.memory_space<semaphore_mem>>)
        %add3A_108 = arith.constant 10 : i32
        %add3A_109 = arith.addi %mul3A_29, %add3A_108 : i32
        %dma_start3A_110 = arith.constant 0 : i32
        %dma_start3A_111 = tpu.memref_slice %arg7[%add3A_109, %dma_start3A_110] : memref<80x128xi32, #tpu.memory_space<vmem>> -> memref<1x128xi32, #tpu.memory_space<vmem>>
        %dma_start3A_112 = tpu.memref_squeeze %dma_start3A_111 : memref<1x128xi32, #tpu.memory_space<vmem>> -> memref<128xi32, #tpu.memory_space<vmem>>
        %dma_start3A_113 = arith.constant 0 : i32
        %dma_start3A_114 = arith.constant 0 : i32
        %dma_start3A_115 = tpu.memref_slice %arg2[%dma_start3A_113, %dma_start3A_114] : memref<10000x32xbf16, #tpu.memory_space<hbm>> -> memref<10000x32xbf16, #tpu.memory_space<hbm>>
        tpu.enqueue_indirect_dma source(%dma_start3A_115 : memref<10000x32xbf16, #tpu.memory_space<hbm>>) target(%arg19 : memref<128x32xbf16, #tpu.memory_space<vmem>>) offsets(%dma_start3A_112 : memref<128xi32, #tpu.memory_space<vmem>>) semaphore(%arg36 : memref<!tpu.dma_semaphore, #tpu.memory_space<semaphore_mem>>)
        %add3A_116 = arith.constant 11 : i32
        %add3A_117 = arith.addi %mul3A_29, %add3A_116 : i32
        %dma_start3A_118 = arith.constant 0 : i32
        %dma_start3A_119 = tpu.memref_slice %arg7[%add3A_117, %dma_start3A_118] : memref<80x128xi32, #tpu.memory_space<vmem>> -> memref<1x128xi32, #tpu.memory_space<vmem>>
        %dma_start3A_120 = tpu.memref_squeeze %dma_start3A_119 : memref<1x128xi32, #tpu.memory_space<vmem>> -> memref<128xi32, #tpu.memory_space<vmem>>
        %dma_start3A_121 = arith.constant 0 : i32
        %dma_start3A_122 = arith.constant 0 : i32
        %dma_start3A_123 = tpu.memref_slice %arg2[%dma_start3A_121, %dma_start3A_122] : memref<10000x32xbf16, #tpu.memory_space<hbm>> -> memref<10000x32xbf16, #tpu.memory_space<hbm>>
        tpu.enqueue_indirect_dma source(%dma_start3A_123 : memref<10000x32xbf16, #tpu.memory_space<hbm>>) target(%arg20 : memref<128x32xbf16, #tpu.memory_space<vmem>>) offsets(%dma_start3A_120 : memref<128xi32, #tpu.memory_space<vmem>>) semaphore(%arg37 : memref<!tpu.dma_semaphore, #tpu.memory_space<semaphore_mem>>)
        %add3A_124 = arith.constant 12 : i32
        %add3A_125 = arith.addi %mul3A_29, %add3A_124 : i32
        %dma_start3A_126 = arith.constant 0 : i32
        %dma_start3A_127 = tpu.memref_slice %arg7[%add3A_125, %dma_start3A_126] : memref<80x128xi32, #tpu.memory_space<vmem>> -> memref<1x128xi32, #tpu.memory_space<vmem>>
        %dma_start3A_128 = tpu.memref_squeeze %dma_start3A_127 : memref<1x128xi32, #tpu.memory_space<vmem>> -> memref<128xi32, #tpu.memory_space<vmem>>
        %dma_start3A_129 = arith.constant 0 : i32
        %dma_start3A_130 = arith.constant 0 : i32
        %dma_start3A_131 = tpu.memref_slice %arg2[%dma_start3A_129, %dma_start3A_130] : memref<10000x32xbf16, #tpu.memory_space<hbm>> -> memref<10000x32xbf16, #tpu.memory_space<hbm>>
        tpu.enqueue_indirect_dma source(%dma_start3A_131 : memref<10000x32xbf16, #tpu.memory_space<hbm>>) target(%arg21 : memref<128x32xbf16, #tpu.memory_space<vmem>>) offsets(%dma_start3A_128 : memref<128xi32, #tpu.memory_space<vmem>>) semaphore(%arg38 : memref<!tpu.dma_semaphore, #tpu.memory_space<semaphore_mem>>)
        %add3A_132 = arith.constant 13 : i32
        %add3A_133 = arith.addi %mul3A_29, %add3A_132 : i32
        %dma_start3A_134 = arith.constant 0 : i32
        %dma_start3A_135 = tpu.memref_slice %arg7[%add3A_133, %dma_start3A_134] : memref<80x128xi32, #tpu.memory_space<vmem>> -> memref<1x128xi32, #tpu.memory_space<vmem>>
        %dma_start3A_136 = tpu.memref_squeeze %dma_start3A_135 : memref<1x128xi32, #tpu.memory_space<vmem>> -> memref<128xi32, #tpu.memory_space<vmem>>
        %dma_start3A_137 = arith.constant 0 : i32
        %dma_start3A_138 = arith.constant 0 : i32
        %dma_start3A_139 = tpu.memref_slice %arg2[%dma_start3A_137, %dma_start3A_138] : memref<10000x32xbf16, #tpu.memory_space<hbm>> -> memref<10000x32xbf16, #tpu.memory_space<hbm>>
        tpu.enqueue_indirect_dma source(%dma_start3A_139 : memref<10000x32xbf16, #tpu.memory_space<hbm>>) target(%arg22 : memref<128x32xbf16, #tpu.memory_space<vmem>>) offsets(%dma_start3A_136 : memref<128xi32, #tpu.memory_space<vmem>>) semaphore(%arg39 : memref<!tpu.dma_semaphore, #tpu.memory_space<semaphore_mem>>)
        %add3A_140 = arith.constant 14 : i32
        %add3A_141 = arith.addi %mul3A_29, %add3A_140 : i32
        %dma_start3A_142 = arith.constant 0 : i32
        %dma_start3A_143 = tpu.memref_slice %arg7[%add3A_141, %dma_start3A_142] : memref<80x128xi32, #tpu.memory_space<vmem>> -> memref<1x128xi32, #tpu.memory_space<vmem>>
        %dma_start3A_144 = tpu.memref_squeeze %dma_start3A_143 : memref<1x128xi32, #tpu.memory_space<vmem>> -> memref<128xi32, #tpu.memory_space<vmem>>
        %dma_start3A_145 = arith.constant 0 : i32
        %dma_start3A_146 = arith.constant 0 : i32
        %dma_start3A_147 = tpu.memref_slice %arg2[%dma_start3A_145, %dma_start3A_146] : memref<10000x32xbf16, #tpu.memory_space<hbm>> -> memref<10000x32xbf16, #tpu.memory_space<hbm>>
        tpu.enqueue_indirect_dma source(%dma_start3A_147 : memref<10000x32xbf16, #tpu.memory_space<hbm>>) target(%arg23 : memref<128x32xbf16, #tpu.memory_space<vmem>>) offsets(%dma_start3A_144 : memref<128xi32, #tpu.memory_space<vmem>>) semaphore(%arg40 : memref<!tpu.dma_semaphore, #tpu.memory_space<semaphore_mem>>)
        %add3A_148 = arith.constant 15 : i32
        %add3A_149 = arith.addi %mul3A_29, %add3A_148 : i32
        %dma_start3A_150 = arith.constant 0 : i32
        %dma_start3A_151 = tpu.memref_slice %arg7[%add3A_149, %dma_start3A_150] : memref<80x128xi32, #tpu.memory_space<vmem>> -> memref<1x128xi32, #tpu.memory_space<vmem>>
        %dma_start3A_152 = tpu.memref_squeeze %dma_start3A_151 : memref<1x128xi32, #tpu.memory_space<vmem>> -> memref<128xi32, #tpu.memory_space<vmem>>
        %dma_start3A_153 = arith.constant 0 : i32
        %dma_start3A_154 = arith.constant 0 : i32
        %dma_start3A_155 = tpu.memref_slice %arg2[%dma_start3A_153, %dma_start3A_154] : memref<10000x32xbf16, #tpu.memory_space<hbm>> -> memref<10000x32xbf16, #tpu.memory_space<hbm>>
        tpu.enqueue_indirect_dma source(%dma_start3A_155 : memref<10000x32xbf16, #tpu.memory_space<hbm>>) target(%arg24 : memref<128x32xbf16, #tpu.memory_space<vmem>>) offsets(%dma_start3A_152 : memref<128xi32, #tpu.memory_space<vmem>>) semaphore(%arg41 : memref<!tpu.dma_semaphore, #tpu.memory_space<semaphore_mem>>)
        %dma_wait3A = arith.constant 0 : i32
        %dma_wait3A_156 = tpu.memref_slice %arg7[%add3A_30, %dma_wait3A] : memref<80x128xi32, #tpu.memory_space<vmem>> -> memref<1x128xi32, #tpu.memory_space<vmem>>
        %dma_wait3A_157 = tpu.memref_squeeze %dma_wait3A_156 : memref<1x128xi32, #tpu.memory_space<vmem>> -> memref<128xi32, #tpu.memory_space<vmem>>
        %dma_wait3A_158 = arith.constant 0 : i32
        %dma_wait3A_159 = arith.constant 0 : i32
        %dma_wait3A_160 = tpu.memref_slice %arg2[%dma_wait3A_158, %dma_wait3A_159] : memref<10000x32xbf16, #tpu.memory_space<hbm>> -> memref<10000x32xbf16, #tpu.memory_space<hbm>>
        tpu.wait_indirect_dma semaphore(%arg26 : memref<!tpu.dma_semaphore, #tpu.memory_space<semaphore_mem>>) src(%dma_wait3A_160 : memref<10000x32xbf16, #tpu.memory_space<hbm>>) dst(%arg9 : memref<128x32xbf16, #tpu.memory_space<vmem>>)
        %add3A_161 = arith.constant 0 : i32
        %add3A_162 = arith.addi %mul3A_29, %add3A_161 : i32
        "tpu.region"() ({
          %run_scoped3A = tpu.sem_alloc : memref<!tpu.dma_semaphore, #tpu.memory_space<semaphore_mem>>
          %dma_start3A_283 = arith.constant 0 : i32
          %dma_start3A_284 = tpu.memref_slice %arg8[%add3A_162, %dma_start3A_283] : memref<80x128xi32, #tpu.memory_space<vmem>> -> memref<1x128xi32, #tpu.memory_space<vmem>>
          %dma_start3A_285 = tpu.memref_squeeze %dma_start3A_284 : memref<1x128xi32, #tpu.memory_space<vmem>> -> memref<128xi32, #tpu.memory_space<vmem>>
          %dma_start3A_286 = arith.constant 0 : i32
          %dma_start3A_287 = arith.constant 0 : i32
          %dma_start3A_288 = tpu.memref_slice %arg25[%dma_start3A_286, %dma_start3A_287] : memref<10240x32xbf16, #tpu.memory_space<vmem_shared>> -> memref<10240x32xbf16, #tpu.memory_space<vmem_shared>>
          tpu.enqueue_indirect_dma source(%arg9 : memref<128x32xbf16, #tpu.memory_space<vmem>>) target(%dma_start3A_288 : memref<10240x32xbf16, #tpu.memory_space<vmem_shared>>) offsets(%dma_start3A_285 : memref<128xi32, #tpu.memory_space<vmem>>) semaphore(%run_scoped3A : memref<!tpu.dma_semaphore, #tpu.memory_space<semaphore_mem>>) {add = true}
          %dma_wait3A_289 = arith.constant 0 : i32
          %dma_wait3A_290 = tpu.memref_slice %arg8[%add3A_162, %dma_wait3A_289] : memref<80x128xi32, #tpu.memory_space<vmem>> -> memref<1x128xi32, #tpu.memory_space<vmem>>
          %dma_wait3A_291 = tpu.memref_squeeze %dma_wait3A_290 : memref<1x128xi32, #tpu.memory_space<vmem>> -> memref<128xi32, #tpu.memory_space<vmem>>
          %dma_wait3A_292 = arith.constant 0 : i32
          %dma_wait3A_293 = arith.constant 0 : i32
          %dma_wait3A_294 = tpu.memref_slice %arg25[%dma_wait3A_292, %dma_wait3A_293] : memref<10240x32xbf16, #tpu.memory_space<vmem_shared>> -> memref<10240x32xbf16, #tpu.memory_space<vmem_shared>>
          tpu.wait_indirect_dma semaphore(%run_scoped3A : memref<!tpu.dma_semaphore, #tpu.memory_space<semaphore_mem>>) src(%arg9 : memref<128x32xbf16, #tpu.memory_space<vmem>>) dst(%dma_wait3A_294 : memref<10240x32xbf16, #tpu.memory_space<vmem_shared>>)
          tpu.yield
        }) : () -> ()
        %dma_wait3A_163 = arith.constant 0 : i32
        %dma_wait3A_164 = tpu.memref_slice %arg7[%add3A_37, %dma_wait3A_163] : memref<80x128xi32, #tpu.memory_space<vmem>> -> memref<1x128xi32, #tpu.memory_space<vmem>>
        %dma_wait3A_165 = tpu.memref_squeeze %dma_wait3A_164 : memref<1x128xi32, #tpu.memory_space<vmem>> -> memref<128xi32, #tpu.memory_space<vmem>>
        %dma_wait3A_166 = arith.constant 0 : i32
        %dma_wait3A_167 = arith.constant 0 : i32
        %dma_wait3A_168 = tpu.memref_slice %arg2[%dma_wait3A_166, %dma_wait3A_167] : memref<10000x32xbf16, #tpu.memory_space<hbm>> -> memref<10000x32xbf16, #tpu.memory_space<hbm>>
        tpu.wait_indirect_dma semaphore(%arg27 : memref<!tpu.dma_semaphore, #tpu.memory_space<semaphore_mem>>) src(%dma_wait3A_168 : memref<10000x32xbf16, #tpu.memory_space<hbm>>) dst(%arg10 : memref<128x32xbf16, #tpu.memory_space<vmem>>)
        %add3A_169 = arith.constant 1 : i32
        %add3A_170 = arith.addi %mul3A_29, %add3A_169 : i32
        "tpu.region"() ({
          %run_scoped3A = tpu.sem_alloc : memref<!tpu.dma_semaphore, #tpu.memory_space<semaphore_mem>>
          %dma_start3A_283 = arith.constant 0 : i32
          %dma_start3A_284 = tpu.memref_slice %arg8[%add3A_170, %dma_start3A_283] : memref<80x128xi32, #tpu.memory_space<vmem>> -> memref<1x128xi32, #tpu.memory_space<vmem>>
          %dma_start3A_285 = tpu.memref_squeeze %dma_start3A_284 : memref<1x128xi32, #tpu.memory_space<vmem>> -> memref<128xi32, #tpu.memory_space<vmem>>
          %dma_start3A_286 = arith.constant 0 : i32
          %dma_start3A_287 = arith.constant 0 : i32
          %dma_start3A_288 = tpu.memref_slice %arg25[%dma_start3A_286, %dma_start3A_287] : memref<10240x32xbf16, #tpu.memory_space<vmem_shared>> -> memref<10240x32xbf16, #tpu.memory_space<vmem_shared>>
          tpu.enqueue_indirect_dma source(%arg10 : memref<128x32xbf16, #tpu.memory_space<vmem>>) target(%dma_start3A_288 : memref<10240x32xbf16, #tpu.memory_space<vmem_shared>>) offsets(%dma_start3A_285 : memref<128xi32, #tpu.memory_space<vmem>>) semaphore(%run_scoped3A : memref<!tpu.dma_semaphore, #tpu.memory_space<semaphore_mem>>) {add = true}
          %dma_wait3A_289 = arith.constant 0 : i32
          %dma_wait3A_290 = tpu.memref_slice %arg8[%add3A_170, %dma_wait3A_289] : memref<80x128xi32, #tpu.memory_space<vmem>> -> memref<1x128xi32, #tpu.memory_space<vmem>>
          %dma_wait3A_291 = tpu.memref_squeeze %dma_wait3A_290 : memref<1x128xi32, #tpu.memory_space<vmem>> -> memref<128xi32, #tpu.memory_space<vmem>>
          %dma_wait3A_292 = arith.constant 0 : i32
          %dma_wait3A_293 = arith.constant 0 : i32
          %dma_wait3A_294 = tpu.memref_slice %arg25[%dma_wait3A_292, %dma_wait3A_293] : memref<10240x32xbf16, #tpu.memory_space<vmem_shared>> -> memref<10240x32xbf16, #tpu.memory_space<vmem_shared>>
          tpu.wait_indirect_dma semaphore(%run_scoped3A : memref<!tpu.dma_semaphore, #tpu.memory_space<semaphore_mem>>) src(%arg10 : memref<128x32xbf16, #tpu.memory_space<vmem>>) dst(%dma_wait3A_294 : memref<10240x32xbf16, #tpu.memory_space<vmem_shared>>)
          tpu.yield
        }) : () -> ()
        %dma_wait3A_171 = arith.constant 0 : i32
        %dma_wait3A_172 = tpu.memref_slice %arg7[%add3A_45, %dma_wait3A_171] : memref<80x128xi32, #tpu.memory_space<vmem>> -> memref<1x128xi32, #tpu.memory_space<vmem>>
        %dma_wait3A_173 = tpu.memref_squeeze %dma_wait3A_172 : memref<1x128xi32, #tpu.memory_space<vmem>> -> memref<128xi32, #tpu.memory_space<vmem>>
        %dma_wait3A_174 = arith.constant 0 : i32
        %dma_wait3A_175 = arith.constant 0 : i32
        %dma_wait3A_176 = tpu.memref_slice %arg2[%dma_wait3A_174, %dma_wait3A_175] : memref<10000x32xbf16, #tpu.memory_space<hbm>> -> memref<10000x32xbf16, #tpu.memory_space<hbm>>
        tpu.wait_indirect_dma semaphore(%arg28 : memref<!tpu.dma_semaphore, #tpu.memory_space<semaphore_mem>>) src(%dma_wait3A_176 : memref<10000x32xbf16, #tpu.memory_space<hbm>>) dst(%arg11 : memref<128x32xbf16, #tpu.memory_space<vmem>>)
        %add3A_177 = arith.constant 2 : i32
        %add3A_178 = arith.addi %mul3A_29, %add3A_177 : i32
        "tpu.region"() ({
          %run_scoped3A = tpu.sem_alloc : memref<!tpu.dma_semaphore, #tpu.memory_space<semaphore_mem>>
          %dma_start3A_283 = arith.constant 0 : i32
          %dma_start3A_284 = tpu.memref_slice %arg8[%add3A_178, %dma_start3A_283] : memref<80x128xi32, #tpu.memory_space<vmem>> -> memref<1x128xi32, #tpu.memory_space<vmem>>
          %dma_start3A_285 = tpu.memref_squeeze %dma_start3A_284 : memref<1x128xi32, #tpu.memory_space<vmem>> -> memref<128xi32, #tpu.memory_space<vmem>>
          %dma_start3A_286 = arith.constant 0 : i32
          %dma_start3A_287 = arith.constant 0 : i32
          %dma_start3A_288 = tpu.memref_slice %arg25[%dma_start3A_286, %dma_start3A_287] : memref<10240x32xbf16, #tpu.memory_space<vmem_shared>> -> memref<10240x32xbf16, #tpu.memory_space<vmem_shared>>
          tpu.enqueue_indirect_dma source(%arg11 : memref<128x32xbf16, #tpu.memory_space<vmem>>) target(%dma_start3A_288 : memref<10240x32xbf16, #tpu.memory_space<vmem_shared>>) offsets(%dma_start3A_285 : memref<128xi32, #tpu.memory_space<vmem>>) semaphore(%run_scoped3A : memref<!tpu.dma_semaphore, #tpu.memory_space<semaphore_mem>>) {add = true}
          %dma_wait3A_289 = arith.constant 0 : i32
          %dma_wait3A_290 = tpu.memref_slice %arg8[%add3A_178, %dma_wait3A_289] : memref<80x128xi32, #tpu.memory_space<vmem>> -> memref<1x128xi32, #tpu.memory_space<vmem>>
          %dma_wait3A_291 = tpu.memref_squeeze %dma_wait3A_290 : memref<1x128xi32, #tpu.memory_space<vmem>> -> memref<128xi32, #tpu.memory_space<vmem>>
          %dma_wait3A_292 = arith.constant 0 : i32
          %dma_wait3A_293 = arith.constant 0 : i32
          %dma_wait3A_294 = tpu.memref_slice %arg25[%dma_wait3A_292, %dma_wait3A_293] : memref<10240x32xbf16, #tpu.memory_space<vmem_shared>> -> memref<10240x32xbf16, #tpu.memory_space<vmem_shared>>
          tpu.wait_indirect_dma semaphore(%run_scoped3A : memref<!tpu.dma_semaphore, #tpu.memory_space<semaphore_mem>>) src(%arg11 : memref<128x32xbf16, #tpu.memory_space<vmem>>) dst(%dma_wait3A_294 : memref<10240x32xbf16, #tpu.memory_space<vmem_shared>>)
          tpu.yield
        }) : () -> ()
        %dma_wait3A_179 = arith.constant 0 : i32
        %dma_wait3A_180 = tpu.memref_slice %arg7[%add3A_53, %dma_wait3A_179] : memref<80x128xi32, #tpu.memory_space<vmem>> -> memref<1x128xi32, #tpu.memory_space<vmem>>
        %dma_wait3A_181 = tpu.memref_squeeze %dma_wait3A_180 : memref<1x128xi32, #tpu.memory_space<vmem>> -> memref<128xi32, #tpu.memory_space<vmem>>
        %dma_wait3A_182 = arith.constant 0 : i32
        %dma_wait3A_183 = arith.constant 0 : i32
        %dma_wait3A_184 = tpu.memref_slice %arg2[%dma_wait3A_182, %dma_wait3A_183] : memref<10000x32xbf16, #tpu.memory_space<hbm>> -> memref<10000x32xbf16, #tpu.memory_space<hbm>>
        tpu.wait_indirect_dma semaphore(%arg29 : memref<!tpu.dma_semaphore, #tpu.memory_space<semaphore_mem>>) src(%dma_wait3A_184 : memref<10000x32xbf16, #tpu.memory_space<hbm>>) dst(%arg12 : memref<128x32xbf16, #tpu.memory_space<vmem>>)
        %add3A_185 = arith.constant 3 : i32
        %add3A_186 = arith.addi %mul3A_29, %add3A_185 : i32
        "tpu.region"() ({
          %run_scoped3A = tpu.sem_alloc : memref<!tpu.dma_semaphore, #tpu.memory_space<semaphore_mem>>
          %dma_start3A_283 = arith.constant 0 : i32
          %dma_start3A_284 = tpu.memref_slice %arg8[%add3A_186, %dma_start3A_283] : memref<80x128xi32, #tpu.memory_space<vmem>> -> memref<1x128xi32, #tpu.memory_space<vmem>>
          %dma_start3A_285 = tpu.memref_squeeze %dma_start3A_284 : memref<1x128xi32, #tpu.memory_space<vmem>> -> memref<128xi32, #tpu.memory_space<vmem>>
          %dma_start3A_286 = arith.constant 0 : i32
          %dma_start3A_287 = arith.constant 0 : i32
          %dma_start3A_288 = tpu.memref_slice %arg25[%dma_start3A_286, %dma_start3A_287] : memref<10240x32xbf16, #tpu.memory_space<vmem_shared>> -> memref<10240x32xbf16, #tpu.memory_space<vmem_shared>>
          tpu.enqueue_indirect_dma source(%arg12 : memref<128x32xbf16, #tpu.memory_space<vmem>>) target(%dma_start3A_288 : memref<10240x32xbf16, #tpu.memory_space<vmem_shared>>) offsets(%dma_start3A_285 : memref<128xi32, #tpu.memory_space<vmem>>) semaphore(%run_scoped3A : memref<!tpu.dma_semaphore, #tpu.memory_space<semaphore_mem>>) {add = true}
          %dma_wait3A_289 = arith.constant 0 : i32
          %dma_wait3A_290 = tpu.memref_slice %arg8[%add3A_186, %dma_wait3A_289] : memref<80x128xi32, #tpu.memory_space<vmem>> -> memref<1x128xi32, #tpu.memory_space<vmem>>
          %dma_wait3A_291 = tpu.memref_squeeze %dma_wait3A_290 : memref<1x128xi32, #tpu.memory_space<vmem>> -> memref<128xi32, #tpu.memory_space<vmem>>
          %dma_wait3A_292 = arith.constant 0 : i32
          %dma_wait3A_293 = arith.constant 0 : i32
          %dma_wait3A_294 = tpu.memref_slice %arg25[%dma_wait3A_292, %dma_wait3A_293] : memref<10240x32xbf16, #tpu.memory_space<vmem_shared>> -> memref<10240x32xbf16, #tpu.memory_space<vmem_shared>>
          tpu.wait_indirect_dma semaphore(%run_scoped3A : memref<!tpu.dma_semaphore, #tpu.memory_space<semaphore_mem>>) src(%arg12 : memref<128x32xbf16, #tpu.memory_space<vmem>>) dst(%dma_wait3A_294 : memref<10240x32xbf16, #tpu.memory_space<vmem_shared>>)
          tpu.yield
        }) : () -> ()
        %dma_wait3A_187 = arith.constant 0 : i32
        %dma_wait3A_188 = tpu.memref_slice %arg7[%add3A_61, %dma_wait3A_187] : memref<80x128xi32, #tpu.memory_space<vmem>> -> memref<1x128xi32, #tpu.memory_space<vmem>>
        %dma_wait3A_189 = tpu.memref_squeeze %dma_wait3A_188 : memref<1x128xi32, #tpu.memory_space<vmem>> -> memref<128xi32, #tpu.memory_space<vmem>>
        %dma_wait3A_190 = arith.constant 0 : i32
        %dma_wait3A_191 = arith.constant 0 : i32
        %dma_wait3A_192 = tpu.memref_slice %arg2[%dma_wait3A_190, %dma_wait3A_191] : memref<10000x32xbf16, #tpu.memory_space<hbm>> -> memref<10000x32xbf16, #tpu.memory_space<hbm>>
        tpu.wait_indirect_dma semaphore(%arg30 : memref<!tpu.dma_semaphore, #tpu.memory_space<semaphore_mem>>) src(%dma_wait3A_192 : memref<10000x32xbf16, #tpu.memory_space<hbm>>) dst(%arg13 : memref<128x32xbf16, #tpu.memory_space<vmem>>)
        %add3A_193 = arith.constant 4 : i32
        %add3A_194 = arith.addi %mul3A_29, %add3A_193 : i32
        "tpu.region"() ({
          %run_scoped3A = tpu.sem_alloc : memref<!tpu.dma_semaphore, #tpu.memory_space<semaphore_mem>>
          %dma_start3A_283 = arith.constant 0 : i32
          %dma_start3A_284 = tpu.memref_slice %arg8[%add3A_194, %dma_start3A_283] : memref<80x128xi32, #tpu.memory_space<vmem>> -> memref<1x128xi32, #tpu.memory_space<vmem>>
          %dma_start3A_285 = tpu.memref_squeeze %dma_start3A_284 : memref<1x128xi32, #tpu.memory_space<vmem>> -> memref<128xi32, #tpu.memory_space<vmem>>
          %dma_start3A_286 = arith.constant 0 : i32
          %dma_start3A_287 = arith.constant 0 : i32
          %dma_start3A_288 = tpu.memref_slice %arg25[%dma_start3A_286, %dma_start3A_287] : memref<10240x32xbf16, #tpu.memory_space<vmem_shared>> -> memref<10240x32xbf16, #tpu.memory_space<vmem_shared>>
          tpu.enqueue_indirect_dma source(%arg13 : memref<128x32xbf16, #tpu.memory_space<vmem>>) target(%dma_start3A_288 : memref<10240x32xbf16, #tpu.memory_space<vmem_shared>>) offsets(%dma_start3A_285 : memref<128xi32, #tpu.memory_space<vmem>>) semaphore(%run_scoped3A : memref<!tpu.dma_semaphore, #tpu.memory_space<semaphore_mem>>) {add = true}
          %dma_wait3A_289 = arith.constant 0 : i32
          %dma_wait3A_290 = tpu.memref_slice %arg8[%add3A_194, %dma_wait3A_289] : memref<80x128xi32, #tpu.memory_space<vmem>> -> memref<1x128xi32, #tpu.memory_space<vmem>>
          %dma_wait3A_291 = tpu.memref_squeeze %dma_wait3A_290 : memref<1x128xi32, #tpu.memory_space<vmem>> -> memref<128xi32, #tpu.memory_space<vmem>>
          %dma_wait3A_292 = arith.constant 0 : i32
          %dma_wait3A_293 = arith.constant 0 : i32
          %dma_wait3A_294 = tpu.memref_slice %arg25[%dma_wait3A_292, %dma_wait3A_293] : memref<10240x32xbf16, #tpu.memory_space<vmem_shared>> -> memref<10240x32xbf16, #tpu.memory_space<vmem_shared>>
          tpu.wait_indirect_dma semaphore(%run_scoped3A : memref<!tpu.dma_semaphore, #tpu.memory_space<semaphore_mem>>) src(%arg13 : memref<128x32xbf16, #tpu.memory_space<vmem>>) dst(%dma_wait3A_294 : memref<10240x32xbf16, #tpu.memory_space<vmem_shared>>)
          tpu.yield
        }) : () -> ()
        %dma_wait3A_195 = arith.constant 0 : i32
        %dma_wait3A_196 = tpu.memref_slice %arg7[%add3A_69, %dma_wait3A_195] : memref<80x128xi32, #tpu.memory_space<vmem>> -> memref<1x128xi32, #tpu.memory_space<vmem>>
        %dma_wait3A_197 = tpu.memref_squeeze %dma_wait3A_196 : memref<1x128xi32, #tpu.memory_space<vmem>> -> memref<128xi32, #tpu.memory_space<vmem>>
        %dma_wait3A_198 = arith.constant 0 : i32
        %dma_wait3A_199 = arith.constant 0 : i32
        %dma_wait3A_200 = tpu.memref_slice %arg2[%dma_wait3A_198, %dma_wait3A_199] : memref<10000x32xbf16, #tpu.memory_space<hbm>> -> memref<10000x32xbf16, #tpu.memory_space<hbm>>
        tpu.wait_indirect_dma semaphore(%arg31 : memref<!tpu.dma_semaphore, #tpu.memory_space<semaphore_mem>>) src(%dma_wait3A_200 : memref<10000x32xbf16, #tpu.memory_space<hbm>>) dst(%arg14 : memref<128x32xbf16, #tpu.memory_space<vmem>>)
        %add3A_201 = arith.constant 5 : i32
        %add3A_202 = arith.addi %mul3A_29, %add3A_201 : i32
        "tpu.region"() ({
          %run_scoped3A = tpu.sem_alloc : memref<!tpu.dma_semaphore, #tpu.memory_space<semaphore_mem>>
          %dma_start3A_283 = arith.constant 0 : i32
          %dma_start3A_284 = tpu.memref_slice %arg8[%add3A_202, %dma_start3A_283] : memref<80x128xi32, #tpu.memory_space<vmem>> -> memref<1x128xi32, #tpu.memory_space<vmem>>
          %dma_start3A_285 = tpu.memref_squeeze %dma_start3A_284 : memref<1x128xi32, #tpu.memory_space<vmem>> -> memref<128xi32, #tpu.memory_space<vmem>>
          %dma_start3A_286 = arith.constant 0 : i32
          %dma_start3A_287 = arith.constant 0 : i32
          %dma_start3A_288 = tpu.memref_slice %arg25[%dma_start3A_286, %dma_start3A_287] : memref<10240x32xbf16, #tpu.memory_space<vmem_shared>> -> memref<10240x32xbf16, #tpu.memory_space<vmem_shared>>
          tpu.enqueue_indirect_dma source(%arg14 : memref<128x32xbf16, #tpu.memory_space<vmem>>) target(%dma_start3A_288 : memref<10240x32xbf16, #tpu.memory_space<vmem_shared>>) offsets(%dma_start3A_285 : memref<128xi32, #tpu.memory_space<vmem>>) semaphore(%run_scoped3A : memref<!tpu.dma_semaphore, #tpu.memory_space<semaphore_mem>>) {add = true}
          %dma_wait3A_289 = arith.constant 0 : i32
          %dma_wait3A_290 = tpu.memref_slice %arg8[%add3A_202, %dma_wait3A_289] : memref<80x128xi32, #tpu.memory_space<vmem>> -> memref<1x128xi32, #tpu.memory_space<vmem>>
          %dma_wait3A_291 = tpu.memref_squeeze %dma_wait3A_290 : memref<1x128xi32, #tpu.memory_space<vmem>> -> memref<128xi32, #tpu.memory_space<vmem>>
          %dma_wait3A_292 = arith.constant 0 : i32
          %dma_wait3A_293 = arith.constant 0 : i32
          %dma_wait3A_294 = tpu.memref_slice %arg25[%dma_wait3A_292, %dma_wait3A_293] : memref<10240x32xbf16, #tpu.memory_space<vmem_shared>> -> memref<10240x32xbf16, #tpu.memory_space<vmem_shared>>
          tpu.wait_indirect_dma semaphore(%run_scoped3A : memref<!tpu.dma_semaphore, #tpu.memory_space<semaphore_mem>>) src(%arg14 : memref<128x32xbf16, #tpu.memory_space<vmem>>) dst(%dma_wait3A_294 : memref<10240x32xbf16, #tpu.memory_space<vmem_shared>>)
          tpu.yield
        }) : () -> ()
        %dma_wait3A_203 = arith.constant 0 : i32
        %dma_wait3A_204 = tpu.memref_slice %arg7[%add3A_77, %dma_wait3A_203] : memref<80x128xi32, #tpu.memory_space<vmem>> -> memref<1x128xi32, #tpu.memory_space<vmem>>
        %dma_wait3A_205 = tpu.memref_squeeze %dma_wait3A_204 : memref<1x128xi32, #tpu.memory_space<vmem>> -> memref<128xi32, #tpu.memory_space<vmem>>
        %dma_wait3A_206 = arith.constant 0 : i32
        %dma_wait3A_207 = arith.constant 0 : i32
        %dma_wait3A_208 = tpu.memref_slice %arg2[%dma_wait3A_206, %dma_wait3A_207] : memref<10000x32xbf16, #tpu.memory_space<hbm>> -> memref<10000x32xbf16, #tpu.memory_space<hbm>>
        tpu.wait_indirect_dma semaphore(%arg32 : memref<!tpu.dma_semaphore, #tpu.memory_space<semaphore_mem>>) src(%dma_wait3A_208 : memref<10000x32xbf16, #tpu.memory_space<hbm>>) dst(%arg15 : memref<128x32xbf16, #tpu.memory_space<vmem>>)
        %add3A_209 = arith.constant 6 : i32
        %add3A_210 = arith.addi %mul3A_29, %add3A_209 : i32
        "tpu.region"() ({
          %run_scoped3A = tpu.sem_alloc : memref<!tpu.dma_semaphore, #tpu.memory_space<semaphore_mem>>
          %dma_start3A_283 = arith.constant 0 : i32
          %dma_start3A_284 = tpu.memref_slice %arg8[%add3A_210, %dma_start3A_283] : memref<80x128xi32, #tpu.memory_space<vmem>> -> memref<1x128xi32, #tpu.memory_space<vmem>>
          %dma_start3A_285 = tpu.memref_squeeze %dma_start3A_284 : memref<1x128xi32, #tpu.memory_space<vmem>> -> memref<128xi32, #tpu.memory_space<vmem>>
          %dma_start3A_286 = arith.constant 0 : i32
          %dma_start3A_287 = arith.constant 0 : i32
          %dma_start3A_288 = tpu.memref_slice %arg25[%dma_start3A_286, %dma_start3A_287] : memref<10240x32xbf16, #tpu.memory_space<vmem_shared>> -> memref<10240x32xbf16, #tpu.memory_space<vmem_shared>>
          tpu.enqueue_indirect_dma source(%arg15 : memref<128x32xbf16, #tpu.memory_space<vmem>>) target(%dma_start3A_288 : memref<10240x32xbf16, #tpu.memory_space<vmem_shared>>) offsets(%dma_start3A_285 : memref<128xi32, #tpu.memory_space<vmem>>) semaphore(%run_scoped3A : memref<!tpu.dma_semaphore, #tpu.memory_space<semaphore_mem>>) {add = true}
          %dma_wait3A_289 = arith.constant 0 : i32
          %dma_wait3A_290 = tpu.memref_slice %arg8[%add3A_210, %dma_wait3A_289] : memref<80x128xi32, #tpu.memory_space<vmem>> -> memref<1x128xi32, #tpu.memory_space<vmem>>
          %dma_wait3A_291 = tpu.memref_squeeze %dma_wait3A_290 : memref<1x128xi32, #tpu.memory_space<vmem>> -> memref<128xi32, #tpu.memory_space<vmem>>
          %dma_wait3A_292 = arith.constant 0 : i32
          %dma_wait3A_293 = arith.constant 0 : i32
          %dma_wait3A_294 = tpu.memref_slice %arg25[%dma_wait3A_292, %dma_wait3A_293] : memref<10240x32xbf16, #tpu.memory_space<vmem_shared>> -> memref<10240x32xbf16, #tpu.memory_space<vmem_shared>>
          tpu.wait_indirect_dma semaphore(%run_scoped3A : memref<!tpu.dma_semaphore, #tpu.memory_space<semaphore_mem>>) src(%arg15 : memref<128x32xbf16, #tpu.memory_space<vmem>>) dst(%dma_wait3A_294 : memref<10240x32xbf16, #tpu.memory_space<vmem_shared>>)
          tpu.yield
        }) : () -> ()
        %dma_wait3A_211 = arith.constant 0 : i32
        %dma_wait3A_212 = tpu.memref_slice %arg7[%add3A_85, %dma_wait3A_211] : memref<80x128xi32, #tpu.memory_space<vmem>> -> memref<1x128xi32, #tpu.memory_space<vmem>>
        %dma_wait3A_213 = tpu.memref_squeeze %dma_wait3A_212 : memref<1x128xi32, #tpu.memory_space<vmem>> -> memref<128xi32, #tpu.memory_space<vmem>>
        %dma_wait3A_214 = arith.constant 0 : i32
        %dma_wait3A_215 = arith.constant 0 : i32
        %dma_wait3A_216 = tpu.memref_slice %arg2[%dma_wait3A_214, %dma_wait3A_215] : memref<10000x32xbf16, #tpu.memory_space<hbm>> -> memref<10000x32xbf16, #tpu.memory_space<hbm>>
        tpu.wait_indirect_dma semaphore(%arg33 : memref<!tpu.dma_semaphore, #tpu.memory_space<semaphore_mem>>) src(%dma_wait3A_216 : memref<10000x32xbf16, #tpu.memory_space<hbm>>) dst(%arg16 : memref<128x32xbf16, #tpu.memory_space<vmem>>)
        %add3A_217 = arith.constant 7 : i32
        %add3A_218 = arith.addi %mul3A_29, %add3A_217 : i32
        "tpu.region"() ({
          %run_scoped3A = tpu.sem_alloc : memref<!tpu.dma_semaphore, #tpu.memory_space<semaphore_mem>>
          %dma_start3A_283 = arith.constant 0 : i32
          %dma_start3A_284 = tpu.memref_slice %arg8[%add3A_218, %dma_start3A_283] : memref<80x128xi32, #tpu.memory_space<vmem>> -> memref<1x128xi32, #tpu.memory_space<vmem>>
          %dma_start3A_285 = tpu.memref_squeeze %dma_start3A_284 : memref<1x128xi32, #tpu.memory_space<vmem>> -> memref<128xi32, #tpu.memory_space<vmem>>
          %dma_start3A_286 = arith.constant 0 : i32
          %dma_start3A_287 = arith.constant 0 : i32
          %dma_start3A_288 = tpu.memref_slice %arg25[%dma_start3A_286, %dma_start3A_287] : memref<10240x32xbf16, #tpu.memory_space<vmem_shared>> -> memref<10240x32xbf16, #tpu.memory_space<vmem_shared>>
          tpu.enqueue_indirect_dma source(%arg16 : memref<128x32xbf16, #tpu.memory_space<vmem>>) target(%dma_start3A_288 : memref<10240x32xbf16, #tpu.memory_space<vmem_shared>>) offsets(%dma_start3A_285 : memref<128xi32, #tpu.memory_space<vmem>>) semaphore(%run_scoped3A : memref<!tpu.dma_semaphore, #tpu.memory_space<semaphore_mem>>) {add = true}
          %dma_wait3A_289 = arith.constant 0 : i32
          %dma_wait3A_290 = tpu.memref_slice %arg8[%add3A_218, %dma_wait3A_289] : memref<80x128xi32, #tpu.memory_space<vmem>> -> memref<1x128xi32, #tpu.memory_space<vmem>>
          %dma_wait3A_291 = tpu.memref_squeeze %dma_wait3A_290 : memref<1x128xi32, #tpu.memory_space<vmem>> -> memref<128xi32, #tpu.memory_space<vmem>>
          %dma_wait3A_292 = arith.constant 0 : i32
          %dma_wait3A_293 = arith.constant 0 : i32
          %dma_wait3A_294 = tpu.memref_slice %arg25[%dma_wait3A_292, %dma_wait3A_293] : memref<10240x32xbf16, #tpu.memory_space<vmem_shared>> -> memref<10240x32xbf16, #tpu.memory_space<vmem_shared>>
          tpu.wait_indirect_dma semaphore(%run_scoped3A : memref<!tpu.dma_semaphore, #tpu.memory_space<semaphore_mem>>) src(%arg16 : memref<128x32xbf16, #tpu.memory_space<vmem>>) dst(%dma_wait3A_294 : memref<10240x32xbf16, #tpu.memory_space<vmem_shared>>)
          tpu.yield
        }) : () -> ()
        %dma_wait3A_219 = arith.constant 0 : i32
        %dma_wait3A_220 = tpu.memref_slice %arg7[%add3A_93, %dma_wait3A_219] : memref<80x128xi32, #tpu.memory_space<vmem>> -> memref<1x128xi32, #tpu.memory_space<vmem>>
        %dma_wait3A_221 = tpu.memref_squeeze %dma_wait3A_220 : memref<1x128xi32, #tpu.memory_space<vmem>> -> memref<128xi32, #tpu.memory_space<vmem>>
        %dma_wait3A_222 = arith.constant 0 : i32
        %dma_wait3A_223 = arith.constant 0 : i32
        %dma_wait3A_224 = tpu.memref_slice %arg2[%dma_wait3A_222, %dma_wait3A_223] : memref<10000x32xbf16, #tpu.memory_space<hbm>> -> memref<10000x32xbf16, #tpu.memory_space<hbm>>
        tpu.wait_indirect_dma semaphore(%arg34 : memref<!tpu.dma_semaphore, #tpu.memory_space<semaphore_mem>>) src(%dma_wait3A_224 : memref<10000x32xbf16, #tpu.memory_space<hbm>>) dst(%arg17 : memref<128x32xbf16, #tpu.memory_space<vmem>>)
        %add3A_225 = arith.constant 8 : i32
        %add3A_226 = arith.addi %mul3A_29, %add3A_225 : i32
        "tpu.region"() ({
          %run_scoped3A = tpu.sem_alloc : memref<!tpu.dma_semaphore, #tpu.memory_space<semaphore_mem>>
          %dma_start3A_283 = arith.constant 0 : i32
          %dma_start3A_284 = tpu.memref_slice %arg8[%add3A_226, %dma_start3A_283] : memref<80x128xi32, #tpu.memory_space<vmem>> -> memref<1x128xi32, #tpu.memory_space<vmem>>
          %dma_start3A_285 = tpu.memref_squeeze %dma_start3A_284 : memref<1x128xi32, #tpu.memory_space<vmem>> -> memref<128xi32, #tpu.memory_space<vmem>>
          %dma_start3A_286 = arith.constant 0 : i32
          %dma_start3A_287 = arith.constant 0 : i32
          %dma_start3A_288 = tpu.memref_slice %arg25[%dma_start3A_286, %dma_start3A_287] : memref<10240x32xbf16, #tpu.memory_space<vmem_shared>> -> memref<10240x32xbf16, #tpu.memory_space<vmem_shared>>
          tpu.enqueue_indirect_dma source(%arg17 : memref<128x32xbf16, #tpu.memory_space<vmem>>) target(%dma_start3A_288 : memref<10240x32xbf16, #tpu.memory_space<vmem_shared>>) offsets(%dma_start3A_285 : memref<128xi32, #tpu.memory_space<vmem>>) semaphore(%run_scoped3A : memref<!tpu.dma_semaphore, #tpu.memory_space<semaphore_mem>>) {add = true}
          %dma_wait3A_289 = arith.constant 0 : i32
          %dma_wait3A_290 = tpu.memref_slice %arg8[%add3A_226, %dma_wait3A_289] : memref<80x128xi32, #tpu.memory_space<vmem>> -> memref<1x128xi32, #tpu.memory_space<vmem>>
          %dma_wait3A_291 = tpu.memref_squeeze %dma_wait3A_290 : memref<1x128xi32, #tpu.memory_space<vmem>> -> memref<128xi32, #tpu.memory_space<vmem>>
          %dma_wait3A_292 = arith.constant 0 : i32
          %dma_wait3A_293 = arith.constant 0 : i32
          %dma_wait3A_294 = tpu.memref_slice %arg25[%dma_wait3A_292, %dma_wait3A_293] : memref<10240x32xbf16, #tpu.memory_space<vmem_shared>> -> memref<10240x32xbf16, #tpu.memory_space<vmem_shared>>
          tpu.wait_indirect_dma semaphore(%run_scoped3A : memref<!tpu.dma_semaphore, #tpu.memory_space<semaphore_mem>>) src(%arg17 : memref<128x32xbf16, #tpu.memory_space<vmem>>) dst(%dma_wait3A_294 : memref<10240x32xbf16, #tpu.memory_space<vmem_shared>>)
          tpu.yield
        }) : () -> ()
        %dma_wait3A_227 = arith.constant 0 : i32
        %dma_wait3A_228 = tpu.memref_slice %arg7[%add3A_101, %dma_wait3A_227] : memref<80x128xi32, #tpu.memory_space<vmem>> -> memref<1x128xi32, #tpu.memory_space<vmem>>
        %dma_wait3A_229 = tpu.memref_squeeze %dma_wait3A_228 : memref<1x128xi32, #tpu.memory_space<vmem>> -> memref<128xi32, #tpu.memory_space<vmem>>
        %dma_wait3A_230 = arith.constant 0 : i32
        %dma_wait3A_231 = arith.constant 0 : i32
        %dma_wait3A_232 = tpu.memref_slice %arg2[%dma_wait3A_230, %dma_wait3A_231] : memref<10000x32xbf16, #tpu.memory_space<hbm>> -> memref<10000x32xbf16, #tpu.memory_space<hbm>>
        tpu.wait_indirect_dma semaphore(%arg35 : memref<!tpu.dma_semaphore, #tpu.memory_space<semaphore_mem>>) src(%dma_wait3A_232 : memref<10000x32xbf16, #tpu.memory_space<hbm>>) dst(%arg18 : memref<128x32xbf16, #tpu.memory_space<vmem>>)
        %add3A_233 = arith.constant 9 : i32
        %add3A_234 = arith.addi %mul3A_29, %add3A_233 : i32
        "tpu.region"() ({
          %run_scoped3A = tpu.sem_alloc : memref<!tpu.dma_semaphore, #tpu.memory_space<semaphore_mem>>
          %dma_start3A_283 = arith.constant 0 : i32
          %dma_start3A_284 = tpu.memref_slice %arg8[%add3A_234, %dma_start3A_283] : memref<80x128xi32, #tpu.memory_space<vmem>> -> memref<1x128xi32, #tpu.memory_space<vmem>>
          %dma_start3A_285 = tpu.memref_squeeze %dma_start3A_284 : memref<1x128xi32, #tpu.memory_space<vmem>> -> memref<128xi32, #tpu.memory_space<vmem>>
          %dma_start3A_286 = arith.constant 0 : i32
          %dma_start3A_287 = arith.constant 0 : i32
          %dma_start3A_288 = tpu.memref_slice %arg25[%dma_start3A_286, %dma_start3A_287] : memref<10240x32xbf16, #tpu.memory_space<vmem_shared>> -> memref<10240x32xbf16, #tpu.memory_space<vmem_shared>>
          tpu.enqueue_indirect_dma source(%arg18 : memref<128x32xbf16, #tpu.memory_space<vmem>>) target(%dma_start3A_288 : memref<10240x32xbf16, #tpu.memory_space<vmem_shared>>) offsets(%dma_start3A_285 : memref<128xi32, #tpu.memory_space<vmem>>) semaphore(%run_scoped3A : memref<!tpu.dma_semaphore, #tpu.memory_space<semaphore_mem>>) {add = true}
          %dma_wait3A_289 = arith.constant 0 : i32
          %dma_wait3A_290 = tpu.memref_slice %arg8[%add3A_234, %dma_wait3A_289] : memref<80x128xi32, #tpu.memory_space<vmem>> -> memref<1x128xi32, #tpu.memory_space<vmem>>
          %dma_wait3A_291 = tpu.memref_squeeze %dma_wait3A_290 : memref<1x128xi32, #tpu.memory_space<vmem>> -> memref<128xi32, #tpu.memory_space<vmem>>
          %dma_wait3A_292 = arith.constant 0 : i32
          %dma_wait3A_293 = arith.constant 0 : i32
          %dma_wait3A_294 = tpu.memref_slice %arg25[%dma_wait3A_292, %dma_wait3A_293] : memref<10240x32xbf16, #tpu.memory_space<vmem_shared>> -> memref<10240x32xbf16, #tpu.memory_space<vmem_shared>>
          tpu.wait_indirect_dma semaphore(%run_scoped3A : memref<!tpu.dma_semaphore, #tpu.memory_space<semaphore_mem>>) src(%arg18 : memref<128x32xbf16, #tpu.memory_space<vmem>>) dst(%dma_wait3A_294 : memref<10240x32xbf16, #tpu.memory_space<vmem_shared>>)
          tpu.yield
        }) : () -> ()
        %dma_wait3A_235 = arith.constant 0 : i32
        %dma_wait3A_236 = tpu.memref_slice %arg7[%add3A_109, %dma_wait3A_235] : memref<80x128xi32, #tpu.memory_space<vmem>> -> memref<1x128xi32, #tpu.memory_space<vmem>>
        %dma_wait3A_237 = tpu.memref_squeeze %dma_wait3A_236 : memref<1x128xi32, #tpu.memory_space<vmem>> -> memref<128xi32, #tpu.memory_space<vmem>>
        %dma_wait3A_238 = arith.constant 0 : i32
        %dma_wait3A_239 = arith.constant 0 : i32
        %dma_wait3A_240 = tpu.memref_slice %arg2[%dma_wait3A_238, %dma_wait3A_239] : memref<10000x32xbf16, #tpu.memory_space<hbm>> -> memref<10000x32xbf16, #tpu.memory_space<hbm>>
        tpu.wait_indirect_dma semaphore(%arg36 : memref<!tpu.dma_semaphore, #tpu.memory_space<semaphore_mem>>) src(%dma_wait3A_240 : memref<10000x32xbf16, #tpu.memory_space<hbm>>) dst(%arg19 : memref<128x32xbf16, #tpu.memory_space<vmem>>)
        %add3A_241 = arith.constant 10 : i32
        %add3A_242 = arith.addi %mul3A_29, %add3A_241 : i32
        "tpu.region"() ({
          %run_scoped3A = tpu.sem_alloc : memref<!tpu.dma_semaphore, #tpu.memory_space<semaphore_mem>>
          %dma_start3A_283 = arith.constant 0 : i32
          %dma_start3A_284 = tpu.memref_slice %arg8[%add3A_242, %dma_start3A_283] : memref<80x128xi32, #tpu.memory_space<vmem>> -> memref<1x128xi32, #tpu.memory_space<vmem>>
          %dma_start3A_285 = tpu.memref_squeeze %dma_start3A_284 : memref<1x128xi32, #tpu.memory_space<vmem>> -> memref<128xi32, #tpu.memory_space<vmem>>
          %dma_start3A_286 = arith.constant 0 : i32
          %dma_start3A_287 = arith.constant 0 : i32
          %dma_start3A_288 = tpu.memref_slice %arg25[%dma_start3A_286, %dma_start3A_287] : memref<10240x32xbf16, #tpu.memory_space<vmem_shared>> -> memref<10240x32xbf16, #tpu.memory_space<vmem_shared>>
          tpu.enqueue_indirect_dma source(%arg19 : memref<128x32xbf16, #tpu.memory_space<vmem>>) target(%dma_start3A_288 : memref<10240x32xbf16, #tpu.memory_space<vmem_shared>>) offsets(%dma_start3A_285 : memref<128xi32, #tpu.memory_space<vmem>>) semaphore(%run_scoped3A : memref<!tpu.dma_semaphore, #tpu.memory_space<semaphore_mem>>) {add = true}
          %dma_wait3A_289 = arith.constant 0 : i32
          %dma_wait3A_290 = tpu.memref_slice %arg8[%add3A_242, %dma_wait3A_289] : memref<80x128xi32, #tpu.memory_space<vmem>> -> memref<1x128xi32, #tpu.memory_space<vmem>>
          %dma_wait3A_291 = tpu.memref_squeeze %dma_wait3A_290 : memref<1x128xi32, #tpu.memory_space<vmem>> -> memref<128xi32, #tpu.memory_space<vmem>>
          %dma_wait3A_292 = arith.constant 0 : i32
          %dma_wait3A_293 = arith.constant 0 : i32
          %dma_wait3A_294 = tpu.memref_slice %arg25[%dma_wait3A_292, %dma_wait3A_293] : memref<10240x32xbf16, #tpu.memory_space<vmem_shared>> -> memref<10240x32xbf16, #tpu.memory_space<vmem_shared>>
          tpu.wait_indirect_dma semaphore(%run_scoped3A : memref<!tpu.dma_semaphore, #tpu.memory_space<semaphore_mem>>) src(%arg19 : memref<128x32xbf16, #tpu.memory_space<vmem>>) dst(%dma_wait3A_294 : memref<10240x32xbf16, #tpu.memory_space<vmem_shared>>)
          tpu.yield
        }) : () -> ()
        %dma_wait3A_243 = arith.constant 0 : i32
        %dma_wait3A_244 = tpu.memref_slice %arg7[%add3A_117, %dma_wait3A_243] : memref<80x128xi32, #tpu.memory_space<vmem>> -> memref<1x128xi32, #tpu.memory_space<vmem>>
        %dma_wait3A_245 = tpu.memref_squeeze %dma_wait3A_244 : memref<1x128xi32, #tpu.memory_space<vmem>> -> memref<128xi32, #tpu.memory_space<vmem>>
        %dma_wait3A_246 = arith.constant 0 : i32
        %dma_wait3A_247 = arith.constant 0 : i32
        %dma_wait3A_248 = tpu.memref_slice %arg2[%dma_wait3A_246, %dma_wait3A_247] : memref<10000x32xbf16, #tpu.memory_space<hbm>> -> memref<10000x32xbf16, #tpu.memory_space<hbm>>
        tpu.wait_indirect_dma semaphore(%arg37 : memref<!tpu.dma_semaphore, #tpu.memory_space<semaphore_mem>>) src(%dma_wait3A_248 : memref<10000x32xbf16, #tpu.memory_space<hbm>>) dst(%arg20 : memref<128x32xbf16, #tpu.memory_space<vmem>>)
        %add3A_249 = arith.constant 11 : i32
        %add3A_250 = arith.addi %mul3A_29, %add3A_249 : i32
        "tpu.region"() ({
          %run_scoped3A = tpu.sem_alloc : memref<!tpu.dma_semaphore, #tpu.memory_space<semaphore_mem>>
          %dma_start3A_283 = arith.constant 0 : i32
          %dma_start3A_284 = tpu.memref_slice %arg8[%add3A_250, %dma_start3A_283] : memref<80x128xi32, #tpu.memory_space<vmem>> -> memref<1x128xi32, #tpu.memory_space<vmem>>
          %dma_start3A_285 = tpu.memref_squeeze %dma_start3A_284 : memref<1x128xi32, #tpu.memory_space<vmem>> -> memref<128xi32, #tpu.memory_space<vmem>>
          %dma_start3A_286 = arith.constant 0 : i32
          %dma_start3A_287 = arith.constant 0 : i32
          %dma_start3A_288 = tpu.memref_slice %arg25[%dma_start3A_286, %dma_start3A_287] : memref<10240x32xbf16, #tpu.memory_space<vmem_shared>> -> memref<10240x32xbf16, #tpu.memory_space<vmem_shared>>
          tpu.enqueue_indirect_dma source(%arg20 : memref<128x32xbf16, #tpu.memory_space<vmem>>) target(%dma_start3A_288 : memref<10240x32xbf16, #tpu.memory_space<vmem_shared>>) offsets(%dma_start3A_285 : memref<128xi32, #tpu.memory_space<vmem>>) semaphore(%run_scoped3A : memref<!tpu.dma_semaphore, #tpu.memory_space<semaphore_mem>>) {add = true}
          %dma_wait3A_289 = arith.constant 0 : i32
          %dma_wait3A_290 = tpu.memref_slice %arg8[%add3A_250, %dma_wait3A_289] : memref<80x128xi32, #tpu.memory_space<vmem>> -> memref<1x128xi32, #tpu.memory_space<vmem>>
          %dma_wait3A_291 = tpu.memref_squeeze %dma_wait3A_290 : memref<1x128xi32, #tpu.memory_space<vmem>> -> memref<128xi32, #tpu.memory_space<vmem>>
          %dma_wait3A_292 = arith.constant 0 : i32
          %dma_wait3A_293 = arith.constant 0 : i32
          %dma_wait3A_294 = tpu.memref_slice %arg25[%dma_wait3A_292, %dma_wait3A_293] : memref<10240x32xbf16, #tpu.memory_space<vmem_shared>> -> memref<10240x32xbf16, #tpu.memory_space<vmem_shared>>
          tpu.wait_indirect_dma semaphore(%run_scoped3A : memref<!tpu.dma_semaphore, #tpu.memory_space<semaphore_mem>>) src(%arg20 : memref<128x32xbf16, #tpu.memory_space<vmem>>) dst(%dma_wait3A_294 : memref<10240x32xbf16, #tpu.memory_space<vmem_shared>>)
          tpu.yield
        }) : () -> ()
        %dma_wait3A_251 = arith.constant 0 : i32
        %dma_wait3A_252 = tpu.memref_slice %arg7[%add3A_125, %dma_wait3A_251] : memref<80x128xi32, #tpu.memory_space<vmem>> -> memref<1x128xi32, #tpu.memory_space<vmem>>
        %dma_wait3A_253 = tpu.memref_squeeze %dma_wait3A_252 : memref<1x128xi32, #tpu.memory_space<vmem>> -> memref<128xi32, #tpu.memory_space<vmem>>
        %dma_wait3A_254 = arith.constant 0 : i32
        %dma_wait3A_255 = arith.constant 0 : i32
        %dma_wait3A_256 = tpu.memref_slice %arg2[%dma_wait3A_254, %dma_wait3A_255] : memref<10000x32xbf16, #tpu.memory_space<hbm>> -> memref<10000x32xbf16, #tpu.memory_space<hbm>>
        tpu.wait_indirect_dma semaphore(%arg38 : memref<!tpu.dma_semaphore, #tpu.memory_space<semaphore_mem>>) src(%dma_wait3A_256 : memref<10000x32xbf16, #tpu.memory_space<hbm>>) dst(%arg21 : memref<128x32xbf16, #tpu.memory_space<vmem>>)
        %add3A_257 = arith.constant 12 : i32
        %add3A_258 = arith.addi %mul3A_29, %add3A_257 : i32
        "tpu.region"() ({
          %run_scoped3A = tpu.sem_alloc : memref<!tpu.dma_semaphore, #tpu.memory_space<semaphore_mem>>
          %dma_start3A_283 = arith.constant 0 : i32
          %dma_start3A_284 = tpu.memref_slice %arg8[%add3A_258, %dma_start3A_283] : memref<80x128xi32, #tpu.memory_space<vmem>> -> memref<1x128xi32, #tpu.memory_space<vmem>>
          %dma_start3A_285 = tpu.memref_squeeze %dma_start3A_284 : memref<1x128xi32, #tpu.memory_space<vmem>> -> memref<128xi32, #tpu.memory_space<vmem>>
          %dma_start3A_286 = arith.constant 0 : i32
          %dma_start3A_287 = arith.constant 0 : i32
          %dma_start3A_288 = tpu.memref_slice %arg25[%dma_start3A_286, %dma_start3A_287] : memref<10240x32xbf16, #tpu.memory_space<vmem_shared>> -> memref<10240x32xbf16, #tpu.memory_space<vmem_shared>>
          tpu.enqueue_indirect_dma source(%arg21 : memref<128x32xbf16, #tpu.memory_space<vmem>>) target(%dma_start3A_288 : memref<10240x32xbf16, #tpu.memory_space<vmem_shared>>) offsets(%dma_start3A_285 : memref<128xi32, #tpu.memory_space<vmem>>) semaphore(%run_scoped3A : memref<!tpu.dma_semaphore, #tpu.memory_space<semaphore_mem>>) {add = true}
          %dma_wait3A_289 = arith.constant 0 : i32
          %dma_wait3A_290 = tpu.memref_slice %arg8[%add3A_258, %dma_wait3A_289] : memref<80x128xi32, #tpu.memory_space<vmem>> -> memref<1x128xi32, #tpu.memory_space<vmem>>
          %dma_wait3A_291 = tpu.memref_squeeze %dma_wait3A_290 : memref<1x128xi32, #tpu.memory_space<vmem>> -> memref<128xi32, #tpu.memory_space<vmem>>
          %dma_wait3A_292 = arith.constant 0 : i32
          %dma_wait3A_293 = arith.constant 0 : i32
          %dma_wait3A_294 = tpu.memref_slice %arg25[%dma_wait3A_292, %dma_wait3A_293] : memref<10240x32xbf16, #tpu.memory_space<vmem_shared>> -> memref<10240x32xbf16, #tpu.memory_space<vmem_shared>>
          tpu.wait_indirect_dma semaphore(%run_scoped3A : memref<!tpu.dma_semaphore, #tpu.memory_space<semaphore_mem>>) src(%arg21 : memref<128x32xbf16, #tpu.memory_space<vmem>>) dst(%dma_wait3A_294 : memref<10240x32xbf16, #tpu.memory_space<vmem_shared>>)
          tpu.yield
        }) : () -> ()
        %dma_wait3A_259 = arith.constant 0 : i32
        %dma_wait3A_260 = tpu.memref_slice %arg7[%add3A_133, %dma_wait3A_259] : memref<80x128xi32, #tpu.memory_space<vmem>> -> memref<1x128xi32, #tpu.memory_space<vmem>>
        %dma_wait3A_261 = tpu.memref_squeeze %dma_wait3A_260 : memref<1x128xi32, #tpu.memory_space<vmem>> -> memref<128xi32, #tpu.memory_space<vmem>>
        %dma_wait3A_262 = arith.constant 0 : i32
        %dma_wait3A_263 = arith.constant 0 : i32
        %dma_wait3A_264 = tpu.memref_slice %arg2[%dma_wait3A_262, %dma_wait3A_263] : memref<10000x32xbf16, #tpu.memory_space<hbm>> -> memref<10000x32xbf16, #tpu.memory_space<hbm>>
        tpu.wait_indirect_dma semaphore(%arg39 : memref<!tpu.dma_semaphore, #tpu.memory_space<semaphore_mem>>) src(%dma_wait3A_264 : memref<10000x32xbf16, #tpu.memory_space<hbm>>) dst(%arg22 : memref<128x32xbf16, #tpu.memory_space<vmem>>)
        %add3A_265 = arith.constant 13 : i32
        %add3A_266 = arith.addi %mul3A_29, %add3A_265 : i32
        "tpu.region"() ({
          %run_scoped3A = tpu.sem_alloc : memref<!tpu.dma_semaphore, #tpu.memory_space<semaphore_mem>>
          %dma_start3A_283 = arith.constant 0 : i32
          %dma_start3A_284 = tpu.memref_slice %arg8[%add3A_266, %dma_start3A_283] : memref<80x128xi32, #tpu.memory_space<vmem>> -> memref<1x128xi32, #tpu.memory_space<vmem>>
          %dma_start3A_285 = tpu.memref_squeeze %dma_start3A_284 : memref<1x128xi32, #tpu.memory_space<vmem>> -> memref<128xi32, #tpu.memory_space<vmem>>
          %dma_start3A_286 = arith.constant 0 : i32
          %dma_start3A_287 = arith.constant 0 : i32
          %dma_start3A_288 = tpu.memref_slice %arg25[%dma_start3A_286, %dma_start3A_287] : memref<10240x32xbf16, #tpu.memory_space<vmem_shared>> -> memref<10240x32xbf16, #tpu.memory_space<vmem_shared>>
          tpu.enqueue_indirect_dma source(%arg22 : memref<128x32xbf16, #tpu.memory_space<vmem>>) target(%dma_start3A_288 : memref<10240x32xbf16, #tpu.memory_space<vmem_shared>>) offsets(%dma_start3A_285 : memref<128xi32, #tpu.memory_space<vmem>>) semaphore(%run_scoped3A : memref<!tpu.dma_semaphore, #tpu.memory_space<semaphore_mem>>) {add = true}
          %dma_wait3A_289 = arith.constant 0 : i32
          %dma_wait3A_290 = tpu.memref_slice %arg8[%add3A_266, %dma_wait3A_289] : memref<80x128xi32, #tpu.memory_space<vmem>> -> memref<1x128xi32, #tpu.memory_space<vmem>>
          %dma_wait3A_291 = tpu.memref_squeeze %dma_wait3A_290 : memref<1x128xi32, #tpu.memory_space<vmem>> -> memref<128xi32, #tpu.memory_space<vmem>>
          %dma_wait3A_292 = arith.constant 0 : i32
          %dma_wait3A_293 = arith.constant 0 : i32
          %dma_wait3A_294 = tpu.memref_slice %arg25[%dma_wait3A_292, %dma_wait3A_293] : memref<10240x32xbf16, #tpu.memory_space<vmem_shared>> -> memref<10240x32xbf16, #tpu.memory_space<vmem_shared>>
          tpu.wait_indirect_dma semaphore(%run_scoped3A : memref<!tpu.dma_semaphore, #tpu.memory_space<semaphore_mem>>) src(%arg22 : memref<128x32xbf16, #tpu.memory_space<vmem>>) dst(%dma_wait3A_294 : memref<10240x32xbf16, #tpu.memory_space<vmem_shared>>)
          tpu.yield
        }) : () -> ()
        %dma_wait3A_267 = arith.constant 0 : i32
        %dma_wait3A_268 = tpu.memref_slice %arg7[%add3A_141, %dma_wait3A_267] : memref<80x128xi32, #tpu.memory_space<vmem>> -> memref<1x128xi32, #tpu.memory_space<vmem>>
        %dma_wait3A_269 = tpu.memref_squeeze %dma_wait3A_268 : memref<1x128xi32, #tpu.memory_space<vmem>> -> memref<128xi32, #tpu.memory_space<vmem>>
        %dma_wait3A_270 = arith.constant 0 : i32
        %dma_wait3A_271 = arith.constant 0 : i32
        %dma_wait3A_272 = tpu.memref_slice %arg2[%dma_wait3A_270, %dma_wait3A_271] : memref<10000x32xbf16, #tpu.memory_space<hbm>> -> memref<10000x32xbf16, #tpu.memory_space<hbm>>
        tpu.wait_indirect_dma semaphore(%arg40 : memref<!tpu.dma_semaphore, #tpu.memory_space<semaphore_mem>>) src(%dma_wait3A_272 : memref<10000x32xbf16, #tpu.memory_space<hbm>>) dst(%arg23 : memref<128x32xbf16, #tpu.memory_space<vmem>>)
        %add3A_273 = arith.constant 14 : i32
        %add3A_274 = arith.addi %mul3A_29, %add3A_273 : i32
        "tpu.region"() ({
          %run_scoped3A = tpu.sem_alloc : memref<!tpu.dma_semaphore, #tpu.memory_space<semaphore_mem>>
          %dma_start3A_283 = arith.constant 0 : i32
          %dma_start3A_284 = tpu.memref_slice %arg8[%add3A_274, %dma_start3A_283] : memref<80x128xi32, #tpu.memory_space<vmem>> -> memref<1x128xi32, #tpu.memory_space<vmem>>
          %dma_start3A_285 = tpu.memref_squeeze %dma_start3A_284 : memref<1x128xi32, #tpu.memory_space<vmem>> -> memref<128xi32, #tpu.memory_space<vmem>>
          %dma_start3A_286 = arith.constant 0 : i32
          %dma_start3A_287 = arith.constant 0 : i32
          %dma_start3A_288 = tpu.memref_slice %arg25[%dma_start3A_286, %dma_start3A_287] : memref<10240x32xbf16, #tpu.memory_space<vmem_shared>> -> memref<10240x32xbf16, #tpu.memory_space<vmem_shared>>
          tpu.enqueue_indirect_dma source(%arg23 : memref<128x32xbf16, #tpu.memory_space<vmem>>) target(%dma_start3A_288 : memref<10240x32xbf16, #tpu.memory_space<vmem_shared>>) offsets(%dma_start3A_285 : memref<128xi32, #tpu.memory_space<vmem>>) semaphore(%run_scoped3A : memref<!tpu.dma_semaphore, #tpu.memory_space<semaphore_mem>>) {add = true}
          %dma_wait3A_289 = arith.constant 0 : i32
          %dma_wait3A_290 = tpu.memref_slice %arg8[%add3A_274, %dma_wait3A_289] : memref<80x128xi32, #tpu.memory_space<vmem>> -> memref<1x128xi32, #tpu.memory_space<vmem>>
          %dma_wait3A_291 = tpu.memref_squeeze %dma_wait3A_290 : memref<1x128xi32, #tpu.memory_space<vmem>> -> memref<128xi32, #tpu.memory_space<vmem>>
          %dma_wait3A_292 = arith.constant 0 : i32
          %dma_wait3A_293 = arith.constant 0 : i32
          %dma_wait3A_294 = tpu.memref_slice %arg25[%dma_wait3A_292, %dma_wait3A_293] : memref<10240x32xbf16, #tpu.memory_space<vmem_shared>> -> memref<10240x32xbf16, #tpu.memory_space<vmem_shared>>
          tpu.wait_indirect_dma semaphore(%run_scoped3A : memref<!tpu.dma_semaphore, #tpu.memory_space<semaphore_mem>>) src(%arg23 : memref<128x32xbf16, #tpu.memory_space<vmem>>) dst(%dma_wait3A_294 : memref<10240x32xbf16, #tpu.memory_space<vmem_shared>>)
          tpu.yield
        }) : () -> ()
        %dma_wait3A_275 = arith.constant 0 : i32
        %dma_wait3A_276 = tpu.memref_slice %arg7[%add3A_149, %dma_wait3A_275] : memref<80x128xi32, #tpu.memory_space<vmem>> -> memref<1x128xi32, #tpu.memory_space<vmem>>
        %dma_wait3A_277 = tpu.memref_squeeze %dma_wait3A_276 : memref<1x128xi32, #tpu.memory_space<vmem>> -> memref<128xi32, #tpu.memory_space<vmem>>
        %dma_wait3A_278 = arith.constant 0 : i32
        %dma_wait3A_279 = arith.constant 0 : i32
        %dma_wait3A_280 = tpu.memref_slice %arg2[%dma_wait3A_278, %dma_wait3A_279] : memref<10000x32xbf16, #tpu.memory_space<hbm>> -> memref<10000x32xbf16, #tpu.memory_space<hbm>>
        tpu.wait_indirect_dma semaphore(%arg41 : memref<!tpu.dma_semaphore, #tpu.memory_space<semaphore_mem>>) src(%dma_wait3A_280 : memref<10000x32xbf16, #tpu.memory_space<hbm>>) dst(%arg24 : memref<128x32xbf16, #tpu.memory_space<vmem>>)
        %add3A_281 = arith.constant 15 : i32
        %add3A_282 = arith.addi %mul3A_29, %add3A_281 : i32
        "tpu.region"() ({
          %run_scoped3A = tpu.sem_alloc : memref<!tpu.dma_semaphore, #tpu.memory_space<semaphore_mem>>
          %dma_start3A_283 = arith.constant 0 : i32
          %dma_start3A_284 = tpu.memref_slice %arg8[%add3A_282, %dma_start3A_283] : memref<80x128xi32, #tpu.memory_space<vmem>> -> memref<1x128xi32, #tpu.memory_space<vmem>>
          %dma_start3A_285 = tpu.memref_squeeze %dma_start3A_284 : memref<1x128xi32, #tpu.memory_space<vmem>> -> memref<128xi32, #tpu.memory_space<vmem>>
          %dma_start3A_286 = arith.constant 0 : i32
          %dma_start3A_287 = arith.constant 0 : i32
          %dma_start3A_288 = tpu.memref_slice %arg25[%dma_start3A_286, %dma_start3A_287] : memref<10240x32xbf16, #tpu.memory_space<vmem_shared>> -> memref<10240x32xbf16, #tpu.memory_space<vmem_shared>>
          tpu.enqueue_indirect_dma source(%arg24 : memref<128x32xbf16, #tpu.memory_space<vmem>>) target(%dma_start3A_288 : memref<10240x32xbf16, #tpu.memory_space<vmem_shared>>) offsets(%dma_start3A_285 : memref<128xi32, #tpu.memory_space<vmem>>) semaphore(%run_scoped3A : memref<!tpu.dma_semaphore, #tpu.memory_space<semaphore_mem>>) {add = true}
          %dma_wait3A_289 = arith.constant 0 : i32
          %dma_wait3A_290 = tpu.memref_slice %arg8[%add3A_282, %dma_wait3A_289] : memref<80x128xi32, #tpu.memory_space<vmem>> -> memref<1x128xi32, #tpu.memory_space<vmem>>
          %dma_wait3A_291 = tpu.memref_squeeze %dma_wait3A_290 : memref<1x128xi32, #tpu.memory_space<vmem>> -> memref<128xi32, #tpu.memory_space<vmem>>
          %dma_wait3A_292 = arith.constant 0 : i32
          %dma_wait3A_293 = arith.constant 0 : i32
          %dma_wait3A_294 = tpu.memref_slice %arg25[%dma_wait3A_292, %dma_wait3A_293] : memref<10240x32xbf16, #tpu.memory_space<vmem_shared>> -> memref<10240x32xbf16, #tpu.memory_space<vmem_shared>>
          tpu.wait_indirect_dma semaphore(%run_scoped3A : memref<!tpu.dma_semaphore, #tpu.memory_space<semaphore_mem>>) src(%arg24 : memref<128x32xbf16, #tpu.memory_space<vmem>>) dst(%dma_wait3A_294 : memref<10240x32xbf16, #tpu.memory_space<vmem_shared>>)
          tpu.yield
        }) : () -> ()
      }
      %scan3A_26 = arith.constant 5 : i32
    } else {
    }
    %barrier3A_17 = arith.constant 0 : index
    tpu.barrier barrier_id(%barrier3A_17)
    %mul3A_18 = arith.constant 640 : i32
    %mul3A_19 = arith.muli %arg1, %mul3A_18 : i32
    %mul3A_20 = arith.constant 640 : i32
    %mul3A_21 = arith.muli %arg1, %mul3A_20 : i32
    "tpu.region"() ({
      %run_scoped3A = tpu.sem_alloc : memref<!tpu.dma_semaphore, #tpu.memory_space<semaphore_mem>>
      %dma_start3A = arith.constant 0 : i32
      %dma_start3A_22 = tpu.memref_slice %arg6[%arg0, %mul3A_21, %dma_start3A] : memref<2x10240x32xbf16, #tpu.memory_space<hbm>> -> memref<1x640x32xbf16, #tpu.memory_space<hbm>>
      %dma_start3A_23 = tpu.memref_squeeze %dma_start3A_22 : memref<1x640x32xbf16, #tpu.memory_space<hbm>> -> memref<640x32xbf16, #tpu.memory_space<hbm>>
      %dma_start3A_24 = arith.constant 0 : i32
      %dma_start3A_25 = tpu.memref_slice %arg25[%mul3A_19, %dma_start3A_24] : memref<10240x32xbf16, #tpu.memory_space<vmem_shared>> -> memref<640x32xbf16, #tpu.memory_space<vmem_shared>>
      tpu.enqueue_dma source(%dma_start3A_25 : memref<640x32xbf16, #tpu.memory_space<vmem_shared>>) target(%dma_start3A_23 : memref<640x32xbf16, #tpu.memory_space<hbm>>) target_semaphore(%run_scoped3A : memref<!tpu.dma_semaphore, #tpu.memory_space<semaphore_mem>>)
      %dma_wait3A = arith.constant 0 : i32
      %dma_wait3A_26 = tpu.memref_slice %arg6[%arg0, %mul3A_21, %dma_wait3A] : memref<2x10240x32xbf16, #tpu.memory_space<hbm>> -> memref<1x640x32xbf16, #tpu.memory_space<hbm>>
      %dma_wait3A_27 = tpu.memref_squeeze %dma_wait3A_26 : memref<1x640x32xbf16, #tpu.memory_space<hbm>> -> memref<640x32xbf16, #tpu.memory_space<hbm>>
      %dma_wait3A_28 = arith.constant 0 : i32
      %dma_wait3A_29 = tpu.memref_slice %arg25[%mul3A_19, %dma_wait3A_28] : memref<10240x32xbf16, #tpu.memory_space<vmem_shared>> -> memref<640x32xbf16, #tpu.memory_space<vmem_shared>>
      tpu.wait_dma2 semaphore(%run_scoped3A : memref<!tpu.dma_semaphore, #tpu.memory_space<semaphore_mem>>) src(%dma_wait3A_29 : memref<640x32xbf16, #tpu.memory_space<vmem_shared>>) dst(%dma_wait3A_27 : memref<640x32xbf16, #tpu.memory_space<hbm>>)
      tpu.yield
    }) : () -> ()
    return
  }
}

module attributes {stable_mosaic.version = 14 : i64} {
  func.func @body(%arg0: memref<10000x128xf32, #tpu.memory_space<vmem>>, %arg1: memref<128x32xf32, #tpu.memory_space<vmem>>, %arg2: memref<10000x32xf32, #tpu.memory_space<vmem>>) attributes {dimension_semantics = [], scalar_prefetch = 0 : i64, scratch_operands = 0 : i64, tpu.core_type = #tpu.core_type<tc>} {
    %get3A = arith.constant 0 : index
    %get3A_0 = arith.constant 0 : index
    %get3A_1 = vector.load %arg0[%get3A, %get3A_0] : memref<10000x128xf32, #tpu.memory_space<vmem>>, vector<10000x128xf32>
    %get3A_2 = arith.constant 0 : index
    %get3A_3 = arith.constant 0 : index
    %get3A_4 = vector.load %arg1[%get3A_2, %get3A_3] : memref<128x32xf32, #tpu.memory_space<vmem>>, vector<128x32xf32>
    %dot_general3A = arith.constant dense<0.000000e+00> : vector<10000x32xf32>
    %dot_general3A_5 = tpu.matmul %get3A_1, %get3A_4, %dot_general3A {dimension_numbers = #tpu.dot_dimension_numbers<[1], [0], [0], [1], [0, 0, 1, 1], [], []>, transpose_lhs_hint = false} : vector<10000x128xf32>, vector<128x32xf32>, vector<10000x32xf32> -> vector<10000x32xf32>
    %swap3A = arith.constant 0 : index
    %swap3A_6 = arith.constant 0 : index
    %swap3A_7 = vector.load %arg2[%swap3A, %swap3A_6] : memref<10000x32xf32, #tpu.memory_space<vmem>>, vector<10000x32xf32>
    tpu.vector_store %arg2[%swap3A, %swap3A_6], %dot_general3A_5 {strides = array<i32>} : memref<10000x32xf32, #tpu.memory_space<vmem>>, vector<10000x32xf32>,
    return
  }
}

module attributes {stable_mosaic.version = 14 : i64} {
  func.func @body(%arg0: memref<2x10240x1xf32, #tpu.memory_space<vmem>>, %arg1: memref<10000x32xf32, #tpu.memory_space<vmem>>, %arg2: memref<10000x32xf32, #tpu.memory_space<vmem>>, %arg3: memref<10000x32xbf16, #tpu.memory_space<vmem>>, %arg4: memref<10240x1xf32, #tpu.memory_space<vmem>>) attributes {dimension_semantics = [], scalar_prefetch = 0 : i64, scratch_operands = 0 : i64, tpu.core_type = #tpu.core_type<tc>} {
    %get3A = arith.constant 0 : index
    %get3A_0 = arith.constant 0 : index
    %get3A_1 = arith.constant 0 : index
    %get3A_2 = vector.load %arg0[%get3A, %get3A_0, %get3A_1] : memref<2x10240x1xf32, #tpu.memory_space<vmem>>, vector<1x10240x1xf32>
    %get3A_3 = vector.shape_cast %get3A_2 : vector<1x10240x1xf32> to vector<10240x1xf32>
    %get3A_4 = arith.constant 1 : index
    %get3A_5 = arith.constant 0 : index
    %get3A_6 = arith.constant 0 : index
    %get3A_7 = vector.load %arg0[%get3A_4, %get3A_5, %get3A_6] : memref<2x10240x1xf32, #tpu.memory_space<vmem>>, vector<1x10240x1xf32>
    %get3A_8 = vector.shape_cast %get3A_7 : vector<1x10240x1xf32> to vector<10240x1xf32>
    %add3A = arith.addf %get3A_3, %get3A_8 : vector<10240x1xf32>
    %add3A_9 = arith.constant 1.000000e+00 : f32
    %add3A_10 = vector.broadcast %add3A_9 : f32 to vector<10240x1xf32>
    %add3A_11 = arith.addf %add3A, %add3A_10 : vector<10240x1xf32>
    %sqrt3A = math.sqrt %add3A_11 : vector<10240x1xf32>
    %div3A = arith.constant 1.000000e+00 : f32
    %div3A_12 = vector.broadcast %div3A : f32 to vector<10240x1xf32>
    %div3A_13 = arith.divf %div3A_12, %sqrt3A : vector<10240x1xf32>
    %swap3A = arith.constant 0 : index
    %swap3A_14 = arith.constant 0 : index
    %swap3A_15 = vector.load %arg4[%swap3A, %swap3A_14] : memref<10240x1xf32, #tpu.memory_space<vmem>>, vector<10240x1xf32>
    tpu.vector_store %arg4[%swap3A, %swap3A_14], %div3A_13 {strides = array<i32>} : memref<10240x1xf32, #tpu.memory_space<vmem>>, vector<10240x1xf32>,
    %get3A_16 = arith.constant 0 : index
    %get3A_17 = arith.constant 0 : index
    %get3A_18 = vector.load %arg1[%get3A_16, %get3A_17] : memref<10000x32xf32, #tpu.memory_space<vmem>>, vector<10000x32xf32>
    %slice3A = vector.extract_strided_slice %div3A_13 {offsets = [0, 0], sizes = [10000, 1], strides = [1, 1]} : vector<10240x1xf32> to vector<10000x1xf32>
    %mul3A = vector.broadcast %slice3A : vector<10000x1xf32> to vector<10000x32xf32>
    %mul3A_19 = arith.mulf %get3A_18, %mul3A : vector<10000x32xf32>
    %swap3A_20 = arith.constant 0 : index
    %swap3A_21 = arith.constant 0 : index
    %swap3A_22 = vector.load %arg2[%swap3A_20, %swap3A_21] : memref<10000x32xf32, #tpu.memory_space<vmem>>, vector<10000x32xf32>
    tpu.vector_store %arg2[%swap3A_20, %swap3A_21], %mul3A_19 {strides = array<i32>} : memref<10000x32xf32, #tpu.memory_space<vmem>>, vector<10000x32xf32>,
    %convert_element_type3A = arith.truncf %mul3A_19 : vector<10000x32xf32> to vector<10000x32xbf16>
    %swap3A_23 = arith.constant 0 : index
    %swap3A_24 = arith.constant 0 : index
    %swap3A_25 = vector.load %arg3[%swap3A_23, %swap3A_24] : memref<10000x32xbf16, #tpu.memory_space<vmem>>, vector<10000x32xbf16>
    tpu.vector_store %arg3[%swap3A_23, %swap3A_24], %convert_element_type3A {strides = array<i32>} : memref<10000x32xbf16, #tpu.memory_space<vmem>>, vector<10000x32xbf16>,
    return
  }
}

module attributes {stable_mosaic.version = 14 : i64} {
  func.func @body(%arg0: memref<2x10240x32xbf16, #tpu.memory_space<vmem>>, %arg1: memref<10000x32xf32, #tpu.memory_space<vmem>>, %arg2: memref<10240x1xf32, #tpu.memory_space<vmem>>, %arg3: memref<32xf32, #tpu.memory_space<vmem>>, %arg4: memref<32x8xf32, #tpu.memory_space<vmem>>, %arg5: memref<10000x8xf32, #tpu.memory_space<vmem>>) attributes {dimension_semantics = [], scalar_prefetch = 0 : i64, scratch_operands = 0 : i64, tpu.core_type = #tpu.core_type<tc>} {
    %get3A = arith.constant 0 : index
    %get3A_0 = arith.constant 0 : index
    %get3A_1 = vector.load %arg2[%get3A, %get3A_0] : memref<10240x1xf32, #tpu.memory_space<vmem>>, vector<10240x1xf32>
    %slice3A = vector.extract_strided_slice %get3A_1 {offsets = [0, 0], sizes = [10000, 1], strides = [1, 1]} : vector<10240x1xf32> to vector<10000x1xf32>
    %get3A_2 = arith.constant 0 : index
    %get3A_3 = arith.constant 0 : index
    %get3A_4 = arith.constant 0 : index
    %get3A_5 = vector.load %arg0[%get3A_2, %get3A_3, %get3A_4] : memref<2x10240x32xbf16, #tpu.memory_space<vmem>>, vector<1x10000x32xbf16>
    %get3A_6 = vector.shape_cast %get3A_5 : vector<1x10000x32xbf16> to vector<10000x32xbf16>
    %convert_element_type3A = arith.extf %get3A_6 : vector<10000x32xbf16> to vector<10000x32xf32>
    %get3A_7 = arith.constant 1 : index
    %get3A_8 = arith.constant 0 : index
    %get3A_9 = arith.constant 0 : index
    %get3A_10 = vector.load %arg0[%get3A_7, %get3A_8, %get3A_9] : memref<2x10240x32xbf16, #tpu.memory_space<vmem>>, vector<1x10000x32xbf16>
    %get3A_11 = vector.shape_cast %get3A_10 : vector<1x10000x32xbf16> to vector<10000x32xbf16>
    %convert_element_type3A_12 = arith.extf %get3A_11 : vector<10000x32xbf16> to vector<10000x32xf32>
    %add3A = arith.addf %convert_element_type3A, %convert_element_type3A_12 : vector<10000x32xf32>
    %get3A_13 = arith.constant 0 : index
    %get3A_14 = arith.constant 0 : index
    %get3A_15 = vector.load %arg1[%get3A_13, %get3A_14] : memref<10000x32xf32, #tpu.memory_space<vmem>>, vector<10000x32xf32>
    %add3A_16 = arith.addf %add3A, %get3A_15 : vector<10000x32xf32>
    %mul3A = vector.broadcast %slice3A : vector<10000x1xf32> to vector<10000x32xf32>
    %mul3A_17 = arith.mulf %add3A_16, %mul3A : vector<10000x32xf32>
    %get3A_18 = arith.constant 0 : index
    %get3A_19 = vector.load %arg3[%get3A_18] : memref<32xf32, #tpu.memory_space<vmem>>, vector<32xf32>
    %broadcast_in_dim3A = vector.shape_cast %get3A_19 : vector<32xf32> to vector<1x32xf32>
    %add3A_20 = vector.broadcast %broadcast_in_dim3A : vector<1x32xf32> to vector<10000x32xf32>
    %add3A_21 = arith.addf %mul3A_17, %add3A_20 : vector<10000x32xf32>
    %max3A = arith.constant 0.000000e+00 : f32
    %max3A_22 = vector.broadcast %max3A : f32 to vector<10000x32xf32>
    %max3A_23 = arith.maximumf %add3A_21, %max3A_22 : vector<10000x32xf32>
    %get3A_24 = arith.constant 0 : index
    %get3A_25 = arith.constant 0 : index
    %get3A_26 = vector.load %arg4[%get3A_24, %get3A_25] : memref<32x8xf32, #tpu.memory_space<vmem>>, vector<32x8xf32>
    %dot_general3A = arith.constant dense<0.000000e+00> : vector<10000x8xf32>
    %dot_general3A_27 = tpu.matmul %max3A_23, %get3A_26, %dot_general3A {dimension_numbers = #tpu.dot_dimension_numbers<[1], [0], [0], [1], [0, 0, 1, 1], [], []>, transpose_lhs_hint = false} : vector<10000x32xf32>, vector<32x8xf32>, vector<10000x8xf32> -> vector<10000x8xf32>
    %mul3A_28 = vector.broadcast %slice3A : vector<10000x1xf32> to vector<10000x8xf32>
    %mul3A_29 = arith.mulf %dot_general3A_27, %mul3A_28 : vector<10000x8xf32>
    %swap3A = arith.constant 0 : index
    %swap3A_30 = arith.constant 0 : index
    %swap3A_31 = vector.load %arg5[%swap3A, %swap3A_30] : memref<10000x8xf32, #tpu.memory_space<vmem>>, vector<10000x8xf32>
    tpu.vector_store %arg5[%swap3A, %swap3A_30], %mul3A_29 {strides = array<i32>} : memref<10000x8xf32, #tpu.memory_space<vmem>>, vector<10000x8xf32>,
    return
  }
}

module attributes {stable_mosaic.version = 14 : i64} {
  func.func @body(%arg0: memref<2x10240x8xf32, #tpu.memory_space<vmem>>, %arg1: memref<10000x8xf32, #tpu.memory_space<vmem>>, %arg2: memref<10240x1xf32, #tpu.memory_space<vmem>>, %arg3: memref<2xf32, #tpu.memory_space<vmem>>, %arg4: memref<10000x2xf32, #tpu.memory_space<vmem>>) attributes {dimension_semantics = [], scalar_prefetch = 0 : i64, scratch_operands = 0 : i64, tpu.core_type = #tpu.core_type<tc>} {
    %get3A = arith.constant 0 : index
    %get3A_0 = arith.constant 0 : index
    %get3A_1 = vector.load %arg2[%get3A, %get3A_0] : memref<10240x1xf32, #tpu.memory_space<vmem>>, vector<10240x1xf32>
    %slice3A = vector.extract_strided_slice %get3A_1 {offsets = [0, 0], sizes = [10000, 1], strides = [1, 1]} : vector<10240x1xf32> to vector<10000x1xf32>
    %get3A_2 = arith.constant 0 : index
    %get3A_3 = arith.constant 0 : index
    %get3A_4 = arith.constant 0 : index
    %get3A_5 = vector.load %arg0[%get3A_2, %get3A_3, %get3A_4] : memref<2x10240x8xf32, #tpu.memory_space<vmem>>, vector<1x10000x8xf32>
    %get3A_6 = vector.shape_cast %get3A_5 : vector<1x10000x8xf32> to vector<10000x8xf32>
    %get3A_7 = arith.constant 1 : index
    %get3A_8 = arith.constant 0 : index
    %get3A_9 = arith.constant 0 : index
    %get3A_10 = vector.load %arg0[%get3A_7, %get3A_8, %get3A_9] : memref<2x10240x8xf32, #tpu.memory_space<vmem>>, vector<1x10000x8xf32>
    %get3A_11 = vector.shape_cast %get3A_10 : vector<1x10000x8xf32> to vector<10000x8xf32>
    %add3A = arith.addf %get3A_6, %get3A_11 : vector<10000x8xf32>
    %get3A_12 = arith.constant 0 : index
    %get3A_13 = arith.constant 0 : index
    %get3A_14 = vector.load %arg1[%get3A_12, %get3A_13] : memref<10000x8xf32, #tpu.memory_space<vmem>>, vector<10000x8xf32>
    %add3A_15 = arith.addf %add3A, %get3A_14 : vector<10000x8xf32>
    %mul3A = vector.broadcast %slice3A : vector<10000x1xf32> to vector<10000x8xf32>
    %mul3A_16 = arith.mulf %add3A_15, %mul3A : vector<10000x8xf32>
    %slice3A_17 = vector.extract_strided_slice %mul3A_16 {offsets = [0, 0], sizes = [10000, 2], strides = [1, 1]} : vector<10000x8xf32> to vector<10000x2xf32>
    %get3A_18 = arith.constant 0 : index
    %get3A_19 = vector.load %arg3[%get3A_18] : memref<2xf32, #tpu.memory_space<vmem>>, vector<2xf32>
    %broadcast_in_dim3A = vector.shape_cast %get3A_19 : vector<2xf32> to vector<1x2xf32>
    %add3A_20 = vector.broadcast %broadcast_in_dim3A : vector<1x2xf32> to vector<10000x2xf32>
    %add3A_21 = arith.addf %slice3A_17, %add3A_20 : vector<10000x2xf32>
    %reduce_max3A = arith.constant dense<0xFF800000> : vector<10000xf32>
    %reduce_max3A_22 = vector.multi_reduction <maximumf>, %add3A_21, %reduce_max3A [1] : vector<10000x2xf32> to vector<10000xf32>
    %broadcast_in_dim3A_23 = vector.shape_cast %reduce_max3A_22 : vector<10000xf32> to vector<10000x1xf32>
    %sub3A = vector.broadcast %broadcast_in_dim3A_23 : vector<10000x1xf32> to vector<10000x2xf32>
    %sub3A_24 = arith.subf %add3A_21, %sub3A : vector<10000x2xf32>
    %exp3A = math.exp %sub3A_24 : vector<10000x2xf32>
    %reduce_sum3A = arith.constant dense<0.000000e+00> : vector<10000xf32>
    %reduce_sum3A_25 = vector.multi_reduction <add>, %exp3A, %reduce_sum3A [1] : vector<10000x2xf32> to vector<10000xf32>
    %broadcast_in_dim3A_26 = vector.shape_cast %reduce_sum3A_25 : vector<10000xf32> to vector<10000x1xf32>
    %log3A = math.log %broadcast_in_dim3A_26 : vector<10000x1xf32>
    %add3A_27 = arith.addf %log3A, %broadcast_in_dim3A_23 : vector<10000x1xf32>
    %sub3A_28 = vector.broadcast %add3A_27 : vector<10000x1xf32> to vector<10000x2xf32>
    %sub3A_29 = arith.subf %add3A_21, %sub3A_28 : vector<10000x2xf32>
    %swap3A = arith.constant 0 : index
    %swap3A_30 = arith.constant 0 : index
    %swap3A_31 = vector.load %arg4[%swap3A, %swap3A_30] : memref<10000x2xf32, #tpu.memory_space<vmem>>, vector<10000x2xf32>
    tpu.vector_store %arg4[%swap3A, %swap3A_30], %sub3A_29 {strides = array<i32>} : memref<10000x2xf32, #tpu.memory_space<vmem>>, vector<10000x2xf32>,
    return
  }
}

</mosaic_0001>

<sc_bundles>
// kernel: kernel.12.cloned.1.call-start
scs
__scs_entry_jumppad:
0x0: {  	(pc) =	sbr.rel $0x88, $3  }
0x1: {  	(tag) =	ssettag $0x0;
	lr =	simm.s32 $0x1  }
0x2: {  	[smem:$0x3F9B] =	sst lr;
	_ =	strace $0xD0000000  }
0x3: {  	_ = 	snop  }
0x4: {  	_ = 	snop  }
0x5: {  	_ = 	snop  }
0x6: {  	_ = 	snop  }
0x7: {  	_ = 	snop  }
__scs_overlays_trampoline_lowered:
0x8: {  	[smem:$0x3FAA] =	sst s0  }
0x9: {  	[smem:$0x3FAB] =	sst s1  }
0xa: {  	[smem:$0x3FAC] =	sst s2  }
0xb: {  	[smem:$0x3FAD] =	sst s3  }
0xc: {  	[smem:$0x3FAE] =	sst s4  }
0xd: {  	[smem:$0x3FAF] =	sst s5  }
0xe: {  	[smem:$0x3FB0] =	sst s6  }
0xf: {  	[smem:$0x3FB1] =	sst s7  }
0x10: {  	[smem:$0x3FB2] =	sst s8  }
0x11: {  	[smem:$0x3FB3] =	sst s9;
	s0 =	simm.s32 @!p0 $0x0  }
0x12: {  	s1 =	sld [smem:$0x3F99];
	s0 =	simm.s32 @p0 $0x1  }
0x13: {  	[smem:$0x3FB4] =	sst s0;
	s0 =	simm.s32 @!p1 $0x0  }
0x14: {  	s2 =	sld [smem:$0x3F98];
	s0 =	simm.s32 @p1 $0x1  }
0x15: {  	[smem:$0x3FB5] =	sst s0;
	s0 =	simm.s32 @!p2 $0x0  }
0x16: {  	s3 =	sld [smem:$0x3FDB];
	s0 =	simm.s32 @p2 $0x1  }
0x17: {  	s4 =	simm.s32 $0x1BF5;
	[smem:$0x3FB7] =	sst s0  }
0x18: {  	s0 =	sld [smem:$0x3F9A];
	_ =	swait.ge [sflag:s4], $0x0  }
0x19: {  	s7 =	sld [smem:$0x3F9B]  }
0x1a: {  	s8 =	sadd.s32 $0xFFFFE003, lr  }
0x1b: {  	s9 =	sadd.s32 $0xFFFFFEF7, lr;
	s5 =	simm.s32 $0xFFFFFFFF;
	p2 =	slt.u32 s8, $0xFFFFF086  }
0x1c: {  	p1 =	slt.u32 s9, $0xF7A;
	s5 =	simm.s32 @!p2 $0x0  }
0x1d: {  	s5 =	simm.s32 @p1 $0x1;
	p0 =	seq.s32 s7, s2  }
0x1e: {  	s7 =	smul.u32 @!p0 $0xF7A, s2;
	p2 =	seq.s32 @!p0 s5, $0x0  }
0x1f: {  	s9 =	smul.u32 $0xF7A, s1;
	s8 =	simm.s32 @!p0 $0x1BF5;
	p2 =	por !p2, p0  }
0x20: {  	[sflag:s8] =	ssyncset.s32 @!p0 $0xFFFFF086;
	s6 =	sadd.s32 @!p0 s3, s7;
	s7 =	simm.s32 @!p0 $0x108  }
0x21: {  	s3 =	sadd.s32 s3, s9;
	s6 =	sadd.s32 @!p0 $0x88, s6;
	s7 =	simm.s32 @p2 $0x1082  }
0x22: {  	[simem:s7], [sflag:s8] =	dma.local @!p0 [hbm:s6], $0xF7A  }
0x23: {  	s9 =	sor.u32 $0xD0000000, s2;
	s6 =	simm.s32 $0x108;
	_ =	swait.ge @!p0 [sflag:s8], $0x0  }
0x24: {  	s3 =	sadd.s32 $0x88, s3;
	s6 =	simm.s32 @!p1 $0x1082;
	[sflag:s4] =	ssyncset.s32 $0xFFFFF086  }
0x25: {  	[simem:s6], [sflag:s4] =	dma.local [hbm:s3], $0xF7A  }
0x26: {  	[smem:$0x3F9B] =	sst s1;
	(tag) =	ssettag s2;
	_ =	strace s9  }
0x27: {  	s1 =	sld [smem:$0x3FAB]  }
0x28: {  	s2 =	sld [smem:$0x3FAC]  }
0x29: {  	s4 =	sld [smem:$0x3FAE]  }
0x2a: {  	p0 =	seq.s32 s5, $0x0;
	s5 =	sld [smem:$0x3FAF]  }
0x2b: {  	s6 =	sld [smem:$0x3FB0]  }
0x2c: {  	s7 =	sld [smem:$0x3FB1]  }
0x2d: {  	s3 =	simm.s32 $0x108;
	s8 =	sld [smem:$0x3FB2]  }
0x2e: {  	s3 =	simm.s32 @!p0 $0x1082;
	s9 =	sld [smem:$0x3FB3]  }
0x2f: {  	lr =	sadd.s32 s0, s3;
	s0 =	sld [smem:$0x3FAA]  }
0x30: {  	s3 =	sld [smem:$0x3FAD]  }
0x31: {  	[smem:$0x3FB6] =	sst s10  }
0x32: {  	s10 =	sld [smem:$0x3FB4];
	_ =	sdelay $0x3  }
0x33: {  	p0 =	seq.s32 s10, $0x1;
	s10 =	sld [smem:$0x3FB6];
	_ =	sdelay $0x3  }
0x34: {  	[smem:$0x3FB6] =	sst s10  }
0x35: {  	s10 =	sld [smem:$0x3FB5];
	_ =	sdelay $0x3  }
0x36: {  	p1 =	seq.s32 s10, $0x1;
	s10 =	sld [smem:$0x3FB6];
	_ =	sdelay $0x3  }
0x37: {  	[smem:$0x3FB6] =	sst s10  }
0x38: {  	s10 =	sld [smem:$0x3FB7]  }
0x39: {  	_ = 	snop;
	(pc) =	sbr.ind lr, $3  }
0x3a: {  	_ = 	snop  }
0x3b: {  	_ = 	snop  }
0x3c: {  	p2 =	seq.s32 s10, $0x1;
	s10 =	sld [smem:$0x3FB6]  }
0x3d: {  	_ =	shalt  }
0x3e: {  	_ =	shalt  }
0x3f: {  	_ =	shalt  }
0x40: {  	_ =	shalt  }
0x41: {  	_ =	shalt  }
0x42: {  	_ =	shalt  }
0x43: {  	_ =	shalt  }
0x44: {  	_ =	shalt  }
0x45: {  	_ =	shalt  }
0x46: {  	_ =	shalt  }
0x47: {  	_ =	shalt  }
0x48: {  	_ =	shalt  }
0x49: {  	_ =	shalt  }
0x4a: {  	_ =	shalt  }
0x4b: {  	_ =	shalt  }
0x4c: {  	_ =	shalt  }
0x4d: {  	_ =	shalt  }
0x4e: {  	_ =	shalt  }
0x4f: {  	_ =	shalt  }
0x50: {  	_ =	shalt  }
0x51: {  	_ =	shalt  }
0x52: {  	_ =	shalt  }
0x53: {  	_ =	shalt  }
0x54: {  	_ =	shalt  }
0x55: {  	_ =	shalt  }
0x56: {  	_ =	shalt  }
0x57: {  	_ =	shalt  }
0x58: {  	_ =	shalt  }
0x59: {  	_ =	shalt  }
0x5a: {  	_ =	shalt  }
0x5b: {  	_ =	shalt  }
0x5c: {  	_ =	shalt  }
0x5d: {  	_ =	shalt  }
0x5e: {  	_ =	shalt  }
0x5f: {  	_ =	shalt  }
0x60: {  	_ =	shalt  }
0x61: {  	_ =	shalt  }
0x62: {  	_ =	shalt  }
0x63: {  	_ =	shalt  }
0x64: {  	_ =	shalt  }
0x65: {  	_ =	shalt  }
0x66: {  	_ =	shalt  }
0x67: {  	_ =	shalt  }
0x68: {  	_ =	shalt  }
0x69: {  	_ =	shalt  }
0x6a: {  	_ =	shalt  }
0x6b: {  	_ =	shalt  }
0x6c: {  	_ =	shalt  }
0x6d: {  	_ =	shalt  }
0x6e: {  	_ =	shalt  }
0x6f: {  	_ =	shalt  }
0x70: {  	_ =	shalt  }
0x71: {  	_ =	shalt  }
0x72: {  	_ =	shalt  }
0x73: {  	_ =	shalt  }
0x74: {  	_ =	shalt  }
0x75: {  	_ =	shalt  }
0x76: {  	_ =	shalt  }
0x77: {  	_ =	shalt  }
0x78: {  	_ =	shalt  }
0x79: {  	_ =	shalt  }
0x7a: {  	_ =	shalt  }
0x7b: {  	_ =	shalt  }
0x7c: {  	_ =	shalt  }
0x7d: {  	_ =	shalt  }
0x7e: {  	_ =	shalt  }
0x7f: {  	_ =	shalt  }
0x80: {  	_ =	shalt  }
0x81: {  	_ =	shalt  }
0x82: {  	_ =	shalt  }
0x83: {  	_ =	shalt  }
0x84: {  	_ =	shalt  }
0x85: {  	_ =	shalt  }
0x86: {  	_ =	shalt  }
0x87: {  	_ =	shalt  }
.Lfunc_end0:
.L_simem_size_0:
called_computation.1_lowered:
.L_overlay_start_0:
0x88: {  	s2 =	sld [smem:$0x3FD9]  }
0x89: {  	s3 =	sld [smem:$0x3FFE];
	_ =	sdelay $0x1  }
0x8a: {  	s1 =	srdreg.scid  }
0x8b: {  	s0 =	sand.u32 $0x1, s1  }
0x8c: {  	s17 =	sshll.u32 s0, $0xA;
	s2 =	sadd.s32 s3, s2  }
0x8d: {  	s2 =	sadd.s32 s2, s17  }
0x8e: {  	[smem:$0x3FC2] =	sst s2  }
0x8f: {  	_ = 	snop  }
0x90: {  	s2 =	sld [smem:$0x3FD0];
	(tm) =	ssettm $0x1  }
0x91: {  	s18 =	sld [smem:$0x3FFB];
	_ =	sdelay $0x3  }
0x92: {  	_ =	strace s18  }
0x93: {  	s3 =	sld [smem:$0x3FFC];
	_ =	sdelay $0x3  }
0x94: {  	_ =	strace s3  }
0x95: {  	s3 =	sld [smem:$0x3FFD];
	_ =	sdelay $0x3  }
0x96: {  	_ =	strace s3  }
0x97: {  	_ =	strace $0x8FFFFFFF  }
0x98: {  	s19 =	sld [smem:$0x3FDB];
	_ =	sdelay $0x1  }
0x99: {  	s4 =	simm.s32 $_scs_section_size  }
0x9a: {  	s5 =	simm.s32 $_size__tile_overlayer_lowered;
	s6 =	simm.s32 $_tile_overlayer_lowered  }
0x9b: {  	s22 =	simm.s32 $0x1BFF;
	s21 =	sshll.u32 s6, $0x1;
	s3 =	sadd.s32 s4, s19  }
0x9c: {  	s7 =	simm.s32 $0x0;
	s20 =	sshll.u32 s5, $0x1;
	s5 =	sadd.s32 s21, s3  }
0x9d: {  	[timem:s7], [sflag:s22] =	dma.local [hbm:s5], s20  }
0x9e: {  	_ =	swait.ge [sflag:s22], s20  }
0x9f: {  	s4 =	ssub.s32 $0x0, s20;
	[sflag:s22] =	ssyncset.done $0x0  }
0xa0: {  	[sflag:s22] =	ssyncadd.s32 s4;
	_ =	sdelay $0x1  }
0xa1: {  	s23 =	simm.s32 $0x1B8B  }
0xa2: {  	_ =	swait.ge [sflag:s23], $0x1  }
0xa3: {  	[sflag:s23] =	ssyncset.done $0x0  }
0xa4: {  	s25 =	simm.s32 $0x1B8E;
	s24 =	sld [smem:$0x3FFE];
	[sflag:s23] =	ssyncadd.s32 $0xFFFFFFFF  }
0xa5: {  	s26 =	simm.s32 $execute0_lowered;
	[smem:$0x3FD2] =	sst s25  }
0xa6: {  	s5 =	sshll.u32 s26, $0x1;
	_ =	strace $0x80000049;
	[dreg:$0x1] =	wrdreg $0xFFFFFFFF  }
0xa7: {  	s28 =	simm.s32 $_size_execute0_lowered;
	s3 =	sadd.s32 s3, s5;
	[dreg:$0x0] =	wrdreg $0x0  }
0xa8: {  	s5 =	sshll.u32 s28, $0x1;
	[dreg:$0x2] =	wrdreg s3  }
0xa9: {  	[dreg:$0x3] =	wrdreg s5  }
0xaa: {  	[dreg:$0x4] =	wrdreg $0xC0  }
0xab: {  	_ =	task [dreg:s7], $0x5FFFF  }
0xac: {  	[dreg:$0x1] =	wrdreg $0xFFFFFFFF  }
0xad: {  	[dreg:$0x0] =	wrdreg $0x60  }
0xae: {  	[dreg:$0x2] =	wrdreg s24  }
0xaf: {  	[dreg:$0x3] =	wrdreg s2  }
0xb0: {  	[dreg:$0x4] =	wrdreg $0xD0000  }
0xb1: {  	[dreg:$0x5] =	wrdreg $0x9  }
0xb2: {  	_ =	task.clear_ibuf [dreg:s7], $0x6FFFF;
	_ =	strace $0x90000049  }
0xb3: {  	s29 =	simm.s32 $0x9;
	_ =	strace $0x8000004B  }
0xb4: {  	_ =	swait.ge [sflag:s29], $0x1  }
0xb5: {  	[sflag:s29] =	ssyncadd.s32 $0xFFFFFFFF  }
0xb6: {  	_ =	strace $0x9000004B  }
0xb7: {  	_ =	sfence  }
0xb8: {  	s30 =	sld [smem:$0x0];
	_ =	sdelay $0x2  }
0xb9: {  	s31 =	sshll.u32 s1, $0xD;
	s1 =	sshrl.u32 s1, $0x2  }
0xba: {  	s3 =	sand.u32 $0x4000, s31;
	s1 =	sadd.s32 s1, s30  }
0xbb: {  	s0 =	sor.u32 s3, s0;
	s1 =	sshll.u32 s1, $0x11  }
0xbc: {  	s0 =	sor.u32 s1, s0  }
0xbd: {  	s0 =	sadd.s32 $0x8F2B, s0  }
0xbe: {  	[sflag:s0] =	ssyncadd.remote.s32 $0x1  }
0xbf: {  	_ =	sfence.sel $0xFFFF  }
0xc0: {  	[dreg:$0x0] =	wrdreg $0xFFFFFFFF;
	(pc) =	sbr.abs _section_cstart, $3  }
0xc1: {  	[dreg:$0x1] =	wrdreg $0xFFFFFFFF  }
0xc2: {  	_ =	task.clear_ibuf [dreg:s7], $0x2FFFF;
	_ =	strace $0x9FFFFFFF  }
0xc3: {  	(tm) =	ssettm $0x7FFFFFFF  }
tec
execute0_lowered:
.L_overlay_start_1:
0x0: {  	(tag) =	ssettag $0x1  }
0x1: {  	s0 =	rddreg [dreg:$0x0]  }
0x2: {  	s3 =	rddreg [dreg:$0x2];
	s9 =	stileid.u32  }
0x3: {  	s5 =	simm.s32 $0x0;
	s2 =	srdreg.scid;
	s10 =	simm.s32 $0x11  }
0x4: {  	s14 =	simm.s32 $0x80;
	s29 =	simm.s32 $0x1;
	s30 =	simm.s32 $0x2  }
0x5: {  	s31 =	simm.s32 $0x3;
	s12 =	simm.s32 $0xA;
	s13 =	simm.s32 $0xB  }
0x6: {  	s15 =	simm.s32 $0xC;
	s16 =	simm.s32 $0xD;
	s1 =	smul.u32 $0x2800, s9  }
0x7: {  	s4 =	smul.u32 $0x500, s9;
	[smem:$0x7FF] =	sst s5;
	s2 =	sand.u32 $0x1, s2  }
0x8: {  	s6 =	smul.u32 $0x5000, s9;
	s5 =	sadd.s32 $0x15E00, s0;
	s28 =	sshll.u32 s9, $0x6  }
0x9: {  	_ =	strace $0x8000004A;
	s7 =	smul.u32 $0x50000, s2;
	s22 =	ssub.s32 $0x2, s2  }
0xa: {  	p0 =	seq.s32 s2, $0x0;
	s1 =	sshrl.u32 s1, $0x3;
	s8 =	sshrl.u32 s22, $0x1  }
0xb: {  	s1 =	sadd.s32 $0x5000, s1;
	s21 =	sadd.s32 s6, s7;
	s23 =	ssub.s32 s22, s8  }
0xc: {  	s6 =	sshrl.u32 s6, $0x1;
	s1 =	smov.u32 @p0 s4;
	s4 =	sshrl.u32 s21, $0x4  }
0xd: {  	s6 =	sadd.s32 s6, s3;
	s24 =	smax.u32 s23, $0x1;
	s23 =	sor.u32 $0x1C11, s28  }
0xe: {  	s1 =	sadd.s32 s1, s0;
	s0 =	sadd.s32 s4, s0;
	[dreg:$0x5] =	wrdreg s24  }
.Ltmp0:
0xf: {  	s21 =	sshrl.u32 s6, $0x3;
	[dreg:$0x8] =	wrdreg s23;
	(pc) =	sbr.rel .LBB2_1-.Ltmp0, $4  }
0x10: {  	s17 =	simm.s32 $0xE;
	s0 =	sadd.s32 $0x1AE00, s0;
	[dreg:$0x9] =	wrdreg s21  }
0x11: {  	s18 =	simm.s32 $0xF;
	s25 =	sadd.s32 $0xBE00, s1;
	[dreg:$0x4] =	wrdreg s0  }
0x12: {  	s19 =	simm.s32 $0x10;
	s26 =	sadd.s32 $0x1000, s1;
	[dreg:$0x6] =	wrdreg s25  }
0x13: {  	s22 =	simm.s32 $0x0;
	p0 =	sne.s32 s2, $0x0;
	[dreg:$0x7] =	wrdreg s26  }
.LBB2_7:
0x14: {  	s20 =	sshra.s32 s20, $0x2;
	[sflag:s10] =	ssyncadd.s32 $0xFFFFF800;
	s9 =	simm.s32 $0x5000  }
0x15: {  	[tilespmem:s9], [sflag:$0x1] =	stream.indirect.gather [hbm4b:s5+s14], $0x10, s20, s14, $0xb8;
	[tilespmem:$0xF800] =	vst v63  }
0x16: {  	s8 =	simm.s32 $0x5800;
	s21 =	sadd.s32 $0x80, s20  }
0x17: {  	[tilespmem:s8], [sflag:$0x2] =	stream.indirect.gather [hbm4b:s5+s14], $0x10, s21, s14, $0xb8;
	[tilespmem:$0xF800] =	vst v63  }
0x18: {  	s7 =	simm.s32 $0x6000;
	s28 =	sadd.s32 $0x100, s20  }
0x19: {  	[tilespmem:s7], [sflag:$0x3] =	stream.indirect.gather [hbm4b:s5+s14], $0x10, s28, s14, $0xb8;
	[tilespmem:$0xF800] =	vst v63  }
0x1a: {  	s6 =	simm.s32 $0x6800;
	s0 =	sadd.s32 $0x180, s20  }
0x1b: {  	[tilespmem:s6], [sflag:$0x4] =	stream.indirect.gather [hbm4b:s5+s14], $0x10, s0, s14, $0xb8;
	[tilespmem:$0xF800] =	vst v63  }
0x1c: {  	s4 =	simm.s32 $0x7000;
	s1 =	sadd.s32 $0x200, s20  }
0x1d: {  	[tilespmem:s4], [sflag:$0x5] =	stream.indirect.gather [hbm4b:s5+s14], $0x10, s1, s14, $0xb8;
	[tilespmem:$0xF800] =	vst v63  }
0x1e: {  	s11 =	simm.s32 $0x7800;
	s2 =	sadd.s32 $0x280, s20  }
0x1f: {  	[tilespmem:s11], [sflag:$0x6] =	stream.indirect.gather [hbm4b:s5+s14], $0x10, s2, s14, $0xb8;
	[tilespmem:$0xF800] =	vst v63  }
0x20: {  	s22 =	sadd.s32 $0x300, s20;
	s2 =	simm.s32 $0x8000  }
0x21: {  	[tilespmem:s2], [sflag:$0x7] =	stream.indirect.gather [hbm4b:s5+s14], $0x10, s22, s14, $0xb8;
	[tilespmem:$0xF800] =	vst v63  }
0x22: {  	s23 =	sadd.s32 $0x380, s20;
	s1 =	simm.s32 $0x8800  }
0x23: {  	[tilespmem:s1], [sflag:$0x8] =	stream.indirect.gather [hbm4b:s5+s14], $0x10, s23, s14, $0xb8;
	[tilespmem:$0xF800] =	vst v63  }
0x24: {  	s24 =	sadd.s32 $0x400, s20;
	s0 =	simm.s32 $0x9000  }
0x25: {  	[tilespmem:s0], [sflag:$0x9] =	stream.indirect.gather [hbm4b:s5+s14], $0x10, s24, s14, $0xb8;
	[tilespmem:$0xF800] =	vst v63  }
0x26: {  	s25 =	sadd.s32 $0x480, s20;
	s24 =	simm.s32 $0x9800  }
0x27: {  	[tilespmem:s24], [sflag:$0xA] =	stream.indirect.gather [hbm4b:s5+s14], $0x10, s25, s14, $0xb8;
	[tilespmem:$0xF800] =	vst v63  }
0x28: {  	s26 =	sadd.s32 $0x500, s20;
	s25 =	simm.s32 $0xA000  }
0x29: {  	[tilespmem:s25], [sflag:$0xB] =	stream.indirect.gather [hbm4b:s5+s14], $0x10, s26, s14, $0xb8;
	[tilespmem:$0xF800] =	vst v63  }
0x2a: {  	s28 =	sadd.s32 $0x580, s20;
	s26 =	simm.s32 $0xA800  }
0x2b: {  	[tilespmem:s26], [sflag:$0xC] =	stream.indirect.gather [hbm4b:s5+s14], $0x10, s28, s14, $0xb8;
	[tilespmem:$0xF800] =	vst v63  }
0x2c: {  	s22 =	sadd.s32 $0x600, s20;
	s28 =	simm.s32 $0xB000  }
0x2d: {  	[tilespmem:s28], [sflag:$0xD] =	stream.indirect.gather [hbm4b:s5+s14], $0x10, s22, s14, $0xb8;
	[tilespmem:$0xF800] =	vst v63  }
0x2e: {  	s29 =	simm.s32 $0xB800;
	s23 =	sadd.s32 $0x680, s20  }
0x2f: {  	[tilespmem:s29], [sflag:$0xE] =	stream.indirect.gather [hbm4b:s5+s14], $0x10, s23, s14, $0xb8;
	[tilespmem:$0xF800] =	vst v63  }
0x30: {  	s22 =	sadd.s32 $0x700, s20;
	s23 =	simm.s32 $0xC000  }
0x31: {  	[tilespmem:s23], [sflag:$0xF] =	stream.indirect.gather [hbm4b:s5+s14], $0x10, s22, s14, $0xb8;
	[tilespmem:$0xF800] =	vst v63  }
0x32: {  	s21 =	sadd.s32 $0x780, s20;
	s22 =	simm.s32 $0xC800  }
0x33: {  	[tilespmem:s22], [sflag:$0x10] =	stream.indirect.gather [hbm4b:s5+s14], $0x10, s21, s14, $0xb8;
	[tilespmem:$0xF800] =	vst v63  }
0x34: {  	s21 =	simm.s32 $0x1  }
0x35: {  	_ =	swait.ge [sflag:s21], $0x800  }
0x36: {  	[sflag:s21] =	ssyncset.done $0x0  }
0x37: {  	[sflag:s21] =	ssyncadd.s32 $0xFFFFF800;
	s21 =	sadd.s32 $0x2800, s20  }
0x38: {  	[spmem:s3] =	stream.indirect.scatter.add.bf16 [tilespmem:s9], [sflag:$0x11], $0x10, s21, s14, $0xb8;
	[tilespmem:$0xF800] =	vst v63  }
0x39: {  	_ =	swait.ge [sflag:s10], $0x800  }
0x3a: {  	[sflag:s10] =	ssyncset.done $0x0  }
0x3b: {  	s21 =	simm.s32 $0x2;
	[sflag:s10] =	ssyncadd.s32 $0xFFFFF800  }
0x3c: {  	_ =	swait.ge [sflag:s21], $0x800  }
0x3d: {  	[sflag:s21] =	ssyncset.done $0x0  }
0x3e: {  	s9 =	sadd.s32 $0x2880, s20;
	[sflag:s21] =	ssyncadd.s32 $0xFFFFF800  }
0x3f: {  	[spmem:s3] =	stream.indirect.scatter.add.bf16 [tilespmem:s8], [sflag:$0x11], $0x10, s9, s14, $0xb8;
	[tilespmem:$0xF800] =	vst v63  }
0x40: {  	_ =	swait.ge [sflag:s10], $0x800  }
0x41: {  	[sflag:s10] =	ssyncset.done $0x0  }
0x42: {  	s21 =	simm.s32 $0x3;
	[sflag:s10] =	ssyncadd.s32 $0xFFFFF800  }
0x43: {  	_ =	swait.ge [sflag:s21], $0x800  }
0x44: {  	[sflag:s21] =	ssyncset.done $0x0  }
0x45: {  	s9 =	sadd.s32 $0x2900, s20;
	[sflag:s21] =	ssyncadd.s32 $0xFFFFF800  }
0x46: {  	[spmem:s3] =	stream.indirect.scatter.add.bf16 [tilespmem:s7], [sflag:$0x11], $0x10, s9, s14, $0xb8;
	[tilespmem:$0xF800] =	vst v63  }
0x47: {  	_ =	swait.ge [sflag:s10], $0x800  }
0x48: {  	[sflag:s10] =	ssyncset.done $0x0  }
0x49: {  	s8 =	simm.s32 $0x4;
	[sflag:s10] =	ssyncadd.s32 $0xFFFFF800  }
0x4a: {  	_ =	swait.ge [sflag:s8], $0x800  }
0x4b: {  	[sflag:s8] =	ssyncset.done $0x0  }
0x4c: {  	s9 =	sadd.s32 $0x2980, s20;
	[sflag:s8] =	ssyncadd.s32 $0xFFFFF800  }
0x4d: {  	[spmem:s3] =	stream.indirect.scatter.add.bf16 [tilespmem:s6], [sflag:$0x11], $0x10, s9, s14, $0xb8;
	[tilespmem:$0xF800] =	vst v63  }
0x4e: {  	_ =	swait.ge [sflag:s10], $0x800  }
0x4f: {  	[sflag:s10] =	ssyncset.done $0x0  }
0x50: {  	s21 =	simm.s32 $0x5;
	[sflag:s10] =	ssyncadd.s32 $0xFFFFF800  }
0x51: {  	_ =	swait.ge [sflag:s21], $0x800  }
0x52: {  	[sflag:s21] =	ssyncset.done $0x0  }
0x53: {  	s6 =	sadd.s32 $0x2A00, s20;
	[sflag:s21] =	ssyncadd.s32 $0xFFFFF800  }
0x54: {  	[spmem:s3] =	stream.indirect.scatter.add.bf16 [tilespmem:s4], [sflag:$0x11], $0x10, s6, s14, $0xb8;
	[tilespmem:$0xF800] =	vst v63  }
0x55: {  	_ =	swait.ge [sflag:s10], $0x800  }
0x56: {  	[sflag:s10] =	ssyncset.done $0x0  }
0x57: {  	s7 =	simm.s32 $0x6;
	[sflag:s10] =	ssyncadd.s32 $0xFFFFF800  }
0x58: {  	_ =	swait.ge [sflag:s7], $0x800  }
0x59: {  	[sflag:s7] =	ssyncset.done $0x0  }
0x5a: {  	s8 =	sadd.s32 $0x2A80, s20;
	[sflag:s7] =	ssyncadd.s32 $0xFFFFF800  }
0x5b: {  	[spmem:s3] =	stream.indirect.scatter.add.bf16 [tilespmem:s11], [sflag:$0x11], $0x10, s8, s14, $0xb8;
	[tilespmem:$0xF800] =	vst v63  }
0x5c: {  	_ =	swait.ge [sflag:s10], $0x800  }
0x5d: {  	[sflag:s10] =	ssyncset.done $0x0  }
0x5e: {  	s9 =	simm.s32 $0x7;
	[sflag:s10] =	ssyncadd.s32 $0xFFFFF800  }
0x5f: {  	_ =	swait.ge [sflag:s9], $0x800  }
0x60: {  	[sflag:s9] =	ssyncset.done $0x0  }
0x61: {  	s11 =	sadd.s32 $0x2B00, s20;
	[sflag:s9] =	ssyncadd.s32 $0xFFFFF800  }
0x62: {  	[spmem:s3] =	stream.indirect.scatter.add.bf16 [tilespmem:s2], [sflag:$0x11], $0x10, s11, s14, $0xb8;
	[tilespmem:$0xF800] =	vst v63  }
0x63: {  	_ =	swait.ge [sflag:s10], $0x800  }
0x64: {  	[sflag:s10] =	ssyncset.done $0x0  }
0x65: {  	s4 =	simm.s32 $0x8;
	[sflag:s10] =	ssyncadd.s32 $0xFFFFF800  }
0x66: {  	_ =	swait.ge [sflag:s4], $0x800  }
0x67: {  	[sflag:s4] =	ssyncset.done $0x0  }
0x68: {  	s6 =	sadd.s32 $0x2B80, s20;
	[sflag:s4] =	ssyncadd.s32 $0xFFFFF800  }
0x69: {  	[spmem:s3] =	stream.indirect.scatter.add.bf16 [tilespmem:s1], [sflag:$0x11], $0x10, s6, s14, $0xb8;
	[tilespmem:$0xF800] =	vst v63  }
0x6a: {  	_ =	swait.ge [sflag:s10], $0x800  }
0x6b: {  	[sflag:s10] =	ssyncset.done $0x0  }
0x6c: {  	s7 =	simm.s32 $0x9;
	[sflag:s10] =	ssyncadd.s32 $0xFFFFF800  }
0x6d: {  	_ =	swait.ge [sflag:s7], $0x800  }
0x6e: {  	[sflag:s7] =	ssyncset.done $0x0  }
0x6f: {  	s8 =	sadd.s32 $0x2C00, s20;
	[sflag:s7] =	ssyncadd.s32 $0xFFFFF800  }
0x70: {  	[spmem:s3] =	stream.indirect.scatter.add.bf16 [tilespmem:s0], [sflag:$0x11], $0x10, s8, s14, $0xb8;
	[tilespmem:$0xF800] =	vst v63  }
0x71: {  	_ =	swait.ge [sflag:s10], $0x800  }
0x72: {  	[sflag:s10] =	ssyncset.done $0x0  }
0x73: {  	[sflag:s10] =	ssyncadd.s32 $0xFFFFF800  }
0x74: {  	_ =	swait.ge [sflag:s12], $0x800  }
0x75: {  	[sflag:s12] =	ssyncset.done $0x0  }
0x76: {  	s9 =	sadd.s32 $0x2C80, s20;
	[sflag:s12] =	ssyncadd.s32 $0xFFFFF800  }
0x77: {  	[spmem:s3] =	stream.indirect.scatter.add.bf16 [tilespmem:s24], [sflag:$0x11], $0x10, s9, s14, $0xb8;
	[tilespmem:$0xF800] =	vst v63  }
0x78: {  	_ =	swait.ge [sflag:s10], $0x800  }
0x79: {  	[sflag:s10] =	ssyncset.done $0x0  }
0x7a: {  	[sflag:s10] =	ssyncadd.s32 $0xFFFFF800  }
0x7b: {  	_ =	swait.ge [sflag:s13], $0x800  }
0x7c: {  	[sflag:s13] =	ssyncset.done $0x0  }
0x7d: {  	s11 =	sadd.s32 $0x2D00, s20;
	[sflag:s13] =	ssyncadd.s32 $0xFFFFF800  }
0x7e: {  	[spmem:s3] =	stream.indirect.scatter.add.bf16 [tilespmem:s25], [sflag:$0x11], $0x10, s11, s14, $0xb8;
	[tilespmem:$0xF800] =	vst v63  }
0x7f: {  	_ =	swait.ge [sflag:s10], $0x800  }
0x80: {  	[sflag:s10] =	ssyncset.done $0x0  }
0x81: {  	[sflag:s10] =	ssyncadd.s32 $0xFFFFF800  }
0x82: {  	_ =	swait.ge [sflag:s15], $0x800  }
0x83: {  	[sflag:s15] =	ssyncset.done $0x0  }
0x84: {  	s24 =	sadd.s32 $0x2D80, s20;
	[sflag:s15] =	ssyncadd.s32 $0xFFFFF800  }
0x85: {  	[spmem:s3] =	stream.indirect.scatter.add.bf16 [tilespmem:s26], [sflag:$0x11], $0x10, s24, s14, $0xb8;
	[tilespmem:$0xF800] =	vst v63  }
0x86: {  	_ =	swait.ge [sflag:s10], $0x800  }
0x87: {  	[sflag:s10] =	ssyncset.done $0x0  }
0x88: {  	[sflag:s10] =	ssyncadd.s32 $0xFFFFF800  }
0x89: {  	_ =	swait.ge [sflag:s16], $0x800  }
0x8a: {  	[sflag:s16] =	ssyncset.done $0x0  }
0x8b: {  	s25 =	sadd.s32 $0x2E00, s20;
	[sflag:s16] =	ssyncadd.s32 $0xFFFFF800  }
0x8c: {  	[spmem:s3] =	stream.indirect.scatter.add.bf16 [tilespmem:s28], [sflag:$0x11], $0x10, s25, s14, $0xb8;
	[tilespmem:$0xF800] =	vst v63  }
0x8d: {  	_ =	swait.ge [sflag:s10], $0x800  }
0x8e: {  	[sflag:s10] =	ssyncset.done $0x0  }
0x8f: {  	[sflag:s10] =	ssyncadd.s32 $0xFFFFF800  }
0x90: {  	_ =	swait.ge [sflag:s17], $0x800  }
0x91: {  	[sflag:s17] =	ssyncset.done $0x0  }
0x92: {  	s26 =	sadd.s32 $0x2E80, s20;
	[sflag:s17] =	ssyncadd.s32 $0xFFFFF800  }
0x93: {  	[spmem:s3] =	stream.indirect.scatter.add.bf16 [tilespmem:s29], [sflag:$0x11], $0x10, s26, s14, $0xb8;
	[tilespmem:$0xF800] =	vst v63  }
0x94: {  	_ =	swait.ge [sflag:s10], $0x800  }
0x95: {  	[sflag:s10] =	ssyncset.done $0x0  }
0x96: {  	[sflag:s10] =	ssyncadd.s32 $0xFFFFF800  }
0x97: {  	_ =	swait.ge [sflag:s18], $0x800  }
0x98: {  	[sflag:s18] =	ssyncset.done $0x0  }
0x99: {  	s28 =	sadd.s32 $0x2F00, s20;
	[sflag:s18] =	ssyncadd.s32 $0xFFFFF800  }
0x9a: {  	[spmem:s3] =	stream.indirect.scatter.add.bf16 [tilespmem:s23], [sflag:$0x11], $0x10, s28, s14, $0xb8;
	[tilespmem:$0xF800] =	vst v63  }
0x9b: {  	_ =	swait.ge [sflag:s10], $0x800  }
0x9c: {  	[sflag:s10] =	ssyncset.done $0x0  }
0x9d: {  	[sflag:s10] =	ssyncadd.s32 $0xFFFFF800  }
0x9e: {  	_ =	swait.ge [sflag:s19], $0x800  }
0x9f: {  	[sflag:s19] =	ssyncset.done $0x0  }
0xa0: {  	s20 =	sadd.s32 $0x2F80, s20;
	[sflag:s19] =	ssyncadd.s32 $0xFFFFF800  }
0xa1: {  	[spmem:s3] =	stream.indirect.scatter.add.bf16 [tilespmem:s22], [sflag:$0x11], $0x10, s20, s14, $0xb8;
	[tilespmem:$0xF800] =	vst v63  }
0xa2: {  	_ =	swait.ge [sflag:s10], $0x800  }
0xa3: {  	s30 =	simm.s32 $0x2;
	s31 =	simm.s32 $0x3;
	[sflag:s10] =	ssyncset.done $0x0  }
0xa4: {  	s29 =	simm.s32 $0x1;
	s22 =	rddreg [dreg:$0xa];
	[sflag:s10] =	ssyncadd.s32 $0xFFFFF800  }
.LBB2_8:
0xa5: {  	[bflag:$0x0] =	sbarrier.arrive $0xFFFF  }
0xa6: {  	s20 =	rddreg [dreg:$0x4]  }
0xa7: {  	s23 =	rddreg [dreg:$0x8]  }
0xa8: {  	s21 =	rddreg [dreg:$0x9]  }
0xa9: {  	[hbm:s20], [sflag:s23] =	dma.local [spmem:s21], $0x500  }
0xaa: {  	_ =	swait.ge [sflag:s10], $0x500  }
0xab: {  	s22 =	sadd.s32 $0x1, s22;
	s28 =	rddreg [dreg:$0x5]  }
0xac: {  	p1 =	sne.s32 s22, s28  }
.Ltmp1:
0xad: {  	_ = 	snop;
	(pc) =	sbr.rel @!p1 .LBB2_9-.Ltmp1, $3  }
0xae: {  	_ =	sdelay $0x1  }
0xaf: {  	[sflag:s10] =	ssyncset.done $0x0  }
0xb0: {  	[sflag:s10] =	ssyncadd.s32 $0xFFFFFB00  }
.LBB2_1:
0xb1: {  	[dreg:$0xa] =	wrdreg s22  }
0xb2: {  	s20 =	simm.s32 $0x0;
	s21 =	rddreg [dreg:$0x6]  }
0xb3: {  	[tilespmem:s20], [sflag:$0x11] =	stream.linear.gather [hbm4b:s21+s20], $0x2800, $0x38;
	[tilespmem:$0xF800] =	vst v63  }
0xb4: {  	_ =	swait.ge [sflag:s10], $0x2800  }
0xb5: {  	[sflag:s10] =	ssyncset.done $0x0  }
0xb6: {  	s25 =	simm.s32 $0x2800;
	s24 =	rddreg [dreg:$0x7];
	[sflag:s10] =	ssyncadd.s32 $0xFFFFD800  }
0xb7: {  	[tilespmem:s25], [sflag:$0x11] =	stream.linear.gather [hbm4b:s24+s20], $0x2800, $0x38;
	[tilespmem:$0xF800] =	vst v63  }
0xb8: {  	_ =	swait.ge [sflag:s10], $0x2800  }
0xb9: {  	[sflag:s10] =	ssyncset.done $0x0  }
0xba: {  	s28 =	rddreg [dreg:$0x9];
	[sflag:s10] =	ssyncadd.s32 $0xFFFFD800  }
0xbb: {  	s26 =	rddreg [dreg:$0x1]  }
0xbc: {  	[spmem:s28], [sflag:s23] =	dma.local [hbm:s26], $0x500  }
.Ltmp2:
0xbd: {  	_ =	swait.ge [sflag:s10], $0x500;
	(pc) =	sbr.rel @p0 .LBB2_5-.Ltmp2, $4  }
0xbe: {  	[sflag:s10] =	ssyncset.done $0x0  }
0xbf: {  	[sflag:s10] =	ssyncadd.s32 $0xFFFFFB00  }
0xc0: {  	[bflag:$0x0] =	sbarrier.arrive $0xFFFF  }
0xc1: {  	s9 =	simm.s32 $0x5000;
	s20 =	simm.s32 $0x0  }
0xc2: {  	[tilespmem:s9], [sflag:$0x1] =	stream.indirect.gather [hbm4b:s5+s14], $0x10, s20, s14, $0xb8;
	[tilespmem:$0xF800] =	vst v63  }
0xc3: {  	s19 =	simm.s32 $0x80;
	s12 =	simm.s32 $0x5800  }
0xc4: {  	[tilespmem:s12], [sflag:$0x2] =	stream.indirect.gather [hbm4b:s5+s14], $0x10, s19, s14, $0xb8;
	[tilespmem:$0xF800] =	vst v63  }
0xc5: {  	s21 =	simm.s32 $0x100;
	s13 =	simm.s32 $0x6000  }
0xc6: {  	[tilespmem:s13], [sflag:$0x3] =	stream.indirect.gather [hbm4b:s5+s14], $0x10, s21, s14, $0xb8;
	[tilespmem:$0xF800] =	vst v63  }
0xc7: {  	s22 =	simm.s32 $0x180;
	s15 =	simm.s32 $0x6800  }
0xc8: {  	[tilespmem:s15], [sflag:$0x4] =	stream.indirect.gather [hbm4b:s5+s14], $0x10, s22, s14, $0xb8;
	[tilespmem:$0xF800] =	vst v63  }
0xc9: {  	s23 =	simm.s32 $0x200;
	s17 =	simm.s32 $0x7000  }
0xca: {  	[tilespmem:s17], [sflag:$0x5] =	stream.indirect.gather [hbm4b:s5+s14], $0x10, s23, s14, $0xb8;
	[tilespmem:$0xF800] =	vst v63  }
0xcb: {  	s24 =	simm.s32 $0x280;
	s19 =	simm.s32 $0x7800  }
0xcc: {  	[tilespmem:s19], [sflag:$0x6] =	stream.indirect.gather [hbm4b:s5+s14], $0x10, s24, s14, $0xb8;
	[tilespmem:$0xF800] =	vst v63  }
0xcd: {  	s25 =	simm.s32 $0x300;
	s22 =	simm.s32 $0x8000  }
0xce: {  	[tilespmem:s22], [sflag:$0x7] =	stream.indirect.gather [hbm4b:s5+s14], $0x10, s25, s14, $0xb8;
	[tilespmem:$0xF800] =	vst v63  }
0xcf: {  	s26 =	simm.s32 $0x380;
	s24 =	simm.s32 $0x8800  }
0xd0: {  	[tilespmem:s24], [sflag:$0x8] =	stream.indirect.gather [hbm4b:s5+s14], $0x10, s26, s14, $0xb8;
	[tilespmem:$0xF800] =	vst v63  }
0xd1: {  	s28 =	simm.s32 $0x400;
	s26 =	simm.s32 $0x9000  }
0xd2: {  	[tilespmem:s26], [sflag:$0x9] =	stream.indirect.gather [hbm4b:s5+s14], $0x10, s28, s14, $0xb8;
	[tilespmem:$0xF800] =	vst v63  }
0xd3: {  	s29 =	simm.s32 $0x480;
	s28 =	simm.s32 $0x9800  }
0xd4: {  	[tilespmem:s28], [sflag:$0xA] =	stream.indirect.gather [hbm4b:s5+s14], $0x10, s29, s14, $0xb8;
	[tilespmem:$0xF800] =	vst v63  }
0xd5: {  	s20 =	simm.s32 $0x500;
	s29 =	simm.s32 $0xA000  }
0xd6: {  	[tilespmem:s29], [sflag:$0xB] =	stream.indirect.gather [hbm4b:s5+s14], $0x10, s20, s14, $0xb8;
	[tilespmem:$0xF800] =	vst v63  }
0xd7: {  	s20 =	simm.s32 $0x580;
	s29 =	simm.s32 $0xA800  }
0xd8: {  	[tilespmem:s29], [sflag:$0xC] =	stream.indirect.gather [hbm4b:s5+s14], $0x10, s20, s14, $0xb8;
	[tilespmem:$0xF800] =	vst v63  }
0xd9: {  	s20 =	simm.s32 $0x600;
	s29 =	simm.s32 $0xB000  }
0xda: {  	[tilespmem:s29], [sflag:$0xD] =	stream.indirect.gather [hbm4b:s5+s14], $0x10, s20, s14, $0xb8;
	[tilespmem:$0xF800] =	vst v63  }
0xdb: {  	s20 =	simm.s32 $0x680;
	s29 =	simm.s32 $0xB800  }
0xdc: {  	[tilespmem:s29], [sflag:$0xE] =	stream.indirect.gather [hbm4b:s5+s14], $0x10, s20, s14, $0xb8;
	[tilespmem:$0xF800] =	vst v63  }
0xdd: {  	s20 =	simm.s32 $0x700;
	s29 =	simm.s32 $0xC000  }
0xde: {  	[tilespmem:s29], [sflag:$0xF] =	stream.indirect.gather [hbm4b:s5+s14], $0x10, s20, s14, $0xb8;
	[tilespmem:$0xF800] =	vst v63  }
0xdf: {  	s1 =	simm.s32 $0x1;
	s20 =	simm.s32 $0x780;
	s29 =	simm.s32 $0xC800  }
0xe0: {  	[tilespmem:s29], [sflag:$0x10] =	stream.indirect.gather [hbm4b:s5+s14], $0x10, s20, s14, $0xb8;
	[tilespmem:$0xF800] =	vst v63  }
0xe1: {  	_ =	swait.ge [sflag:s1], $0x800  }
0xe2: {  	[sflag:s1] =	ssyncset.done $0x0  }
0xe3: {  	s20 =	simm.s32 $0x2800;
	[sflag:s1] =	ssyncadd.s32 $0xFFFFF800  }
0xe4: {  	[spmem:s3] =	stream.indirect.scatter.add.bf16 [tilespmem:s9], [sflag:$0x11], $0x10, s20, s14, $0xb8;
	[tilespmem:$0xF800] =	vst v63  }
0xe5: {  	_ =	swait.ge [sflag:s10], $0x800  }
0xe6: {  	[sflag:s10] =	ssyncset.done $0x0  }
0xe7: {  	s2 =	simm.s32 $0x2;
	[sflag:s10] =	ssyncadd.s32 $0xFFFFF800  }
0xe8: {  	_ =	swait.ge [sflag:s2], $0x800  }
0xe9: {  	[sflag:s2] =	ssyncset.done $0x0  }
0xea: {  	s9 =	simm.s32 $0x2880;
	[sflag:s2] =	ssyncadd.s32 $0xFFFFF800  }
0xeb: {  	[spmem:s3] =	stream.indirect.scatter.add.bf16 [tilespmem:s12], [sflag:$0x11], $0x10, s9, s14, $0xb8;
	[tilespmem:$0xF800] =	vst v63  }
0xec: {  	_ =	swait.ge [sflag:s10], $0x800  }
0xed: {  	[sflag:s10] =	ssyncset.done $0x0  }
0xee: {  	s11 =	simm.s32 $0x3;
	[sflag:s10] =	ssyncadd.s32 $0xFFFFF800  }
0xef: {  	_ =	swait.ge [sflag:s11], $0x800  }
0xf0: {  	[sflag:s11] =	ssyncset.done $0x0  }
0xf1: {  	s12 =	simm.s32 $0x2900;
	[sflag:s11] =	ssyncadd.s32 $0xFFFFF800  }
0xf2: {  	[spmem:s3] =	stream.indirect.scatter.add.bf16 [tilespmem:s13], [sflag:$0x11], $0x10, s12, s14, $0xb8;
	[tilespmem:$0xF800] =	vst v63  }
0xf3: {  	_ =	swait.ge [sflag:s10], $0x800  }
0xf4: {  	[sflag:s10] =	ssyncset.done $0x0  }
0xf5: {  	s4 =	simm.s32 $0x4;
	[sflag:s10] =	ssyncadd.s32 $0xFFFFF800  }
0xf6: {  	_ =	swait.ge [sflag:s4], $0x800  }
0xf7: {  	[sflag:s4] =	ssyncset.done $0x0  }
0xf8: {  	s13 =	simm.s32 $0x2980;
	[sflag:s4] =	ssyncadd.s32 $0xFFFFF800  }
0xf9: {  	[spmem:s3] =	stream.indirect.scatter.add.bf16 [tilespmem:s15], [sflag:$0x11], $0x10, s13, s14, $0xb8;
	[tilespmem:$0xF800] =	vst v63  }
0xfa: {  	_ =	swait.ge [sflag:s10], $0x800  }
0xfb: {  	[sflag:s10] =	ssyncset.done $0x0  }
0xfc: {  	s6 =	simm.s32 $0x5;
	[sflag:s10] =	ssyncadd.s32 $0xFFFFF800  }
0xfd: {  	_ =	swait.ge [sflag:s6], $0x800  }
0xfe: {  	[sflag:s6] =	ssyncset.done $0x0  }
0xff: {  	s15 =	simm.s32 $0x2A00;
	[sflag:s6] =	ssyncadd.s32 $0xFFFFF800  }
0x100: {  	[spmem:s3] =	stream.indirect.scatter.add.bf16 [tilespmem:s17], [sflag:$0x11], $0x10, s15, s14, $0xb8;
	[tilespmem:$0xF800] =	vst v63  }
0x101: {  	_ =	swait.ge [sflag:s10], $0x800  }
0x102: {  	[sflag:s10] =	ssyncset.done $0x0  }
0x103: {  	s7 =	simm.s32 $0x6;
	[sflag:s10] =	ssyncadd.s32 $0xFFFFF800  }
0x104: {  	_ =	swait.ge [sflag:s7], $0x800  }
0x105: {  	[sflag:s7] =	ssyncset.done $0x0  }
0x106: {  	s9 =	simm.s32 $0x2A80;
	[sflag:s7] =	ssyncadd.s32 $0xFFFFF800  }
0x107: {  	[spmem:s3] =	stream.indirect.scatter.add.bf16 [tilespmem:s19], [sflag:$0x11], $0x10, s9, s14, $0xb8;
	[tilespmem:$0xF800] =	vst v63  }
0x108: {  	_ =	swait.ge [sflag:s10], $0x800  }
0x109: {  	[sflag:s10] =	ssyncset.done $0x0  }
0x10a: {  	s8 =	simm.s32 $0x7;
	[sflag:s10] =	ssyncadd.s32 $0xFFFFF800  }
0x10b: {  	_ =	swait.ge [sflag:s8], $0x800  }
0x10c: {  	[sflag:s8] =	ssyncset.done $0x0  }
0x10d: {  	s12 =	simm.s32 $0x2B00;
	[sflag:s8] =	ssyncadd.s32 $0xFFFFF800  }
0x10e: {  	[spmem:s3] =	stream.indirect.scatter.add.bf16 [tilespmem:s22], [sflag:$0x11], $0x10, s12, s14, $0xb8;
	[tilespmem:$0xF800] =	vst v63  }
0x10f: {  	_ =	swait.ge [sflag:s10], $0x800  }
0x110: {  	[sflag:s10] =	ssyncset.done $0x0  }
0x111: {  	s0 =	simm.s32 $0x8;
	[sflag:s10] =	ssyncadd.s32 $0xFFFFF800  }
0x112: {  	_ =	swait.ge [sflag:s0], $0x800  }
0x113: {  	[sflag:s0] =	ssyncset.done $0x0  }
0x114: {  	s13 =	simm.s32 $0x2B80;
	[sflag:s0] =	ssyncadd.s32 $0xFFFFF800  }
0x115: {  	[spmem:s3] =	stream.indirect.scatter.add.bf16 [tilespmem:s24], [sflag:$0x11], $0x10, s13, s14, $0xb8;
	[tilespmem:$0xF800] =	vst v63  }
0x116: {  	_ =	swait.ge [sflag:s10], $0x800  }
0x117: {  	[sflag:s10] =	ssyncset.done $0x0  }
0x118: {  	s16 =	simm.s32 $0x9;
	[sflag:s10] =	ssyncadd.s32 $0xFFFFF800  }
0x119: {  	_ =	swait.ge [sflag:s16], $0x800  }
0x11a: {  	[sflag:s16] =	ssyncset.done $0x0  }
0x11b: {  	s15 =	simm.s32 $0x2C00;
	[sflag:s16] =	ssyncadd.s32 $0xFFFFF800  }
0x11c: {  	[spmem:s3] =	stream.indirect.scatter.add.bf16 [tilespmem:s26], [sflag:$0x11], $0x10, s15, s14, $0xb8;
	[tilespmem:$0xF800] =	vst v63  }
0x11d: {  	_ =	swait.ge [sflag:s10], $0x800  }
0x11e: {  	[sflag:s10] =	ssyncset.done $0x0  }
0x11f: {  	s18 =	simm.s32 $0xA;
	[sflag:s10] =	ssyncadd.s32 $0xFFFFF800  }
0x120: {  	_ =	swait.ge [sflag:s18], $0x800  }
0x121: {  	[sflag:s18] =	ssyncset.done $0x0  }
0x122: {  	s16 =	simm.s32 $0x2C80;
	[sflag:s18] =	ssyncadd.s32 $0xFFFFF800  }
0x123: {  	[spmem:s3] =	stream.indirect.scatter.add.bf16 [tilespmem:s28], [sflag:$0x11], $0x10, s16, s14, $0xb8;
	[tilespmem:$0xF800] =	vst v63  }
0x124: {  	_ =	swait.ge [sflag:s10], $0x800  }
0x125: {  	[sflag:s10] =	ssyncset.done $0x0  }
0x126: {  	s21 =	simm.s32 $0xB;
	[sflag:s10] =	ssyncadd.s32 $0xFFFFF800  }
0x127: {  	_ =	swait.ge [sflag:s21], $0x800  }
0x128: {  	[sflag:s21] =	ssyncset.done $0x0  }
0x129: {  	s17 =	simm.s32 $0x2D00;
	s18 =	simm.s32 $0xA000;
	[sflag:s21] =	ssyncadd.s32 $0xFFFFF800  }
0x12a: {  	[spmem:s3] =	stream.indirect.scatter.add.bf16 [tilespmem:s18], [sflag:$0x11], $0x10, s17, s14, $0xb8;
	[tilespmem:$0xF800] =	vst v63  }
0x12b: {  	_ =	swait.ge [sflag:s10], $0x800  }
0x12c: {  	[sflag:s10] =	ssyncset.done $0x0  }
0x12d: {  	s23 =	simm.s32 $0xC;
	[sflag:s10] =	ssyncadd.s32 $0xFFFFF800  }
0x12e: {  	_ =	swait.ge [sflag:s23], $0x800  }
0x12f: {  	[sflag:s23] =	ssyncset.done $0x0  }
0x130: {  	s19 =	simm.s32 $0x2D80;
	s21 =	simm.s32 $0xA800;
	[sflag:s23] =	ssyncadd.s32 $0xFFFFF800  }
0x131: {  	[spmem:s3] =	stream.indirect.scatter.add.bf16 [tilespmem:s21], [sflag:$0x11], $0x10, s19, s14, $0xb8;
	[tilespmem:$0xF800] =	vst v63  }
0x132: {  	_ =	swait.ge [sflag:s10], $0x800  }
0x133: {  	[sflag:s10] =	ssyncset.done $0x0  }
0x134: {  	s25 =	simm.s32 $0xD;
	[sflag:s10] =	ssyncadd.s32 $0xFFFFF800  }
0x135: {  	_ =	swait.ge [sflag:s25], $0x800  }
0x136: {  	[sflag:s25] =	ssyncset.done $0x0  }
0x137: {  	s22 =	simm.s32 $0x2E00;
	s23 =	simm.s32 $0xB000;
	[sflag:s25] =	ssyncadd.s32 $0xFFFFF800  }
0x138: {  	[spmem:s3] =	stream.indirect.scatter.add.bf16 [tilespmem:s23], [sflag:$0x11], $0x10, s22, s14, $0xb8;
	[tilespmem:$0xF800] =	vst v63  }
0x139: {  	_ =	swait.ge [sflag:s10], $0x800  }
0x13a: {  	[sflag:s10] =	ssyncset.done $0x0  }
0x13b: {  	s31 =	simm.s32 $0xE;
	[sflag:s10] =	ssyncadd.s32 $0xFFFFF800  }
0x13c: {  	_ =	swait.ge [sflag:s31], $0x800  }
0x13d: {  	[sflag:s31] =	ssyncset.done $0x0  }
0x13e: {  	s24 =	simm.s32 $0x2E80;
	s25 =	simm.s32 $0xB800;
	[sflag:s31] =	ssyncadd.s32 $0xFFFFF800  }
0x13f: {  	[spmem:s3] =	stream.indirect.scatter.add.bf16 [tilespmem:s25], [sflag:$0x11], $0x10, s24, s14, $0xb8;
	[tilespmem:$0xF800] =	vst v63  }
0x140: {  	_ =	swait.ge [sflag:s10], $0x800  }
0x141: {  	[sflag:s10] =	ssyncset.done $0x0  }
0x142: {  	s30 =	simm.s32 $0xF;
	[sflag:s10] =	ssyncadd.s32 $0xFFFFF800  }
0x143: {  	_ =	swait.ge [sflag:s30], $0x800  }
0x144: {  	[sflag:s30] =	ssyncset.done $0x0  }
0x145: {  	s26 =	simm.s32 $0x2F00;
	s28 =	simm.s32 $0xC000;
	[sflag:s30] =	ssyncadd.s32 $0xFFFFF800  }
0x146: {  	[spmem:s3] =	stream.indirect.scatter.add.bf16 [tilespmem:s28], [sflag:$0x11], $0x10, s26, s14, $0xb8;
	[tilespmem:$0xF800] =	vst v63  }
0x147: {  	_ =	swait.ge [sflag:s10], $0x800  }
0x148: {  	[sflag:s10] =	ssyncset.done $0x0  }
0x149: {  	s30 =	simm.s32 $0x10;
	[sflag:s10] =	ssyncadd.s32 $0xFFFFF800  }
0x14a: {  	_ =	swait.ge [sflag:s30], $0x800  }
0x14b: {  	[sflag:s30] =	ssyncset.done $0x0  }
0x14c: {  	s29 =	simm.s32 $0xC800;
	s31 =	simm.s32 $0x2F80;
	[sflag:s30] =	ssyncadd.s32 $0xFFFFF800  }
0x14d: {  	[spmem:s3] =	stream.indirect.scatter.add.bf16 [tilespmem:s29], [sflag:$0x11], $0x10, s31, s14, $0xb8;
	[tilespmem:$0xF800] =	vst v63  }
0x14e: {  	_ =	swait.ge [sflag:s10], $0x800  }
0x14f: {  	s20 =	simm.s32 $0x2000;
	s21 =	simm.s32 $0x4000;
	[sflag:s10] =	ssyncset.done $0x0  }
.LBB2_3:
0x150: {  	s22 =	sshra.s32 s20, $0x2;
	[sflag:s10] =	ssyncadd.s32 $0xFFFFF800  }
0x151: {  	s20 =	smov.u32 s21;
	s23 =	sadd.s32 $0x2000, s21;
	s9 =	simm.s32 $0x5000  }
0x152: {  	[tilespmem:s9], [sflag:$0x1] =	stream.indirect.gather [hbm4b:s5+s14], $0x10, s22, s14, $0xb8;
	[tilespmem:$0xF800] =	vst v63  }
0x153: {  	p1 =	seq.s32 s21, $0x8000;
	s12 =	simm.s32 $0x5800;
	s21 =	sadd.s32 $0x80, s22  }
0x154: {  	[tilespmem:s12], [sflag:$0x2] =	stream.indirect.gather [hbm4b:s5+s14], $0x10, s21, s14, $0xb8;
	[tilespmem:$0xF800] =	vst v63  }
0x155: {  	s13 =	simm.s32 $0x6000;
	s21 =	sadd.s32 $0x100, s22  }
0x156: {  	[tilespmem:s13], [sflag:$0x3] =	stream.indirect.gather [hbm4b:s5+s14], $0x10, s21, s14, $0xb8;
	[tilespmem:$0xF800] =	vst v63  }
0x157: {  	s15 =	simm.s32 $0x6800;
	s21 =	sadd.s32 $0x180, s22  }
0x158: {  	[tilespmem:s15], [sflag:$0x4] =	stream.indirect.gather [hbm4b:s5+s14], $0x10, s21, s14, $0xb8;
	[tilespmem:$0xF800] =	vst v63  }
0x159: {  	s16 =	simm.s32 $0x7000;
	s21 =	sadd.s32 $0x200, s22  }
0x15a: {  	[tilespmem:s16], [sflag:$0x5] =	stream.indirect.gather [hbm4b:s5+s14], $0x10, s21, s14, $0xb8;
	[tilespmem:$0xF800] =	vst v63  }
0x15b: {  	s17 =	simm.s32 $0x7800;
	s21 =	sadd.s32 $0x280, s22  }
0x15c: {  	[tilespmem:s17], [sflag:$0x6] =	stream.indirect.gather [hbm4b:s5+s14], $0x10, s21, s14, $0xb8;
	[tilespmem:$0xF800] =	vst v63  }
0x15d: {  	s18 =	simm.s32 $0x8000;
	s21 =	sadd.s32 $0x300, s22  }
0x15e: {  	[tilespmem:s18], [sflag:$0x7] =	stream.indirect.gather [hbm4b:s5+s14], $0x10, s21, s14, $0xb8;
	[tilespmem:$0xF800] =	vst v63  }
0x15f: {  	s19 =	simm.s32 $0x8800;
	s21 =	sadd.s32 $0x380, s22  }
0x160: {  	[tilespmem:s19], [sflag:$0x8] =	stream.indirect.gather [hbm4b:s5+s14], $0x10, s21, s14, $0xb8;
	[tilespmem:$0xF800] =	vst v63  }
0x161: {  	s0 =	simm.s32 $0x9000;
	s21 =	sadd.s32 $0x400, s22  }
0x162: {  	[tilespmem:s0], [sflag:$0x9] =	stream.indirect.gather [hbm4b:s5+s14], $0x10, s21, s14, $0xb8;
	[tilespmem:$0xF800] =	vst v63  }
0x163: {  	s24 =	simm.s32 $0x9800;
	s21 =	sadd.s32 $0x480, s22  }
0x164: {  	[tilespmem:s24], [sflag:$0xA] =	stream.indirect.gather [hbm4b:s5+s14], $0x10, s21, s14, $0xb8;
	[tilespmem:$0xF800] =	vst v63  }
0x165: {  	s25 =	simm.s32 $0xA000;
	s21 =	sadd.s32 $0x500, s22  }
0x166: {  	[tilespmem:s25], [sflag:$0xB] =	stream.indirect.gather [hbm4b:s5+s14], $0x10, s21, s14, $0xb8;
	[tilespmem:$0xF800] =	vst v63  }
0x167: {  	s26 =	simm.s32 $0xA800;
	s21 =	sadd.s32 $0x580, s22  }
0x168: {  	[tilespmem:s26], [sflag:$0xC] =	stream.indirect.gather [hbm4b:s5+s14], $0x10, s21, s14, $0xb8;
	[tilespmem:$0xF800] =	vst v63  }
0x169: {  	s28 =	simm.s32 $0xB000;
	s21 =	sadd.s32 $0x600, s22  }
0x16a: {  	[tilespmem:s28], [sflag:$0xD] =	stream.indirect.gather [hbm4b:s5+s14], $0x10, s21, s14, $0xb8;
	[tilespmem:$0xF800] =	vst v63  }
0x16b: {  	s29 =	simm.s32 $0xB800;
	s21 =	sadd.s32 $0x680, s22  }
0x16c: {  	[tilespmem:s29], [sflag:$0xE] =	stream.indirect.gather [hbm4b:s5+s14], $0x10, s21, s14, $0xb8;
	[tilespmem:$0xF800] =	vst v63  }
0x16d: {  	s30 =	simm.s32 $0xC000;
	s21 =	sadd.s32 $0x700, s22  }
0x16e: {  	[tilespmem:s30], [sflag:$0xF] =	stream.indirect.gather [hbm4b:s5+s14], $0x10, s21, s14, $0xb8;
	[tilespmem:$0xF800] =	vst v63  }
0x16f: {  	s31 =	simm.s32 $0xC800;
	s21 =	sadd.s32 $0x780, s22  }
0x170: {  	[tilespmem:s31], [sflag:$0x10] =	stream.indirect.gather [hbm4b:s5+s14], $0x10, s21, s14, $0xb8;
	[tilespmem:$0xF800] =	vst v63  }
0x171: {  	_ =	swait.ge [sflag:s1], $0x800  }
0x172: {  	[sflag:s1] =	ssyncset.done $0x0  }
0x173: {  	s21 =	sadd.s32 $0x2800, s22;
	[sflag:s1] =	ssyncadd.s32 $0xFFFFF800  }
0x174: {  	[spmem:s3] =	stream.indirect.scatter.add.bf16 [tilespmem:s9], [sflag:$0x11], $0x10, s21, s14, $0xb8;
	[tilespmem:$0xF800] =	vst v63  }
0x175: {  	_ =	swait.ge [sflag:s10], $0x800  }
0x176: {  	[sflag:s10] =	ssyncset.done $0x0  }
0x177: {  	[sflag:s10] =	ssyncadd.s32 $0xFFFFF800  }
0x178: {  	_ =	swait.ge [sflag:s2], $0x800  }
0x179: {  	[sflag:s2] =	ssyncset.done $0x0  }
0x17a: {  	s21 =	sadd.s32 $0x2880, s22;
	[sflag:s2] =	ssyncadd.s32 $0xFFFFF800  }
0x17b: {  	[spmem:s3] =	stream.indirect.scatter.add.bf16 [tilespmem:s12], [sflag:$0x11], $0x10, s21, s14, $0xb8;
	[tilespmem:$0xF800] =	vst v63  }
0x17c: {  	_ =	swait.ge [sflag:s10], $0x800  }
0x17d: {  	[sflag:s10] =	ssyncset.done $0x0  }
0x17e: {  	[sflag:s10] =	ssyncadd.s32 $0xFFFFF800  }
0x17f: {  	_ =	swait.ge [sflag:s11], $0x800  }
0x180: {  	[sflag:s11] =	ssyncset.done $0x0  }
0x181: {  	s21 =	sadd.s32 $0x2900, s22;
	[sflag:s11] =	ssyncadd.s32 $0xFFFFF800  }
0x182: {  	[spmem:s3] =	stream.indirect.scatter.add.bf16 [tilespmem:s13], [sflag:$0x11], $0x10, s21, s14, $0xb8;
	[tilespmem:$0xF800] =	vst v63  }
0x183: {  	_ =	swait.ge [sflag:s10], $0x800  }
0x184: {  	[sflag:s10] =	ssyncset.done $0x0  }
0x185: {  	[sflag:s10] =	ssyncadd.s32 $0xFFFFF800  }
0x186: {  	_ =	swait.ge [sflag:s4], $0x800  }
0x187: {  	[sflag:s4] =	ssyncset.done $0x0  }
0x188: {  	s21 =	sadd.s32 $0x2980, s22;
	[sflag:s4] =	ssyncadd.s32 $0xFFFFF800  }
0x189: {  	[spmem:s3] =	stream.indirect.scatter.add.bf16 [tilespmem:s15], [sflag:$0x11], $0x10, s21, s14, $0xb8;
	[tilespmem:$0xF800] =	vst v63  }
0x18a: {  	_ =	swait.ge [sflag:s10], $0x800  }
0x18b: {  	[sflag:s10] =	ssyncset.done $0x0  }
0x18c: {  	[sflag:s10] =	ssyncadd.s32 $0xFFFFF800  }
0x18d: {  	_ =	swait.ge [sflag:s6], $0x800  }
0x18e: {  	[sflag:s6] =	ssyncset.done $0x0  }
0x18f: {  	s21 =	sadd.s32 $0x2A00, s22;
	[sflag:s6] =	ssyncadd.s32 $0xFFFFF800  }
0x190: {  	[spmem:s3] =	stream.indirect.scatter.add.bf16 [tilespmem:s16], [sflag:$0x11], $0x10, s21, s14, $0xb8;
	[tilespmem:$0xF800] =	vst v63  }
0x191: {  	_ =	swait.ge [sflag:s10], $0x800  }
0x192: {  	[sflag:s10] =	ssyncset.done $0x0  }
0x193: {  	[sflag:s10] =	ssyncadd.s32 $0xFFFFF800  }
0x194: {  	_ =	swait.ge [sflag:s7], $0x800  }
0x195: {  	[sflag:s7] =	ssyncset.done $0x0  }
0x196: {  	s21 =	sadd.s32 $0x2A80, s22;
	[sflag:s7] =	ssyncadd.s32 $0xFFFFF800  }
0x197: {  	[spmem:s3] =	stream.indirect.scatter.add.bf16 [tilespmem:s17], [sflag:$0x11], $0x10, s21, s14, $0xb8;
	[tilespmem:$0xF800] =	vst v63  }
0x198: {  	_ =	swait.ge [sflag:s10], $0x800  }
0x199: {  	[sflag:s10] =	ssyncset.done $0x0  }
0x19a: {  	[sflag:s10] =	ssyncadd.s32 $0xFFFFF800  }
0x19b: {  	_ =	swait.ge [sflag:s8], $0x800  }
0x19c: {  	[sflag:s8] =	ssyncset.done $0x0  }
0x19d: {  	s21 =	sadd.s32 $0x2B00, s22;
	[sflag:s8] =	ssyncadd.s32 $0xFFFFF800  }
0x19e: {  	[spmem:s3] =	stream.indirect.scatter.add.bf16 [tilespmem:s18], [sflag:$0x11], $0x10, s21, s14, $0xb8;
	[tilespmem:$0xF800] =	vst v63  }
0x19f: {  	_ =	swait.ge [sflag:s10], $0x800  }
0x1a0: {  	[sflag:s10] =	ssyncset.done $0x0  }
0x1a1: {  	s9 =	simm.s32 $0x8;
	[sflag:s10] =	ssyncadd.s32 $0xFFFFF800  }
0x1a2: {  	_ =	swait.ge [sflag:s9], $0x800  }
0x1a3: {  	[sflag:s9] =	ssyncset.done $0x0  }
0x1a4: {  	s21 =	sadd.s32 $0x2B80, s22;
	[sflag:s9] =	ssyncadd.s32 $0xFFFFF800  }
0x1a5: {  	[spmem:s3] =	stream.indirect.scatter.add.bf16 [tilespmem:s19], [sflag:$0x11], $0x10, s21, s14, $0xb8;
	[tilespmem:$0xF800] =	vst v63  }
0x1a6: {  	_ =	swait.ge [sflag:s10], $0x800  }
0x1a7: {  	[sflag:s10] =	ssyncset.done $0x0  }
0x1a8: {  	s12 =	simm.s32 $0x9;
	[sflag:s10] =	ssyncadd.s32 $0xFFFFF800  }
0x1a9: {  	_ =	swait.ge [sflag:s12], $0x800  }
0x1aa: {  	[sflag:s12] =	ssyncset.done $0x0  }
0x1ab: {  	s21 =	sadd.s32 $0x2C00, s22;
	[sflag:s12] =	ssyncadd.s32 $0xFFFFF800  }
0x1ac: {  	[spmem:s3] =	stream.indirect.scatter.add.bf16 [tilespmem:s0], [sflag:$0x11], $0x10, s21, s14, $0xb8;
	[tilespmem:$0xF800] =	vst v63  }
0x1ad: {  	_ =	swait.ge [sflag:s10], $0x800  }
0x1ae: {  	[sflag:s10] =	ssyncset.done $0x0  }
0x1af: {  	s0 =	simm.s32 $0xA;
	[sflag:s10] =	ssyncadd.s32 $0xFFFFF800  }
0x1b0: {  	_ =	swait.ge [sflag:s0], $0x800  }
0x1b1: {  	[sflag:s0] =	ssyncset.done $0x0  }
0x1b2: {  	s21 =	sadd.s32 $0x2C80, s22;
	[sflag:s0] =	ssyncadd.s32 $0xFFFFF800  }
0x1b3: {  	[spmem:s3] =	stream.indirect.scatter.add.bf16 [tilespmem:s24], [sflag:$0x11], $0x10, s21, s14, $0xb8;
	[tilespmem:$0xF800] =	vst v63  }
0x1b4: {  	_ =	swait.ge [sflag:s10], $0x800  }
0x1b5: {  	[sflag:s10] =	ssyncset.done $0x0  }
0x1b6: {  	s0 =	simm.s32 $0xB;
	[sflag:s10] =	ssyncadd.s32 $0xFFFFF800  }
0x1b7: {  	_ =	swait.ge [sflag:s0], $0x800  }
0x1b8: {  	[sflag:s0] =	ssyncset.done $0x0  }
0x1b9: {  	s21 =	sadd.s32 $0x2D00, s22;
	[sflag:s0] =	ssyncadd.s32 $0xFFFFF800  }
0x1ba: {  	[spmem:s3] =	stream.indirect.scatter.add.bf16 [tilespmem:s25], [sflag:$0x11], $0x10, s21, s14, $0xb8;
	[tilespmem:$0xF800] =	vst v63  }
0x1bb: {  	_ =	swait.ge [sflag:s10], $0x800  }
0x1bc: {  	[sflag:s10] =	ssyncset.done $0x0  }
0x1bd: {  	s0 =	simm.s32 $0xC;
	[sflag:s10] =	ssyncadd.s32 $0xFFFFF800  }
0x1be: {  	_ =	swait.ge [sflag:s0], $0x800  }
0x1bf: {  	[sflag:s0] =	ssyncset.done $0x0  }
0x1c0: {  	s21 =	sadd.s32 $0x2D80, s22;
	[sflag:s0] =	ssyncadd.s32 $0xFFFFF800  }
0x1c1: {  	[spmem:s3] =	stream.indirect.scatter.add.bf16 [tilespmem:s26], [sflag:$0x11], $0x10, s21, s14, $0xb8;
	[tilespmem:$0xF800] =	vst v63  }
0x1c2: {  	_ =	swait.ge [sflag:s10], $0x800  }
0x1c3: {  	[sflag:s10] =	ssyncset.done $0x0  }
0x1c4: {  	s0 =	simm.s32 $0xD;
	[sflag:s10] =	ssyncadd.s32 $0xFFFFF800  }
0x1c5: {  	_ =	swait.ge [sflag:s0], $0x800  }
0x1c6: {  	[sflag:s0] =	ssyncset.done $0x0  }
0x1c7: {  	s21 =	sadd.s32 $0x2E00, s22;
	[sflag:s0] =	ssyncadd.s32 $0xFFFFF800  }
0x1c8: {  	[spmem:s3] =	stream.indirect.scatter.add.bf16 [tilespmem:s28], [sflag:$0x11], $0x10, s21, s14, $0xb8;
	[tilespmem:$0xF800] =	vst v63  }
0x1c9: {  	_ =	swait.ge [sflag:s10], $0x800  }
0x1ca: {  	[sflag:s10] =	ssyncset.done $0x0  }
0x1cb: {  	s0 =	simm.s32 $0xE;
	[sflag:s10] =	ssyncadd.s32 $0xFFFFF800  }
0x1cc: {  	_ =	swait.ge [sflag:s0], $0x800  }
0x1cd: {  	[sflag:s0] =	ssyncset.done $0x0  }
0x1ce: {  	s21 =	sadd.s32 $0x2E80, s22;
	[sflag:s0] =	ssyncadd.s32 $0xFFFFF800  }
0x1cf: {  	[spmem:s3] =	stream.indirect.scatter.add.bf16 [tilespmem:s29], [sflag:$0x11], $0x10, s21, s14, $0xb8;
	[tilespmem:$0xF800] =	vst v63  }
0x1d0: {  	_ =	swait.ge [sflag:s10], $0x800  }
0x1d1: {  	[sflag:s10] =	ssyncset.done $0x0  }
0x1d2: {  	s0 =	simm.s32 $0xF;
	[sflag:s10] =	ssyncadd.s32 $0xFFFFF800  }
0x1d3: {  	_ =	swait.ge [sflag:s0], $0x800  }
0x1d4: {  	[sflag:s0] =	ssyncset.done $0x0  }
0x1d5: {  	s21 =	sadd.s32 $0x2F00, s22;
	[sflag:s0] =	ssyncadd.s32 $0xFFFFF800  }
0x1d6: {  	[spmem:s3] =	stream.indirect.scatter.add.bf16 [tilespmem:s30], [sflag:$0x11], $0x10, s21, s14, $0xb8;
	[tilespmem:$0xF800] =	vst v63  }
0x1d7: {  	_ =	swait.ge [sflag:s10], $0x800  }
0x1d8: {  	[sflag:s10] =	ssyncset.done $0x0  }
0x1d9: {  	s0 =	simm.s32 $0x10;
	[sflag:s10] =	ssyncadd.s32 $0xFFFFF800  }
0x1da: {  	_ =	swait.ge [sflag:s0], $0x800  }
.Ltmp3:
0x1db: {  	[sflag:s0] =	ssyncset.done $0x0;
	(pc) =	sbr.rel @!p1 .LBB2_3-.Ltmp3, $4  }
0x1dc: {  	s21 =	sadd.s32 $0x2F80, s22;
	[sflag:s0] =	ssyncadd.s32 $0xFFFFF800  }
0x1dd: {  	[spmem:s3] =	stream.indirect.scatter.add.bf16 [tilespmem:s31], [sflag:$0x11], $0x10, s21, s14, $0xb8;
	[tilespmem:$0xF800] =	vst v63  }
0x1de: {  	_ =	swait.ge [sflag:s10], $0x800  }
0x1df: {  	s21 =	smov.u32 s23;
	[sflag:s10] =	ssyncset.done $0x0  }
0x1e0: {  	s20 =	sshra.s32 s20, $0x2;
	[sflag:s10] =	ssyncadd.s32 $0xFFFFF800;
	s9 =	simm.s32 $0x5000  }
0x1e1: {  	[tilespmem:s9], [sflag:$0x1] =	stream.indirect.gather [hbm4b:s5+s14], $0x10, s20, s14, $0xb8;
	[tilespmem:$0xF800] =	vst v63  }
0x1e2: {  	s12 =	simm.s32 $0x5800;
	s21 =	sadd.s32 $0x80, s20  }
0x1e3: {  	[tilespmem:s12], [sflag:$0x2] =	stream.indirect.gather [hbm4b:s5+s14], $0x10, s21, s14, $0xb8;
	[tilespmem:$0xF800] =	vst v63  }
0x1e4: {  	s13 =	simm.s32 $0x6000;
	s16 =	sadd.s32 $0x100, s20  }
0x1e5: {  	[tilespmem:s13], [sflag:$0x3] =	stream.indirect.gather [hbm4b:s5+s14], $0x10, s16, s14, $0xb8;
	[tilespmem:$0xF800] =	vst v63  }
0x1e6: {  	s15 =	simm.s32 $0x6800;
	s17 =	sadd.s32 $0x180, s20  }
0x1e7: {  	[tilespmem:s15], [sflag:$0x4] =	stream.indirect.gather [hbm4b:s5+s14], $0x10, s17, s14, $0xb8;
	[tilespmem:$0xF800] =	vst v63  }
0x1e8: {  	s18 =	sadd.s32 $0x200, s20;
	s16 =	simm.s32 $0x7000  }
0x1e9: {  	[tilespmem:s16], [sflag:$0x5] =	stream.indirect.gather [hbm4b:s5+s14], $0x10, s18, s14, $0xb8;
	[tilespmem:$0xF800] =	vst v63  }
0x1ea: {  	s19 =	sadd.s32 $0x280, s20;
	s17 =	simm.s32 $0x7800  }
0x1eb: {  	[tilespmem:s17], [sflag:$0x6] =	stream.indirect.gather [hbm4b:s5+s14], $0x10, s19, s14, $0xb8;
	[tilespmem:$0xF800] =	vst v63  }
0x1ec: {  	s22 =	sadd.s32 $0x300, s20;
	s18 =	simm.s32 $0x8000  }
0x1ed: {  	[tilespmem:s18], [sflag:$0x7] =	stream.indirect.gather [hbm4b:s5+s14], $0x10, s22, s14, $0xb8;
	[tilespmem:$0xF800] =	vst v63  }
0x1ee: {  	s23 =	sadd.s32 $0x380, s20;
	s19 =	simm.s32 $0x8800  }
0x1ef: {  	[tilespmem:s19], [sflag:$0x8] =	stream.indirect.gather [hbm4b:s5+s14], $0x10, s23, s14, $0xb8;
	[tilespmem:$0xF800] =	vst v63  }
0x1f0: {  	s0 =	simm.s32 $0x9000;
	s24 =	sadd.s32 $0x400, s20  }
0x1f1: {  	[tilespmem:s0], [sflag:$0x9] =	stream.indirect.gather [hbm4b:s5+s14], $0x10, s24, s14, $0xb8;
	[tilespmem:$0xF800] =	vst v63  }
0x1f2: {  	s25 =	sadd.s32 $0x480, s20;
	s24 =	simm.s32 $0x9800  }
0x1f3: {  	[tilespmem:s24], [sflag:$0xA] =	stream.indirect.gather [hbm4b:s5+s14], $0x10, s25, s14, $0xb8;
	[tilespmem:$0xF800] =	vst v63  }
0x1f4: {  	s26 =	sadd.s32 $0x500, s20;
	s25 =	simm.s32 $0xA000  }
0x1f5: {  	[tilespmem:s25], [sflag:$0xB] =	stream.indirect.gather [hbm4b:s5+s14], $0x10, s26, s14, $0xb8;
	[tilespmem:$0xF800] =	vst v63  }
0x1f6: {  	s28 =	sadd.s32 $0x580, s20;
	s26 =	simm.s32 $0xA800  }
0x1f7: {  	[tilespmem:s26], [sflag:$0xC] =	stream.indirect.gather [hbm4b:s5+s14], $0x10, s28, s14, $0xb8;
	[tilespmem:$0xF800] =	vst v63  }
0x1f8: {  	s22 =	sadd.s32 $0x600, s20;
	s28 =	simm.s32 $0xB000  }
0x1f9: {  	[tilespmem:s28], [sflag:$0xD] =	stream.indirect.gather [hbm4b:s5+s14], $0x10, s22, s14, $0xb8;
	[tilespmem:$0xF800] =	vst v63  }
0x1fa: {  	s29 =	simm.s32 $0xB800;
	s23 =	sadd.s32 $0x680, s20  }
0x1fb: {  	[tilespmem:s29], [sflag:$0xE] =	stream.indirect.gather [hbm4b:s5+s14], $0x10, s23, s14, $0xb8;
	[tilespmem:$0xF800] =	vst v63  }
0x1fc: {  	s22 =	sadd.s32 $0x700, s20;
	s23 =	simm.s32 $0xC000  }
0x1fd: {  	[tilespmem:s23], [sflag:$0xF] =	stream.indirect.gather [hbm4b:s5+s14], $0x10, s22, s14, $0xb8;
	[tilespmem:$0xF800] =	vst v63  }
0x1fe: {  	s21 =	sadd.s32 $0x780, s20;
	s22 =	simm.s32 $0xC800  }
0x1ff: {  	[tilespmem:s22], [sflag:$0x10] =	stream.indirect.gather [hbm4b:s5+s14], $0x10, s21, s14, $0xb8;
	[tilespmem:$0xF800] =	vst v63  }
0x200: {  	_ =	swait.ge [sflag:s1], $0x800  }
0x201: {  	[sflag:s1] =	ssyncset.done $0x0  }
0x202: {  	[sflag:s1] =	ssyncadd.s32 $0xFFFFF800;
	s1 =	sadd.s32 $0x2800, s20  }
0x203: {  	[spmem:s3] =	stream.indirect.scatter.add.bf16 [tilespmem:s9], [sflag:$0x11], $0x10, s1, s14, $0xb8;
	[tilespmem:$0xF800] =	vst v63  }
0x204: {  	_ =	swait.ge [sflag:s10], $0x800  }
0x205: {  	[sflag:s10] =	ssyncset.done $0x0  }
0x206: {  	[sflag:s10] =	ssyncadd.s32 $0xFFFFF800  }
0x207: {  	_ =	swait.ge [sflag:s2], $0x800  }
0x208: {  	[sflag:s2] =	ssyncset.done $0x0  }
0x209: {  	s9 =	sadd.s32 $0x2880, s20;
	[sflag:s2] =	ssyncadd.s32 $0xFFFFF800  }
0x20a: {  	[spmem:s3] =	stream.indirect.scatter.add.bf16 [tilespmem:s12], [sflag:$0x11], $0x10, s9, s14, $0xb8;
	[tilespmem:$0xF800] =	vst v63  }
0x20b: {  	_ =	swait.ge [sflag:s10], $0x800  }
0x20c: {  	[sflag:s10] =	ssyncset.done $0x0  }
0x20d: {  	[sflag:s10] =	ssyncadd.s32 $0xFFFFF800  }
0x20e: {  	_ =	swait.ge [sflag:s11], $0x800  }
0x20f: {  	[sflag:s11] =	ssyncset.done $0x0  }
0x210: {  	s12 =	sadd.s32 $0x2900, s20;
	[sflag:s11] =	ssyncadd.s32 $0xFFFFF800  }
0x211: {  	[spmem:s3] =	stream.indirect.scatter.add.bf16 [tilespmem:s13], [sflag:$0x11], $0x10, s12, s14, $0xb8;
	[tilespmem:$0xF800] =	vst v63  }
0x212: {  	_ =	swait.ge [sflag:s10], $0x800  }
0x213: {  	[sflag:s10] =	ssyncset.done $0x0  }
0x214: {  	[sflag:s10] =	ssyncadd.s32 $0xFFFFF800  }
0x215: {  	_ =	swait.ge [sflag:s4], $0x800  }
0x216: {  	[sflag:s4] =	ssyncset.done $0x0  }
0x217: {  	s13 =	sadd.s32 $0x2980, s20;
	[sflag:s4] =	ssyncadd.s32 $0xFFFFF800  }
0x218: {  	[spmem:s3] =	stream.indirect.scatter.add.bf16 [tilespmem:s15], [sflag:$0x11], $0x10, s13, s14, $0xb8;
	[tilespmem:$0xF800] =	vst v63  }
0x219: {  	_ =	swait.ge [sflag:s10], $0x800  }
0x21a: {  	[sflag:s10] =	ssyncset.done $0x0  }
0x21b: {  	[sflag:s10] =	ssyncadd.s32 $0xFFFFF800  }
0x21c: {  	_ =	swait.ge [sflag:s6], $0x800  }
0x21d: {  	[sflag:s6] =	ssyncset.done $0x0  }
0x21e: {  	s1 =	sadd.s32 $0x2A00, s20;
	[sflag:s6] =	ssyncadd.s32 $0xFFFFF800  }
0x21f: {  	[spmem:s3] =	stream.indirect.scatter.add.bf16 [tilespmem:s16], [sflag:$0x11], $0x10, s1, s14, $0xb8;
	[tilespmem:$0xF800] =	vst v63  }
0x220: {  	_ =	swait.ge [sflag:s10], $0x800  }
0x221: {  	[sflag:s10] =	ssyncset.done $0x0  }
0x222: {  	[sflag:s10] =	ssyncadd.s32 $0xFFFFF800  }
0x223: {  	_ =	swait.ge [sflag:s7], $0x800  }
0x224: {  	[sflag:s7] =	ssyncset.done $0x0  }
0x225: {  	s2 =	sadd.s32 $0x2A80, s20;
	[sflag:s7] =	ssyncadd.s32 $0xFFFFF800  }
0x226: {  	[spmem:s3] =	stream.indirect.scatter.add.bf16 [tilespmem:s17], [sflag:$0x11], $0x10, s2, s14, $0xb8;
	[tilespmem:$0xF800] =	vst v63  }
0x227: {  	_ =	swait.ge [sflag:s10], $0x800  }
0x228: {  	[sflag:s10] =	ssyncset.done $0x0  }
0x229: {  	[sflag:s10] =	ssyncadd.s32 $0xFFFFF800  }
0x22a: {  	_ =	swait.ge [sflag:s8], $0x800  }
0x22b: {  	[sflag:s8] =	ssyncset.done $0x0  }
0x22c: {  	s4 =	sadd.s32 $0x2B00, s20;
	[sflag:s8] =	ssyncadd.s32 $0xFFFFF800  }
0x22d: {  	[spmem:s3] =	stream.indirect.scatter.add.bf16 [tilespmem:s18], [sflag:$0x11], $0x10, s4, s14, $0xb8;
	[tilespmem:$0xF800] =	vst v63  }
0x22e: {  	_ =	swait.ge [sflag:s10], $0x800  }
0x22f: {  	[sflag:s10] =	ssyncset.done $0x0  }
0x230: {  	s6 =	simm.s32 $0x8;
	[sflag:s10] =	ssyncadd.s32 $0xFFFFF800  }
0x231: {  	_ =	swait.ge [sflag:s6], $0x800  }
0x232: {  	[sflag:s6] =	ssyncset.done $0x0  }
0x233: {  	s7 =	sadd.s32 $0x2B80, s20;
	[sflag:s6] =	ssyncadd.s32 $0xFFFFF800  }
0x234: {  	[spmem:s3] =	stream.indirect.scatter.add.bf16 [tilespmem:s19], [sflag:$0x11], $0x10, s7, s14, $0xb8;
	[tilespmem:$0xF800] =	vst v63  }
0x235: {  	_ =	swait.ge [sflag:s10], $0x800  }
0x236: {  	[sflag:s10] =	ssyncset.done $0x0  }
0x237: {  	s8 =	simm.s32 $0x9;
	[sflag:s10] =	ssyncadd.s32 $0xFFFFF800  }
0x238: {  	_ =	swait.ge [sflag:s8], $0x800  }
0x239: {  	[sflag:s8] =	ssyncset.done $0x0  }
0x23a: {  	s9 =	sadd.s32 $0x2C00, s20;
	[sflag:s8] =	ssyncadd.s32 $0xFFFFF800  }
0x23b: {  	[spmem:s3] =	stream.indirect.scatter.add.bf16 [tilespmem:s0], [sflag:$0x11], $0x10, s9, s14, $0xb8;
	[tilespmem:$0xF800] =	vst v63  }
0x23c: {  	_ =	swait.ge [sflag:s10], $0x800  }
0x23d: {  	[sflag:s10] =	ssyncset.done $0x0  }
0x23e: {  	s11 =	simm.s32 $0xA;
	[sflag:s10] =	ssyncadd.s32 $0xFFFFF800  }
0x23f: {  	_ =	swait.ge [sflag:s11], $0x800  }
0x240: {  	[sflag:s11] =	ssyncset.done $0x0  }
0x241: {  	s12 =	sadd.s32 $0x2C80, s20;
	[sflag:s11] =	ssyncadd.s32 $0xFFFFF800  }
0x242: {  	[spmem:s3] =	stream.indirect.scatter.add.bf16 [tilespmem:s24], [sflag:$0x11], $0x10, s12, s14, $0xb8;
	[tilespmem:$0xF800] =	vst v63  }
0x243: {  	_ =	swait.ge [sflag:s10], $0x800  }
0x244: {  	[sflag:s10] =	ssyncset.done $0x0  }
0x245: {  	s13 =	simm.s32 $0xB;
	[sflag:s10] =	ssyncadd.s32 $0xFFFFF800  }
0x246: {  	_ =	swait.ge [sflag:s13], $0x800  }
0x247: {  	[sflag:s13] =	ssyncset.done $0x0  }
0x248: {  	s15 =	sadd.s32 $0x2D00, s20;
	[sflag:s13] =	ssyncadd.s32 $0xFFFFF800  }
0x249: {  	[spmem:s3] =	stream.indirect.scatter.add.bf16 [tilespmem:s25], [sflag:$0x11], $0x10, s15, s14, $0xb8;
	[tilespmem:$0xF800] =	vst v63  }
0x24a: {  	_ =	swait.ge [sflag:s10], $0x800  }
0x24b: {  	[sflag:s10] =	ssyncset.done $0x0  }
0x24c: {  	s16 =	simm.s32 $0xC;
	[sflag:s10] =	ssyncadd.s32 $0xFFFFF800  }
0x24d: {  	_ =	swait.ge [sflag:s16], $0x800  }
0x24e: {  	[sflag:s16] =	ssyncset.done $0x0  }
0x24f: {  	s17 =	sadd.s32 $0x2D80, s20;
	[sflag:s16] =	ssyncadd.s32 $0xFFFFF800  }
0x250: {  	[spmem:s3] =	stream.indirect.scatter.add.bf16 [tilespmem:s26], [sflag:$0x11], $0x10, s17, s14, $0xb8;
	[tilespmem:$0xF800] =	vst v63  }
0x251: {  	_ =	swait.ge [sflag:s10], $0x800  }
0x252: {  	[sflag:s10] =	ssyncset.done $0x0  }
0x253: {  	s18 =	simm.s32 $0xD;
	[sflag:s10] =	ssyncadd.s32 $0xFFFFF800  }
0x254: {  	_ =	swait.ge [sflag:s18], $0x800  }
0x255: {  	[sflag:s18] =	ssyncset.done $0x0  }
0x256: {  	s19 =	sadd.s32 $0x2E00, s20;
	[sflag:s18] =	ssyncadd.s32 $0xFFFFF800  }
0x257: {  	[spmem:s3] =	stream.indirect.scatter.add.bf16 [tilespmem:s28], [sflag:$0x11], $0x10, s19, s14, $0xb8;
	[tilespmem:$0xF800] =	vst v63  }
0x258: {  	_ =	swait.ge [sflag:s10], $0x800  }
0x259: {  	[sflag:s10] =	ssyncset.done $0x0  }
0x25a: {  	s21 =	simm.s32 $0xE;
	[sflag:s10] =	ssyncadd.s32 $0xFFFFF800  }
0x25b: {  	_ =	swait.ge [sflag:s21], $0x800  }
0x25c: {  	[sflag:s21] =	ssyncset.done $0x0  }
0x25d: {  	s24 =	sadd.s32 $0x2E80, s20;
	[sflag:s21] =	ssyncadd.s32 $0xFFFFF800  }
0x25e: {  	[spmem:s3] =	stream.indirect.scatter.add.bf16 [tilespmem:s29], [sflag:$0x11], $0x10, s24, s14, $0xb8;
	[tilespmem:$0xF800] =	vst v63  }
0x25f: {  	_ =	swait.ge [sflag:s10], $0x800  }
0x260: {  	[sflag:s10] =	ssyncset.done $0x0  }
0x261: {  	s25 =	simm.s32 $0xF;
	[sflag:s10] =	ssyncadd.s32 $0xFFFFF800  }
0x262: {  	_ =	swait.ge [sflag:s25], $0x800  }
0x263: {  	[sflag:s25] =	ssyncset.done $0x0  }
0x264: {  	s26 =	sadd.s32 $0x2F00, s20;
	[sflag:s25] =	ssyncadd.s32 $0xFFFFF800  }
0x265: {  	[spmem:s3] =	stream.indirect.scatter.add.bf16 [tilespmem:s23], [sflag:$0x11], $0x10, s26, s14, $0xb8;
	[tilespmem:$0xF800] =	vst v63  }
0x266: {  	_ =	swait.ge [sflag:s10], $0x800  }
0x267: {  	[sflag:s10] =	ssyncset.done $0x0  }
0x268: {  	s30 =	simm.s32 $0x2;
	s28 =	simm.s32 $0x10;
	[sflag:s10] =	ssyncadd.s32 $0xFFFFF800  }
0x269: {  	s31 =	simm.s32 $0x3;
	s12 =	simm.s32 $0xA;
	_ =	swait.ge [sflag:s28], $0x800  }
0x26a: {  	s13 =	simm.s32 $0xB;
	s15 =	simm.s32 $0xC;
	[sflag:s28] =	ssyncset.done $0x0  }
.Ltmp4:
0x26b: {  	s20 =	sadd.s32 $0x2F80, s20;
	[sflag:s28] =	ssyncadd.s32 $0xFFFFF800;
	(pc) =	sbr.rel .LBB2_8-.Ltmp4, $4  }
0x26c: {  	[spmem:s3] =	stream.indirect.scatter.add.bf16 [tilespmem:s22], [sflag:$0x11], $0x10, s20, s14, $0xb8;
	[tilespmem:$0xF800] =	vst v63  }
0x26d: {  	s16 =	simm.s32 $0xD;
	s17 =	simm.s32 $0xE;
	_ =	swait.ge [sflag:s10], $0x800  }
0x26e: {  	s18 =	simm.s32 $0xF;
	s19 =	simm.s32 $0x10;
	[sflag:s10] =	ssyncset.done $0x0  }
0x26f: {  	s29 =	simm.s32 $0x1;
	s22 =	rddreg [dreg:$0xa];
	[sflag:s10] =	ssyncadd.s32 $0xFFFFF800  }
.LBB2_5:
0x270: {  	[tilespmem:s9], [sflag:$0x1] =	stream.indirect.gather [hbm4b:s5+s14], $0x10, s20, s14, $0xb8;
	[tilespmem:$0xF800] =	vst v63  }
0x271: {  	s11 =	simm.s32 $0x80;
	s8 =	simm.s32 $0x5800  }
0x272: {  	[tilespmem:s8], [sflag:$0x2] =	stream.indirect.gather [hbm4b:s5+s14], $0x10, s11, s14, $0xb8;
	[tilespmem:$0xF800] =	vst v63  }
0x273: {  	s21 =	simm.s32 $0x100;
	s7 =	simm.s32 $0x6000  }
0x274: {  	[tilespmem:s7], [sflag:$0x3] =	stream.indirect.gather [hbm4b:s5+s14], $0x10, s21, s14, $0xb8;
	[tilespmem:$0xF800] =	vst v63  }
0x275: {  	s22 =	simm.s32 $0x180;
	s6 =	simm.s32 $0x6800  }
0x276: {  	[tilespmem:s6], [sflag:$0x4] =	stream.indirect.gather [hbm4b:s5+s14], $0x10, s22, s14, $0xb8;
	[tilespmem:$0xF800] =	vst v63  }
0x277: {  	s23 =	simm.s32 $0x200;
	s22 =	simm.s32 $0x7000  }
0x278: {  	[tilespmem:s22], [sflag:$0x5] =	stream.indirect.gather [hbm4b:s5+s14], $0x10, s23, s14, $0xb8;
	[tilespmem:$0xF800] =	vst v63  }
0x279: {  	s24 =	simm.s32 $0x280;
	s23 =	simm.s32 $0x7800  }
0x27a: {  	[tilespmem:s23], [sflag:$0x6] =	stream.indirect.gather [hbm4b:s5+s14], $0x10, s24, s14, $0xb8;
	[tilespmem:$0xF800] =	vst v63  }
0x27b: {  	s25 =	simm.s32 $0x300;
	s24 =	simm.s32 $0x8000  }
0x27c: {  	[tilespmem:s24], [sflag:$0x7] =	stream.indirect.gather [hbm4b:s5+s14], $0x10, s25, s14, $0xb8;
	[tilespmem:$0xF800] =	vst v63  }
0x27d: {  	s26 =	simm.s32 $0x380;
	s25 =	simm.s32 $0x8800  }
0x27e: {  	[tilespmem:s25], [sflag:$0x8] =	stream.indirect.gather [hbm4b:s5+s14], $0x10, s26, s14, $0xb8;
	[tilespmem:$0xF800] =	vst v63  }
0x27f: {  	s28 =	simm.s32 $0x400;
	s26 =	simm.s32 $0x9000  }
0x280: {  	[tilespmem:s26], [sflag:$0x9] =	stream.indirect.gather [hbm4b:s5+s14], $0x10, s28, s14, $0xb8;
	[tilespmem:$0xF800] =	vst v63  }
0x281: {  	s20 =	simm.s32 $0x480;
	s28 =	simm.s32 $0x9800  }
0x282: {  	[tilespmem:s28], [sflag:$0xA] =	stream.indirect.gather [hbm4b:s5+s14], $0x10, s20, s14, $0xb8;
	[tilespmem:$0xF800] =	vst v63  }
0x283: {  	s20 =	simm.s32 $0x500;
	s28 =	simm.s32 $0xA000  }
0x284: {  	[tilespmem:s28], [sflag:$0xB] =	stream.indirect.gather [hbm4b:s5+s14], $0x10, s20, s14, $0xb8;
	[tilespmem:$0xF800] =	vst v63  }
0x285: {  	s20 =	simm.s32 $0x580;
	s28 =	simm.s32 $0xA800  }
0x286: {  	[tilespmem:s28], [sflag:$0xC] =	stream.indirect.gather [hbm4b:s5+s14], $0x10, s20, s14, $0xb8;
	[tilespmem:$0xF800] =	vst v63  }
0x287: {  	s20 =	simm.s32 $0x600;
	s28 =	simm.s32 $0xB000  }
0x288: {  	[tilespmem:s28], [sflag:$0xD] =	stream.indirect.gather [hbm4b:s5+s14], $0x10, s20, s14, $0xb8;
	[tilespmem:$0xF800] =	vst v63  }
0x289: {  	s20 =	simm.s32 $0x680;
	s28 =	simm.s32 $0xB800  }
0x28a: {  	[tilespmem:s28], [sflag:$0xE] =	stream.indirect.gather [hbm4b:s5+s14], $0x10, s20, s14, $0xb8;
	[tilespmem:$0xF800] =	vst v63  }
0x28b: {  	s20 =	simm.s32 $0x700;
	s28 =	simm.s32 $0xC000  }
0x28c: {  	[tilespmem:s28], [sflag:$0xF] =	stream.indirect.gather [hbm4b:s5+s14], $0x10, s20, s14, $0xb8;
	[tilespmem:$0xF800] =	vst v63  }
0x28d: {  	s20 =	simm.s32 $0x780;
	s28 =	simm.s32 $0xC800  }
0x28e: {  	[tilespmem:s28], [sflag:$0x10] =	stream.indirect.gather [hbm4b:s5+s14], $0x10, s20, s14, $0xb8;
	[tilespmem:$0xF800] =	vst v63  }
0x28f: {  	_ =	swait.ge [sflag:s29], $0x800  }
0x290: {  	[sflag:s29] =	ssyncset.done $0x0  }
0x291: {  	[sflag:s29] =	ssyncadd.s32 $0xFFFFF800;
	s29 =	simm.s32 $0x2800  }
0x292: {  	[spmem:s3] =	stream.indirect.scatter.add.bf16 [tilespmem:s9], [sflag:$0x11], $0x10, s29, s14, $0xb8;
	[tilespmem:$0xF800] =	vst v63  }
0x293: {  	_ =	swait.ge [sflag:s10], $0x800  }
0x294: {  	[sflag:s10] =	ssyncset.done $0x0  }
0x295: {  	[sflag:s10] =	ssyncadd.s32 $0xFFFFF800  }
0x296: {  	_ =	swait.ge [sflag:s30], $0x800  }
0x297: {  	[sflag:s30] =	ssyncset.done $0x0  }
0x298: {  	s29 =	simm.s32 $0x2880;
	[sflag:s30] =	ssyncadd.s32 $0xFFFFF800  }
0x299: {  	[spmem:s3] =	stream.indirect.scatter.add.bf16 [tilespmem:s8], [sflag:$0x11], $0x10, s29, s14, $0xb8;
	[tilespmem:$0xF800] =	vst v63  }
0x29a: {  	_ =	swait.ge [sflag:s10], $0x800  }
0x29b: {  	[sflag:s10] =	ssyncset.done $0x0  }
0x29c: {  	[sflag:s10] =	ssyncadd.s32 $0xFFFFF800  }
0x29d: {  	_ =	swait.ge [sflag:s31], $0x800  }
0x29e: {  	[sflag:s31] =	ssyncset.done $0x0  }
0x29f: {  	s30 =	simm.s32 $0x2900;
	[sflag:s31] =	ssyncadd.s32 $0xFFFFF800  }
0x2a0: {  	[spmem:s3] =	stream.indirect.scatter.add.bf16 [tilespmem:s7], [sflag:$0x11], $0x10, s30, s14, $0xb8;
	[tilespmem:$0xF800] =	vst v63  }
0x2a1: {  	_ =	swait.ge [sflag:s10], $0x800  }
0x2a2: {  	[sflag:s10] =	ssyncset.done $0x0  }
0x2a3: {  	s0 =	simm.s32 $0x4;
	[sflag:s10] =	ssyncadd.s32 $0xFFFFF800  }
0x2a4: {  	_ =	swait.ge [sflag:s0], $0x800  }
0x2a5: {  	[sflag:s0] =	ssyncset.done $0x0  }
0x2a6: {  	s31 =	simm.s32 $0x2980;
	[sflag:s0] =	ssyncadd.s32 $0xFFFFF800  }
0x2a7: {  	[spmem:s3] =	stream.indirect.scatter.add.bf16 [tilespmem:s6], [sflag:$0x11], $0x10, s31, s14, $0xb8;
	[tilespmem:$0xF800] =	vst v63  }
0x2a8: {  	_ =	swait.ge [sflag:s10], $0x800  }
0x2a9: {  	[sflag:s10] =	ssyncset.done $0x0  }
0x2aa: {  	s1 =	simm.s32 $0x5;
	[sflag:s10] =	ssyncadd.s32 $0xFFFFF800  }
0x2ab: {  	_ =	swait.ge [sflag:s1], $0x800  }
0x2ac: {  	[sflag:s1] =	ssyncset.done $0x0  }
0x2ad: {  	s0 =	simm.s32 $0x2A00;
	[sflag:s1] =	ssyncadd.s32 $0xFFFFF800  }
0x2ae: {  	[spmem:s3] =	stream.indirect.scatter.add.bf16 [tilespmem:s22], [sflag:$0x11], $0x10, s0, s14, $0xb8;
	[tilespmem:$0xF800] =	vst v63  }
0x2af: {  	_ =	swait.ge [sflag:s10], $0x800  }
0x2b0: {  	[sflag:s10] =	ssyncset.done $0x0  }
0x2b1: {  	s2 =	simm.s32 $0x6;
	[sflag:s10] =	ssyncadd.s32 $0xFFFFF800  }
0x2b2: {  	_ =	swait.ge [sflag:s2], $0x800  }
0x2b3: {  	[sflag:s2] =	ssyncset.done $0x0  }
0x2b4: {  	s1 =	simm.s32 $0x2A80;
	[sflag:s2] =	ssyncadd.s32 $0xFFFFF800  }
0x2b5: {  	[spmem:s3] =	stream.indirect.scatter.add.bf16 [tilespmem:s23], [sflag:$0x11], $0x10, s1, s14, $0xb8;
	[tilespmem:$0xF800] =	vst v63  }
0x2b6: {  	_ =	swait.ge [sflag:s10], $0x800  }
0x2b7: {  	[sflag:s10] =	ssyncset.done $0x0  }
0x2b8: {  	s4 =	simm.s32 $0x7;
	[sflag:s10] =	ssyncadd.s32 $0xFFFFF800  }
0x2b9: {  	_ =	swait.ge [sflag:s4], $0x800  }
0x2ba: {  	[sflag:s4] =	ssyncset.done $0x0  }
0x2bb: {  	s2 =	simm.s32 $0x2B00;
	[sflag:s4] =	ssyncadd.s32 $0xFFFFF800  }
0x2bc: {  	[spmem:s3] =	stream.indirect.scatter.add.bf16 [tilespmem:s24], [sflag:$0x11], $0x10, s2, s14, $0xb8;
	[tilespmem:$0xF800] =	vst v63  }
0x2bd: {  	_ =	swait.ge [sflag:s10], $0x800  }
0x2be: {  	[sflag:s10] =	ssyncset.done $0x0  }
0x2bf: {  	s11 =	simm.s32 $0x8;
	[sflag:s10] =	ssyncadd.s32 $0xFFFFF800  }
0x2c0: {  	_ =	swait.ge [sflag:s11], $0x800  }
0x2c1: {  	[sflag:s11] =	ssyncset.done $0x0  }
0x2c2: {  	s4 =	simm.s32 $0x2B80;
	[sflag:s11] =	ssyncadd.s32 $0xFFFFF800  }
0x2c3: {  	[spmem:s3] =	stream.indirect.scatter.add.bf16 [tilespmem:s25], [sflag:$0x11], $0x10, s4, s14, $0xb8;
	[tilespmem:$0xF800] =	vst v63  }
0x2c4: {  	_ =	swait.ge [sflag:s10], $0x800  }
0x2c5: {  	[sflag:s10] =	ssyncset.done $0x0  }
0x2c6: {  	s21 =	simm.s32 $0x9;
	[sflag:s10] =	ssyncadd.s32 $0xFFFFF800  }
0x2c7: {  	_ =	swait.ge [sflag:s21], $0x800  }
0x2c8: {  	[sflag:s21] =	ssyncset.done $0x0  }
0x2c9: {  	s6 =	simm.s32 $0x2C00;
	[sflag:s21] =	ssyncadd.s32 $0xFFFFF800  }
0x2ca: {  	[spmem:s3] =	stream.indirect.scatter.add.bf16 [tilespmem:s26], [sflag:$0x11], $0x10, s6, s14, $0xb8;
	[tilespmem:$0xF800] =	vst v63  }
0x2cb: {  	_ =	swait.ge [sflag:s10], $0x800  }
0x2cc: {  	[sflag:s10] =	ssyncset.done $0x0  }
0x2cd: {  	[sflag:s10] =	ssyncadd.s32 $0xFFFFF800  }
0x2ce: {  	_ =	swait.ge [sflag:s12], $0x800  }
0x2cf: {  	[sflag:s12] =	ssyncset.done $0x0  }
0x2d0: {  	s8 =	simm.s32 $0x9800;
	s7 =	simm.s32 $0x2C80;
	[sflag:s12] =	ssyncadd.s32 $0xFFFFF800  }
0x2d1: {  	[spmem:s3] =	stream.indirect.scatter.add.bf16 [tilespmem:s8], [sflag:$0x11], $0x10, s7, s14, $0xb8;
	[tilespmem:$0xF800] =	vst v63  }
0x2d2: {  	_ =	swait.ge [sflag:s10], $0x800  }
0x2d3: {  	[sflag:s10] =	ssyncset.done $0x0  }
0x2d4: {  	[sflag:s10] =	ssyncadd.s32 $0xFFFFF800  }
0x2d5: {  	_ =	swait.ge [sflag:s13], $0x800  }
0x2d6: {  	[sflag:s13] =	ssyncset.done $0x0  }
0x2d7: {  	s9 =	simm.s32 $0x2D00;
	s11 =	simm.s32 $0xA000;
	[sflag:s13] =	ssyncadd.s32 $0xFFFFF800  }
0x2d8: {  	[spmem:s3] =	stream.indirect.scatter.add.bf16 [tilespmem:s11], [sflag:$0x11], $0x10, s9, s14, $0xb8;
	[tilespmem:$0xF800] =	vst v63  }
0x2d9: {  	_ =	swait.ge [sflag:s10], $0x800  }
0x2da: {  	[sflag:s10] =	ssyncset.done $0x0  }
0x2db: {  	[sflag:s10] =	ssyncadd.s32 $0xFFFFF800  }
0x2dc: {  	_ =	swait.ge [sflag:s15], $0x800  }
0x2dd: {  	[sflag:s15] =	ssyncset.done $0x0  }
0x2de: {  	s22 =	simm.s32 $0xA800;
	s21 =	simm.s32 $0x2D80;
	[sflag:s15] =	ssyncadd.s32 $0xFFFFF800  }
0x2df: {  	[spmem:s3] =	stream.indirect.scatter.add.bf16 [tilespmem:s22], [sflag:$0x11], $0x10, s21, s14, $0xb8;
	[tilespmem:$0xF800] =	vst v63  }
0x2e0: {  	_ =	swait.ge [sflag:s10], $0x800  }
0x2e1: {  	[sflag:s10] =	ssyncset.done $0x0  }
0x2e2: {  	[sflag:s10] =	ssyncadd.s32 $0xFFFFF800  }
0x2e3: {  	_ =	swait.ge [sflag:s16], $0x800  }
0x2e4: {  	[sflag:s16] =	ssyncset.done $0x0  }
0x2e5: {  	s23 =	simm.s32 $0x2E00;
	s24 =	simm.s32 $0xB000;
	[sflag:s16] =	ssyncadd.s32 $0xFFFFF800  }
0x2e6: {  	[spmem:s3] =	stream.indirect.scatter.add.bf16 [tilespmem:s24], [sflag:$0x11], $0x10, s23, s14, $0xb8;
	[tilespmem:$0xF800] =	vst v63  }
0x2e7: {  	_ =	swait.ge [sflag:s10], $0x800  }
0x2e8: {  	[sflag:s10] =	ssyncset.done $0x0  }
0x2e9: {  	[sflag:s10] =	ssyncadd.s32 $0xFFFFF800  }
0x2ea: {  	_ =	swait.ge [sflag:s17], $0x800  }
0x2eb: {  	[sflag:s17] =	ssyncset.done $0x0  }
0x2ec: {  	s25 =	simm.s32 $0x2E80;
	s26 =	simm.s32 $0xB800;
	[sflag:s17] =	ssyncadd.s32 $0xFFFFF800  }
0x2ed: {  	[spmem:s3] =	stream.indirect.scatter.add.bf16 [tilespmem:s26], [sflag:$0x11], $0x10, s25, s14, $0xb8;
	[tilespmem:$0xF800] =	vst v63  }
0x2ee: {  	_ =	swait.ge [sflag:s10], $0x800  }
0x2ef: {  	[sflag:s10] =	ssyncset.done $0x0  }
0x2f0: {  	[sflag:s10] =	ssyncadd.s32 $0xFFFFF800  }
0x2f1: {  	_ =	swait.ge [sflag:s18], $0x800  }
0x2f2: {  	[sflag:s18] =	ssyncset.done $0x0  }
0x2f3: {  	s29 =	simm.s32 $0x2F00;
	s30 =	simm.s32 $0xC000;
	[sflag:s18] =	ssyncadd.s32 $0xFFFFF800  }
0x2f4: {  	[spmem:s3] =	stream.indirect.scatter.add.bf16 [tilespmem:s30], [sflag:$0x11], $0x10, s29, s14, $0xb8;
	[tilespmem:$0xF800] =	vst v63  }
0x2f5: {  	_ =	swait.ge [sflag:s10], $0x800  }
0x2f6: {  	[sflag:s10] =	ssyncset.done $0x0  }
0x2f7: {  	[sflag:s10] =	ssyncadd.s32 $0xFFFFF800  }
0x2f8: {  	_ =	swait.ge [sflag:s19], $0x800  }
0x2f9: {  	[sflag:s19] =	ssyncset.done $0x0  }
0x2fa: {  	s28 =	simm.s32 $0xC800;
	s31 =	simm.s32 $0x2F80;
	[sflag:s19] =	ssyncadd.s32 $0xFFFFF800  }
0x2fb: {  	[spmem:s3] =	stream.indirect.scatter.add.bf16 [tilespmem:s28], [sflag:$0x11], $0x10, s31, s14, $0xb8;
	[tilespmem:$0xF800] =	vst v63  }
0x2fc: {  	_ =	swait.ge [sflag:s10], $0x800  }
0x2fd: {  	s20 =	simm.s32 $0x2000;
	s23 =	simm.s32 $0x4000;
	[sflag:s10] =	ssyncset.done $0x0  }
.LBB2_6:
0x2fe: {  	s22 =	sshra.s32 s20, $0x2;
	[sflag:s10] =	ssyncadd.s32 $0xFFFFF800  }
0x2ff: {  	s20 =	smov.u32 s23;
	s21 =	sadd.s32 $0x2000, s23;
	s9 =	simm.s32 $0x5000  }
0x300: {  	[tilespmem:s9], [sflag:$0x1] =	stream.indirect.gather [hbm4b:s5+s14], $0x10, s22, s14, $0xb8;
	[tilespmem:$0xF800] =	vst v63  }
0x301: {  	p1 =	sne.s32 s23, $0x8000;
	s8 =	simm.s32 $0x5800;
	s23 =	sadd.s32 $0x80, s22  }
0x302: {  	[tilespmem:s8], [sflag:$0x2] =	stream.indirect.gather [hbm4b:s5+s14], $0x10, s23, s14, $0xb8;
	[tilespmem:$0xF800] =	vst v63  }
0x303: {  	s7 =	simm.s32 $0x6000;
	s23 =	sadd.s32 $0x100, s22  }
0x304: {  	[tilespmem:s7], [sflag:$0x3] =	stream.indirect.gather [hbm4b:s5+s14], $0x10, s23, s14, $0xb8;
	[tilespmem:$0xF800] =	vst v63  }
0x305: {  	s6 =	simm.s32 $0x6800;
	s23 =	sadd.s32 $0x180, s22  }
0x306: {  	[tilespmem:s6], [sflag:$0x4] =	stream.indirect.gather [hbm4b:s5+s14], $0x10, s23, s14, $0xb8;
	[tilespmem:$0xF800] =	vst v63  }
0x307: {  	s4 =	simm.s32 $0x7000;
	s23 =	sadd.s32 $0x200, s22  }
0x308: {  	[tilespmem:s4], [sflag:$0x5] =	stream.indirect.gather [hbm4b:s5+s14], $0x10, s23, s14, $0xb8;
	[tilespmem:$0xF800] =	vst v63  }
0x309: {  	s11 =	simm.s32 $0x7800;
	s23 =	sadd.s32 $0x280, s22  }
0x30a: {  	[tilespmem:s11], [sflag:$0x6] =	stream.indirect.gather [hbm4b:s5+s14], $0x10, s23, s14, $0xb8;
	[tilespmem:$0xF800] =	vst v63  }
0x30b: {  	s2 =	simm.s32 $0x8000;
	s23 =	sadd.s32 $0x300, s22  }
0x30c: {  	[tilespmem:s2], [sflag:$0x7] =	stream.indirect.gather [hbm4b:s5+s14], $0x10, s23, s14, $0xb8;
	[tilespmem:$0xF800] =	vst v63  }
0x30d: {  	s1 =	simm.s32 $0x8800;
	s23 =	sadd.s32 $0x380, s22  }
0x30e: {  	[tilespmem:s1], [sflag:$0x8] =	stream.indirect.gather [hbm4b:s5+s14], $0x10, s23, s14, $0xb8;
	[tilespmem:$0xF800] =	vst v63  }
0x30f: {  	s0 =	simm.s32 $0x9000;
	s23 =	sadd.s32 $0x400, s22  }
0x310: {  	[tilespmem:s0], [sflag:$0x9] =	stream.indirect.gather [hbm4b:s5+s14], $0x10, s23, s14, $0xb8;
	[tilespmem:$0xF800] =	vst v63  }
0x311: {  	s24 =	simm.s32 $0x9800;
	s23 =	sadd.s32 $0x480, s22  }
0x312: {  	[tilespmem:s24], [sflag:$0xA] =	stream.indirect.gather [hbm4b:s5+s14], $0x10, s23, s14, $0xb8;
	[tilespmem:$0xF800] =	vst v63  }
0x313: {  	s25 =	simm.s32 $0xA000;
	s23 =	sadd.s32 $0x500, s22  }
0x314: {  	[tilespmem:s25], [sflag:$0xB] =	stream.indirect.gather [hbm4b:s5+s14], $0x10, s23, s14, $0xb8;
	[tilespmem:$0xF800] =	vst v63  }
0x315: {  	s26 =	simm.s32 $0xA800;
	s23 =	sadd.s32 $0x580, s22  }
0x316: {  	[tilespmem:s26], [sflag:$0xC] =	stream.indirect.gather [hbm4b:s5+s14], $0x10, s23, s14, $0xb8;
	[tilespmem:$0xF800] =	vst v63  }
0x317: {  	s28 =	simm.s32 $0xB000;
	s23 =	sadd.s32 $0x600, s22  }
0x318: {  	[tilespmem:s28], [sflag:$0xD] =	stream.indirect.gather [hbm4b:s5+s14], $0x10, s23, s14, $0xb8;
	[tilespmem:$0xF800] =	vst v63  }
0x319: {  	s29 =	simm.s32 $0xB800;
	s23 =	sadd.s32 $0x680, s22  }
0x31a: {  	[tilespmem:s29], [sflag:$0xE] =	stream.indirect.gather [hbm4b:s5+s14], $0x10, s23, s14, $0xb8;
	[tilespmem:$0xF800] =	vst v63  }
0x31b: {  	s30 =	simm.s32 $0xC000;
	s23 =	sadd.s32 $0x700, s22  }
0x31c: {  	[tilespmem:s30], [sflag:$0xF] =	stream.indirect.gather [hbm4b:s5+s14], $0x10, s23, s14, $0xb8;
	[tilespmem:$0xF800] =	vst v63  }
0x31d: {  	s31 =	simm.s32 $0xC800;
	s23 =	sadd.s32 $0x780, s22  }
0x31e: {  	[tilespmem:s31], [sflag:$0x10] =	stream.indirect.gather [hbm4b:s5+s14], $0x10, s23, s14, $0xb8;
	[tilespmem:$0xF800] =	vst v63  }
0x31f: {  	s23 =	simm.s32 $0x1  }
0x320: {  	_ =	swait.ge [sflag:s23], $0x800  }
0x321: {  	[sflag:s23] =	ssyncset.done $0x0  }
0x322: {  	[sflag:s23] =	ssyncadd.s32 $0xFFFFF800;
	s23 =	sadd.s32 $0x2800, s22  }
0x323: {  	[spmem:s3] =	stream.indirect.scatter.add.bf16 [tilespmem:s9], [sflag:$0x11], $0x10, s23, s14, $0xb8;
	[tilespmem:$0xF800] =	vst v63  }
0x324: {  	_ =	swait.ge [sflag:s10], $0x800  }
0x325: {  	[sflag:s10] =	ssyncset.done $0x0  }
0x326: {  	s9 =	simm.s32 $0x2;
	[sflag:s10] =	ssyncadd.s32 $0xFFFFF800  }
0x327: {  	_ =	swait.ge [sflag:s9], $0x800  }
0x328: {  	[sflag:s9] =	ssyncset.done $0x0  }
0x329: {  	s23 =	sadd.s32 $0x2880, s22;
	[sflag:s9] =	ssyncadd.s32 $0xFFFFF800  }
0x32a: {  	[spmem:s3] =	stream.indirect.scatter.add.bf16 [tilespmem:s8], [sflag:$0x11], $0x10, s23, s14, $0xb8;
	[tilespmem:$0xF800] =	vst v63  }
0x32b: {  	_ =	swait.ge [sflag:s10], $0x800  }
0x32c: {  	[sflag:s10] =	ssyncset.done $0x0  }
0x32d: {  	s8 =	simm.s32 $0x3;
	[sflag:s10] =	ssyncadd.s32 $0xFFFFF800  }
0x32e: {  	_ =	swait.ge [sflag:s8], $0x800  }
0x32f: {  	[sflag:s8] =	ssyncset.done $0x0  }
0x330: {  	s23 =	sadd.s32 $0x2900, s22;
	[sflag:s8] =	ssyncadd.s32 $0xFFFFF800  }
0x331: {  	[spmem:s3] =	stream.indirect.scatter.add.bf16 [tilespmem:s7], [sflag:$0x11], $0x10, s23, s14, $0xb8;
	[tilespmem:$0xF800] =	vst v63  }
0x332: {  	_ =	swait.ge [sflag:s10], $0x800  }
0x333: {  	[sflag:s10] =	ssyncset.done $0x0  }
0x334: {  	s7 =	simm.s32 $0x4;
	[sflag:s10] =	ssyncadd.s32 $0xFFFFF800  }
0x335: {  	_ =	swait.ge [sflag:s7], $0x800  }
0x336: {  	[sflag:s7] =	ssyncset.done $0x0  }
0x337: {  	s23 =	sadd.s32 $0x2980, s22;
	[sflag:s7] =	ssyncadd.s32 $0xFFFFF800  }
0x338: {  	[spmem:s3] =	stream.indirect.scatter.add.bf16 [tilespmem:s6], [sflag:$0x11], $0x10, s23, s14, $0xb8;
	[tilespmem:$0xF800] =	vst v63  }
0x339: {  	_ =	swait.ge [sflag:s10], $0x800  }
0x33a: {  	[sflag:s10] =	ssyncset.done $0x0  }
0x33b: {  	s6 =	simm.s32 $0x5;
	[sflag:s10] =	ssyncadd.s32 $0xFFFFF800  }
0x33c: {  	_ =	swait.ge [sflag:s6], $0x800  }
0x33d: {  	[sflag:s6] =	ssyncset.done $0x0  }
0x33e: {  	s23 =	sadd.s32 $0x2A00, s22;
	[sflag:s6] =	ssyncadd.s32 $0xFFFFF800  }
0x33f: {  	[spmem:s3] =	stream.indirect.scatter.add.bf16 [tilespmem:s4], [sflag:$0x11], $0x10, s23, s14, $0xb8;
	[tilespmem:$0xF800] =	vst v63  }
0x340: {  	_ =	swait.ge [sflag:s10], $0x800  }
0x341: {  	[sflag:s10] =	ssyncset.done $0x0  }
0x342: {  	s4 =	simm.s32 $0x6;
	[sflag:s10] =	ssyncadd.s32 $0xFFFFF800  }
0x343: {  	_ =	swait.ge [sflag:s4], $0x800  }
0x344: {  	[sflag:s4] =	ssyncset.done $0x0  }
0x345: {  	s23 =	sadd.s32 $0x2A80, s22;
	[sflag:s4] =	ssyncadd.s32 $0xFFFFF800  }
0x346: {  	[spmem:s3] =	stream.indirect.scatter.add.bf16 [tilespmem:s11], [sflag:$0x11], $0x10, s23, s14, $0xb8;
	[tilespmem:$0xF800] =	vst v63  }
0x347: {  	_ =	swait.ge [sflag:s10], $0x800  }
0x348: {  	[sflag:s10] =	ssyncset.done $0x0  }
0x349: {  	s4 =	simm.s32 $0x7;
	[sflag:s10] =	ssyncadd.s32 $0xFFFFF800  }
0x34a: {  	_ =	swait.ge [sflag:s4], $0x800  }
0x34b: {  	[sflag:s4] =	ssyncset.done $0x0  }
0x34c: {  	s23 =	sadd.s32 $0x2B00, s22;
	[sflag:s4] =	ssyncadd.s32 $0xFFFFF800  }
0x34d: {  	[spmem:s3] =	stream.indirect.scatter.add.bf16 [tilespmem:s2], [sflag:$0x11], $0x10, s23, s14, $0xb8;
	[tilespmem:$0xF800] =	vst v63  }
0x34e: {  	_ =	swait.ge [sflag:s10], $0x800  }
0x34f: {  	[sflag:s10] =	ssyncset.done $0x0  }
0x350: {  	s2 =	simm.s32 $0x8;
	[sflag:s10] =	ssyncadd.s32 $0xFFFFF800  }
0x351: {  	_ =	swait.ge [sflag:s2], $0x800  }
0x352: {  	[sflag:s2] =	ssyncset.done $0x0  }
0x353: {  	s23 =	sadd.s32 $0x2B80, s22;
	[sflag:s2] =	ssyncadd.s32 $0xFFFFF800  }
0x354: {  	[spmem:s3] =	stream.indirect.scatter.add.bf16 [tilespmem:s1], [sflag:$0x11], $0x10, s23, s14, $0xb8;
	[tilespmem:$0xF800] =	vst v63  }
0x355: {  	_ =	swait.ge [sflag:s10], $0x800  }
0x356: {  	[sflag:s10] =	ssyncset.done $0x0  }
0x357: {  	s1 =	simm.s32 $0x9;
	[sflag:s10] =	ssyncadd.s32 $0xFFFFF800  }
0x358: {  	_ =	swait.ge [sflag:s1], $0x800  }
0x359: {  	[sflag:s1] =	ssyncset.done $0x0  }
0x35a: {  	s23 =	sadd.s32 $0x2C00, s22;
	[sflag:s1] =	ssyncadd.s32 $0xFFFFF800  }
0x35b: {  	[spmem:s3] =	stream.indirect.scatter.add.bf16 [tilespmem:s0], [sflag:$0x11], $0x10, s23, s14, $0xb8;
	[tilespmem:$0xF800] =	vst v63  }
0x35c: {  	_ =	swait.ge [sflag:s10], $0x800  }
0x35d: {  	[sflag:s10] =	ssyncset.done $0x0  }
0x35e: {  	[sflag:s10] =	ssyncadd.s32 $0xFFFFF800  }
0x35f: {  	_ =	swait.ge [sflag:s12], $0x800  }
0x360: {  	[sflag:s12] =	ssyncset.done $0x0  }
0x361: {  	s23 =	sadd.s32 $0x2C80, s22;
	[sflag:s12] =	ssyncadd.s32 $0xFFFFF800  }
0x362: {  	[spmem:s3] =	stream.indirect.scatter.add.bf16 [tilespmem:s24], [sflag:$0x11], $0x10, s23, s14, $0xb8;
	[tilespmem:$0xF800] =	vst v63  }
0x363: {  	_ =	swait.ge [sflag:s10], $0x800  }
0x364: {  	[sflag:s10] =	ssyncset.done $0x0  }
0x365: {  	[sflag:s10] =	ssyncadd.s32 $0xFFFFF800  }
0x366: {  	_ =	swait.ge [sflag:s13], $0x800  }
0x367: {  	[sflag:s13] =	ssyncset.done $0x0  }
0x368: {  	s23 =	sadd.s32 $0x2D00, s22;
	[sflag:s13] =	ssyncadd.s32 $0xFFFFF800  }
0x369: {  	[spmem:s3] =	stream.indirect.scatter.add.bf16 [tilespmem:s25], [sflag:$0x11], $0x10, s23, s14, $0xb8;
	[tilespmem:$0xF800] =	vst v63  }
0x36a: {  	_ =	swait.ge [sflag:s10], $0x800  }
0x36b: {  	[sflag:s10] =	ssyncset.done $0x0  }
0x36c: {  	[sflag:s10] =	ssyncadd.s32 $0xFFFFF800  }
0x36d: {  	_ =	swait.ge [sflag:s15], $0x800  }
0x36e: {  	[sflag:s15] =	ssyncset.done $0x0  }
0x36f: {  	s23 =	sadd.s32 $0x2D80, s22;
	[sflag:s15] =	ssyncadd.s32 $0xFFFFF800  }
0x370: {  	[spmem:s3] =	stream.indirect.scatter.add.bf16 [tilespmem:s26], [sflag:$0x11], $0x10, s23, s14, $0xb8;
	[tilespmem:$0xF800] =	vst v63  }
0x371: {  	_ =	swait.ge [sflag:s10], $0x800  }
0x372: {  	[sflag:s10] =	ssyncset.done $0x0  }
0x373: {  	[sflag:s10] =	ssyncadd.s32 $0xFFFFF800  }
0x374: {  	_ =	swait.ge [sflag:s16], $0x800  }
0x375: {  	[sflag:s16] =	ssyncset.done $0x0  }
0x376: {  	s23 =	sadd.s32 $0x2E00, s22;
	[sflag:s16] =	ssyncadd.s32 $0xFFFFF800  }
0x377: {  	[spmem:s3] =	stream.indirect.scatter.add.bf16 [tilespmem:s28], [sflag:$0x11], $0x10, s23, s14, $0xb8;
	[tilespmem:$0xF800] =	vst v63  }
0x378: {  	_ =	swait.ge [sflag:s10], $0x800  }
0x379: {  	[sflag:s10] =	ssyncset.done $0x0  }
0x37a: {  	[sflag:s10] =	ssyncadd.s32 $0xFFFFF800  }
0x37b: {  	_ =	swait.ge [sflag:s17], $0x800  }
0x37c: {  	[sflag:s17] =	ssyncset.done $0x0  }
0x37d: {  	s23 =	sadd.s32 $0x2E80, s22;
	[sflag:s17] =	ssyncadd.s32 $0xFFFFF800  }
0x37e: {  	[spmem:s3] =	stream.indirect.scatter.add.bf16 [tilespmem:s29], [sflag:$0x11], $0x10, s23, s14, $0xb8;
	[tilespmem:$0xF800] =	vst v63  }
0x37f: {  	_ =	swait.ge [sflag:s10], $0x800  }
0x380: {  	[sflag:s10] =	ssyncset.done $0x0  }
0x381: {  	[sflag:s10] =	ssyncadd.s32 $0xFFFFF800  }
0x382: {  	_ =	swait.ge [sflag:s18], $0x800  }
0x383: {  	[sflag:s18] =	ssyncset.done $0x0  }
0x384: {  	s23 =	sadd.s32 $0x2F00, s22;
	[sflag:s18] =	ssyncadd.s32 $0xFFFFF800  }
0x385: {  	[spmem:s3] =	stream.indirect.scatter.add.bf16 [tilespmem:s30], [sflag:$0x11], $0x10, s23, s14, $0xb8;
	[tilespmem:$0xF800] =	vst v63  }
0x386: {  	_ =	swait.ge [sflag:s10], $0x800  }
0x387: {  	[sflag:s10] =	ssyncset.done $0x0  }
0x388: {  	[sflag:s10] =	ssyncadd.s32 $0xFFFFF800  }
0x389: {  	_ =	swait.ge [sflag:s19], $0x800  }
.Ltmp5:
0x38a: {  	[sflag:s19] =	ssyncset.done $0x0;
	(pc) =	sbr.rel @p1 .LBB2_6-.Ltmp5, $4  }
0x38b: {  	s22 =	sadd.s32 $0x2F80, s22;
	[sflag:s19] =	ssyncadd.s32 $0xFFFFF800  }
0x38c: {  	[spmem:s3] =	stream.indirect.scatter.add.bf16 [tilespmem:s31], [sflag:$0x11], $0x10, s22, s14, $0xb8;
	[tilespmem:$0xF800] =	vst v63  }
0x38d: {  	_ =	swait.ge [sflag:s10], $0x800  }
0x38e: {  	s23 =	smov.u32 s21;
	[sflag:s10] =	ssyncset.done $0x0  }
.Ltmp6:
0x38f: {  	_ = 	snop;
	(pc) =	sbr.rel .LBB2_7-.Ltmp6, $1  }
0x390: {  	_ =	sdelay $0x3  }
.LBB2_9:
0x391: {  	_ =	sfence.sel $0x180000  }
0x392: {  	[bflag:$0x0] =	sbarrier.arrive $0xFFFF  }
0x393: {  	_ =	strace $0x9000004A  }
0x394: {  	s0 =	stileid.u32;
	[bflag:$0x2] =	sbarrier.arrive $0xFFFF  }
0x395: {  	p0 =	sne.s32 s0, $0x0;
	s0 =	rddreg [dreg:$0x3]  }
0x396: {  	s0 =	sadd.s32 @!p0 $0x100000, s0  }
0x397: {  	[sflag:s0] =	ssyncadd.tile.s32 @!p0 $0x1;
	_ =	shalt  }
.Lfunc_end2:
_tile_overlayer_lowered:
.L_overlay_start_2:
0x398: {  	(tag) =	ssettag $0x2  }
0x399: {  	s0 =	rddreg [dreg:$0x0];
	s2 =	stileid.u32  }
0x39a: {  	s1 =	rddreg [dreg:$0x1];
	p0 =	sne.s32 s2, $0x0  }
0x39b: {  	s3 =	rddreg [dreg:$0x2];
	[bflag:$0x3] =	sbarrier.arrive $0xFFFF;
	s2 =	simm.s32 @!p0 $0x1C11  }
0x39c: {  	[timem:s3], [sflag:s2] =	dma.local @!p0 [hbm:s0], s1  }
0x39d: {  	s0 =	simm.s32 @!p0 $0x11  }
0x39e: {  	_ =	swait.ge @!p0 [sflag:s0], s1  }
0x39f: {  	s1 =	ssub.s32 @!p0 $0x0, s1;
	[sflag:s0] =	ssyncset.done @!p0 $0x0  }
0x3a0: {  	[sflag:s0] =	ssyncadd.s32 @!p0 s1  }
0x3a1: {  	[bflag:$0x3] =	sbarrier.arrive $0xFFFF  }
0x3a2: {  	_ =	shalt  }

// kernel: kernel.15.cloned.1.call-start
scs
__scs_entry_jumppad:
0x0: {  	(pc) =	sbr.rel $0x88, $3  }
0x1: {  	(tag) =	ssettag $0x0;
	lr =	simm.s32 $0x1  }
0x2: {  	[smem:$0x3F9B] =	sst lr;
	_ =	strace $0xD0000000  }
0x3: {  	_ = 	snop  }
0x4: {  	_ = 	snop  }
0x5: {  	_ = 	snop  }
0x6: {  	_ = 	snop  }
0x7: {  	_ = 	snop  }
__scs_overlays_trampoline_lowered:
0x8: {  	[smem:$0x3FAA] =	sst s0  }
0x9: {  	[smem:$0x3FAB] =	sst s1  }
0xa: {  	[smem:$0x3FAC] =	sst s2  }
0xb: {  	[smem:$0x3FAD] =	sst s3  }
0xc: {  	[smem:$0x3FAE] =	sst s4  }
0xd: {  	[smem:$0x3FAF] =	sst s5  }
0xe: {  	[smem:$0x3FB0] =	sst s6  }
0xf: {  	[smem:$0x3FB1] =	sst s7  }
0x10: {  	[smem:$0x3FB2] =	sst s8  }
0x11: {  	[smem:$0x3FB3] =	sst s9;
	s0 =	simm.s32 @!p0 $0x0  }
0x12: {  	s1 =	sld [smem:$0x3F99];
	s0 =	simm.s32 @p0 $0x1  }
0x13: {  	[smem:$0x3FB4] =	sst s0;
	s0 =	simm.s32 @!p1 $0x0  }
0x14: {  	s2 =	sld [smem:$0x3F98];
	s0 =	simm.s32 @p1 $0x1  }
0x15: {  	[smem:$0x3FB5] =	sst s0;
	s0 =	simm.s32 @!p2 $0x0  }
0x16: {  	s3 =	sld [smem:$0x3FDB];
	s0 =	simm.s32 @p2 $0x1  }
0x17: {  	s4 =	simm.s32 $0x1BF5;
	[smem:$0x3FB7] =	sst s0  }
0x18: {  	s0 =	sld [smem:$0x3F9A];
	_ =	swait.ge [sflag:s4], $0x0  }
0x19: {  	s7 =	sld [smem:$0x3F9B]  }
0x1a: {  	s8 =	sadd.s32 $0xFFFFE003, lr  }
0x1b: {  	s9 =	sadd.s32 $0xFFFFFEF7, lr;
	s5 =	simm.s32 $0xFFFFFFFF;
	p2 =	slt.u32 s8, $0xFFFFF086  }
0x1c: {  	p1 =	slt.u32 s9, $0xF7A;
	s5 =	simm.s32 @!p2 $0x0  }
0x1d: {  	s5 =	simm.s32 @p1 $0x1;
	p0 =	seq.s32 s7, s2  }
0x1e: {  	s7 =	smul.u32 @!p0 $0xF7A, s2;
	p2 =	seq.s32 @!p0 s5, $0x0  }
0x1f: {  	s9 =	smul.u32 $0xF7A, s1;
	s8 =	simm.s32 @!p0 $0x1BF5;
	p2 =	por !p2, p0  }
0x20: {  	[sflag:s8] =	ssyncset.s32 @!p0 $0xFFFFF086;
	s6 =	sadd.s32 @!p0 s3, s7;
	s7 =	simm.s32 @!p0 $0x108  }
0x21: {  	s3 =	sadd.s32 s3, s9;
	s6 =	sadd.s32 @!p0 $0x88, s6;
	s7 =	simm.s32 @p2 $0x1082  }
0x22: {  	[simem:s7], [sflag:s8] =	dma.local @!p0 [hbm:s6], $0xF7A  }
0x23: {  	s9 =	sor.u32 $0xD0000000, s2;
	s6 =	simm.s32 $0x108;
	_ =	swait.ge @!p0 [sflag:s8], $0x0  }
0x24: {  	s3 =	sadd.s32 $0x88, s3;
	s6 =	simm.s32 @!p1 $0x1082;
	[sflag:s4] =	ssyncset.s32 $0xFFFFF086  }
0x25: {  	[simem:s6], [sflag:s4] =	dma.local [hbm:s3], $0xF7A  }
0x26: {  	[smem:$0x3F9B] =	sst s1;
	(tag) =	ssettag s2;
	_ =	strace s9  }
0x27: {  	s1 =	sld [smem:$0x3FAB]  }
0x28: {  	s2 =	sld [smem:$0x3FAC]  }
0x29: {  	s4 =	sld [smem:$0x3FAE]  }
0x2a: {  	p0 =	seq.s32 s5, $0x0;
	s5 =	sld [smem:$0x3FAF]  }
0x2b: {  	s6 =	sld [smem:$0x3FB0]  }
0x2c: {  	s7 =	sld [smem:$0x3FB1]  }
0x2d: {  	s3 =	simm.s32 $0x108;
	s8 =	sld [smem:$0x3FB2]  }
0x2e: {  	s3 =	simm.s32 @!p0 $0x1082;
	s9 =	sld [smem:$0x3FB3]  }
0x2f: {  	lr =	sadd.s32 s0, s3;
	s0 =	sld [smem:$0x3FAA]  }
0x30: {  	s3 =	sld [smem:$0x3FAD]  }
0x31: {  	[smem:$0x3FB6] =	sst s10  }
0x32: {  	s10 =	sld [smem:$0x3FB4];
	_ =	sdelay $0x3  }
0x33: {  	p0 =	seq.s32 s10, $0x1;
	s10 =	sld [smem:$0x3FB6];
	_ =	sdelay $0x3  }
0x34: {  	[smem:$0x3FB6] =	sst s10  }
0x35: {  	s10 =	sld [smem:$0x3FB5];
	_ =	sdelay $0x3  }
0x36: {  	p1 =	seq.s32 s10, $0x1;
	s10 =	sld [smem:$0x3FB6];
	_ =	sdelay $0x3  }
0x37: {  	[smem:$0x3FB6] =	sst s10  }
0x38: {  	s10 =	sld [smem:$0x3FB7]  }
0x39: {  	_ = 	snop;
	(pc) =	sbr.ind lr, $3  }
0x3a: {  	_ = 	snop  }
0x3b: {  	_ = 	snop  }
0x3c: {  	p2 =	seq.s32 s10, $0x1;
	s10 =	sld [smem:$0x3FB6]  }
0x3d: {  	_ =	shalt  }
0x3e: {  	_ =	shalt  }
0x3f: {  	_ =	shalt  }
0x40: {  	_ =	shalt  }
0x41: {  	_ =	shalt  }
0x42: {  	_ =	shalt  }
0x43: {  	_ =	shalt  }
0x44: {  	_ =	shalt  }
0x45: {  	_ =	shalt  }
0x46: {  	_ =	shalt  }
0x47: {  	_ =	shalt  }
0x48: {  	_ =	shalt  }
0x49: {  	_ =	shalt  }
0x4a: {  	_ =	shalt  }
0x4b: {  	_ =	shalt  }
0x4c: {  	_ =	shalt  }
0x4d: {  	_ =	shalt  }
0x4e: {  	_ =	shalt  }
0x4f: {  	_ =	shalt  }
0x50: {  	_ =	shalt  }
0x51: {  	_ =	shalt  }
0x52: {  	_ =	shalt  }
0x53: {  	_ =	shalt  }
0x54: {  	_ =	shalt  }
0x55: {  	_ =	shalt  }
0x56: {  	_ =	shalt  }
0x57: {  	_ =	shalt  }
0x58: {  	_ =	shalt  }
0x59: {  	_ =	shalt  }
0x5a: {  	_ =	shalt  }
0x5b: {  	_ =	shalt  }
0x5c: {  	_ =	shalt  }
0x5d: {  	_ =	shalt  }
0x5e: {  	_ =	shalt  }
0x5f: {  	_ =	shalt  }
0x60: {  	_ =	shalt  }
0x61: {  	_ =	shalt  }
0x62: {  	_ =	shalt  }
0x63: {  	_ =	shalt  }
0x64: {  	_ =	shalt  }
0x65: {  	_ =	shalt  }
0x66: {  	_ =	shalt  }
0x67: {  	_ =	shalt  }
0x68: {  	_ =	shalt  }
0x69: {  	_ =	shalt  }
0x6a: {  	_ =	shalt  }
0x6b: {  	_ =	shalt  }
0x6c: {  	_ =	shalt  }
0x6d: {  	_ =	shalt  }
0x6e: {  	_ =	shalt  }
0x6f: {  	_ =	shalt  }
0x70: {  	_ =	shalt  }
0x71: {  	_ =	shalt  }
0x72: {  	_ =	shalt  }
0x73: {  	_ =	shalt  }
0x74: {  	_ =	shalt  }
0x75: {  	_ =	shalt  }
0x76: {  	_ =	shalt  }
0x77: {  	_ =	shalt  }
0x78: {  	_ =	shalt  }
0x79: {  	_ =	shalt  }
0x7a: {  	_ =	shalt  }
0x7b: {  	_ =	shalt  }
0x7c: {  	_ =	shalt  }
0x7d: {  	_ =	shalt  }
0x7e: {  	_ =	shalt  }
0x7f: {  	_ =	shalt  }
0x80: {  	_ =	shalt  }
0x81: {  	_ =	shalt  }
0x82: {  	_ =	shalt  }
0x83: {  	_ =	shalt  }
0x84: {  	_ =	shalt  }
0x85: {  	_ =	shalt  }
0x86: {  	_ =	shalt  }
0x87: {  	_ =	shalt  }
.Lfunc_end0:
.L_simem_size_0:
called_computation.2_lowered:
.L_overlay_start_0:
0x88: {  	s2 =	sld [smem:$0x3FD9]  }
0x89: {  	s3 =	sld [smem:$0x3FFE];
	_ =	sdelay $0x1  }
0x8a: {  	s1 =	srdreg.scid  }
0x8b: {  	s0 =	sand.u32 $0x1, s1  }
0x8c: {  	s17 =	sshll.u32 s0, $0xA;
	s2 =	sadd.s32 s3, s2  }
0x8d: {  	s2 =	sadd.s32 s2, s17  }
0x8e: {  	[smem:$0x3FC2] =	sst s2  }
0x8f: {  	_ = 	snop  }
0x90: {  	s2 =	sld [smem:$0x3FD0];
	(tm) =	ssettm $0x1  }
0x91: {  	s18 =	sld [smem:$0x3FFB];
	_ =	sdelay $0x3  }
0x92: {  	_ =	strace s18  }
0x93: {  	s3 =	sld [smem:$0x3FFC];
	_ =	sdelay $0x3  }
0x94: {  	_ =	strace s3  }
0x95: {  	s3 =	sld [smem:$0x3FFD];
	_ =	sdelay $0x3  }
0x96: {  	_ =	strace s3  }
0x97: {  	_ =	strace $0x8FFFFFFF  }
0x98: {  	s19 =	sld [smem:$0x3FDB];
	_ =	sdelay $0x1  }
0x99: {  	s4 =	simm.s32 $_scs_section_size  }
0x9a: {  	s5 =	simm.s32 $_size__tile_overlayer_lowered;
	s6 =	simm.s32 $_tile_overlayer_lowered  }
0x9b: {  	s22 =	simm.s32 $0x1BFF;
	s21 =	sshll.u32 s6, $0x1;
	s3 =	sadd.s32 s4, s19  }
0x9c: {  	s7 =	simm.s32 $0x0;
	s20 =	sshll.u32 s5, $0x1;
	s5 =	sadd.s32 s21, s3  }
0x9d: {  	[timem:s7], [sflag:s22] =	dma.local [hbm:s5], s20  }
0x9e: {  	_ =	swait.ge [sflag:s22], s20  }
0x9f: {  	s4 =	ssub.s32 $0x0, s20;
	[sflag:s22] =	ssyncset.done $0x0  }
0xa0: {  	[sflag:s22] =	ssyncadd.s32 s4;
	_ =	sdelay $0x1  }
0xa1: {  	s23 =	simm.s32 $0x1B8B  }
0xa2: {  	_ =	swait.ge [sflag:s23], $0x1  }
0xa3: {  	[sflag:s23] =	ssyncset.done $0x0  }
0xa4: {  	s25 =	simm.s32 $0x1B8E;
	s24 =	sld [smem:$0x3FFE];
	[sflag:s23] =	ssyncadd.s32 $0xFFFFFFFF  }
0xa5: {  	s26 =	simm.s32 $execute0_lowered;
	[smem:$0x3FD2] =	sst s25  }
0xa6: {  	s5 =	sshll.u32 s26, $0x1;
	_ =	strace $0x8000004C;
	[dreg:$0x1] =	wrdreg $0xFFFFFFFF  }
0xa7: {  	s28 =	simm.s32 $_size_execute0_lowered;
	s3 =	sadd.s32 s3, s5;
	[dreg:$0x0] =	wrdreg $0x0  }
0xa8: {  	s5 =	sshll.u32 s28, $0x1;
	[dreg:$0x2] =	wrdreg s3  }
0xa9: {  	[dreg:$0x3] =	wrdreg s5  }
0xaa: {  	[dreg:$0x4] =	wrdreg $0xC0  }
0xab: {  	_ =	task [dreg:s7], $0x5FFFF  }
0xac: {  	[dreg:$0x1] =	wrdreg $0xFFFFFFFF  }
0xad: {  	[dreg:$0x0] =	wrdreg $0x60  }
0xae: {  	[dreg:$0x2] =	wrdreg s24  }
0xaf: {  	[dreg:$0x3] =	wrdreg s2  }
0xb0: {  	[dreg:$0x4] =	wrdreg $0x90000  }
0xb1: {  	[dreg:$0x5] =	wrdreg $0x9  }
0xb2: {  	_ =	task.clear_ibuf [dreg:s7], $0x6FFFF;
	_ =	strace $0x9000004C  }
0xb3: {  	s29 =	simm.s32 $0x9;
	_ =	strace $0x8000004E  }
0xb4: {  	_ =	swait.ge [sflag:s29], $0x1  }
0xb5: {  	[sflag:s29] =	ssyncadd.s32 $0xFFFFFFFF  }
0xb6: {  	_ =	strace $0x9000004E  }
0xb7: {  	_ =	sfence  }
0xb8: {  	s30 =	sld [smem:$0x0];
	_ =	sdelay $0x2  }
0xb9: {  	s31 =	sshll.u32 s1, $0xD;
	s1 =	sshrl.u32 s1, $0x2  }
0xba: {  	s3 =	sand.u32 $0x4000, s31;
	s1 =	sadd.s32 s1, s30  }
0xbb: {  	s0 =	sor.u32 s3, s0;
	s1 =	sshll.u32 s1, $0x11  }
0xbc: {  	s0 =	sor.u32 s1, s0  }
0xbd: {  	s0 =	sadd.s32 $0x8F2B, s0  }
0xbe: {  	[sflag:s0] =	ssyncadd.remote.s32 $0x1  }
0xbf: {  	_ =	sfence.sel $0xFFFF  }
0xc0: {  	[dreg:$0x0] =	wrdreg $0xFFFFFFFF;
	(pc) =	sbr.abs _section_cstart, $3  }
0xc1: {  	[dreg:$0x1] =	wrdreg $0xFFFFFFFF  }
0xc2: {  	_ =	task.clear_ibuf [dreg:s7], $0x2FFFF;
	_ =	strace $0x9FFFFFFF  }
0xc3: {  	(tm) =	ssettm $0x7FFFFFFF  }
tec
execute0_lowered:
.L_overlay_start_1:
0x0: {  	(tag) =	ssettag $0x1  }
0x1: {  	s0 =	rddreg [dreg:$0x0]  }
0x2: {  	s3 =	rddreg [dreg:$0x2]  }
0x3: {  	s9 =	stileid.u32;
	s4 =	simm.s32 $0x0;
	s1 =	srdreg.scid  }
0x4: {  	s10 =	simm.s32 $0x11;
	s14 =	simm.s32 $0x80;
	s29 =	simm.s32 $0x1  }
0x5: {  	s30 =	simm.s32 $0x2;
	s31 =	simm.s32 $0x3;
	s12 =	simm.s32 $0xA  }
0x6: {  	s13 =	simm.s32 $0xB;
	s15 =	simm.s32 $0xC;
	s2 =	smul.u32 $0x2800, s9  }
0x7: {  	s16 =	simm.s32 $0xD;
	[smem:$0x7FF] =	sst s4;
	s21 =	smul.u32 $0x1400, s9  }
0x8: {  	s1 =	sand.u32 $0x1, s1;
	s5 =	sadd.s32 $0x15E00, s0;
	s7 =	smul.u32 $0x500, s9  }
0x9: {  	s28 =	sshll.u32 s9, $0x6;
	_ =	strace $0x8000004D;
	s6 =	smul.u32 $0x14000, s1  }
0xa: {  	p0 =	seq.s32 s1, $0x0;
	s8 =	ssub.s32 $0x2, s1;
	s2 =	sshrl.u32 s2, $0x3  }
0xb: {  	s22 =	sshrl.u32 s8, $0x1;
	s4 =	sadd.s32 s21, s3;
	s2 =	sadd.s32 $0x5000, s2  }
0xc: {  	s6 =	sadd.s32 s21, s6;
	s23 =	ssub.s32 s8, s22;
	s21 =	sshrl.u32 s4, $0x3  }
0xd: {  	s2 =	smov.u32 @p0 s7;
	s6 =	sshrl.u32 s6, $0x3;
	s24 =	smax.u32 s23, $0x1  }
0xe: {  	s23 =	sor.u32 $0x1C11, s28;
	[dreg:$0x9] =	wrdreg s21;
	s2 =	sadd.s32 s2, s0  }
.Ltmp0:
0xf: {  	s0 =	sadd.s32 s6, s0;
	[dreg:$0x5] =	wrdreg s24;
	(pc) =	sbr.rel .LBB2_1-.Ltmp0, $4  }
0x10: {  	s17 =	simm.s32 $0xE;
	[dreg:$0x8] =	wrdreg s23;
	s0 =	sadd.s32 $0x18600, s0  }
0x11: {  	s18 =	simm.s32 $0xF;
	s25 =	sadd.s32 $0xBE00, s2;
	[dreg:$0x4] =	wrdreg s0  }
0x12: {  	s19 =	simm.s32 $0x10;
	s26 =	sadd.s32 $0x1000, s2;
	[dreg:$0x6] =	wrdreg s25  }
0x13: {  	s22 =	simm.s32 $0x0;
	p0 =	sne.s32 s1, $0x0;
	[dreg:$0x7] =	wrdreg s26  }
.LBB2_7:
0x14: {  	s20 =	sshra.s32 s20, $0x2;
	[sflag:s10] =	ssyncadd.s32 $0xFFFFFC00;
	s9 =	simm.s32 $0x5000  }
0x15: {  	[tilespmem:s9], [sflag:$0x1] =	stream.indirect.gather [hbm4b:s5+s14], $0x8, s20, s14, $0xb8;
	[tilespmem:$0xA400] =	vst v63  }
0x16: {  	s8 =	simm.s32 $0x5400;
	s21 =	sadd.s32 $0x80, s20  }
0x17: {  	[tilespmem:s8], [sflag:$0x2] =	stream.indirect.gather [hbm4b:s5+s14], $0x8, s21, s14, $0xb8;
	[tilespmem:$0xA400] =	vst v63  }
0x18: {  	s7 =	simm.s32 $0x5800;
	s28 =	sadd.s32 $0x100, s20  }
0x19: {  	[tilespmem:s7], [sflag:$0x3] =	stream.indirect.gather [hbm4b:s5+s14], $0x8, s28, s14, $0xb8;
	[tilespmem:$0xA400] =	vst v63  }
0x1a: {  	s6 =	simm.s32 $0x5C00;
	s0 =	sadd.s32 $0x180, s20  }
0x1b: {  	[tilespmem:s6], [sflag:$0x4] =	stream.indirect.gather [hbm4b:s5+s14], $0x8, s0, s14, $0xb8;
	[tilespmem:$0xA400] =	vst v63  }
0x1c: {  	s4 =	simm.s32 $0x6000;
	s1 =	sadd.s32 $0x200, s20  }
0x1d: {  	[tilespmem:s4], [sflag:$0x5] =	stream.indirect.gather [hbm4b:s5+s14], $0x8, s1, s14, $0xb8;
	[tilespmem:$0xA400] =	vst v63  }
0x1e: {  	s11 =	simm.s32 $0x6400;
	s2 =	sadd.s32 $0x280, s20  }
0x1f: {  	[tilespmem:s11], [sflag:$0x6] =	stream.indirect.gather [hbm4b:s5+s14], $0x8, s2, s14, $0xb8;
	[tilespmem:$0xA400] =	vst v63  }
0x20: {  	s22 =	sadd.s32 $0x300, s20;
	s2 =	simm.s32 $0x6800  }
0x21: {  	[tilespmem:s2], [sflag:$0x7] =	stream.indirect.gather [hbm4b:s5+s14], $0x8, s22, s14, $0xb8;
	[tilespmem:$0xA400] =	vst v63  }
0x22: {  	s23 =	sadd.s32 $0x380, s20;
	s1 =	simm.s32 $0x6C00  }
0x23: {  	[tilespmem:s1], [sflag:$0x8] =	stream.indirect.gather [hbm4b:s5+s14], $0x8, s23, s14, $0xb8;
	[tilespmem:$0xA400] =	vst v63  }
0x24: {  	s24 =	sadd.s32 $0x400, s20;
	s0 =	simm.s32 $0x7000  }
0x25: {  	[tilespmem:s0], [sflag:$0x9] =	stream.indirect.gather [hbm4b:s5+s14], $0x8, s24, s14, $0xb8;
	[tilespmem:$0xA400] =	vst v63  }
0x26: {  	s25 =	sadd.s32 $0x480, s20;
	s24 =	simm.s32 $0x7400  }
0x27: {  	[tilespmem:s24], [sflag:$0xA] =	stream.indirect.gather [hbm4b:s5+s14], $0x8, s25, s14, $0xb8;
	[tilespmem:$0xA400] =	vst v63  }
0x28: {  	s26 =	sadd.s32 $0x500, s20;
	s25 =	simm.s32 $0x7800  }
0x29: {  	[tilespmem:s25], [sflag:$0xB] =	stream.indirect.gather [hbm4b:s5+s14], $0x8, s26, s14, $0xb8;
	[tilespmem:$0xA400] =	vst v63  }
0x2a: {  	s28 =	sadd.s32 $0x580, s20;
	s26 =	simm.s32 $0x7C00  }
0x2b: {  	[tilespmem:s26], [sflag:$0xC] =	stream.indirect.gather [hbm4b:s5+s14], $0x8, s28, s14, $0xb8;
	[tilespmem:$0xA400] =	vst v63  }
0x2c: {  	s22 =	sadd.s32 $0x600, s20;
	s28 =	simm.s32 $0x8000  }
0x2d: {  	[tilespmem:s28], [sflag:$0xD] =	stream.indirect.gather [hbm4b:s5+s14], $0x8, s22, s14, $0xb8;
	[tilespmem:$0xA400] =	vst v63  }
0x2e: {  	s29 =	simm.s32 $0x8400;
	s23 =	sadd.s32 $0x680, s20  }
0x2f: {  	[tilespmem:s29], [sflag:$0xE] =	stream.indirect.gather [hbm4b:s5+s14], $0x8, s23, s14, $0xb8;
	[tilespmem:$0xA400] =	vst v63  }
0x30: {  	s22 =	sadd.s32 $0x700, s20;
	s23 =	simm.s32 $0x8800  }
0x31: {  	[tilespmem:s23], [sflag:$0xF] =	stream.indirect.gather [hbm4b:s5+s14], $0x8, s22, s14, $0xb8;
	[tilespmem:$0xA400] =	vst v63  }
0x32: {  	s21 =	sadd.s32 $0x780, s20;
	s22 =	simm.s32 $0x8C00  }
0x33: {  	[tilespmem:s22], [sflag:$0x10] =	stream.indirect.gather [hbm4b:s5+s14], $0x8, s21, s14, $0xb8;
	[tilespmem:$0xA400] =	vst v63  }
0x34: {  	s21 =	simm.s32 $0x1  }
0x35: {  	_ =	swait.ge [sflag:s21], $0x400  }
0x36: {  	[sflag:s21] =	ssyncset.done $0x0  }
0x37: {  	[sflag:s21] =	ssyncadd.s32 $0xFFFFFC00;
	s21 =	sadd.s32 $0x2800, s20  }
0x38: {  	[spmem:s3] =	stream.indirect.scatter.add.f32 [tilespmem:s9], [sflag:$0x11], $0x8, s21, s14, $0xb8;
	[tilespmem:$0xA400] =	vst v63  }
0x39: {  	_ =	swait.ge [sflag:s10], $0x400  }
0x3a: {  	[sflag:s10] =	ssyncset.done $0x0  }
0x3b: {  	s21 =	simm.s32 $0x2;
	[sflag:s10] =	ssyncadd.s32 $0xFFFFFC00  }
0x3c: {  	_ =	swait.ge [sflag:s21], $0x400  }
0x3d: {  	[sflag:s21] =	ssyncset.done $0x0  }
0x3e: {  	s9 =	sadd.s32 $0x2880, s20;
	[sflag:s21] =	ssyncadd.s32 $0xFFFFFC00  }
0x3f: {  	[spmem:s3] =	stream.indirect.scatter.add.f32 [tilespmem:s8], [sflag:$0x11], $0x8, s9, s14, $0xb8;
	[tilespmem:$0xA400] =	vst v63  }
0x40: {  	_ =	swait.ge [sflag:s10], $0x400  }
0x41: {  	[sflag:s10] =	ssyncset.done $0x0  }
0x42: {  	s21 =	simm.s32 $0x3;
	[sflag:s10] =	ssyncadd.s32 $0xFFFFFC00  }
0x43: {  	_ =	swait.ge [sflag:s21], $0x400  }
0x44: {  	[sflag:s21] =	ssyncset.done $0x0  }
0x45: {  	s9 =	sadd.s32 $0x2900, s20;
	[sflag:s21] =	ssyncadd.s32 $0xFFFFFC00  }
0x46: {  	[spmem:s3] =	stream.indirect.scatter.add.f32 [tilespmem:s7], [sflag:$0x11], $0x8, s9, s14, $0xb8;
	[tilespmem:$0xA400] =	vst v63  }
0x47: {  	_ =	swait.ge [sflag:s10], $0x400  }
0x48: {  	[sflag:s10] =	ssyncset.done $0x0  }
0x49: {  	s8 =	simm.s32 $0x4;
	[sflag:s10] =	ssyncadd.s32 $0xFFFFFC00  }
0x4a: {  	_ =	swait.ge [sflag:s8], $0x400  }
0x4b: {  	[sflag:s8] =	ssyncset.done $0x0  }
0x4c: {  	s9 =	sadd.s32 $0x2980, s20;
	[sflag:s8] =	ssyncadd.s32 $0xFFFFFC00  }
0x4d: {  	[spmem:s3] =	stream.indirect.scatter.add.f32 [tilespmem:s6], [sflag:$0x11], $0x8, s9, s14, $0xb8;
	[tilespmem:$0xA400] =	vst v63  }
0x4e: {  	_ =	swait.ge [sflag:s10], $0x400  }
0x4f: {  	[sflag:s10] =	ssyncset.done $0x0  }
0x50: {  	s21 =	simm.s32 $0x5;
	[sflag:s10] =	ssyncadd.s32 $0xFFFFFC00  }
0x51: {  	_ =	swait.ge [sflag:s21], $0x400  }
0x52: {  	[sflag:s21] =	ssyncset.done $0x0  }
0x53: {  	s6 =	sadd.s32 $0x2A00, s20;
	[sflag:s21] =	ssyncadd.s32 $0xFFFFFC00  }
0x54: {  	[spmem:s3] =	stream.indirect.scatter.add.f32 [tilespmem:s4], [sflag:$0x11], $0x8, s6, s14, $0xb8;
	[tilespmem:$0xA400] =	vst v63  }
0x55: {  	_ =	swait.ge [sflag:s10], $0x400  }
0x56: {  	[sflag:s10] =	ssyncset.done $0x0  }
0x57: {  	s7 =	simm.s32 $0x6;
	[sflag:s10] =	ssyncadd.s32 $0xFFFFFC00  }
0x58: {  	_ =	swait.ge [sflag:s7], $0x400  }
0x59: {  	[sflag:s7] =	ssyncset.done $0x0  }
0x5a: {  	s8 =	sadd.s32 $0x2A80, s20;
	[sflag:s7] =	ssyncadd.s32 $0xFFFFFC00  }
0x5b: {  	[spmem:s3] =	stream.indirect.scatter.add.f32 [tilespmem:s11], [sflag:$0x11], $0x8, s8, s14, $0xb8;
	[tilespmem:$0xA400] =	vst v63  }
0x5c: {  	_ =	swait.ge [sflag:s10], $0x400  }
0x5d: {  	[sflag:s10] =	ssyncset.done $0x0  }
0x5e: {  	s9 =	simm.s32 $0x7;
	[sflag:s10] =	ssyncadd.s32 $0xFFFFFC00  }
0x5f: {  	_ =	swait.ge [sflag:s9], $0x400  }
0x60: {  	[sflag:s9] =	ssyncset.done $0x0  }
0x61: {  	s11 =	sadd.s32 $0x2B00, s20;
	[sflag:s9] =	ssyncadd.s32 $0xFFFFFC00  }
0x62: {  	[spmem:s3] =	stream.indirect.scatter.add.f32 [tilespmem:s2], [sflag:$0x11], $0x8, s11, s14, $0xb8;
	[tilespmem:$0xA400] =	vst v63  }
0x63: {  	_ =	swait.ge [sflag:s10], $0x400  }
0x64: {  	[sflag:s10] =	ssyncset.done $0x0  }
0x65: {  	s4 =	simm.s32 $0x8;
	[sflag:s10] =	ssyncadd.s32 $0xFFFFFC00  }
0x66: {  	_ =	swait.ge [sflag:s4], $0x400  }
0x67: {  	[sflag:s4] =	ssyncset.done $0x0  }
0x68: {  	s6 =	sadd.s32 $0x2B80, s20;
	[sflag:s4] =	ssyncadd.s32 $0xFFFFFC00  }
0x69: {  	[spmem:s3] =	stream.indirect.scatter.add.f32 [tilespmem:s1], [sflag:$0x11], $0x8, s6, s14, $0xb8;
	[tilespmem:$0xA400] =	vst v63  }
0x6a: {  	_ =	swait.ge [sflag:s10], $0x400  }
0x6b: {  	[sflag:s10] =	ssyncset.done $0x0  }
0x6c: {  	s7 =	simm.s32 $0x9;
	[sflag:s10] =	ssyncadd.s32 $0xFFFFFC00  }
0x6d: {  	_ =	swait.ge [sflag:s7], $0x400  }
0x6e: {  	[sflag:s7] =	ssyncset.done $0x0  }
0x6f: {  	s8 =	sadd.s32 $0x2C00, s20;
	[sflag:s7] =	ssyncadd.s32 $0xFFFFFC00  }
0x70: {  	[spmem:s3] =	stream.indirect.scatter.add.f32 [tilespmem:s0], [sflag:$0x11], $0x8, s8, s14, $0xb8;
	[tilespmem:$0xA400] =	vst v63  }
0x71: {  	_ =	swait.ge [sflag:s10], $0x400  }
0x72: {  	[sflag:s10] =	ssyncset.done $0x0  }
0x73: {  	[sflag:s10] =	ssyncadd.s32 $0xFFFFFC00  }
0x74: {  	_ =	swait.ge [sflag:s12], $0x400  }
0x75: {  	[sflag:s12] =	ssyncset.done $0x0  }
0x76: {  	s9 =	sadd.s32 $0x2C80, s20;
	[sflag:s12] =	ssyncadd.s32 $0xFFFFFC00  }
0x77: {  	[spmem:s3] =	stream.indirect.scatter.add.f32 [tilespmem:s24], [sflag:$0x11], $0x8, s9, s14, $0xb8;
	[tilespmem:$0xA400] =	vst v63  }
0x78: {  	_ =	swait.ge [sflag:s10], $0x400  }
0x79: {  	[sflag:s10] =	ssyncset.done $0x0  }
0x7a: {  	[sflag:s10] =	ssyncadd.s32 $0xFFFFFC00  }
0x7b: {  	_ =	swait.ge [sflag:s13], $0x400  }
0x7c: {  	[sflag:s13] =	ssyncset.done $0x0  }
0x7d: {  	s11 =	sadd.s32 $0x2D00, s20;
	[sflag:s13] =	ssyncadd.s32 $0xFFFFFC00  }
0x7e: {  	[spmem:s3] =	stream.indirect.scatter.add.f32 [tilespmem:s25], [sflag:$0x11], $0x8, s11, s14, $0xb8;
	[tilespmem:$0xA400] =	vst v63  }
0x7f: {  	_ =	swait.ge [sflag:s10], $0x400  }
0x80: {  	[sflag:s10] =	ssyncset.done $0x0  }
0x81: {  	[sflag:s10] =	ssyncadd.s32 $0xFFFFFC00  }
0x82: {  	_ =	swait.ge [sflag:s15], $0x400  }
0x83: {  	[sflag:s15] =	ssyncset.done $0x0  }
0x84: {  	s24 =	sadd.s32 $0x2D80, s20;
	[sflag:s15] =	ssyncadd.s32 $0xFFFFFC00  }
0x85: {  	[spmem:s3] =	stream.indirect.scatter.add.f32 [tilespmem:s26], [sflag:$0x11], $0x8, s24, s14, $0xb8;
	[tilespmem:$0xA400] =	vst v63  }
0x86: {  	_ =	swait.ge [sflag:s10], $0x400  }
0x87: {  	[sflag:s10] =	ssyncset.done $0x0  }
0x88: {  	[sflag:s10] =	ssyncadd.s32 $0xFFFFFC00  }
0x89: {  	_ =	swait.ge [sflag:s16], $0x400  }
0x8a: {  	[sflag:s16] =	ssyncset.done $0x0  }
0x8b: {  	s25 =	sadd.s32 $0x2E00, s20;
	[sflag:s16] =	ssyncadd.s32 $0xFFFFFC00  }
0x8c: {  	[spmem:s3] =	stream.indirect.scatter.add.f32 [tilespmem:s28], [sflag:$0x11], $0x8, s25, s14, $0xb8;
	[tilespmem:$0xA400] =	vst v63  }
0x8d: {  	_ =	swait.ge [sflag:s10], $0x400  }
0x8e: {  	[sflag:s10] =	ssyncset.done $0x0  }
0x8f: {  	[sflag:s10] =	ssyncadd.s32 $0xFFFFFC00  }
0x90: {  	_ =	swait.ge [sflag:s17], $0x400  }
0x91: {  	[sflag:s17] =	ssyncset.done $0x0  }
0x92: {  	s26 =	sadd.s32 $0x2E80, s20;
	[sflag:s17] =	ssyncadd.s32 $0xFFFFFC00  }
0x93: {  	[spmem:s3] =	stream.indirect.scatter.add.f32 [tilespmem:s29], [sflag:$0x11], $0x8, s26, s14, $0xb8;
	[tilespmem:$0xA400] =	vst v63  }
0x94: {  	_ =	swait.ge [sflag:s10], $0x400  }
0x95: {  	[sflag:s10] =	ssyncset.done $0x0  }
0x96: {  	[sflag:s10] =	ssyncadd.s32 $0xFFFFFC00  }
0x97: {  	_ =	swait.ge [sflag:s18], $0x400  }
0x98: {  	[sflag:s18] =	ssyncset.done $0x0  }
0x99: {  	s28 =	sadd.s32 $0x2F00, s20;
	[sflag:s18] =	ssyncadd.s32 $0xFFFFFC00  }
0x9a: {  	[spmem:s3] =	stream.indirect.scatter.add.f32 [tilespmem:s23], [sflag:$0x11], $0x8, s28, s14, $0xb8;
	[tilespmem:$0xA400] =	vst v63  }
0x9b: {  	_ =	swait.ge [sflag:s10], $0x400  }
0x9c: {  	[sflag:s10] =	ssyncset.done $0x0  }
0x9d: {  	[sflag:s10] =	ssyncadd.s32 $0xFFFFFC00  }
0x9e: {  	_ =	swait.ge [sflag:s19], $0x400  }
0x9f: {  	[sflag:s19] =	ssyncset.done $0x0  }
0xa0: {  	s20 =	sadd.s32 $0x2F80, s20;
	[sflag:s19] =	ssyncadd.s32 $0xFFFFFC00  }
0xa1: {  	[spmem:s3] =	stream.indirect.scatter.add.f32 [tilespmem:s22], [sflag:$0x11], $0x8, s20, s14, $0xb8;
	[tilespmem:$0xA400] =	vst v63  }
0xa2: {  	_ =	swait.ge [sflag:s10], $0x400  }
0xa3: {  	s30 =	simm.s32 $0x2;
	s31 =	simm.s32 $0x3;
	[sflag:s10] =	ssyncset.done $0x0  }
0xa4: {  	s29 =	simm.s32 $0x1;
	s22 =	rddreg [dreg:$0xa];
	[sflag:s10] =	ssyncadd.s32 $0xFFFFFC00  }
.LBB2_8:
0xa5: {  	[bflag:$0x0] =	sbarrier.arrive $0xFFFF  }
0xa6: {  	s20 =	rddreg [dreg:$0x4]  }
0xa7: {  	s23 =	rddreg [dreg:$0x8]  }
0xa8: {  	s21 =	rddreg [dreg:$0x9]  }
0xa9: {  	[hbm:s20], [sflag:s23] =	dma.local [spmem:s21], $0x280  }
0xaa: {  	_ =	swait.ge [sflag:s10], $0x280  }
0xab: {  	s22 =	sadd.s32 $0x1, s22;
	s28 =	rddreg [dreg:$0x5]  }
0xac: {  	p1 =	sne.s32 s22, s28  }
.Ltmp1:
0xad: {  	_ = 	snop;
	(pc) =	sbr.rel @!p1 .LBB2_9-.Ltmp1, $3  }
0xae: {  	_ =	sdelay $0x1  }
0xaf: {  	[sflag:s10] =	ssyncset.done $0x0  }
0xb0: {  	[sflag:s10] =	ssyncadd.s32 $0xFFFFFD80  }
.LBB2_1:
0xb1: {  	[dreg:$0xa] =	wrdreg s22  }
0xb2: {  	s20 =	simm.s32 $0x0;
	s21 =	rddreg [dreg:$0x6]  }
0xb3: {  	[tilespmem:s20], [sflag:$0x11] =	stream.linear.gather [hbm4b:s21+s20], $0x2800, $0x38;
	[tilespmem:$0xA400] =	vst v63  }
0xb4: {  	_ =	swait.ge [sflag:s10], $0x2800  }
0xb5: {  	[sflag:s10] =	ssyncset.done $0x0  }
0xb6: {  	s25 =	simm.s32 $0x2800;
	s24 =	rddreg [dreg:$0x7];
	[sflag:s10] =	ssyncadd.s32 $0xFFFFD800  }
0xb7: {  	[tilespmem:s25], [sflag:$0x11] =	stream.linear.gather [hbm4b:s24+s20], $0x2800, $0x38;
	[tilespmem:$0xA400] =	vst v63  }
0xb8: {  	_ =	swait.ge [sflag:s10], $0x2800  }
0xb9: {  	[sflag:s10] =	ssyncset.done $0x0  }
0xba: {  	s28 =	rddreg [dreg:$0x9];
	[sflag:s10] =	ssyncadd.s32 $0xFFFFD800  }
0xbb: {  	s26 =	rddreg [dreg:$0x1]  }
0xbc: {  	[spmem:s28], [sflag:s23] =	dma.local [hbm:s26], $0x280  }
.Ltmp2:
0xbd: {  	_ =	swait.ge [sflag:s10], $0x280;
	(pc) =	sbr.rel @p0 .LBB2_5-.Ltmp2, $4  }
0xbe: {  	[sflag:s10] =	ssyncset.done $0x0  }
0xbf: {  	[sflag:s10] =	ssyncadd.s32 $0xFFFFFD80  }
0xc0: {  	[bflag:$0x0] =	sbarrier.arrive $0xFFFF  }
0xc1: {  	s9 =	simm.s32 $0x5000;
	s20 =	simm.s32 $0x0  }
0xc2: {  	[tilespmem:s9], [sflag:$0x1] =	stream.indirect.gather [hbm4b:s5+s14], $0x8, s20, s14, $0xb8;
	[tilespmem:$0xA400] =	vst v63  }
0xc3: {  	s19 =	simm.s32 $0x80;
	s12 =	simm.s32 $0x5400  }
0xc4: {  	[tilespmem:s12], [sflag:$0x2] =	stream.indirect.gather [hbm4b:s5+s14], $0x8, s19, s14, $0xb8;
	[tilespmem:$0xA400] =	vst v63  }
0xc5: {  	s21 =	simm.s32 $0x100;
	s13 =	simm.s32 $0x5800  }
0xc6: {  	[tilespmem:s13], [sflag:$0x3] =	stream.indirect.gather [hbm4b:s5+s14], $0x8, s21, s14, $0xb8;
	[tilespmem:$0xA400] =	vst v63  }
0xc7: {  	s22 =	simm.s32 $0x180;
	s15 =	simm.s32 $0x5C00  }
0xc8: {  	[tilespmem:s15], [sflag:$0x4] =	stream.indirect.gather [hbm4b:s5+s14], $0x8, s22, s14, $0xb8;
	[tilespmem:$0xA400] =	vst v63  }
0xc9: {  	s23 =	simm.s32 $0x200;
	s17 =	simm.s32 $0x6000  }
0xca: {  	[tilespmem:s17], [sflag:$0x5] =	stream.indirect.gather [hbm4b:s5+s14], $0x8, s23, s14, $0xb8;
	[tilespmem:$0xA400] =	vst v63  }
0xcb: {  	s24 =	simm.s32 $0x280;
	s19 =	simm.s32 $0x6400  }
0xcc: {  	[tilespmem:s19], [sflag:$0x6] =	stream.indirect.gather [hbm4b:s5+s14], $0x8, s24, s14, $0xb8;
	[tilespmem:$0xA400] =	vst v63  }
0xcd: {  	s25 =	simm.s32 $0x300;
	s22 =	simm.s32 $0x6800  }
0xce: {  	[tilespmem:s22], [sflag:$0x7] =	stream.indirect.gather [hbm4b:s5+s14], $0x8, s25, s14, $0xb8;
	[tilespmem:$0xA400] =	vst v63  }
0xcf: {  	s26 =	simm.s32 $0x380;
	s24 =	simm.s32 $0x6C00  }
0xd0: {  	[tilespmem:s24], [sflag:$0x8] =	stream.indirect.gather [hbm4b:s5+s14], $0x8, s26, s14, $0xb8;
	[tilespmem:$0xA400] =	vst v63  }
0xd1: {  	s28 =	simm.s32 $0x400;
	s26 =	simm.s32 $0x7000  }
0xd2: {  	[tilespmem:s26], [sflag:$0x9] =	stream.indirect.gather [hbm4b:s5+s14], $0x8, s28, s14, $0xb8;
	[tilespmem:$0xA400] =	vst v63  }
0xd3: {  	s29 =	simm.s32 $0x480;
	s28 =	simm.s32 $0x7400  }
0xd4: {  	[tilespmem:s28], [sflag:$0xA] =	stream.indirect.gather [hbm4b:s5+s14], $0x8, s29, s14, $0xb8;
	[tilespmem:$0xA400] =	vst v63  }
0xd5: {  	s20 =	simm.s32 $0x500;
	s29 =	simm.s32 $0x7800  }
0xd6: {  	[tilespmem:s29], [sflag:$0xB] =	stream.indirect.gather [hbm4b:s5+s14], $0x8, s20, s14, $0xb8;
	[tilespmem:$0xA400] =	vst v63  }
0xd7: {  	s20 =	simm.s32 $0x580;
	s29 =	simm.s32 $0x7C00  }
0xd8: {  	[tilespmem:s29], [sflag:$0xC] =	stream.indirect.gather [hbm4b:s5+s14], $0x8, s20, s14, $0xb8;
	[tilespmem:$0xA400] =	vst v63  }
0xd9: {  	s20 =	simm.s32 $0x600;
	s29 =	simm.s32 $0x8000  }
0xda: {  	[tilespmem:s29], [sflag:$0xD] =	stream.indirect.gather [hbm4b:s5+s14], $0x8, s20, s14, $0xb8;
	[tilespmem:$0xA400] =	vst v63  }
0xdb: {  	s20 =	simm.s32 $0x680;
	s29 =	simm.s32 $0x8400  }
0xdc: {  	[tilespmem:s29], [sflag:$0xE] =	stream.indirect.gather [hbm4b:s5+s14], $0x8, s20, s14, $0xb8;
	[tilespmem:$0xA400] =	vst v63  }
0xdd: {  	s20 =	simm.s32 $0x700;
	s29 =	simm.s32 $0x8800  }
0xde: {  	[tilespmem:s29], [sflag:$0xF] =	stream.indirect.gather [hbm4b:s5+s14], $0x8, s20, s14, $0xb8;
	[tilespmem:$0xA400] =	vst v63  }
0xdf: {  	s1 =	simm.s32 $0x1;
	s20 =	simm.s32 $0x780;
	s29 =	simm.s32 $0x8C00  }
0xe0: {  	[tilespmem:s29], [sflag:$0x10] =	stream.indirect.gather [hbm4b:s5+s14], $0x8, s20, s14, $0xb8;
	[tilespmem:$0xA400] =	vst v63  }
0xe1: {  	_ =	swait.ge [sflag:s1], $0x400  }
0xe2: {  	[sflag:s1] =	ssyncset.done $0x0  }
0xe3: {  	s20 =	simm.s32 $0x2800;
	[sflag:s1] =	ssyncadd.s32 $0xFFFFFC00  }
0xe4: {  	[spmem:s3] =	stream.indirect.scatter.add.f32 [tilespmem:s9], [sflag:$0x11], $0x8, s20, s14, $0xb8;
	[tilespmem:$0xA400] =	vst v63  }
0xe5: {  	_ =	swait.ge [sflag:s10], $0x400  }
0xe6: {  	[sflag:s10] =	ssyncset.done $0x0  }
0xe7: {  	s2 =	simm.s32 $0x2;
	[sflag:s10] =	ssyncadd.s32 $0xFFFFFC00  }
0xe8: {  	_ =	swait.ge [sflag:s2], $0x400  }
0xe9: {  	[sflag:s2] =	ssyncset.done $0x0  }
0xea: {  	s9 =	simm.s32 $0x2880;
	[sflag:s2] =	ssyncadd.s32 $0xFFFFFC00  }
0xeb: {  	[spmem:s3] =	stream.indirect.scatter.add.f32 [tilespmem:s12], [sflag:$0x11], $0x8, s9, s14, $0xb8;
	[tilespmem:$0xA400] =	vst v63  }
0xec: {  	_ =	swait.ge [sflag:s10], $0x400  }
0xed: {  	[sflag:s10] =	ssyncset.done $0x0  }
0xee: {  	s11 =	simm.s32 $0x3;
	[sflag:s10] =	ssyncadd.s32 $0xFFFFFC00  }
0xef: {  	_ =	swait.ge [sflag:s11], $0x400  }
0xf0: {  	[sflag:s11] =	ssyncset.done $0x0  }
0xf1: {  	s12 =	simm.s32 $0x2900;
	[sflag:s11] =	ssyncadd.s32 $0xFFFFFC00  }
0xf2: {  	[spmem:s3] =	stream.indirect.scatter.add.f32 [tilespmem:s13], [sflag:$0x11], $0x8, s12, s14, $0xb8;
	[tilespmem:$0xA400] =	vst v63  }
0xf3: {  	_ =	swait.ge [sflag:s10], $0x400  }
0xf4: {  	[sflag:s10] =	ssyncset.done $0x0  }
0xf5: {  	s4 =	simm.s32 $0x4;
	[sflag:s10] =	ssyncadd.s32 $0xFFFFFC00  }
0xf6: {  	_ =	swait.ge [sflag:s4], $0x400  }
0xf7: {  	[sflag:s4] =	ssyncset.done $0x0  }
0xf8: {  	s13 =	simm.s32 $0x2980;
	[sflag:s4] =	ssyncadd.s32 $0xFFFFFC00  }
0xf9: {  	[spmem:s3] =	stream.indirect.scatter.add.f32 [tilespmem:s15], [sflag:$0x11], $0x8, s13, s14, $0xb8;
	[tilespmem:$0xA400] =	vst v63  }
0xfa: {  	_ =	swait.ge [sflag:s10], $0x400  }
0xfb: {  	[sflag:s10] =	ssyncset.done $0x0  }
0xfc: {  	s6 =	simm.s32 $0x5;
	[sflag:s10] =	ssyncadd.s32 $0xFFFFFC00  }
0xfd: {  	_ =	swait.ge [sflag:s6], $0x400  }
0xfe: {  	[sflag:s6] =	ssyncset.done $0x0  }
0xff: {  	s15 =	simm.s32 $0x2A00;
	[sflag:s6] =	ssyncadd.s32 $0xFFFFFC00  }
0x100: {  	[spmem:s3] =	stream.indirect.scatter.add.f32 [tilespmem:s17], [sflag:$0x11], $0x8, s15, s14, $0xb8;
	[tilespmem:$0xA400] =	vst v63  }
0x101: {  	_ =	swait.ge [sflag:s10], $0x400  }
0x102: {  	[sflag:s10] =	ssyncset.done $0x0  }
0x103: {  	s7 =	simm.s32 $0x6;
	[sflag:s10] =	ssyncadd.s32 $0xFFFFFC00  }
0x104: {  	_ =	swait.ge [sflag:s7], $0x400  }
0x105: {  	[sflag:s7] =	ssyncset.done $0x0  }
0x106: {  	s9 =	simm.s32 $0x2A80;
	[sflag:s7] =	ssyncadd.s32 $0xFFFFFC00  }
0x107: {  	[spmem:s3] =	stream.indirect.scatter.add.f32 [tilespmem:s19], [sflag:$0x11], $0x8, s9, s14, $0xb8;
	[tilespmem:$0xA400] =	vst v63  }
0x108: {  	_ =	swait.ge [sflag:s10], $0x400  }
0x109: {  	[sflag:s10] =	ssyncset.done $0x0  }
0x10a: {  	s8 =	simm.s32 $0x7;
	[sflag:s10] =	ssyncadd.s32 $0xFFFFFC00  }
0x10b: {  	_ =	swait.ge [sflag:s8], $0x400  }
0x10c: {  	[sflag:s8] =	ssyncset.done $0x0  }
0x10d: {  	s12 =	simm.s32 $0x2B00;
	[sflag:s8] =	ssyncadd.s32 $0xFFFFFC00  }
0x10e: {  	[spmem:s3] =	stream.indirect.scatter.add.f32 [tilespmem:s22], [sflag:$0x11], $0x8, s12, s14, $0xb8;
	[tilespmem:$0xA400] =	vst v63  }
0x10f: {  	_ =	swait.ge [sflag:s10], $0x400  }
0x110: {  	[sflag:s10] =	ssyncset.done $0x0  }
0x111: {  	s0 =	simm.s32 $0x8;
	[sflag:s10] =	ssyncadd.s32 $0xFFFFFC00  }
0x112: {  	_ =	swait.ge [sflag:s0], $0x400  }
0x113: {  	[sflag:s0] =	ssyncset.done $0x0  }
0x114: {  	s13 =	simm.s32 $0x2B80;
	[sflag:s0] =	ssyncadd.s32 $0xFFFFFC00  }
0x115: {  	[spmem:s3] =	stream.indirect.scatter.add.f32 [tilespmem:s24], [sflag:$0x11], $0x8, s13, s14, $0xb8;
	[tilespmem:$0xA400] =	vst v63  }
0x116: {  	_ =	swait.ge [sflag:s10], $0x400  }
0x117: {  	[sflag:s10] =	ssyncset.done $0x0  }
0x118: {  	s16 =	simm.s32 $0x9;
	[sflag:s10] =	ssyncadd.s32 $0xFFFFFC00  }
0x119: {  	_ =	swait.ge [sflag:s16], $0x400  }
0x11a: {  	[sflag:s16] =	ssyncset.done $0x0  }
0x11b: {  	s15 =	simm.s32 $0x2C00;
	[sflag:s16] =	ssyncadd.s32 $0xFFFFFC00  }
0x11c: {  	[spmem:s3] =	stream.indirect.scatter.add.f32 [tilespmem:s26], [sflag:$0x11], $0x8, s15, s14, $0xb8;
	[tilespmem:$0xA400] =	vst v63  }
0x11d: {  	_ =	swait.ge [sflag:s10], $0x400  }
0x11e: {  	[sflag:s10] =	ssyncset.done $0x0  }
0x11f: {  	s18 =	simm.s32 $0xA;
	[sflag:s10] =	ssyncadd.s32 $0xFFFFFC00  }
0x120: {  	_ =	swait.ge [sflag:s18], $0x400  }
0x121: {  	[sflag:s18] =	ssyncset.done $0x0  }
0x122: {  	s16 =	simm.s32 $0x2C80;
	[sflag:s18] =	ssyncadd.s32 $0xFFFFFC00  }
0x123: {  	[spmem:s3] =	stream.indirect.scatter.add.f32 [tilespmem:s28], [sflag:$0x11], $0x8, s16, s14, $0xb8;
	[tilespmem:$0xA400] =	vst v63  }
0x124: {  	_ =	swait.ge [sflag:s10], $0x400  }
0x125: {  	[sflag:s10] =	ssyncset.done $0x0  }
0x126: {  	s21 =	simm.s32 $0xB;
	[sflag:s10] =	ssyncadd.s32 $0xFFFFFC00  }
0x127: {  	_ =	swait.ge [sflag:s21], $0x400  }
0x128: {  	[sflag:s21] =	ssyncset.done $0x0  }
0x129: {  	s17 =	simm.s32 $0x2D00;
	s18 =	simm.s32 $0x7800;
	[sflag:s21] =	ssyncadd.s32 $0xFFFFFC00  }
0x12a: {  	[spmem:s3] =	stream.indirect.scatter.add.f32 [tilespmem:s18], [sflag:$0x11], $0x8, s17, s14, $0xb8;
	[tilespmem:$0xA400] =	vst v63  }
0x12b: {  	_ =	swait.ge [sflag:s10], $0x400  }
0x12c: {  	[sflag:s10] =	ssyncset.done $0x0  }
0x12d: {  	s23 =	simm.s32 $0xC;
	[sflag:s10] =	ssyncadd.s32 $0xFFFFFC00  }
0x12e: {  	_ =	swait.ge [sflag:s23], $0x400  }
0x12f: {  	[sflag:s23] =	ssyncset.done $0x0  }
0x130: {  	s19 =	simm.s32 $0x2D80;
	s21 =	simm.s32 $0x7C00;
	[sflag:s23] =	ssyncadd.s32 $0xFFFFFC00  }
0x131: {  	[spmem:s3] =	stream.indirect.scatter.add.f32 [tilespmem:s21], [sflag:$0x11], $0x8, s19, s14, $0xb8;
	[tilespmem:$0xA400] =	vst v63  }
0x132: {  	_ =	swait.ge [sflag:s10], $0x400  }
0x133: {  	[sflag:s10] =	ssyncset.done $0x0  }
0x134: {  	s25 =	simm.s32 $0xD;
	[sflag:s10] =	ssyncadd.s32 $0xFFFFFC00  }
0x135: {  	_ =	swait.ge [sflag:s25], $0x400  }
0x136: {  	[sflag:s25] =	ssyncset.done $0x0  }
0x137: {  	s22 =	simm.s32 $0x2E00;
	s23 =	simm.s32 $0x8000;
	[sflag:s25] =	ssyncadd.s32 $0xFFFFFC00  }
0x138: {  	[spmem:s3] =	stream.indirect.scatter.add.f32 [tilespmem:s23], [sflag:$0x11], $0x8, s22, s14, $0xb8;
	[tilespmem:$0xA400] =	vst v63  }
0x139: {  	_ =	swait.ge [sflag:s10], $0x400  }
0x13a: {  	[sflag:s10] =	ssyncset.done $0x0  }
0x13b: {  	s31 =	simm.s32 $0xE;
	[sflag:s10] =	ssyncadd.s32 $0xFFFFFC00  }
0x13c: {  	_ =	swait.ge [sflag:s31], $0x400  }
0x13d: {  	[sflag:s31] =	ssyncset.done $0x0  }
0x13e: {  	s24 =	simm.s32 $0x2E80;
	s25 =	simm.s32 $0x8400;
	[sflag:s31] =	ssyncadd.s32 $0xFFFFFC00  }
0x13f: {  	[spmem:s3] =	stream.indirect.scatter.add.f32 [tilespmem:s25], [sflag:$0x11], $0x8, s24, s14, $0xb8;
	[tilespmem:$0xA400] =	vst v63  }
0x140: {  	_ =	swait.ge [sflag:s10], $0x400  }
0x141: {  	[sflag:s10] =	ssyncset.done $0x0  }
0x142: {  	s30 =	simm.s32 $0xF;
	[sflag:s10] =	ssyncadd.s32 $0xFFFFFC00  }
0x143: {  	_ =	swait.ge [sflag:s30], $0x400  }
0x144: {  	[sflag:s30] =	ssyncset.done $0x0  }
0x145: {  	s26 =	simm.s32 $0x2F00;
	s28 =	simm.s32 $0x8800;
	[sflag:s30] =	ssyncadd.s32 $0xFFFFFC00  }
0x146: {  	[spmem:s3] =	stream.indirect.scatter.add.f32 [tilespmem:s28], [sflag:$0x11], $0x8, s26, s14, $0xb8;
	[tilespmem:$0xA400] =	vst v63  }
0x147: {  	_ =	swait.ge [sflag:s10], $0x400  }
0x148: {  	[sflag:s10] =	ssyncset.done $0x0  }
0x149: {  	s30 =	simm.s32 $0x10;
	[sflag:s10] =	ssyncadd.s32 $0xFFFFFC00  }
0x14a: {  	_ =	swait.ge [sflag:s30], $0x400  }
0x14b: {  	[sflag:s30] =	ssyncset.done $0x0  }
0x14c: {  	s29 =	simm.s32 $0x8C00;
	s31 =	simm.s32 $0x2F80;
	[sflag:s30] =	ssyncadd.s32 $0xFFFFFC00  }
0x14d: {  	[spmem:s3] =	stream.indirect.scatter.add.f32 [tilespmem:s29], [sflag:$0x11], $0x8, s31, s14, $0xb8;
	[tilespmem:$0xA400] =	vst v63  }
0x14e: {  	_ =	swait.ge [sflag:s10], $0x400  }
0x14f: {  	s20 =	simm.s32 $0x2000;
	s21 =	simm.s32 $0x4000;
	[sflag:s10] =	ssyncset.done $0x0  }
.LBB2_3:
0x150: {  	s22 =	sshra.s32 s20, $0x2;
	[sflag:s10] =	ssyncadd.s32 $0xFFFFFC00  }
0x151: {  	s20 =	smov.u32 s21;
	s23 =	sadd.s32 $0x2000, s21;
	s9 =	simm.s32 $0x5000  }
0x152: {  	[tilespmem:s9], [sflag:$0x1] =	stream.indirect.gather [hbm4b:s5+s14], $0x8, s22, s14, $0xb8;
	[tilespmem:$0xA400] =	vst v63  }
0x153: {  	p1 =	seq.s32 s21, $0x8000;
	s12 =	simm.s32 $0x5400;
	s21 =	sadd.s32 $0x80, s22  }
0x154: {  	[tilespmem:s12], [sflag:$0x2] =	stream.indirect.gather [hbm4b:s5+s14], $0x8, s21, s14, $0xb8;
	[tilespmem:$0xA400] =	vst v63  }
0x155: {  	s13 =	simm.s32 $0x5800;
	s21 =	sadd.s32 $0x100, s22  }
0x156: {  	[tilespmem:s13], [sflag:$0x3] =	stream.indirect.gather [hbm4b:s5+s14], $0x8, s21, s14, $0xb8;
	[tilespmem:$0xA400] =	vst v63  }
0x157: {  	s15 =	simm.s32 $0x5C00;
	s21 =	sadd.s32 $0x180, s22  }
0x158: {  	[tilespmem:s15], [sflag:$0x4] =	stream.indirect.gather [hbm4b:s5+s14], $0x8, s21, s14, $0xb8;
	[tilespmem:$0xA400] =	vst v63  }
0x159: {  	s16 =	simm.s32 $0x6000;
	s21 =	sadd.s32 $0x200, s22  }
0x15a: {  	[tilespmem:s16], [sflag:$0x5] =	stream.indirect.gather [hbm4b:s5+s14], $0x8, s21, s14, $0xb8;
	[tilespmem:$0xA400] =	vst v63  }
0x15b: {  	s17 =	simm.s32 $0x6400;
	s21 =	sadd.s32 $0x280, s22  }
0x15c: {  	[tilespmem:s17], [sflag:$0x6] =	stream.indirect.gather [hbm4b:s5+s14], $0x8, s21, s14, $0xb8;
	[tilespmem:$0xA400] =	vst v63  }
0x15d: {  	s18 =	simm.s32 $0x6800;
	s21 =	sadd.s32 $0x300, s22  }
0x15e: {  	[tilespmem:s18], [sflag:$0x7] =	stream.indirect.gather [hbm4b:s5+s14], $0x8, s21, s14, $0xb8;
	[tilespmem:$0xA400] =	vst v63  }
0x15f: {  	s19 =	simm.s32 $0x6C00;
	s21 =	sadd.s32 $0x380, s22  }
0x160: {  	[tilespmem:s19], [sflag:$0x8] =	stream.indirect.gather [hbm4b:s5+s14], $0x8, s21, s14, $0xb8;
	[tilespmem:$0xA400] =	vst v63  }
0x161: {  	s0 =	simm.s32 $0x7000;
	s21 =	sadd.s32 $0x400, s22  }
0x162: {  	[tilespmem:s0], [sflag:$0x9] =	stream.indirect.gather [hbm4b:s5+s14], $0x8, s21, s14, $0xb8;
	[tilespmem:$0xA400] =	vst v63  }
0x163: {  	s24 =	simm.s32 $0x7400;
	s21 =	sadd.s32 $0x480, s22  }
0x164: {  	[tilespmem:s24], [sflag:$0xA] =	stream.indirect.gather [hbm4b:s5+s14], $0x8, s21, s14, $0xb8;
	[tilespmem:$0xA400] =	vst v63  }
0x165: {  	s25 =	simm.s32 $0x7800;
	s21 =	sadd.s32 $0x500, s22  }
0x166: {  	[tilespmem:s25], [sflag:$0xB] =	stream.indirect.gather [hbm4b:s5+s14], $0x8, s21, s14, $0xb8;
	[tilespmem:$0xA400] =	vst v63  }
0x167: {  	s26 =	simm.s32 $0x7C00;
	s21 =	sadd.s32 $0x580, s22  }
0x168: {  	[tilespmem:s26], [sflag:$0xC] =	stream.indirect.gather [hbm4b:s5+s14], $0x8, s21, s14, $0xb8;
	[tilespmem:$0xA400] =	vst v63  }
0x169: {  	s28 =	simm.s32 $0x8000;
	s21 =	sadd.s32 $0x600, s22  }
0x16a: {  	[tilespmem:s28], [sflag:$0xD] =	stream.indirect.gather [hbm4b:s5+s14], $0x8, s21, s14, $0xb8;
	[tilespmem:$0xA400] =	vst v63  }
0x16b: {  	s29 =	simm.s32 $0x8400;
	s21 =	sadd.s32 $0x680, s22  }
0x16c: {  	[tilespmem:s29], [sflag:$0xE] =	stream.indirect.gather [hbm4b:s5+s14], $0x8, s21, s14, $0xb8;
	[tilespmem:$0xA400] =	vst v63  }
0x16d: {  	s30 =	simm.s32 $0x8800;
	s21 =	sadd.s32 $0x700, s22  }
0x16e: {  	[tilespmem:s30], [sflag:$0xF] =	stream.indirect.gather [hbm4b:s5+s14], $0x8, s21, s14, $0xb8;
	[tilespmem:$0xA400] =	vst v63  }
0x16f: {  	s31 =	simm.s32 $0x8C00;
	s21 =	sadd.s32 $0x780, s22  }
0x170: {  	[tilespmem:s31], [sflag:$0x10] =	stream.indirect.gather [hbm4b:s5+s14], $0x8, s21, s14, $0xb8;
	[tilespmem:$0xA400] =	vst v63  }
0x171: {  	_ =	swait.ge [sflag:s1], $0x400  }
0x172: {  	[sflag:s1] =	ssyncset.done $0x0  }
0x173: {  	s21 =	sadd.s32 $0x2800, s22;
	[sflag:s1] =	ssyncadd.s32 $0xFFFFFC00  }
0x174: {  	[spmem:s3] =	stream.indirect.scatter.add.f32 [tilespmem:s9], [sflag:$0x11], $0x8, s21, s14, $0xb8;
	[tilespmem:$0xA400] =	vst v63  }
0x175: {  	_ =	swait.ge [sflag:s10], $0x400  }
0x176: {  	[sflag:s10] =	ssyncset.done $0x0  }
0x177: {  	[sflag:s10] =	ssyncadd.s32 $0xFFFFFC00  }
0x178: {  	_ =	swait.ge [sflag:s2], $0x400  }
0x179: {  	[sflag:s2] =	ssyncset.done $0x0  }
0x17a: {  	s21 =	sadd.s32 $0x2880, s22;
	[sflag:s2] =	ssyncadd.s32 $0xFFFFFC00  }
0x17b: {  	[spmem:s3] =	stream.indirect.scatter.add.f32 [tilespmem:s12], [sflag:$0x11], $0x8, s21, s14, $0xb8;
	[tilespmem:$0xA400] =	vst v63  }
0x17c: {  	_ =	swait.ge [sflag:s10], $0x400  }
0x17d: {  	[sflag:s10] =	ssyncset.done $0x0  }
0x17e: {  	[sflag:s10] =	ssyncadd.s32 $0xFFFFFC00  }
0x17f: {  	_ =	swait.ge [sflag:s11], $0x400  }
0x180: {  	[sflag:s11] =	ssyncset.done $0x0  }
0x181: {  	s21 =	sadd.s32 $0x2900, s22;
	[sflag:s11] =	ssyncadd.s32 $0xFFFFFC00  }
0x182: {  	[spmem:s3] =	stream.indirect.scatter.add.f32 [tilespmem:s13], [sflag:$0x11], $0x8, s21, s14, $0xb8;
	[tilespmem:$0xA400] =	vst v63  }
0x183: {  	_ =	swait.ge [sflag:s10], $0x400  }
0x184: {  	[sflag:s10] =	ssyncset.done $0x0  }
0x185: {  	[sflag:s10] =	ssyncadd.s32 $0xFFFFFC00  }
0x186: {  	_ =	swait.ge [sflag:s4], $0x400  }
0x187: {  	[sflag:s4] =	ssyncset.done $0x0  }
0x188: {  	s21 =	sadd.s32 $0x2980, s22;
	[sflag:s4] =	ssyncadd.s32 $0xFFFFFC00  }
0x189: {  	[spmem:s3] =	stream.indirect.scatter.add.f32 [tilespmem:s15], [sflag:$0x11], $0x8, s21, s14, $0xb8;
	[tilespmem:$0xA400] =	vst v63  }
0x18a: {  	_ =	swait.ge [sflag:s10], $0x400  }
0x18b: {  	[sflag:s10] =	ssyncset.done $0x0  }
0x18c: {  	[sflag:s10] =	ssyncadd.s32 $0xFFFFFC00  }
0x18d: {  	_ =	swait.ge [sflag:s6], $0x400  }
0x18e: {  	[sflag:s6] =	ssyncset.done $0x0  }
0x18f: {  	s21 =	sadd.s32 $0x2A00, s22;
	[sflag:s6] =	ssyncadd.s32 $0xFFFFFC00  }
0x190: {  	[spmem:s3] =	stream.indirect.scatter.add.f32 [tilespmem:s16], [sflag:$0x11], $0x8, s21, s14, $0xb8;
	[tilespmem:$0xA400] =	vst v63  }
0x191: {  	_ =	swait.ge [sflag:s10], $0x400  }
0x192: {  	[sflag:s10] =	ssyncset.done $0x0  }
0x193: {  	[sflag:s10] =	ssyncadd.s32 $0xFFFFFC00  }
0x194: {  	_ =	swait.ge [sflag:s7], $0x400  }
0x195: {  	[sflag:s7] =	ssyncset.done $0x0  }
0x196: {  	s21 =	sadd.s32 $0x2A80, s22;
	[sflag:s7] =	ssyncadd.s32 $0xFFFFFC00  }
0x197: {  	[spmem:s3] =	stream.indirect.scatter.add.f32 [tilespmem:s17], [sflag:$0x11], $0x8, s21, s14, $0xb8;
	[tilespmem:$0xA400] =	vst v63  }
0x198: {  	_ =	swait.ge [sflag:s10], $0x400  }
0x199: {  	[sflag:s10] =	ssyncset.done $0x0  }
0x19a: {  	[sflag:s10] =	ssyncadd.s32 $0xFFFFFC00  }
0x19b: {  	_ =	swait.ge [sflag:s8], $0x400  }
0x19c: {  	[sflag:s8] =	ssyncset.done $0x0  }
0x19d: {  	s21 =	sadd.s32 $0x2B00, s22;
	[sflag:s8] =	ssyncadd.s32 $0xFFFFFC00  }
0x19e: {  	[spmem:s3] =	stream.indirect.scatter.add.f32 [tilespmem:s18], [sflag:$0x11], $0x8, s21, s14, $0xb8;
	[tilespmem:$0xA400] =	vst v63  }
0x19f: {  	_ =	swait.ge [sflag:s10], $0x400  }
0x1a0: {  	[sflag:s10] =	ssyncset.done $0x0  }
0x1a1: {  	s9 =	simm.s32 $0x8;
	[sflag:s10] =	ssyncadd.s32 $0xFFFFFC00  }
0x1a2: {  	_ =	swait.ge [sflag:s9], $0x400  }
0x1a3: {  	[sflag:s9] =	ssyncset.done $0x0  }
0x1a4: {  	s21 =	sadd.s32 $0x2B80, s22;
	[sflag:s9] =	ssyncadd.s32 $0xFFFFFC00  }
0x1a5: {  	[spmem:s3] =	stream.indirect.scatter.add.f32 [tilespmem:s19], [sflag:$0x11], $0x8, s21, s14, $0xb8;
	[tilespmem:$0xA400] =	vst v63  }
0x1a6: {  	_ =	swait.ge [sflag:s10], $0x400  }
0x1a7: {  	[sflag:s10] =	ssyncset.done $0x0  }
0x1a8: {  	s12 =	simm.s32 $0x9;
	[sflag:s10] =	ssyncadd.s32 $0xFFFFFC00  }
0x1a9: {  	_ =	swait.ge [sflag:s12], $0x400  }
0x1aa: {  	[sflag:s12] =	ssyncset.done $0x0  }
0x1ab: {  	s21 =	sadd.s32 $0x2C00, s22;
	[sflag:s12] =	ssyncadd.s32 $0xFFFFFC00  }
0x1ac: {  	[spmem:s3] =	stream.indirect.scatter.add.f32 [tilespmem:s0], [sflag:$0x11], $0x8, s21, s14, $0xb8;
	[tilespmem:$0xA400] =	vst v63  }
0x1ad: {  	_ =	swait.ge [sflag:s10], $0x400  }
0x1ae: {  	[sflag:s10] =	ssyncset.done $0x0  }
0x1af: {  	s0 =	simm.s32 $0xA;
	[sflag:s10] =	ssyncadd.s32 $0xFFFFFC00  }
0x1b0: {  	_ =	swait.ge [sflag:s0], $0x400  }
0x1b1: {  	[sflag:s0] =	ssyncset.done $0x0  }
0x1b2: {  	s21 =	sadd.s32 $0x2C80, s22;
	[sflag:s0] =	ssyncadd.s32 $0xFFFFFC00  }
0x1b3: {  	[spmem:s3] =	stream.indirect.scatter.add.f32 [tilespmem:s24], [sflag:$0x11], $0x8, s21, s14, $0xb8;
	[tilespmem:$0xA400] =	vst v63  }
0x1b4: {  	_ =	swait.ge [sflag:s10], $0x400  }
0x1b5: {  	[sflag:s10] =	ssyncset.done $0x0  }
0x1b6: {  	s0 =	simm.s32 $0xB;
	[sflag:s10] =	ssyncadd.s32 $0xFFFFFC00  }
0x1b7: {  	_ =	swait.ge [sflag:s0], $0x400  }
0x1b8: {  	[sflag:s0] =	ssyncset.done $0x0  }
0x1b9: {  	s21 =	sadd.s32 $0x2D00, s22;
	[sflag:s0] =	ssyncadd.s32 $0xFFFFFC00  }
0x1ba: {  	[spmem:s3] =	stream.indirect.scatter.add.f32 [tilespmem:s25], [sflag:$0x11], $0x8, s21, s14, $0xb8;
	[tilespmem:$0xA400] =	vst v63  }
0x1bb: {  	_ =	swait.ge [sflag:s10], $0x400  }
0x1bc: {  	[sflag:s10] =	ssyncset.done $0x0  }
0x1bd: {  	s0 =	simm.s32 $0xC;
	[sflag:s10] =	ssyncadd.s32 $0xFFFFFC00  }
0x1be: {  	_ =	swait.ge [sflag:s0], $0x400  }
0x1bf: {  	[sflag:s0] =	ssyncset.done $0x0  }
0x1c0: {  	s21 =	sadd.s32 $0x2D80, s22;
	[sflag:s0] =	ssyncadd.s32 $0xFFFFFC00  }
0x1c1: {  	[spmem:s3] =	stream.indirect.scatter.add.f32 [tilespmem:s26], [sflag:$0x11], $0x8, s21, s14, $0xb8;
	[tilespmem:$0xA400] =	vst v63  }
0x1c2: {  	_ =	swait.ge [sflag:s10], $0x400  }
0x1c3: {  	[sflag:s10] =	ssyncset.done $0x0  }
0x1c4: {  	s0 =	simm.s32 $0xD;
	[sflag:s10] =	ssyncadd.s32 $0xFFFFFC00  }
0x1c5: {  	_ =	swait.ge [sflag:s0], $0x400  }
0x1c6: {  	[sflag:s0] =	ssyncset.done $0x0  }
0x1c7: {  	s21 =	sadd.s32 $0x2E00, s22;
	[sflag:s0] =	ssyncadd.s32 $0xFFFFFC00  }
0x1c8: {  	[spmem:s3] =	stream.indirect.scatter.add.f32 [tilespmem:s28], [sflag:$0x11], $0x8, s21, s14, $0xb8;
	[tilespmem:$0xA400] =	vst v63  }
0x1c9: {  	_ =	swait.ge [sflag:s10], $0x400  }
0x1ca: {  	[sflag:s10] =	ssyncset.done $0x0  }
0x1cb: {  	s0 =	simm.s32 $0xE;
	[sflag:s10] =	ssyncadd.s32 $0xFFFFFC00  }
0x1cc: {  	_ =	swait.ge [sflag:s0], $0x400  }
0x1cd: {  	[sflag:s0] =	ssyncset.done $0x0  }
0x1ce: {  	s21 =	sadd.s32 $0x2E80, s22;
	[sflag:s0] =	ssyncadd.s32 $0xFFFFFC00  }
0x1cf: {  	[spmem:s3] =	stream.indirect.scatter.add.f32 [tilespmem:s29], [sflag:$0x11], $0x8, s21, s14, $0xb8;
	[tilespmem:$0xA400] =	vst v63  }
0x1d0: {  	_ =	swait.ge [sflag:s10], $0x400  }
0x1d1: {  	[sflag:s10] =	ssyncset.done $0x0  }
0x1d2: {  	s0 =	simm.s32 $0xF;
	[sflag:s10] =	ssyncadd.s32 $0xFFFFFC00  }
0x1d3: {  	_ =	swait.ge [sflag:s0], $0x400  }
0x1d4: {  	[sflag:s0] =	ssyncset.done $0x0  }
0x1d5: {  	s21 =	sadd.s32 $0x2F00, s22;
	[sflag:s0] =	ssyncadd.s32 $0xFFFFFC00  }
0x1d6: {  	[spmem:s3] =	stream.indirect.scatter.add.f32 [tilespmem:s30], [sflag:$0x11], $0x8, s21, s14, $0xb8;
	[tilespmem:$0xA400] =	vst v63  }
0x1d7: {  	_ =	swait.ge [sflag:s10], $0x400  }
0x1d8: {  	[sflag:s10] =	ssyncset.done $0x0  }
0x1d9: {  	s0 =	simm.s32 $0x10;
	[sflag:s10] =	ssyncadd.s32 $0xFFFFFC00  }
0x1da: {  	_ =	swait.ge [sflag:s0], $0x400  }
.Ltmp3:
0x1db: {  	[sflag:s0] =	ssyncset.done $0x0;
	(pc) =	sbr.rel @!p1 .LBB2_3-.Ltmp3, $4  }
0x1dc: {  	s21 =	sadd.s32 $0x2F80, s22;
	[sflag:s0] =	ssyncadd.s32 $0xFFFFFC00  }
0x1dd: {  	[spmem:s3] =	stream.indirect.scatter.add.f32 [tilespmem:s31], [sflag:$0x11], $0x8, s21, s14, $0xb8;
	[tilespmem:$0xA400] =	vst v63  }
0x1de: {  	_ =	swait.ge [sflag:s10], $0x400  }
0x1df: {  	s21 =	smov.u32 s23;
	[sflag:s10] =	ssyncset.done $0x0  }
0x1e0: {  	s20 =	sshra.s32 s20, $0x2;
	[sflag:s10] =	ssyncadd.s32 $0xFFFFFC00;
	s9 =	simm.s32 $0x5000  }
0x1e1: {  	[tilespmem:s9], [sflag:$0x1] =	stream.indirect.gather [hbm4b:s5+s14], $0x8, s20, s14, $0xb8;
	[tilespmem:$0xA400] =	vst v63  }
0x1e2: {  	s12 =	simm.s32 $0x5400;
	s21 =	sadd.s32 $0x80, s20  }
0x1e3: {  	[tilespmem:s12], [sflag:$0x2] =	stream.indirect.gather [hbm4b:s5+s14], $0x8, s21, s14, $0xb8;
	[tilespmem:$0xA400] =	vst v63  }
0x1e4: {  	s13 =	simm.s32 $0x5800;
	s16 =	sadd.s32 $0x100, s20  }
0x1e5: {  	[tilespmem:s13], [sflag:$0x3] =	stream.indirect.gather [hbm4b:s5+s14], $0x8, s16, s14, $0xb8;
	[tilespmem:$0xA400] =	vst v63  }
0x1e6: {  	s15 =	simm.s32 $0x5C00;
	s17 =	sadd.s32 $0x180, s20  }
0x1e7: {  	[tilespmem:s15], [sflag:$0x4] =	stream.indirect.gather [hbm4b:s5+s14], $0x8, s17, s14, $0xb8;
	[tilespmem:$0xA400] =	vst v63  }
0x1e8: {  	s18 =	sadd.s32 $0x200, s20;
	s16 =	simm.s32 $0x6000  }
0x1e9: {  	[tilespmem:s16], [sflag:$0x5] =	stream.indirect.gather [hbm4b:s5+s14], $0x8, s18, s14, $0xb8;
	[tilespmem:$0xA400] =	vst v63  }
0x1ea: {  	s19 =	sadd.s32 $0x280, s20;
	s17 =	simm.s32 $0x6400  }
0x1eb: {  	[tilespmem:s17], [sflag:$0x6] =	stream.indirect.gather [hbm4b:s5+s14], $0x8, s19, s14, $0xb8;
	[tilespmem:$0xA400] =	vst v63  }
0x1ec: {  	s22 =	sadd.s32 $0x300, s20;
	s18 =	simm.s32 $0x6800  }
0x1ed: {  	[tilespmem:s18], [sflag:$0x7] =	stream.indirect.gather [hbm4b:s5+s14], $0x8, s22, s14, $0xb8;
	[tilespmem:$0xA400] =	vst v63  }
0x1ee: {  	s23 =	sadd.s32 $0x380, s20;
	s19 =	simm.s32 $0x6C00  }
0x1ef: {  	[tilespmem:s19], [sflag:$0x8] =	stream.indirect.gather [hbm4b:s5+s14], $0x8, s23, s14, $0xb8;
	[tilespmem:$0xA400] =	vst v63  }
0x1f0: {  	s0 =	simm.s32 $0x7000;
	s24 =	sadd.s32 $0x400, s20  }
0x1f1: {  	[tilespmem:s0], [sflag:$0x9] =	stream.indirect.gather [hbm4b:s5+s14], $0x8, s24, s14, $0xb8;
	[tilespmem:$0xA400] =	vst v63  }
0x1f2: {  	s25 =	sadd.s32 $0x480, s20;
	s24 =	simm.s32 $0x7400  }
0x1f3: {  	[tilespmem:s24], [sflag:$0xA] =	stream.indirect.gather [hbm4b:s5+s14], $0x8, s25, s14, $0xb8;
	[tilespmem:$0xA400] =	vst v63  }
0x1f4: {  	s26 =	sadd.s32 $0x500, s20;
	s25 =	simm.s32 $0x7800  }
0x1f5: {  	[tilespmem:s25], [sflag:$0xB] =	stream.indirect.gather [hbm4b:s5+s14], $0x8, s26, s14, $0xb8;
	[tilespmem:$0xA400] =	vst v63  }
0x1f6: {  	s28 =	sadd.s32 $0x580, s20;
	s26 =	simm.s32 $0x7C00  }
0x1f7: {  	[tilespmem:s26], [sflag:$0xC] =	stream.indirect.gather [hbm4b:s5+s14], $0x8, s28, s14, $0xb8;
	[tilespmem:$0xA400] =	vst v63  }
0x1f8: {  	s22 =	sadd.s32 $0x600, s20;
	s28 =	simm.s32 $0x8000  }
0x1f9: {  	[tilespmem:s28], [sflag:$0xD] =	stream.indirect.gather [hbm4b:s5+s14], $0x8, s22, s14, $0xb8;
	[tilespmem:$0xA400] =	vst v63  }
0x1fa: {  	s29 =	simm.s32 $0x8400;
	s23 =	sadd.s32 $0x680, s20  }
0x1fb: {  	[tilespmem:s29], [sflag:$0xE] =	stream.indirect.gather [hbm4b:s5+s14], $0x8, s23, s14, $0xb8;
	[tilespmem:$0xA400] =	vst v63  }
0x1fc: {  	s22 =	sadd.s32 $0x700, s20;
	s23 =	simm.s32 $0x8800  }
0x1fd: {  	[tilespmem:s23], [sflag:$0xF] =	stream.indirect.gather [hbm4b:s5+s14], $0x8, s22, s14, $0xb8;
	[tilespmem:$0xA400] =	vst v63  }
0x1fe: {  	s21 =	sadd.s32 $0x780, s20;
	s22 =	simm.s32 $0x8C00  }
0x1ff: {  	[tilespmem:s22], [sflag:$0x10] =	stream.indirect.gather [hbm4b:s5+s14], $0x8, s21, s14, $0xb8;
	[tilespmem:$0xA400] =	vst v63  }
0x200: {  	_ =	swait.ge [sflag:s1], $0x400  }
0x201: {  	[sflag:s1] =	ssyncset.done $0x0  }
0x202: {  	[sflag:s1] =	ssyncadd.s32 $0xFFFFFC00;
	s1 =	sadd.s32 $0x2800, s20  }
0x203: {  	[spmem:s3] =	stream.indirect.scatter.add.f32 [tilespmem:s9], [sflag:$0x11], $0x8, s1, s14, $0xb8;
	[tilespmem:$0xA400] =	vst v63  }
0x204: {  	_ =	swait.ge [sflag:s10], $0x400  }
0x205: {  	[sflag:s10] =	ssyncset.done $0x0  }
0x206: {  	[sflag:s10] =	ssyncadd.s32 $0xFFFFFC00  }
0x207: {  	_ =	swait.ge [sflag:s2], $0x400  }
0x208: {  	[sflag:s2] =	ssyncset.done $0x0  }
0x209: {  	s9 =	sadd.s32 $0x2880, s20;
	[sflag:s2] =	ssyncadd.s32 $0xFFFFFC00  }
0x20a: {  	[spmem:s3] =	stream.indirect.scatter.add.f32 [tilespmem:s12], [sflag:$0x11], $0x8, s9, s14, $0xb8;
	[tilespmem:$0xA400] =	vst v63  }
0x20b: {  	_ =	swait.ge [sflag:s10], $0x400  }
0x20c: {  	[sflag:s10] =	ssyncset.done $0x0  }
0x20d: {  	[sflag:s10] =	ssyncadd.s32 $0xFFFFFC00  }
0x20e: {  	_ =	swait.ge [sflag:s11], $0x400  }
0x20f: {  	[sflag:s11] =	ssyncset.done $0x0  }
0x210: {  	s12 =	sadd.s32 $0x2900, s20;
	[sflag:s11] =	ssyncadd.s32 $0xFFFFFC00  }
0x211: {  	[spmem:s3] =	stream.indirect.scatter.add.f32 [tilespmem:s13], [sflag:$0x11], $0x8, s12, s14, $0xb8;
	[tilespmem:$0xA400] =	vst v63  }
0x212: {  	_ =	swait.ge [sflag:s10], $0x400  }
0x213: {  	[sflag:s10] =	ssyncset.done $0x0  }
0x214: {  	[sflag:s10] =	ssyncadd.s32 $0xFFFFFC00  }
0x215: {  	_ =	swait.ge [sflag:s4], $0x400  }
0x216: {  	[sflag:s4] =	ssyncset.done $0x0  }
0x217: {  	s13 =	sadd.s32 $0x2980, s20;
	[sflag:s4] =	ssyncadd.s32 $0xFFFFFC00  }
0x218: {  	[spmem:s3] =	stream.indirect.scatter.add.f32 [tilespmem:s15], [sflag:$0x11], $0x8, s13, s14, $0xb8;
	[tilespmem:$0xA400] =	vst v63  }
0x219: {  	_ =	swait.ge [sflag:s10], $0x400  }
0x21a: {  	[sflag:s10] =	ssyncset.done $0x0  }
0x21b: {  	[sflag:s10] =	ssyncadd.s32 $0xFFFFFC00  }
0x21c: {  	_ =	swait.ge [sflag:s6], $0x400  }
0x21d: {  	[sflag:s6] =	ssyncset.done $0x0  }
0x21e: {  	s1 =	sadd.s32 $0x2A00, s20;
	[sflag:s6] =	ssyncadd.s32 $0xFFFFFC00  }
0x21f: {  	[spmem:s3] =	stream.indirect.scatter.add.f32 [tilespmem:s16], [sflag:$0x11], $0x8, s1, s14, $0xb8;
	[tilespmem:$0xA400] =	vst v63  }
0x220: {  	_ =	swait.ge [sflag:s10], $0x400  }
0x221: {  	[sflag:s10] =	ssyncset.done $0x0  }
0x222: {  	[sflag:s10] =	ssyncadd.s32 $0xFFFFFC00  }
0x223: {  	_ =	swait.ge [sflag:s7], $0x400  }
0x224: {  	[sflag:s7] =	ssyncset.done $0x0  }
0x225: {  	s2 =	sadd.s32 $0x2A80, s20;
	[sflag:s7] =	ssyncadd.s32 $0xFFFFFC00  }
0x226: {  	[spmem:s3] =	stream.indirect.scatter.add.f32 [tilespmem:s17], [sflag:$0x11], $0x8, s2, s14, $0xb8;
	[tilespmem:$0xA400] =	vst v63  }
0x227: {  	_ =	swait.ge [sflag:s10], $0x400  }
0x228: {  	[sflag:s10] =	ssyncset.done $0x0  }
0x229: {  	[sflag:s10] =	ssyncadd.s32 $0xFFFFFC00  }
0x22a: {  	_ =	swait.ge [sflag:s8], $0x400  }
0x22b: {  	[sflag:s8] =	ssyncset.done $0x0  }
0x22c: {  	s4 =	sadd.s32 $0x2B00, s20;
	[sflag:s8] =	ssyncadd.s32 $0xFFFFFC00  }
0x22d: {  	[spmem:s3] =	stream.indirect.scatter.add.f32 [tilespmem:s18], [sflag:$0x11], $0x8, s4, s14, $0xb8;
	[tilespmem:$0xA400] =	vst v63  }
0x22e: {  	_ =	swait.ge [sflag:s10], $0x400  }
0x22f: {  	[sflag:s10] =	ssyncset.done $0x0  }
0x230: {  	s6 =	simm.s32 $0x8;
	[sflag:s10] =	ssyncadd.s32 $0xFFFFFC00  }
0x231: {  	_ =	swait.ge [sflag:s6], $0x400  }
0x232: {  	[sflag:s6] =	ssyncset.done $0x0  }
0x233: {  	s7 =	sadd.s32 $0x2B80, s20;
	[sflag:s6] =	ssyncadd.s32 $0xFFFFFC00  }
0x234: {  	[spmem:s3] =	stream.indirect.scatter.add.f32 [tilespmem:s19], [sflag:$0x11], $0x8, s7, s14, $0xb8;
	[tilespmem:$0xA400] =	vst v63  }
0x235: {  	_ =	swait.ge [sflag:s10], $0x400  }
0x236: {  	[sflag:s10] =	ssyncset.done $0x0  }
0x237: {  	s8 =	simm.s32 $0x9;
	[sflag:s10] =	ssyncadd.s32 $0xFFFFFC00  }
0x238: {  	_ =	swait.ge [sflag:s8], $0x400  }
0x239: {  	[sflag:s8] =	ssyncset.done $0x0  }
0x23a: {  	s9 =	sadd.s32 $0x2C00, s20;
	[sflag:s8] =	ssyncadd.s32 $0xFFFFFC00  }
0x23b: {  	[spmem:s3] =	stream.indirect.scatter.add.f32 [tilespmem:s0], [sflag:$0x11], $0x8, s9, s14, $0xb8;
	[tilespmem:$0xA400] =	vst v63  }
0x23c: {  	_ =	swait.ge [sflag:s10], $0x400  }
0x23d: {  	[sflag:s10] =	ssyncset.done $0x0  }
0x23e: {  	s11 =	simm.s32 $0xA;
	[sflag:s10] =	ssyncadd.s32 $0xFFFFFC00  }
0x23f: {  	_ =	swait.ge [sflag:s11], $0x400  }
0x240: {  	[sflag:s11] =	ssyncset.done $0x0  }
0x241: {  	s12 =	sadd.s32 $0x2C80, s20;
	[sflag:s11] =	ssyncadd.s32 $0xFFFFFC00  }
0x242: {  	[spmem:s3] =	stream.indirect.scatter.add.f32 [tilespmem:s24], [sflag:$0x11], $0x8, s12, s14, $0xb8;
	[tilespmem:$0xA400] =	vst v63  }
0x243: {  	_ =	swait.ge [sflag:s10], $0x400  }
0x244: {  	[sflag:s10] =	ssyncset.done $0x0  }
0x245: {  	s13 =	simm.s32 $0xB;
	[sflag:s10] =	ssyncadd.s32 $0xFFFFFC00  }
0x246: {  	_ =	swait.ge [sflag:s13], $0x400  }
0x247: {  	[sflag:s13] =	ssyncset.done $0x0  }
0x248: {  	s15 =	sadd.s32 $0x2D00, s20;
	[sflag:s13] =	ssyncadd.s32 $0xFFFFFC00  }
0x249: {  	[spmem:s3] =	stream.indirect.scatter.add.f32 [tilespmem:s25], [sflag:$0x11], $0x8, s15, s14, $0xb8;
	[tilespmem:$0xA400] =	vst v63  }
0x24a: {  	_ =	swait.ge [sflag:s10], $0x400  }
0x24b: {  	[sflag:s10] =	ssyncset.done $0x0  }
0x24c: {  	s16 =	simm.s32 $0xC;
	[sflag:s10] =	ssyncadd.s32 $0xFFFFFC00  }
0x24d: {  	_ =	swait.ge [sflag:s16], $0x400  }
0x24e: {  	[sflag:s16] =	ssyncset.done $0x0  }
0x24f: {  	s17 =	sadd.s32 $0x2D80, s20;
	[sflag:s16] =	ssyncadd.s32 $0xFFFFFC00  }
0x250: {  	[spmem:s3] =	stream.indirect.scatter.add.f32 [tilespmem:s26], [sflag:$0x11], $0x8, s17, s14, $0xb8;
	[tilespmem:$0xA400] =	vst v63  }
0x251: {  	_ =	swait.ge [sflag:s10], $0x400  }
0x252: {  	[sflag:s10] =	ssyncset.done $0x0  }
0x253: {  	s18 =	simm.s32 $0xD;
	[sflag:s10] =	ssyncadd.s32 $0xFFFFFC00  }
0x254: {  	_ =	swait.ge [sflag:s18], $0x400  }
0x255: {  	[sflag:s18] =	ssyncset.done $0x0  }
0x256: {  	s19 =	sadd.s32 $0x2E00, s20;
	[sflag:s18] =	ssyncadd.s32 $0xFFFFFC00  }
0x257: {  	[spmem:s3] =	stream.indirect.scatter.add.f32 [tilespmem:s28], [sflag:$0x11], $0x8, s19, s14, $0xb8;
	[tilespmem:$0xA400] =	vst v63  }
0x258: {  	_ =	swait.ge [sflag:s10], $0x400  }
0x259: {  	[sflag:s10] =	ssyncset.done $0x0  }
0x25a: {  	s21 =	simm.s32 $0xE;
	[sflag:s10] =	ssyncadd.s32 $0xFFFFFC00  }
0x25b: {  	_ =	swait.ge [sflag:s21], $0x400  }
0x25c: {  	[sflag:s21] =	ssyncset.done $0x0  }
0x25d: {  	s24 =	sadd.s32 $0x2E80, s20;
	[sflag:s21] =	ssyncadd.s32 $0xFFFFFC00  }
0x25e: {  	[spmem:s3] =	stream.indirect.scatter.add.f32 [tilespmem:s29], [sflag:$0x11], $0x8, s24, s14, $0xb8;
	[tilespmem:$0xA400] =	vst v63  }
0x25f: {  	_ =	swait.ge [sflag:s10], $0x400  }
0x260: {  	[sflag:s10] =	ssyncset.done $0x0  }
0x261: {  	s25 =	simm.s32 $0xF;
	[sflag:s10] =	ssyncadd.s32 $0xFFFFFC00  }
0x262: {  	_ =	swait.ge [sflag:s25], $0x400  }
0x263: {  	[sflag:s25] =	ssyncset.done $0x0  }
0x264: {  	s26 =	sadd.s32 $0x2F00, s20;
	[sflag:s25] =	ssyncadd.s32 $0xFFFFFC00  }
0x265: {  	[spmem:s3] =	stream.indirect.scatter.add.f32 [tilespmem:s23], [sflag:$0x11], $0x8, s26, s14, $0xb8;
	[tilespmem:$0xA400] =	vst v63  }
0x266: {  	_ =	swait.ge [sflag:s10], $0x400  }
0x267: {  	[sflag:s10] =	ssyncset.done $0x0  }
0x268: {  	s30 =	simm.s32 $0x2;
	s28 =	simm.s32 $0x10;
	[sflag:s10] =	ssyncadd.s32 $0xFFFFFC00  }
0x269: {  	s31 =	simm.s32 $0x3;
	s12 =	simm.s32 $0xA;
	_ =	swait.ge [sflag:s28], $0x400  }
0x26a: {  	s13 =	simm.s32 $0xB;
	s15 =	simm.s32 $0xC;
	[sflag:s28] =	ssyncset.done $0x0  }
.Ltmp4:
0x26b: {  	s20 =	sadd.s32 $0x2F80, s20;
	[sflag:s28] =	ssyncadd.s32 $0xFFFFFC00;
	(pc) =	sbr.rel .LBB2_8-.Ltmp4, $4  }
0x26c: {  	[spmem:s3] =	stream.indirect.scatter.add.f32 [tilespmem:s22], [sflag:$0x11], $0x8, s20, s14, $0xb8;
	[tilespmem:$0xA400] =	vst v63  }
0x26d: {  	s16 =	simm.s32 $0xD;
	s17 =	simm.s32 $0xE;
	_ =	swait.ge [sflag:s10], $0x400  }
0x26e: {  	s18 =	simm.s32 $0xF;
	s19 =	simm.s32 $0x10;
	[sflag:s10] =	ssyncset.done $0x0  }
0x26f: {  	s29 =	simm.s32 $0x1;
	s22 =	rddreg [dreg:$0xa];
	[sflag:s10] =	ssyncadd.s32 $0xFFFFFC00  }
.LBB2_5:
0x270: {  	[tilespmem:s9], [sflag:$0x1] =	stream.indirect.gather [hbm4b:s5+s14], $0x8, s20, s14, $0xb8;
	[tilespmem:$0xA400] =	vst v63  }
0x271: {  	s11 =	simm.s32 $0x80;
	s8 =	simm.s32 $0x5400  }
0x272: {  	[tilespmem:s8], [sflag:$0x2] =	stream.indirect.gather [hbm4b:s5+s14], $0x8, s11, s14, $0xb8;
	[tilespmem:$0xA400] =	vst v63  }
0x273: {  	s21 =	simm.s32 $0x100;
	s7 =	simm.s32 $0x5800  }
0x274: {  	[tilespmem:s7], [sflag:$0x3] =	stream.indirect.gather [hbm4b:s5+s14], $0x8, s21, s14, $0xb8;
	[tilespmem:$0xA400] =	vst v63  }
0x275: {  	s22 =	simm.s32 $0x180;
	s6 =	simm.s32 $0x5C00  }
0x276: {  	[tilespmem:s6], [sflag:$0x4] =	stream.indirect.gather [hbm4b:s5+s14], $0x8, s22, s14, $0xb8;
	[tilespmem:$0xA400] =	vst v63  }
0x277: {  	s23 =	simm.s32 $0x200;
	s22 =	simm.s32 $0x6000  }
0x278: {  	[tilespmem:s22], [sflag:$0x5] =	stream.indirect.gather [hbm4b:s5+s14], $0x8, s23, s14, $0xb8;
	[tilespmem:$0xA400] =	vst v63  }
0x279: {  	s24 =	simm.s32 $0x280;
	s23 =	simm.s32 $0x6400  }
0x27a: {  	[tilespmem:s23], [sflag:$0x6] =	stream.indirect.gather [hbm4b:s5+s14], $0x8, s24, s14, $0xb8;
	[tilespmem:$0xA400] =	vst v63  }
0x27b: {  	s25 =	simm.s32 $0x300;
	s24 =	simm.s32 $0x6800  }
0x27c: {  	[tilespmem:s24], [sflag:$0x7] =	stream.indirect.gather [hbm4b:s5+s14], $0x8, s25, s14, $0xb8;
	[tilespmem:$0xA400] =	vst v63  }
0x27d: {  	s26 =	simm.s32 $0x380;
	s25 =	simm.s32 $0x6C00  }
0x27e: {  	[tilespmem:s25], [sflag:$0x8] =	stream.indirect.gather [hbm4b:s5+s14], $0x8, s26, s14, $0xb8;
	[tilespmem:$0xA400] =	vst v63  }
0x27f: {  	s28 =	simm.s32 $0x400;
	s26 =	simm.s32 $0x7000  }
0x280: {  	[tilespmem:s26], [sflag:$0x9] =	stream.indirect.gather [hbm4b:s5+s14], $0x8, s28, s14, $0xb8;
	[tilespmem:$0xA400] =	vst v63  }
0x281: {  	s20 =	simm.s32 $0x480;
	s28 =	simm.s32 $0x7400  }
0x282: {  	[tilespmem:s28], [sflag:$0xA] =	stream.indirect.gather [hbm4b:s5+s14], $0x8, s20, s14, $0xb8;
	[tilespmem:$0xA400] =	vst v63  }
0x283: {  	s20 =	simm.s32 $0x500;
	s28 =	simm.s32 $0x7800  }
0x284: {  	[tilespmem:s28], [sflag:$0xB] =	stream.indirect.gather [hbm4b:s5+s14], $0x8, s20, s14, $0xb8;
	[tilespmem:$0xA400] =	vst v63  }
0x285: {  	s20 =	simm.s32 $0x580;
	s28 =	simm.s32 $0x7C00  }
0x286: {  	[tilespmem:s28], [sflag:$0xC] =	stream.indirect.gather [hbm4b:s5+s14], $0x8, s20, s14, $0xb8;
	[tilespmem:$0xA400] =	vst v63  }
0x287: {  	s20 =	simm.s32 $0x600;
	s28 =	simm.s32 $0x8000  }
0x288: {  	[tilespmem:s28], [sflag:$0xD] =	stream.indirect.gather [hbm4b:s5+s14], $0x8, s20, s14, $0xb8;
	[tilespmem:$0xA400] =	vst v63  }
0x289: {  	s20 =	simm.s32 $0x680;
	s28 =	simm.s32 $0x8400  }
0x28a: {  	[tilespmem:s28], [sflag:$0xE] =	stream.indirect.gather [hbm4b:s5+s14], $0x8, s20, s14, $0xb8;
	[tilespmem:$0xA400] =	vst v63  }
0x28b: {  	s20 =	simm.s32 $0x700;
	s28 =	simm.s32 $0x8800  }
0x28c: {  	[tilespmem:s28], [sflag:$0xF] =	stream.indirect.gather [hbm4b:s5+s14], $0x8, s20, s14, $0xb8;
	[tilespmem:$0xA400] =	vst v63  }
0x28d: {  	s20 =	simm.s32 $0x780;
	s28 =	simm.s32 $0x8C00  }
0x28e: {  	[tilespmem:s28], [sflag:$0x10] =	stream.indirect.gather [hbm4b:s5+s14], $0x8, s20, s14, $0xb8;
	[tilespmem:$0xA400] =	vst v63  }
0x28f: {  	_ =	swait.ge [sflag:s29], $0x400  }
0x290: {  	[sflag:s29] =	ssyncset.done $0x0  }
0x291: {  	[sflag:s29] =	ssyncadd.s32 $0xFFFFFC00;
	s29 =	simm.s32 $0x2800  }
0x292: {  	[spmem:s3] =	stream.indirect.scatter.add.f32 [tilespmem:s9], [sflag:$0x11], $0x8, s29, s14, $0xb8;
	[tilespmem:$0xA400] =	vst v63  }
0x293: {  	_ =	swait.ge [sflag:s10], $0x400  }
0x294: {  	[sflag:s10] =	ssyncset.done $0x0  }
0x295: {  	[sflag:s10] =	ssyncadd.s32 $0xFFFFFC00  }
0x296: {  	_ =	swait.ge [sflag:s30], $0x400  }
0x297: {  	[sflag:s30] =	ssyncset.done $0x0  }
0x298: {  	s29 =	simm.s32 $0x2880;
	[sflag:s30] =	ssyncadd.s32 $0xFFFFFC00  }
0x299: {  	[spmem:s3] =	stream.indirect.scatter.add.f32 [tilespmem:s8], [sflag:$0x11], $0x8, s29, s14, $0xb8;
	[tilespmem:$0xA400] =	vst v63  }
0x29a: {  	_ =	swait.ge [sflag:s10], $0x400  }
0x29b: {  	[sflag:s10] =	ssyncset.done $0x0  }
0x29c: {  	[sflag:s10] =	ssyncadd.s32 $0xFFFFFC00  }
0x29d: {  	_ =	swait.ge [sflag:s31], $0x400  }
0x29e: {  	[sflag:s31] =	ssyncset.done $0x0  }
0x29f: {  	s30 =	simm.s32 $0x2900;
	[sflag:s31] =	ssyncadd.s32 $0xFFFFFC00  }
0x2a0: {  	[spmem:s3] =	stream.indirect.scatter.add.f32 [tilespmem:s7], [sflag:$0x11], $0x8, s30, s14, $0xb8;
	[tilespmem:$0xA400] =	vst v63  }
0x2a1: {  	_ =	swait.ge [sflag:s10], $0x400  }
0x2a2: {  	[sflag:s10] =	ssyncset.done $0x0  }
0x2a3: {  	s0 =	simm.s32 $0x4;
	[sflag:s10] =	ssyncadd.s32 $0xFFFFFC00  }
0x2a4: {  	_ =	swait.ge [sflag:s0], $0x400  }
0x2a5: {  	[sflag:s0] =	ssyncset.done $0x0  }
0x2a6: {  	s31 =	simm.s32 $0x2980;
	[sflag:s0] =	ssyncadd.s32 $0xFFFFFC00  }
0x2a7: {  	[spmem:s3] =	stream.indirect.scatter.add.f32 [tilespmem:s6], [sflag:$0x11], $0x8, s31, s14, $0xb8;
	[tilespmem:$0xA400] =	vst v63  }
0x2a8: {  	_ =	swait.ge [sflag:s10], $0x400  }
0x2a9: {  	[sflag:s10] =	ssyncset.done $0x0  }
0x2aa: {  	s1 =	simm.s32 $0x5;
	[sflag:s10] =	ssyncadd.s32 $0xFFFFFC00  }
0x2ab: {  	_ =	swait.ge [sflag:s1], $0x400  }
0x2ac: {  	[sflag:s1] =	ssyncset.done $0x0  }
0x2ad: {  	s0 =	simm.s32 $0x2A00;
	[sflag:s1] =	ssyncadd.s32 $0xFFFFFC00  }
0x2ae: {  	[spmem:s3] =	stream.indirect.scatter.add.f32 [tilespmem:s22], [sflag:$0x11], $0x8, s0, s14, $0xb8;
	[tilespmem:$0xA400] =	vst v63  }
0x2af: {  	_ =	swait.ge [sflag:s10], $0x400  }
0x2b0: {  	[sflag:s10] =	ssyncset.done $0x0  }
0x2b1: {  	s2 =	simm.s32 $0x6;
	[sflag:s10] =	ssyncadd.s32 $0xFFFFFC00  }
0x2b2: {  	_ =	swait.ge [sflag:s2], $0x400  }
0x2b3: {  	[sflag:s2] =	ssyncset.done $0x0  }
0x2b4: {  	s1 =	simm.s32 $0x2A80;
	[sflag:s2] =	ssyncadd.s32 $0xFFFFFC00  }
0x2b5: {  	[spmem:s3] =	stream.indirect.scatter.add.f32 [tilespmem:s23], [sflag:$0x11], $0x8, s1, s14, $0xb8;
	[tilespmem:$0xA400] =	vst v63  }
0x2b6: {  	_ =	swait.ge [sflag:s10], $0x400  }
0x2b7: {  	[sflag:s10] =	ssyncset.done $0x0  }
0x2b8: {  	s4 =	simm.s32 $0x7;
	[sflag:s10] =	ssyncadd.s32 $0xFFFFFC00  }
0x2b9: {  	_ =	swait.ge [sflag:s4], $0x400  }
0x2ba: {  	[sflag:s4] =	ssyncset.done $0x0  }
0x2bb: {  	s2 =	simm.s32 $0x2B00;
	[sflag:s4] =	ssyncadd.s32 $0xFFFFFC00  }
0x2bc: {  	[spmem:s3] =	stream.indirect.scatter.add.f32 [tilespmem:s24], [sflag:$0x11], $0x8, s2, s14, $0xb8;
	[tilespmem:$0xA400] =	vst v63  }
0x2bd: {  	_ =	swait.ge [sflag:s10], $0x400  }
0x2be: {  	[sflag:s10] =	ssyncset.done $0x0  }
0x2bf: {  	s11 =	simm.s32 $0x8;
	[sflag:s10] =	ssyncadd.s32 $0xFFFFFC00  }
0x2c0: {  	_ =	swait.ge [sflag:s11], $0x400  }
0x2c1: {  	[sflag:s11] =	ssyncset.done $0x0  }
0x2c2: {  	s4 =	simm.s32 $0x2B80;
	[sflag:s11] =	ssyncadd.s32 $0xFFFFFC00  }
0x2c3: {  	[spmem:s3] =	stream.indirect.scatter.add.f32 [tilespmem:s25], [sflag:$0x11], $0x8, s4, s14, $0xb8;
	[tilespmem:$0xA400] =	vst v63  }
0x2c4: {  	_ =	swait.ge [sflag:s10], $0x400  }
0x2c5: {  	[sflag:s10] =	ssyncset.done $0x0  }
0x2c6: {  	s21 =	simm.s32 $0x9;
	[sflag:s10] =	ssyncadd.s32 $0xFFFFFC00  }
0x2c7: {  	_ =	swait.ge [sflag:s21], $0x400  }
0x2c8: {  	[sflag:s21] =	ssyncset.done $0x0  }
0x2c9: {  	s6 =	simm.s32 $0x2C00;
	[sflag:s21] =	ssyncadd.s32 $0xFFFFFC00  }
0x2ca: {  	[spmem:s3] =	stream.indirect.scatter.add.f32 [tilespmem:s26], [sflag:$0x11], $0x8, s6, s14, $0xb8;
	[tilespmem:$0xA400] =	vst v63  }
0x2cb: {  	_ =	swait.ge [sflag:s10], $0x400  }
0x2cc: {  	[sflag:s10] =	ssyncset.done $0x0  }
0x2cd: {  	[sflag:s10] =	ssyncadd.s32 $0xFFFFFC00  }
0x2ce: {  	_ =	swait.ge [sflag:s12], $0x400  }
0x2cf: {  	[sflag:s12] =	ssyncset.done $0x0  }
0x2d0: {  	s8 =	simm.s32 $0x7400;
	s7 =	simm.s32 $0x2C80;
	[sflag:s12] =	ssyncadd.s32 $0xFFFFFC00  }
0x2d1: {  	[spmem:s3] =	stream.indirect.scatter.add.f32 [tilespmem:s8], [sflag:$0x11], $0x8, s7, s14, $0xb8;
	[tilespmem:$0xA400] =	vst v63  }
0x2d2: {  	_ =	swait.ge [sflag:s10], $0x400  }
0x2d3: {  	[sflag:s10] =	ssyncset.done $0x0  }
0x2d4: {  	[sflag:s10] =	ssyncadd.s32 $0xFFFFFC00  }
0x2d5: {  	_ =	swait.ge [sflag:s13], $0x400  }
0x2d6: {  	[sflag:s13] =	ssyncset.done $0x0  }
0x2d7: {  	s9 =	simm.s32 $0x2D00;
	s11 =	simm.s32 $0x7800;
	[sflag:s13] =	ssyncadd.s32 $0xFFFFFC00  }
0x2d8: {  	[spmem:s3] =	stream.indirect.scatter.add.f32 [tilespmem:s11], [sflag:$0x11], $0x8, s9, s14, $0xb8;
	[tilespmem:$0xA400] =	vst v63  }
0x2d9: {  	_ =	swait.ge [sflag:s10], $0x400  }
0x2da: {  	[sflag:s10] =	ssyncset.done $0x0  }
0x2db: {  	[sflag:s10] =	ssyncadd.s32 $0xFFFFFC00  }
0x2dc: {  	_ =	swait.ge [sflag:s15], $0x400  }
0x2dd: {  	[sflag:s15] =	ssyncset.done $0x0  }
0x2de: {  	s22 =	simm.s32 $0x7C00;
	s21 =	simm.s32 $0x2D80;
	[sflag:s15] =	ssyncadd.s32 $0xFFFFFC00  }
0x2df: {  	[spmem:s3] =	stream.indirect.scatter.add.f32 [tilespmem:s22], [sflag:$0x11], $0x8, s21, s14, $0xb8;
	[tilespmem:$0xA400] =	vst v63  }
0x2e0: {  	_ =	swait.ge [sflag:s10], $0x400  }
0x2e1: {  	[sflag:s10] =	ssyncset.done $0x0  }
0x2e2: {  	[sflag:s10] =	ssyncadd.s32 $0xFFFFFC00  }
0x2e3: {  	_ =	swait.ge [sflag:s16], $0x400  }
0x2e4: {  	[sflag:s16] =	ssyncset.done $0x0  }
0x2e5: {  	s23 =	simm.s32 $0x2E00;
	s24 =	simm.s32 $0x8000;
	[sflag:s16] =	ssyncadd.s32 $0xFFFFFC00  }
0x2e6: {  	[spmem:s3] =	stream.indirect.scatter.add.f32 [tilespmem:s24], [sflag:$0x11], $0x8, s23, s14, $0xb8;
	[tilespmem:$0xA400] =	vst v63  }
0x2e7: {  	_ =	swait.ge [sflag:s10], $0x400  }
0x2e8: {  	[sflag:s10] =	ssyncset.done $0x0  }
0x2e9: {  	[sflag:s10] =	ssyncadd.s32 $0xFFFFFC00  }
0x2ea: {  	_ =	swait.ge [sflag:s17], $0x400  }
0x2eb: {  	[sflag:s17] =	ssyncset.done $0x0  }
0x2ec: {  	s25 =	simm.s32 $0x2E80;
	s26 =	simm.s32 $0x8400;
	[sflag:s17] =	ssyncadd.s32 $0xFFFFFC00  }
0x2ed: {  	[spmem:s3] =	stream.indirect.scatter.add.f32 [tilespmem:s26], [sflag:$0x11], $0x8, s25, s14, $0xb8;
	[tilespmem:$0xA400] =	vst v63  }
0x2ee: {  	_ =	swait.ge [sflag:s10], $0x400  }
0x2ef: {  	[sflag:s10] =	ssyncset.done $0x0  }
0x2f0: {  	[sflag:s10] =	ssyncadd.s32 $0xFFFFFC00  }
0x2f1: {  	_ =	swait.ge [sflag:s18], $0x400  }
0x2f2: {  	[sflag:s18] =	ssyncset.done $0x0  }
0x2f3: {  	s29 =	simm.s32 $0x2F00;
	s30 =	simm.s32 $0x8800;
	[sflag:s18] =	ssyncadd.s32 $0xFFFFFC00  }
0x2f4: {  	[spmem:s3] =	stream.indirect.scatter.add.f32 [tilespmem:s30], [sflag:$0x11], $0x8, s29, s14, $0xb8;
	[tilespmem:$0xA400] =	vst v63  }
0x2f5: {  	_ =	swait.ge [sflag:s10], $0x400  }
0x2f6: {  	[sflag:s10] =	ssyncset.done $0x0  }
0x2f7: {  	[sflag:s10] =	ssyncadd.s32 $0xFFFFFC00  }
0x2f8: {  	_ =	swait.ge [sflag:s19], $0x400  }
0x2f9: {  	[sflag:s19] =	ssyncset.done $0x0  }
0x2fa: {  	s28 =	simm.s32 $0x8C00;
	s31 =	simm.s32 $0x2F80;
	[sflag:s19] =	ssyncadd.s32 $0xFFFFFC00  }
0x2fb: {  	[spmem:s3] =	stream.indirect.scatter.add.f32 [tilespmem:s28], [sflag:$0x11], $0x8, s31, s14, $0xb8;
	[tilespmem:$0xA400] =	vst v63  }
0x2fc: {  	_ =	swait.ge [sflag:s10], $0x400  }
0x2fd: {  	s20 =	simm.s32 $0x2000;
	s23 =	simm.s32 $0x4000;
	[sflag:s10] =	ssyncset.done $0x0  }
.LBB2_6:
0x2fe: {  	s22 =	sshra.s32 s20, $0x2;
	[sflag:s10] =	ssyncadd.s32 $0xFFFFFC00  }
0x2ff: {  	s20 =	smov.u32 s23;
	s21 =	sadd.s32 $0x2000, s23;
	s9 =	simm.s32 $0x5000  }
0x300: {  	[tilespmem:s9], [sflag:$0x1] =	stream.indirect.gather [hbm4b:s5+s14], $0x8, s22, s14, $0xb8;
	[tilespmem:$0xA400] =	vst v63  }
0x301: {  	p1 =	sne.s32 s23, $0x8000;
	s8 =	simm.s32 $0x5400;
	s23 =	sadd.s32 $0x80, s22  }
0x302: {  	[tilespmem:s8], [sflag:$0x2] =	stream.indirect.gather [hbm4b:s5+s14], $0x8, s23, s14, $0xb8;
	[tilespmem:$0xA400] =	vst v63  }
0x303: {  	s7 =	simm.s32 $0x5800;
	s23 =	sadd.s32 $0x100, s22  }
0x304: {  	[tilespmem:s7], [sflag:$0x3] =	stream.indirect.gather [hbm4b:s5+s14], $0x8, s23, s14, $0xb8;
	[tilespmem:$0xA400] =	vst v63  }
0x305: {  	s6 =	simm.s32 $0x5C00;
	s23 =	sadd.s32 $0x180, s22  }
0x306: {  	[tilespmem:s6], [sflag:$0x4] =	stream.indirect.gather [hbm4b:s5+s14], $0x8, s23, s14, $0xb8;
	[tilespmem:$0xA400] =	vst v63  }
0x307: {  	s4 =	simm.s32 $0x6000;
	s23 =	sadd.s32 $0x200, s22  }
0x308: {  	[tilespmem:s4], [sflag:$0x5] =	stream.indirect.gather [hbm4b:s5+s14], $0x8, s23, s14, $0xb8;
	[tilespmem:$0xA400] =	vst v63  }
0x309: {  	s11 =	simm.s32 $0x6400;
	s23 =	sadd.s32 $0x280, s22  }
0x30a: {  	[tilespmem:s11], [sflag:$0x6] =	stream.indirect.gather [hbm4b:s5+s14], $0x8, s23, s14, $0xb8;
	[tilespmem:$0xA400] =	vst v63  }
0x30b: {  	s2 =	simm.s32 $0x6800;
	s23 =	sadd.s32 $0x300, s22  }
0x30c: {  	[tilespmem:s2], [sflag:$0x7] =	stream.indirect.gather [hbm4b:s5+s14], $0x8, s23, s14, $0xb8;
	[tilespmem:$0xA400] =	vst v63  }
0x30d: {  	s1 =	simm.s32 $0x6C00;
	s23 =	sadd.s32 $0x380, s22  }
0x30e: {  	[tilespmem:s1], [sflag:$0x8] =	stream.indirect.gather [hbm4b:s5+s14], $0x8, s23, s14, $0xb8;
	[tilespmem:$0xA400] =	vst v63  }
0x30f: {  	s0 =	simm.s32 $0x7000;
	s23 =	sadd.s32 $0x400, s22  }
0x310: {  	[tilespmem:s0], [sflag:$0x9] =	stream.indirect.gather [hbm4b:s5+s14], $0x8, s23, s14, $0xb8;
	[tilespmem:$0xA400] =	vst v63  }
0x311: {  	s24 =	simm.s32 $0x7400;
	s23 =	sadd.s32 $0x480, s22  }
0x312: {  	[tilespmem:s24], [sflag:$0xA] =	stream.indirect.gather [hbm4b:s5+s14], $0x8, s23, s14, $0xb8;
	[tilespmem:$0xA400] =	vst v63  }
0x313: {  	s25 =	simm.s32 $0x7800;
	s23 =	sadd.s32 $0x500, s22  }
0x314: {  	[tilespmem:s25], [sflag:$0xB] =	stream.indirect.gather [hbm4b:s5+s14], $0x8, s23, s14, $0xb8;
	[tilespmem:$0xA400] =	vst v63  }
0x315: {  	s26 =	simm.s32 $0x7C00;
	s23 =	sadd.s32 $0x580, s22  }
0x316: {  	[tilespmem:s26], [sflag:$0xC] =	stream.indirect.gather [hbm4b:s5+s14], $0x8, s23, s14, $0xb8;
	[tilespmem:$0xA400] =	vst v63  }
0x317: {  	s28 =	simm.s32 $0x8000;
	s23 =	sadd.s32 $0x600, s22  }
0x318: {  	[tilespmem:s28], [sflag:$0xD] =	stream.indirect.gather [hbm4b:s5+s14], $0x8, s23, s14, $0xb8;
	[tilespmem:$0xA400] =	vst v63  }
0x319: {  	s29 =	simm.s32 $0x8400;
	s23 =	sadd.s32 $0x680, s22  }
0x31a: {  	[tilespmem:s29], [sflag:$0xE] =	stream.indirect.gather [hbm4b:s5+s14], $0x8, s23, s14, $0xb8;
	[tilespmem:$0xA400] =	vst v63  }
0x31b: {  	s30 =	simm.s32 $0x8800;
	s23 =	sadd.s32 $0x700, s22  }
0x31c: {  	[tilespmem:s30], [sflag:$0xF] =	stream.indirect.gather [hbm4b:s5+s14], $0x8, s23, s14, $0xb8;
	[tilespmem:$0xA400] =	vst v63  }
0x31d: {  	s31 =	simm.s32 $0x8C00;
	s23 =	sadd.s32 $0x780, s22  }
0x31e: {  	[tilespmem:s31], [sflag:$0x10] =	stream.indirect.gather [hbm4b:s5+s14], $0x8, s23, s14, $0xb8;
	[tilespmem:$0xA400] =	vst v63  }
0x31f: {  	s23 =	simm.s32 $0x1  }
0x320: {  	_ =	swait.ge [sflag:s23], $0x400  }
0x321: {  	[sflag:s23] =	ssyncset.done $0x0  }
0x322: {  	[sflag:s23] =	ssyncadd.s32 $0xFFFFFC00;
	s23 =	sadd.s32 $0x2800, s22  }
0x323: {  	[spmem:s3] =	stream.indirect.scatter.add.f32 [tilespmem:s9], [sflag:$0x11], $0x8, s23, s14, $0xb8;
	[tilespmem:$0xA400] =	vst v63  }
0x324: {  	_ =	swait.ge [sflag:s10], $0x400  }
0x325: {  	[sflag:s10] =	ssyncset.done $0x0  }
0x326: {  	s9 =	simm.s32 $0x2;
	[sflag:s10] =	ssyncadd.s32 $0xFFFFFC00  }
0x327: {  	_ =	swait.ge [sflag:s9], $0x400  }
0x328: {  	[sflag:s9] =	ssyncset.done $0x0  }
0x329: {  	s23 =	sadd.s32 $0x2880, s22;
	[sflag:s9] =	ssyncadd.s32 $0xFFFFFC00  }
0x32a: {  	[spmem:s3] =	stream.indirect.scatter.add.f32 [tilespmem:s8], [sflag:$0x11], $0x8, s23, s14, $0xb8;
	[tilespmem:$0xA400] =	vst v63  }
0x32b: {  	_ =	swait.ge [sflag:s10], $0x400  }
0x32c: {  	[sflag:s10] =	ssyncset.done $0x0  }
0x32d: {  	s8 =	simm.s32 $0x3;
	[sflag:s10] =	ssyncadd.s32 $0xFFFFFC00  }
0x32e: {  	_ =	swait.ge [sflag:s8], $0x400  }
0x32f: {  	[sflag:s8] =	ssyncset.done $0x0  }
0x330: {  	s23 =	sadd.s32 $0x2900, s22;
	[sflag:s8] =	ssyncadd.s32 $0xFFFFFC00  }
0x331: {  	[spmem:s3] =	stream.indirect.scatter.add.f32 [tilespmem:s7], [sflag:$0x11], $0x8, s23, s14, $0xb8;
	[tilespmem:$0xA400] =	vst v63  }
0x332: {  	_ =	swait.ge [sflag:s10], $0x400  }
0x333: {  	[sflag:s10] =	ssyncset.done $0x0  }
0x334: {  	s7 =	simm.s32 $0x4;
	[sflag:s10] =	ssyncadd.s32 $0xFFFFFC00  }
0x335: {  	_ =	swait.ge [sflag:s7], $0x400  }
0x336: {  	[sflag:s7] =	ssyncset.done $0x0  }
0x337: {  	s23 =	sadd.s32 $0x2980, s22;
	[sflag:s7] =	ssyncadd.s32 $0xFFFFFC00  }
0x338: {  	[spmem:s3] =	stream.indirect.scatter.add.f32 [tilespmem:s6], [sflag:$0x11], $0x8, s23, s14, $0xb8;
	[tilespmem:$0xA400] =	vst v63  }
0x339: {  	_ =	swait.ge [sflag:s10], $0x400  }
0x33a: {  	[sflag:s10] =	ssyncset.done $0x0  }
0x33b: {  	s6 =	simm.s32 $0x5;
	[sflag:s10] =	ssyncadd.s32 $0xFFFFFC00  }
0x33c: {  	_ =	swait.ge [sflag:s6], $0x400  }
0x33d: {  	[sflag:s6] =	ssyncset.done $0x0  }
0x33e: {  	s23 =	sadd.s32 $0x2A00, s22;
	[sflag:s6] =	ssyncadd.s32 $0xFFFFFC00  }
0x33f: {  	[spmem:s3] =	stream.indirect.scatter.add.f32 [tilespmem:s4], [sflag:$0x11], $0x8, s23, s14, $0xb8;
	[tilespmem:$0xA400] =	vst v63  }
0x340: {  	_ =	swait.ge [sflag:s10], $0x400  }
0x341: {  	[sflag:s10] =	ssyncset.done $0x0  }
0x342: {  	s4 =	simm.s32 $0x6;
	[sflag:s10] =	ssyncadd.s32 $0xFFFFFC00  }
0x343: {  	_ =	swait.ge [sflag:s4], $0x400  }
0x344: {  	[sflag:s4] =	ssyncset.done $0x0  }
0x345: {  	s23 =	sadd.s32 $0x2A80, s22;
	[sflag:s4] =	ssyncadd.s32 $0xFFFFFC00  }
0x346: {  	[spmem:s3] =	stream.indirect.scatter.add.f32 [tilespmem:s11], [sflag:$0x11], $0x8, s23, s14, $0xb8;
	[tilespmem:$0xA400] =	vst v63  }
0x347: {  	_ =	swait.ge [sflag:s10], $0x400  }
0x348: {  	[sflag:s10] =	ssyncset.done $0x0  }
0x349: {  	s4 =	simm.s32 $0x7;
	[sflag:s10] =	ssyncadd.s32 $0xFFFFFC00  }
0x34a: {  	_ =	swait.ge [sflag:s4], $0x400  }
0x34b: {  	[sflag:s4] =	ssyncset.done $0x0  }
0x34c: {  	s23 =	sadd.s32 $0x2B00, s22;
	[sflag:s4] =	ssyncadd.s32 $0xFFFFFC00  }
0x34d: {  	[spmem:s3] =	stream.indirect.scatter.add.f32 [tilespmem:s2], [sflag:$0x11], $0x8, s23, s14, $0xb8;
	[tilespmem:$0xA400] =	vst v63  }
0x34e: {  	_ =	swait.ge [sflag:s10], $0x400  }
0x34f: {  	[sflag:s10] =	ssyncset.done $0x0  }
0x350: {  	s2 =	simm.s32 $0x8;
	[sflag:s10] =	ssyncadd.s32 $0xFFFFFC00  }
0x351: {  	_ =	swait.ge [sflag:s2], $0x400  }
0x352: {  	[sflag:s2] =	ssyncset.done $0x0  }
0x353: {  	s23 =	sadd.s32 $0x2B80, s22;
	[sflag:s2] =	ssyncadd.s32 $0xFFFFFC00  }
0x354: {  	[spmem:s3] =	stream.indirect.scatter.add.f32 [tilespmem:s1], [sflag:$0x11], $0x8, s23, s14, $0xb8;
	[tilespmem:$0xA400] =	vst v63  }
0x355: {  	_ =	swait.ge [sflag:s10], $0x400  }
0x356: {  	[sflag:s10] =	ssyncset.done $0x0  }
0x357: {  	s1 =	simm.s32 $0x9;
	[sflag:s10] =	ssyncadd.s32 $0xFFFFFC00  }
0x358: {  	_ =	swait.ge [sflag:s1], $0x400  }
0x359: {  	[sflag:s1] =	ssyncset.done $0x0  }
0x35a: {  	s23 =	sadd.s32 $0x2C00, s22;
	[sflag:s1] =	ssyncadd.s32 $0xFFFFFC00  }
0x35b: {  	[spmem:s3] =	stream.indirect.scatter.add.f32 [tilespmem:s0], [sflag:$0x11], $0x8, s23, s14, $0xb8;
	[tilespmem:$0xA400] =	vst v63  }
0x35c: {  	_ =	swait.ge [sflag:s10], $0x400  }
0x35d: {  	[sflag:s10] =	ssyncset.done $0x0  }
0x35e: {  	[sflag:s10] =	ssyncadd.s32 $0xFFFFFC00  }
0x35f: {  	_ =	swait.ge [sflag:s12], $0x400  }
0x360: {  	[sflag:s12] =	ssyncset.done $0x0  }
0x361: {  	s23 =	sadd.s32 $0x2C80, s22;
	[sflag:s12] =	ssyncadd.s32 $0xFFFFFC00  }
0x362: {  	[spmem:s3] =	stream.indirect.scatter.add.f32 [tilespmem:s24], [sflag:$0x11], $0x8, s23, s14, $0xb8;
	[tilespmem:$0xA400] =	vst v63  }
0x363: {  	_ =	swait.ge [sflag:s10], $0x400  }
0x364: {  	[sflag:s10] =	ssyncset.done $0x0  }
0x365: {  	[sflag:s10] =	ssyncadd.s32 $0xFFFFFC00  }
0x366: {  	_ =	swait.ge [sflag:s13], $0x400  }
0x367: {  	[sflag:s13] =	ssyncset.done $0x0  }
0x368: {  	s23 =	sadd.s32 $0x2D00, s22;
	[sflag:s13] =	ssyncadd.s32 $0xFFFFFC00  }
0x369: {  	[spmem:s3] =	stream.indirect.scatter.add.f32 [tilespmem:s25], [sflag:$0x11], $0x8, s23, s14, $0xb8;
	[tilespmem:$0xA400] =	vst v63  }
0x36a: {  	_ =	swait.ge [sflag:s10], $0x400  }
0x36b: {  	[sflag:s10] =	ssyncset.done $0x0  }
0x36c: {  	[sflag:s10] =	ssyncadd.s32 $0xFFFFFC00  }
0x36d: {  	_ =	swait.ge [sflag:s15], $0x400  }
0x36e: {  	[sflag:s15] =	ssyncset.done $0x0  }
0x36f: {  	s23 =	sadd.s32 $0x2D80, s22;
	[sflag:s15] =	ssyncadd.s32 $0xFFFFFC00  }
0x370: {  	[spmem:s3] =	stream.indirect.scatter.add.f32 [tilespmem:s26], [sflag:$0x11], $0x8, s23, s14, $0xb8;
	[tilespmem:$0xA400] =	vst v63  }
0x371: {  	_ =	swait.ge [sflag:s10], $0x400  }
0x372: {  	[sflag:s10] =	ssyncset.done $0x0  }
0x373: {  	[sflag:s10] =	ssyncadd.s32 $0xFFFFFC00  }
0x374: {  	_ =	swait.ge [sflag:s16], $0x400  }
0x375: {  	[sflag:s16] =	ssyncset.done $0x0  }
0x376: {  	s23 =	sadd.s32 $0x2E00, s22;
	[sflag:s16] =	ssyncadd.s32 $0xFFFFFC00  }
0x377: {  	[spmem:s3] =	stream.indirect.scatter.add.f32 [tilespmem:s28], [sflag:$0x11], $0x8, s23, s14, $0xb8;
	[tilespmem:$0xA400] =	vst v63  }
0x378: {  	_ =	swait.ge [sflag:s10], $0x400  }
0x379: {  	[sflag:s10] =	ssyncset.done $0x0  }
0x37a: {  	[sflag:s10] =	ssyncadd.s32 $0xFFFFFC00  }
0x37b: {  	_ =	swait.ge [sflag:s17], $0x400  }
0x37c: {  	[sflag:s17] =	ssyncset.done $0x0  }
0x37d: {  	s23 =	sadd.s32 $0x2E80, s22;
	[sflag:s17] =	ssyncadd.s32 $0xFFFFFC00  }
0x37e: {  	[spmem:s3] =	stream.indirect.scatter.add.f32 [tilespmem:s29], [sflag:$0x11], $0x8, s23, s14, $0xb8;
	[tilespmem:$0xA400] =	vst v63  }
0x37f: {  	_ =	swait.ge [sflag:s10], $0x400  }
0x380: {  	[sflag:s10] =	ssyncset.done $0x0  }
0x381: {  	[sflag:s10] =	ssyncadd.s32 $0xFFFFFC00  }
0x382: {  	_ =	swait.ge [sflag:s18], $0x400  }
0x383: {  	[sflag:s18] =	ssyncset.done $0x0  }
0x384: {  	s23 =	sadd.s32 $0x2F00, s22;
	[sflag:s18] =	ssyncadd.s32 $0xFFFFFC00  }
0x385: {  	[spmem:s3] =	stream.indirect.scatter.add.f32 [tilespmem:s30], [sflag:$0x11], $0x8, s23, s14, $0xb8;
	[tilespmem:$0xA400] =	vst v63  }
0x386: {  	_ =	swait.ge [sflag:s10], $0x400  }
0x387: {  	[sflag:s10] =	ssyncset.done $0x0  }
0x388: {  	[sflag:s10] =	ssyncadd.s32 $0xFFFFFC00  }
0x389: {  	_ =	swait.ge [sflag:s19], $0x400  }
.Ltmp5:
0x38a: {  	[sflag:s19] =	ssyncset.done $0x0;
	(pc) =	sbr.rel @p1 .LBB2_6-.Ltmp5, $4  }
0x38b: {  	s22 =	sadd.s32 $0x2F80, s22;
	[sflag:s19] =	ssyncadd.s32 $0xFFFFFC00  }
0x38c: {  	[spmem:s3] =	stream.indirect.scatter.add.f32 [tilespmem:s31], [sflag:$0x11], $0x8, s22, s14, $0xb8;
	[tilespmem:$0xA400] =	vst v63  }
0x38d: {  	_ =	swait.ge [sflag:s10], $0x400  }
0x38e: {  	s23 =	smov.u32 s21;
	[sflag:s10] =	ssyncset.done $0x0  }
.Ltmp6:
0x38f: {  	_ = 	snop;
	(pc) =	sbr.rel .LBB2_7-.Ltmp6, $1  }
0x390: {  	_ =	sdelay $0x3  }
.LBB2_9:
0x391: {  	_ =	sfence.sel $0x180000  }
0x392: {  	[bflag:$0x0] =	sbarrier.arrive $0xFFFF  }
0x393: {  	_ =	strace $0x9000004D  }
0x394: {  	s0 =	stileid.u32;
	[bflag:$0x2] =	sbarrier.arrive $0xFFFF  }
0x395: {  	p0 =	sne.s32 s0, $0x0;
	s0 =	rddreg [dreg:$0x3]  }
0x396: {  	s0 =	sadd.s32 @!p0 $0x100000, s0  }
0x397: {  	[sflag:s0] =	ssyncadd.tile.s32 @!p0 $0x1;
	_ =	shalt  }
.Lfunc_end2:
_tile_overlayer_lowered:
.L_overlay_start_2:
0x398: {  	(tag) =	ssettag $0x2  }
0x399: {  	s0 =	rddreg [dreg:$0x0];
	s2 =	stileid.u32  }
0x39a: {  	s1 =	rddreg [dreg:$0x1];
	p0 =	sne.s32 s2, $0x0  }
0x39b: {  	s3 =	rddreg [dreg:$0x2];
	[bflag:$0x3] =	sbarrier.arrive $0xFFFF;
	s2 =	simm.s32 @!p0 $0x1C11  }
0x39c: {  	[timem:s3], [sflag:s2] =	dma.local @!p0 [hbm:s0], s1  }
0x39d: {  	s0 =	simm.s32 @!p0 $0x11  }
0x39e: {  	_ =	swait.ge @!p0 [sflag:s0], s1  }
0x39f: {  	s1 =	ssub.s32 @!p0 $0x0, s1;
	[sflag:s0] =	ssyncset.done @!p0 $0x0  }
0x3a0: {  	[sflag:s0] =	ssyncadd.s32 @!p0 s1  }
0x3a1: {  	[bflag:$0x3] =	sbarrier.arrive $0xFFFF  }
0x3a2: {  	_ =	shalt  }

// kernel: kernel.9.cloned.1.call-start
scs
__scs_entry_jumppad:
0x0: {  	(pc) =	sbr.rel $0x88, $3  }
0x1: {  	(tag) =	ssettag $0x0;
	lr =	simm.s32 $0x1  }
0x2: {  	[smem:$0x3F9B] =	sst lr;
	_ =	strace $0xD0000000  }
0x3: {  	_ = 	snop  }
0x4: {  	_ = 	snop  }
0x5: {  	_ = 	snop  }
0x6: {  	_ = 	snop  }
0x7: {  	_ = 	snop  }
__scs_overlays_trampoline_lowered:
0x8: {  	[smem:$0x3FAA] =	sst s0  }
0x9: {  	[smem:$0x3FAB] =	sst s1  }
0xa: {  	[smem:$0x3FAC] =	sst s2  }
0xb: {  	[smem:$0x3FAD] =	sst s3  }
0xc: {  	[smem:$0x3FAE] =	sst s4  }
0xd: {  	[smem:$0x3FAF] =	sst s5  }
0xe: {  	[smem:$0x3FB0] =	sst s6  }
0xf: {  	[smem:$0x3FB1] =	sst s7  }
0x10: {  	[smem:$0x3FB2] =	sst s8  }
0x11: {  	[smem:$0x3FB3] =	sst s9;
	s0 =	simm.s32 @!p0 $0x0  }
0x12: {  	s1 =	sld [smem:$0x3F99];
	s0 =	simm.s32 @p0 $0x1  }
0x13: {  	[smem:$0x3FB4] =	sst s0;
	s0 =	simm.s32 @!p1 $0x0  }
0x14: {  	s2 =	sld [smem:$0x3F98];
	s0 =	simm.s32 @p1 $0x1  }
0x15: {  	[smem:$0x3FB5] =	sst s0;
	s0 =	simm.s32 @!p2 $0x0  }
0x16: {  	s3 =	sld [smem:$0x3FDB];
	s0 =	simm.s32 @p2 $0x1  }
0x17: {  	s4 =	simm.s32 $0x1BF5;
	[smem:$0x3FB7] =	sst s0  }
0x18: {  	s0 =	sld [smem:$0x3F9A];
	_ =	swait.ge [sflag:s4], $0x0  }
0x19: {  	s7 =	sld [smem:$0x3F9B]  }
0x1a: {  	s8 =	sadd.s32 $0xFFFFE003, lr  }
0x1b: {  	s9 =	sadd.s32 $0xFFFFFEF7, lr;
	s5 =	simm.s32 $0xFFFFFFFF;
	p2 =	slt.u32 s8, $0xFFFFF086  }
0x1c: {  	p1 =	slt.u32 s9, $0xF7A;
	s5 =	simm.s32 @!p2 $0x0  }
0x1d: {  	s5 =	simm.s32 @p1 $0x1;
	p0 =	seq.s32 s7, s2  }
0x1e: {  	s7 =	smul.u32 @!p0 $0xF7A, s2;
	p2 =	seq.s32 @!p0 s5, $0x0  }
0x1f: {  	s9 =	smul.u32 $0xF7A, s1;
	s8 =	simm.s32 @!p0 $0x1BF5;
	p2 =	por !p2, p0  }
0x20: {  	[sflag:s8] =	ssyncset.s32 @!p0 $0xFFFFF086;
	s6 =	sadd.s32 @!p0 s3, s7;
	s7 =	simm.s32 @!p0 $0x108  }
0x21: {  	s3 =	sadd.s32 s3, s9;
	s6 =	sadd.s32 @!p0 $0x88, s6;
	s7 =	simm.s32 @p2 $0x1082  }
0x22: {  	[simem:s7], [sflag:s8] =	dma.local @!p0 [hbm:s6], $0xF7A  }
0x23: {  	s9 =	sor.u32 $0xD0000000, s2;
	s6 =	simm.s32 $0x108;
	_ =	swait.ge @!p0 [sflag:s8], $0x0  }
0x24: {  	s3 =	sadd.s32 $0x88, s3;
	s6 =	simm.s32 @!p1 $0x1082;
	[sflag:s4] =	ssyncset.s32 $0xFFFFF086  }
0x25: {  	[simem:s6], [sflag:s4] =	dma.local [hbm:s3], $0xF7A  }
0x26: {  	[smem:$0x3F9B] =	sst s1;
	(tag) =	ssettag s2;
	_ =	strace s9  }
0x27: {  	s1 =	sld [smem:$0x3FAB]  }
0x28: {  	s2 =	sld [smem:$0x3FAC]  }
0x29: {  	s4 =	sld [smem:$0x3FAE]  }
0x2a: {  	p0 =	seq.s32 s5, $0x0;
	s5 =	sld [smem:$0x3FAF]  }
0x2b: {  	s6 =	sld [smem:$0x3FB0]  }
0x2c: {  	s7 =	sld [smem:$0x3FB1]  }
0x2d: {  	s3 =	simm.s32 $0x108;
	s8 =	sld [smem:$0x3FB2]  }
0x2e: {  	s3 =	simm.s32 @!p0 $0x1082;
	s9 =	sld [smem:$0x3FB3]  }
0x2f: {  	lr =	sadd.s32 s0, s3;
	s0 =	sld [smem:$0x3FAA]  }
0x30: {  	s3 =	sld [smem:$0x3FAD]  }
0x31: {  	[smem:$0x3FB6] =	sst s10  }
0x32: {  	s10 =	sld [smem:$0x3FB4];
	_ =	sdelay $0x3  }
0x33: {  	p0 =	seq.s32 s10, $0x1;
	s10 =	sld [smem:$0x3FB6];
	_ =	sdelay $0x3  }
0x34: {  	[smem:$0x3FB6] =	sst s10  }
0x35: {  	s10 =	sld [smem:$0x3FB5];
	_ =	sdelay $0x3  }
0x36: {  	p1 =	seq.s32 s10, $0x1;
	s10 =	sld [smem:$0x3FB6];
	_ =	sdelay $0x3  }
0x37: {  	[smem:$0x3FB6] =	sst s10  }
0x38: {  	s10 =	sld [smem:$0x3FB7]  }
0x39: {  	_ = 	snop;
	(pc) =	sbr.ind lr, $3  }
0x3a: {  	_ = 	snop  }
0x3b: {  	_ = 	snop  }
0x3c: {  	p2 =	seq.s32 s10, $0x1;
	s10 =	sld [smem:$0x3FB6]  }
0x3d: {  	_ =	shalt  }
0x3e: {  	_ =	shalt  }
0x3f: {  	_ =	shalt  }
0x40: {  	_ =	shalt  }
0x41: {  	_ =	shalt  }
0x42: {  	_ =	shalt  }
0x43: {  	_ =	shalt  }
0x44: {  	_ =	shalt  }
0x45: {  	_ =	shalt  }
0x46: {  	_ =	shalt  }
0x47: {  	_ =	shalt  }
0x48: {  	_ =	shalt  }
0x49: {  	_ =	shalt  }
0x4a: {  	_ =	shalt  }
0x4b: {  	_ =	shalt  }
0x4c: {  	_ =	shalt  }
0x4d: {  	_ =	shalt  }
0x4e: {  	_ =	shalt  }
0x4f: {  	_ =	shalt  }
0x50: {  	_ =	shalt  }
0x51: {  	_ =	shalt  }
0x52: {  	_ =	shalt  }
0x53: {  	_ =	shalt  }
0x54: {  	_ =	shalt  }
0x55: {  	_ =	shalt  }
0x56: {  	_ =	shalt  }
0x57: {  	_ =	shalt  }
0x58: {  	_ =	shalt  }
0x59: {  	_ =	shalt  }
0x5a: {  	_ =	shalt  }
0x5b: {  	_ =	shalt  }
0x5c: {  	_ =	shalt  }
0x5d: {  	_ =	shalt  }
0x5e: {  	_ =	shalt  }
0x5f: {  	_ =	shalt  }
0x60: {  	_ =	shalt  }
0x61: {  	_ =	shalt  }
0x62: {  	_ =	shalt  }
0x63: {  	_ =	shalt  }
0x64: {  	_ =	shalt  }
0x65: {  	_ =	shalt  }
0x66: {  	_ =	shalt  }
0x67: {  	_ =	shalt  }
0x68: {  	_ =	shalt  }
0x69: {  	_ =	shalt  }
0x6a: {  	_ =	shalt  }
0x6b: {  	_ =	shalt  }
0x6c: {  	_ =	shalt  }
0x6d: {  	_ =	shalt  }
0x6e: {  	_ =	shalt  }
0x6f: {  	_ =	shalt  }
0x70: {  	_ =	shalt  }
0x71: {  	_ =	shalt  }
0x72: {  	_ =	shalt  }
0x73: {  	_ =	shalt  }
0x74: {  	_ =	shalt  }
0x75: {  	_ =	shalt  }
0x76: {  	_ =	shalt  }
0x77: {  	_ =	shalt  }
0x78: {  	_ =	shalt  }
0x79: {  	_ =	shalt  }
0x7a: {  	_ =	shalt  }
0x7b: {  	_ =	shalt  }
0x7c: {  	_ =	shalt  }
0x7d: {  	_ =	shalt  }
0x7e: {  	_ =	shalt  }
0x7f: {  	_ =	shalt  }
0x80: {  	_ =	shalt  }
0x81: {  	_ =	shalt  }
0x82: {  	_ =	shalt  }
0x83: {  	_ =	shalt  }
0x84: {  	_ =	shalt  }
0x85: {  	_ =	shalt  }
0x86: {  	_ =	shalt  }
0x87: {  	_ =	shalt  }
.Lfunc_end0:
.L_simem_size_0:
called_computation_lowered:
.L_overlay_start_0:
0x88: {  	s2 =	sld [smem:$0x3FD9]  }
0x89: {  	s3 =	sld [smem:$0x3FFE];
	_ =	sdelay $0x1  }
0x8a: {  	s1 =	srdreg.scid  }
0x8b: {  	s0 =	sand.u32 $0x1, s1  }
0x8c: {  	s16 =	sshll.u32 s0, $0xA;
	s2 =	sadd.s32 s3, s2  }
0x8d: {  	s2 =	sadd.s32 s2, s16  }
0x8e: {  	[smem:$0x3FC2] =	sst s2  }
0x8f: {  	_ = 	snop  }
0x90: {  	(tm) =	ssettm $0x1  }
0x91: {  	s17 =	sld [smem:$0x3FFB];
	_ =	sdelay $0x3  }
0x92: {  	_ =	strace s17  }
0x93: {  	s2 =	sld [smem:$0x3FFC];
	_ =	sdelay $0x3  }
0x94: {  	_ =	strace s2  }
0x95: {  	s2 =	sld [smem:$0x3FFD];
	_ =	sdelay $0x3  }
0x96: {  	_ =	strace s2  }
0x97: {  	_ =	strace $0x8FFFFFFF  }
0x98: {  	s18 =	sld [smem:$0x3FDB];
	_ =	sdelay $0x1  }
0x99: {  	s19 =	simm.s32 $_scs_section_size  }
0x9a: {  	s4 =	simm.s32 $_size__tile_overlayer_lowered;
	s5 =	simm.s32 $_tile_overlayer_lowered  }
0x9b: {  	s22 =	simm.s32 $0x1BFF;
	s21 =	sshll.u32 s5, $0x1;
	s2 =	sadd.s32 s19, s18  }
0x9c: {  	s6 =	simm.s32 $0x0;
	s20 =	sshll.u32 s4, $0x1;
	s4 =	sadd.s32 s21, s2  }
0x9d: {  	[timem:s6], [sflag:s22] =	dma.local [hbm:s4], s20  }
0x9e: {  	_ =	swait.ge [sflag:s22], s20  }
0x9f: {  	s3 =	ssub.s32 $0x0, s20;
	[sflag:s22] =	ssyncset.done $0x0  }
0xa0: {  	[sflag:s22] =	ssyncadd.s32 s3;
	_ =	sdelay $0x1  }
0xa1: {  	s23 =	simm.s32 $0x1B8B  }
0xa2: {  	_ =	swait.ge [sflag:s23], $0x1  }
0xa3: {  	[sflag:s23] =	ssyncset.done $0x0  }
0xa4: {  	s25 =	simm.s32 $0x1B8E;
	s24 =	sld [smem:$0x3FFE];
	[sflag:s23] =	ssyncadd.s32 $0xFFFFFFFF  }
0xa5: {  	s26 =	simm.s32 $execute0_lowered;
	[smem:$0x3FD2] =	sst s25  }
0xa6: {  	s4 =	sshll.u32 s26, $0x1;
	_ =	strace $0x80000046;
	[dreg:$0x1] =	wrdreg $0xFFFFFFFF  }
0xa7: {  	s28 =	simm.s32 $_size_execute0_lowered;
	s2 =	sadd.s32 s2, s4;
	[dreg:$0x0] =	wrdreg $0x0  }
0xa8: {  	s4 =	sshll.u32 s28, $0x1;
	[dreg:$0x2] =	wrdreg s2  }
0xa9: {  	[dreg:$0x3] =	wrdreg s4  }
0xaa: {  	[dreg:$0x4] =	wrdreg $0xC0  }
0xab: {  	_ =	task [dreg:s6], $0x5FFFF  }
0xac: {  	[dreg:$0x1] =	wrdreg $0xFFFFFFFF  }
0xad: {  	[dreg:$0x0] =	wrdreg $0x60  }
0xae: {  	[dreg:$0x2] =	wrdreg s24  }
0xaf: {  	[dreg:$0x3] =	wrdreg $0x28800  }
0xb0: {  	[dreg:$0x4] =	wrdreg $0x9  }
0xb1: {  	_ =	task.clear_ibuf [dreg:s6], $0x5FFFF;
	_ =	strace $0x90000046  }
0xb2: {  	s29 =	simm.s32 $0x9;
	_ =	strace $0x80000048  }
0xb3: {  	_ =	swait.ge [sflag:s29], $0x1  }
0xb4: {  	[sflag:s29] =	ssyncadd.s32 $0xFFFFFFFF  }
0xb5: {  	_ =	strace $0x90000048  }
0xb6: {  	_ =	sfence  }
0xb7: {  	s30 =	sld [smem:$0x0];
	_ =	sdelay $0x2  }
0xb8: {  	s31 =	sshll.u32 s1, $0xD;
	s1 =	sshrl.u32 s1, $0x2  }
0xb9: {  	s3 =	sand.u32 $0x4000, s31;
	s1 =	sadd.s32 s1, s30  }
0xba: {  	s0 =	sor.u32 s3, s0;
	s1 =	sshll.u32 s1, $0x11  }
0xbb: {  	s0 =	sor.u32 s1, s0  }
0xbc: {  	s0 =	sadd.s32 $0x8F2B, s0  }
0xbd: {  	[sflag:s0] =	ssyncadd.remote.s32 $0x1  }
0xbe: {  	_ =	sfence.sel $0xFFFF  }
0xbf: {  	[dreg:$0x0] =	wrdreg $0xFFFFFFFF;
	(pc) =	sbr.abs _section_cstart, $3  }
0xc0: {  	[dreg:$0x1] =	wrdreg $0xFFFFFFFF  }
0xc1: {  	_ =	task.clear_ibuf [dreg:s6], $0x2FFFF;
	_ =	strace $0x9FFFFFFF  }
0xc2: {  	(tm) =	ssettm $0x7FFFFFFF  }
0xc3: {  	_ =	shalt  }
tec
execute0_lowered:
.L_overlay_start_1:
0x0: {  	(tag) =	ssettag $0x1  }
0x1: {  	s1 =	srdreg.scid;
	s6 =	rddreg [dreg:$0x0]  }
0x2: {  	s0 =	stileid.u32;
	s2 =	rddreg [dreg:$0x1]  }
0x3: {  	s3 =	simm.s32 $0x0;
	s12 =	simm.s32 $0x2800;
	s13 =	simm.s32 $0x80  }
0x4: {  	s14 =	simm.s32 $0x0;
	s5 =	sand.u32 $0x1, s1;
	s29 =	sshll.u32 s0, $0x1  }
0x5: {  	s7 =	smul.u32 $0x280, s0;
	[smem:$0x7FF] =	sst s3;
	s31 =	sshll.u32 s0, $0x6  }
0x6: {  	s1 =	sor.u32 s5, s29;
	s8 =	smul.u32 $0x2800, s5;
	s10 =	ssub.s32 $0x2, s5  }
0x7: {  	s5 =	sadd.s32 $0xB200, s6;
	s4 =	smul.u32 $0x500, s1;
	s1 =	rddreg [dreg:$0x2]  }
0x8: {  	_ =	strace $0x80000047;
	s30 =	sshrl.u32 s10, $0x1;
	s8 =	sadd.s32 s7, s8  }
0x9: {  	s11 =	sadd.s32 s7, s2;
	s10 =	ssub.s32 s10, s30;
	s8 =	sshrl.u32 s8, $0x3  }
0xa: {  	s9 =	sadd.s32 s4, s6;
	s4 =	sadd.s32 $0xB000, s6;
	s8 =	sadd.s32 s8, s6  }
0xb: {  	s6 =	sor.u32 $0x1C01, s31;
	s7 =	sadd.s32 $0x1000, s9;
	s9 =	smax.u32 s10, $0x1  }
0xc: {  	s10 =	sshrl.u32 s11, $0x3;
	s11 =	simm.s32 $0x1;
	s8 =	sadd.s32 $0xB400, s8  }
.LBB2_1:
0xd: {  	[spmem:s10], [sflag:s6] =	dma.local [hbm:s4], $0x50  }
0xe: {  	_ =	swait.ge [sflag:s11], $0x50  }
0xf: {  	[sflag:s11] =	ssyncset.done $0x0  }
0x10: {  	[sflag:s11] =	ssyncadd.s32 $0xFFFFFFB0  }
0x11: {  	[tilespmem:s3], [sflag:$0x1] =	stream.linear.gather [hbm4b:s7+s3], $0x2800, $0x38;
	[tilespmem:$0x2B00] =	vst v63  }
0x12: {  	_ =	swait.ge [sflag:s11], $0x2800  }
0x13: {  	[sflag:s11] =	ssyncset.done $0x0  }
0x14: {  	[sflag:s11] =	ssyncadd.s32 $0xFFFFD800  }
0x15: {  	[tilespmem:s12], [sflag:$0x1] =	stream.linear.gather [hbm4b:s5+s3], $0x80, $0x38;
	[tilespmem:$0x2B00] =	vst v63  }
0x16: {  	_ =	swait.ge [sflag:s11], $0x80  }
0x17: {  	[sflag:s11] =	ssyncset.done $0x0  }
0x18: {  	[sflag:s11] =	ssyncadd.s32 $0xFFFFFF80  }
0x19: {  	s15 =	simm.s32 $0x0;
	[bflag:$0x0] =	sbarrier.arrive $0xFFFF  }
0x1a: {  	[spmem:s2] =	stream.indirect.scatter.add.f32 [tilespmem:s12], [sflag:$0x1], $0x1, s15, s13, $0xb8;
	[tilespmem:$0x2B00] =	vst v63  }
0x1b: {  	_ =	swait.ge [sflag:s11], $0x80  }
0x1c: {  	s15 =	simm.s32 $0x200;
	[sflag:s11] =	ssyncset.done $0x0  }
.LBB2_2:
0x1d: {  	s16 =	sshra.s32 s15, $0x2;
	[sflag:s11] =	ssyncadd.s32 $0xFFFFFF80;
	p0 =	sne.s32 s15, $0x9E00  }
0x1e: {  	[spmem:s2] =	stream.indirect.scatter.add.f32 [tilespmem:s12], [sflag:$0x1], $0x1, s16, s13, $0xb8;
	[tilespmem:$0x2B00] =	vst v63  }
.Ltmp0:
0x1f: {  	_ = 	snop;
	(pc) =	sbr.rel @p0 .LBB2_2-.Ltmp0, $4  }
0x20: {  	_ = 	snop  }
0x21: {  	s15 =	sadd.s32 $0x200, s15  }
0x22: {  	_ =	swait.ge [sflag:s11], $0x80  }
0x23: {  	[sflag:s11] =	ssyncset.done $0x0  }
0x24: {  	s14 =	sadd.s32 $0x1, s14  }
0x25: {  	[sflag:s11] =	ssyncadd.s32 $0xFFFFFF80;
	p0 =	sne.s32 s14, s9  }
.Ltmp1:
0x26: {  	[bflag:$0x0] =	sbarrier.arrive $0xFFFF;
	(pc) =	sbr.rel @p0 .LBB2_1-.Ltmp1, $4  }
0x27: {  	[hbm:s8], [sflag:s6] =	dma.local [spmem:s10], $0x50  }
0x28: {  	_ =	swait.ge [sflag:s11], $0x50  }
0x29: {  	[sflag:s11] =	ssyncset.done $0x0  }
0x2a: {  	[sflag:s11] =	ssyncadd.s32 $0xFFFFFFB0  }
0x2b: {  	_ =	sfence.sel $0x180000  }
0x2c: {  	[bflag:$0x0] =	sbarrier.arrive $0xFFFF  }
0x2d: {  	p0 =	sne.s32 s0, $0x0;
	_ =	strace $0x90000047  }
0x2e: {  	s0 =	sadd.s32 @!p0 $0x100000, s1;
	[bflag:$0x2] =	sbarrier.arrive $0xFFFF  }
0x2f: {  	[sflag:s0] =	ssyncadd.tile.s32 @!p0 $0x1;
	_ =	shalt  }
.Lfunc_end2:
_tile_overlayer_lowered:
.L_overlay_start_2:
0x30: {  	(tag) =	ssettag $0x2  }
0x31: {  	s0 =	rddreg [dreg:$0x0];
	s2 =	stileid.u32  }
0x32: {  	s1 =	rddreg [dreg:$0x1];
	p0 =	sne.s32 s2, $0x0  }
0x33: {  	s3 =	rddreg [dreg:$0x2];
	[bflag:$0x3] =	sbarrier.arrive $0xFFFF;
	s2 =	simm.s32 @!p0 $0x1C01  }
0x34: {  	[timem:s3], [sflag:s2] =	dma.local @!p0 [hbm:s0], s1  }
0x35: {  	s0 =	simm.s32 @!p0 $0x1  }
0x36: {  	_ =	swait.ge @!p0 [sflag:s0], s1  }
0x37: {  	s1 =	ssub.s32 @!p0 $0x0, s1;
	[sflag:s0] =	ssyncset.done @!p0 $0x0  }
0x38: {  	[sflag:s0] =	ssyncadd.s32 @!p0 s1  }
0x39: {  	[bflag:$0x3] =	sbarrier.arrive $0xFFFF  }
0x3a: {  	_ =	shalt  }

</sc_bundles>
